<compile_context>
chip_gen: v7x
topology: tpu7x:2x2x1
jax: 0.10.2.dev20260603
libtpu: 0.0.44.dev20260713+nightly
codegen_flags: <defaults>
</compile_context>

<pallas_src>
import functools

import jax
import jax.numpy as jnp
from jax import lax
from jax.experimental import pallas as pl
from jax.experimental.pallas import tpu as pltpu
from jax.experimental.pallas import tpu_sc as plsc

N_NODES = 10000
N_EDGES = 320000
D_FEAT = 128
DW = D_FEAT // 2

NC = 2
NS = 16
L = 16
NW = NC * NS

C = 400
SUB = 1
SUBLEN = C // SUB
GPC = C // L
NCHUNKS = N_EDGES // C
NIT = 13

_mesh = plsc.VectorSubcoreMesh(core_axis_name="c", subcore_axis_name="s")


@functools.partial(
    pl.kernel,
    mesh=_mesh,
    compiler_params=pltpu.CompilerParams(needs_layout_passes=False,
                                         use_tc_tiling_on_sc=False),
    out_type=jax.ShapeDtypeStruct((N_EDGES,), jnp.float32),
    scratch_types=[
        pltpu.VMEM((SUB, SUBLEN), jnp.int32),
        pltpu.VMEM((SUB, SUBLEN), jnp.int32),
        pltpu.VMEM((SUB, SUBLEN), jnp.int32),
        pltpu.VMEM((SUB, SUBLEN), jnp.int32),
        pltpu.VMEM((C, DW), jnp.int32),
        pltpu.VMEM((C, DW), jnp.int32),
        pltpu.VMEM((C, DW), jnp.int32),
        pltpu.VMEM((C, DW), jnp.int32),
        pltpu.VMEM((C,), jnp.float32),
        pltpu.VMEM((C,), jnp.float32),
        pltpu.SemaphoreType.DMA,
        pltpu.SemaphoreType.DMA,
        pltpu.SemaphoreType.DMA,
        pltpu.SemaphoreType.DMA,
        pltpu.SemaphoreType.DMA,
        pltpu.SemaphoreType.DMA,
    ],
)
def _sc_decode(zi_hbm, ei_hbm, out_hbm,
               col0, row0, col1, row1, av0, bv0, av1, bv1, ov0, ov1,
               isem0, isem1, gsem0, gsem1, osem0, osem1):
    cid = lax.axis_index("c")
    sid = lax.axis_index("s")
    wid = sid * NC + cid
    nw = jnp.int32(NCHUNKS // NW)

    bufs = (
        (col0, row0, av0, bv0, ov0, isem0, gsem0, osem0),
        (col1, row1, av1, bv1, ov1, isem1, gsem1, osem1),
    )

    def ebase(i):
        return (wid + NW * i) * C

    def idx_issue(i, buf):
        colr, rowr, _, _, _, isem, _, _ = buf
        b = ebase(i)
        for sub in range(SUB):
            pltpu.async_copy(
                ei_hbm.at[pl.ds(b + sub * SUBLEN, SUBLEN)], colr.at[sub], isem)
            pltpu.async_copy(
                ei_hbm.at[pl.ds(N_EDGES + b + sub * SUBLEN, SUBLEN)],
                rowr.at[sub], isem)

    def idx_wait(i, buf):
        colr, rowr, _, _, _, isem, _, _ = buf
        b = ebase(i)
        for sub in range(SUB):
            pltpu.make_async_copy(
                ei_hbm.at[pl.ds(b + sub * SUBLEN, SUBLEN)], colr.at[sub],
                isem).wait()
            pltpu.make_async_copy(
                ei_hbm.at[pl.ds(N_EDGES + b + sub * SUBLEN, SUBLEN)],
                rowr.at[sub], isem).wait()

    def gather_issue(buf):
        colr, rowr, avr, bvr, _, _, gsem, _ = buf
        for sub in range(SUB):
            pltpu.async_copy(
                zi_hbm.at[colr.at[sub]], avr.at[pl.ds(sub * SUBLEN, SUBLEN)],
                gsem)
            pltpu.async_copy(
                zi_hbm.at[rowr.at[sub]], bvr.at[pl.ds(sub * SUBLEN, SUBLEN)],
                gsem)

    def gather_wait(buf):
        colr, rowr, avr, bvr, _, _, gsem, _ = buf
        for sub in range(SUB):
            pltpu.make_async_copy(
                zi_hbm.at[colr.at[sub]], avr.at[pl.ds(sub * SUBLEN, SUBLEN)],
                gsem).wait()
            pltpu.make_async_copy(
                zi_hbm.at[rowr.at[sub]], bvr.at[pl.ds(sub * SUBLEN, SUBLEN)],
                gsem).wait()

    def out_issue(i, buf):
        ovr, osem = buf[4], buf[7]
        pltpu.async_copy(ovr, out_hbm.at[pl.ds(ebase(i), C)], osem)

    def out_wait(i, buf):
        ovr, osem = buf[4], buf[7]
        pltpu.make_async_copy(ovr, out_hbm.at[pl.ds(ebase(i), C)], osem).wait()

    def compute(buf):
        avr, bvr, ovr = buf[2], buf[3], buf[4]

        @plsc.parallel_loop(0, GPC, unroll=2)
        def group_body(g):
            lanes = lax.iota(jnp.int32, L)
            eids = g * L + lanes
            accs = [jnp.zeros((L,), jnp.float32) for _ in range(2)]
            ks = lanes
            for k in range(DW):
                if k:
                    ks = jnp.bitwise_and(ks + 1, DW - 1)
                ga = plsc.load_gather(avr, [eids, ks])
                gb = plsc.load_gather(bvr, [eids, ks])
                prod = plsc.bitcast(ga, jnp.bfloat16) * plsc.bitcast(gb, jnp.bfloat16)
                pe, po = plsc.unpack(prod,
                                     format=plsc.PackFormat.INTERLEAVED,
                                     preferred_element_type=jnp.float32)
                accs[0] = accs[0] + pe
                accs[1] = accs[1] + po
            d = accs[0] + accs[1]
            ovr[pl.ds(g * L, L)] = 1.0 / (1.0 + jnp.exp(-d))

    idx_issue(0, bufs[0])
    idx_issue(1, bufs[1])
    idx_wait(0, bufs[0])
    gather_issue(bufs[0])

    def pipe_body(j, carry):
        for par in (0, 1):
            i = 2 * j + par
            buf = bufs[par]
            nxt = bufs[1 - par]

            def chunk_step():
                @pl.when(i + 1 < nw)
                def _():
                    idx_wait(i + 1, nxt)
                    gather_issue(nxt)

                gather_wait(buf)

                @pl.when(i + 2 < nw)
                def _():
                    idx_issue(i + 2, buf)

                @pl.when(i >= 2)
                def _():
                    out_wait(i - 2, buf)

                compute(buf)
                out_issue(i, buf)

            if par == 0:
                chunk_step()
            else:
                pl.when(i < nw)(chunk_step)
        return carry

    lax.fori_loop(0, NIT, pipe_body, 0)

    out_wait(nw - 2 + ((nw - 2) % 2 == 1), bufs[0])
    out_wait(nw - 2 + ((nw - 2) % 2 == 0), bufs[1])


def kernel(z, edge_index):
    zb = z.astype(jnp.bfloat16)
    zi = lax.bitcast_convert_type(zb.reshape(N_NODES, DW, 2), jnp.int32)
    return _sc_decode(zi, edge_index.reshape(-1))

# --- scband reference (transcript-rebuilt; emitter-appended) ---
"""Pipeline reference for scband-inner-product-decoder-10110353015259 (READ-ONLY COPY).

The authoritative reference and input builder live on the scoring server;
editing this copy changes nothing except your own understanding.
"""

import jax, jax.numpy as jnp
import numpy as np

N_NODES = 10000
N_EDGES = 320000
D_FEAT = 128


def setup_inputs(seed: int = 0) -> dict:
    key = jax.random.key(seed)
    k1, k2 = jax.random.split(key)
    z = jax.random.normal(k1, (N_NODES, D_FEAT), dtype=jnp.float32)
    # mask in the torch module is a sparse tensor; here we pass its COO indices directly: int[2, E]
    edge_index = jax.random.randint(k2, (2, N_EDGES), 0, N_NODES, dtype=jnp.int32)
    return {"z": z, "edge_index": edge_index}


def reference(z, edge_index):
    # InnerProductDecoder.forward: gather endpoints, edgewise inner product, sigmoid activation.
    col = edge_index[0]
    row = edge_index[1]
    zc = jnp.take(z, col, axis=0)
    zr = jnp.take(z, row, axis=0)
    result = jax.nn.sigmoid(jnp.sum(zc * zr, axis=1))
    return result

if __name__ == "__main__":
    import jax
    _d = setup_inputs()
    print(jax.jit(kernel)(*tuple(_d.values())))

</pallas_src>

<mosaic_0001>
#map = affine_map<(d0, d1) -> (0, 0)>
#map1 = affine_map<(d0, d1) -> (0)>
module attributes {stable_mosaic.version = 14 : i64} {
  func.func @_sc_decode(%arg0: i32, %arg1: i32, %arg2: memref<10000x64xi32, #tpu.memory_space<hbm>>, %arg3: memref<640000xi32, #tpu.memory_space<hbm>>, %arg4: memref<320000xf32, #tpu.memory_space<hbm>>, %arg5: memref<1x400xi32, #tpu.memory_space<vmem>>, %arg6: memref<1x400xi32, #tpu.memory_space<vmem>>, %arg7: memref<1x400xi32, #tpu.memory_space<vmem>>, %arg8: memref<1x400xi32, #tpu.memory_space<vmem>>, %arg9: memref<400x64xi32, #tpu.memory_space<vmem>>, %arg10: memref<400x64xi32, #tpu.memory_space<vmem>>, %arg11: memref<400x64xi32, #tpu.memory_space<vmem>>, %arg12: memref<400x64xi32, #tpu.memory_space<vmem>>, %arg13: memref<400xf32, #tpu.memory_space<vmem>>, %arg14: memref<400xf32, #tpu.memory_space<vmem>>, %arg15: memref<!tpu.dma_semaphore, #tpu.memory_space<semaphore_mem>>, %arg16: memref<!tpu.dma_semaphore, #tpu.memory_space<semaphore_mem>>, %arg17: memref<!tpu.dma_semaphore, #tpu.memory_space<semaphore_mem>>, %arg18: memref<!tpu.dma_semaphore, #tpu.memory_space<semaphore_mem>>, %arg19: memref<!tpu.dma_semaphore, #tpu.memory_space<semaphore_mem>>, %arg20: memref<!tpu.dma_semaphore, #tpu.memory_space<semaphore_mem>>) attributes {dimension_semantics = [#tpu.dimension_semantics<core_parallel>, #tpu.dimension_semantics<subcore_parallel>], iteration_bounds = array<i64: 2, 16>, scalar_prefetch = 0 : i64, scratch_operands = 16 : i64, tpu.core_type = #tpu.core_type<sc_vector_subcore>, window_params = [{transform_indices = #map}, {transform_indices = #map1}, {transform_indices = #map1}]} {
    %mul3A = arith.constant 2 : i32
    %mul3A_0 = arith.muli %arg1, %mul3A : i32
    %add3A = arith.addi %mul3A_0, %arg0 : i32
    %add3A_1 = arith.constant 0 : i32
    %add3A_2 = arith.addi %add3A, %add3A_1 : i32
    %mul3A_3 = arith.constant 400 : i32
    %mul3A_4 = arith.muli %add3A_2, %mul3A_3 : i32
    %add3A_5 = arith.constant 0 : i32
    %add3A_6 = arith.addi %mul3A_4, %add3A_5 : i32
    %dma_start3A = arith.constant 0 : i32
    %dma_start3A_7 = arith.constant 0 : i32
    %dma_start3A_8 = tpu.memref_slice %arg5[%dma_start3A, %dma_start3A_7] : memref<1x400xi32, #tpu.memory_space<vmem>> -> memref<1x400xi32, #tpu.memory_space<vmem>>
    %dma_start3A_9 = tpu.memref_squeeze %dma_start3A_8 : memref<1x400xi32, #tpu.memory_space<vmem>> -> memref<400xi32, #tpu.memory_space<vmem>>
    %dma_start3A_10 = tpu.memref_slice %arg3[%add3A_6] : memref<640000xi32, #tpu.memory_space<hbm>> -> memref<400xi32, #tpu.memory_space<hbm>>
    %dma_start3A_11 = arith.constant 0 : i32
    %dma_start3A_12 = tpu.memref_slice %arg5[%dma_start3A, %dma_start3A_11] : memref<1x400xi32, #tpu.memory_space<vmem>> -> memref<1x400xi32, #tpu.memory_space<vmem>>
    %dma_start3A_13 = tpu.memref_squeeze %dma_start3A_12 : memref<1x400xi32, #tpu.memory_space<vmem>> -> memref<400xi32, #tpu.memory_space<vmem>>
    %dma_start3A_14 = tpu.memref_slice %arg3[%add3A_6] : memref<640000xi32, #tpu.memory_space<hbm>> -> memref<400xi32, #tpu.memory_space<hbm>>
    tpu.enqueue_dma source(%dma_start3A_14 : memref<400xi32, #tpu.memory_space<hbm>>) target(%dma_start3A_13 : memref<400xi32, #tpu.memory_space<vmem>>) target_semaphore(%arg15 : memref<!tpu.dma_semaphore, #tpu.memory_space<semaphore_mem>>)
    %add3A_15 = arith.constant 320000 : i32
    %add3A_16 = arith.addi %add3A_15, %mul3A_4 : i32
    %add3A_17 = arith.constant 0 : i32
    %add3A_18 = arith.addi %add3A_16, %add3A_17 : i32
    %dma_start3A_19 = arith.constant 0 : i32
    %dma_start3A_20 = arith.constant 0 : i32
    %dma_start3A_21 = tpu.memref_slice %arg6[%dma_start3A_19, %dma_start3A_20] : memref<1x400xi32, #tpu.memory_space<vmem>> -> memref<1x400xi32, #tpu.memory_space<vmem>>
    %dma_start3A_22 = tpu.memref_squeeze %dma_start3A_21 : memref<1x400xi32, #tpu.memory_space<vmem>> -> memref<400xi32, #tpu.memory_space<vmem>>
    %dma_start3A_23 = tpu.memref_slice %arg3[%add3A_18] : memref<640000xi32, #tpu.memory_space<hbm>> -> memref<400xi32, #tpu.memory_space<hbm>>
    %dma_start3A_24 = arith.constant 0 : i32
    %dma_start3A_25 = tpu.memref_slice %arg6[%dma_start3A_19, %dma_start3A_24] : memref<1x400xi32, #tpu.memory_space<vmem>> -> memref<1x400xi32, #tpu.memory_space<vmem>>
    %dma_start3A_26 = tpu.memref_squeeze %dma_start3A_25 : memref<1x400xi32, #tpu.memory_space<vmem>> -> memref<400xi32, #tpu.memory_space<vmem>>
    %dma_start3A_27 = tpu.memref_slice %arg3[%add3A_18] : memref<640000xi32, #tpu.memory_space<hbm>> -> memref<400xi32, #tpu.memory_space<hbm>>
    tpu.enqueue_dma source(%dma_start3A_27 : memref<400xi32, #tpu.memory_space<hbm>>) target(%dma_start3A_26 : memref<400xi32, #tpu.memory_space<vmem>>) target_semaphore(%arg15 : memref<!tpu.dma_semaphore, #tpu.memory_space<semaphore_mem>>)
    %add3A_28 = arith.constant 32 : i32
    %add3A_29 = arith.addi %add3A, %add3A_28 : i32
    %mul3A_30 = arith.constant 400 : i32
    %mul3A_31 = arith.muli %add3A_29, %mul3A_30 : i32
    %add3A_32 = arith.constant 0 : i32
    %add3A_33 = arith.addi %mul3A_31, %add3A_32 : i32
    %dma_start3A_34 = arith.constant 0 : i32
    %dma_start3A_35 = arith.constant 0 : i32
    %dma_start3A_36 = tpu.memref_slice %arg7[%dma_start3A_34, %dma_start3A_35] : memref<1x400xi32, #tpu.memory_space<vmem>> -> memref<1x400xi32, #tpu.memory_space<vmem>>
    %dma_start3A_37 = tpu.memref_squeeze %dma_start3A_36 : memref<1x400xi32, #tpu.memory_space<vmem>> -> memref<400xi32, #tpu.memory_space<vmem>>
    %dma_start3A_38 = tpu.memref_slice %arg3[%add3A_33] : memref<640000xi32, #tpu.memory_space<hbm>> -> memref<400xi32, #tpu.memory_space<hbm>>
    %dma_start3A_39 = arith.constant 0 : i32
    %dma_start3A_40 = tpu.memref_slice %arg7[%dma_start3A_34, %dma_start3A_39] : memref<1x400xi32, #tpu.memory_space<vmem>> -> memref<1x400xi32, #tpu.memory_space<vmem>>
    %dma_start3A_41 = tpu.memref_squeeze %dma_start3A_40 : memref<1x400xi32, #tpu.memory_space<vmem>> -> memref<400xi32, #tpu.memory_space<vmem>>
    %dma_start3A_42 = tpu.memref_slice %arg3[%add3A_33] : memref<640000xi32, #tpu.memory_space<hbm>> -> memref<400xi32, #tpu.memory_space<hbm>>
    tpu.enqueue_dma source(%dma_start3A_42 : memref<400xi32, #tpu.memory_space<hbm>>) target(%dma_start3A_41 : memref<400xi32, #tpu.memory_space<vmem>>) target_semaphore(%arg16 : memref<!tpu.dma_semaphore, #tpu.memory_space<semaphore_mem>>)
    %add3A_43 = arith.constant 320000 : i32
    %add3A_44 = arith.addi %add3A_43, %mul3A_31 : i32
    %add3A_45 = arith.constant 0 : i32
    %add3A_46 = arith.addi %add3A_44, %add3A_45 : i32
    %dma_start3A_47 = arith.constant 0 : i32
    %dma_start3A_48 = arith.constant 0 : i32
    %dma_start3A_49 = tpu.memref_slice %arg8[%dma_start3A_47, %dma_start3A_48] : memref<1x400xi32, #tpu.memory_space<vmem>> -> memref<1x400xi32, #tpu.memory_space<vmem>>
    %dma_start3A_50 = tpu.memref_squeeze %dma_start3A_49 : memref<1x400xi32, #tpu.memory_space<vmem>> -> memref<400xi32, #tpu.memory_space<vmem>>
    %dma_start3A_51 = tpu.memref_slice %arg3[%add3A_46] : memref<640000xi32, #tpu.memory_space<hbm>> -> memref<400xi32, #tpu.memory_space<hbm>>
    %dma_start3A_52 = arith.constant 0 : i32
    %dma_start3A_53 = tpu.memref_slice %arg8[%dma_start3A_47, %dma_start3A_52] : memref<1x400xi32, #tpu.memory_space<vmem>> -> memref<1x400xi32, #tpu.memory_space<vmem>>
    %dma_start3A_54 = tpu.memref_squeeze %dma_start3A_53 : memref<1x400xi32, #tpu.memory_space<vmem>> -> memref<400xi32, #tpu.memory_space<vmem>>
    %dma_start3A_55 = tpu.memref_slice %arg3[%add3A_46] : memref<640000xi32, #tpu.memory_space<hbm>> -> memref<400xi32, #tpu.memory_space<hbm>>
    tpu.enqueue_dma source(%dma_start3A_55 : memref<400xi32, #tpu.memory_space<hbm>>) target(%dma_start3A_54 : memref<400xi32, #tpu.memory_space<vmem>>) target_semaphore(%arg16 : memref<!tpu.dma_semaphore, #tpu.memory_space<semaphore_mem>>)
    %add3A_56 = arith.constant 0 : i32
    %add3A_57 = arith.addi %add3A, %add3A_56 : i32
    %mul3A_58 = arith.constant 400 : i32
    %mul3A_59 = arith.muli %add3A_57, %mul3A_58 : i32
    %add3A_60 = arith.constant 0 : i32
    %add3A_61 = arith.addi %mul3A_59, %add3A_60 : i32
    %dma_wait3A = arith.constant 0 : i32
    %dma_wait3A_62 = arith.constant 0 : i32
    %dma_wait3A_63 = tpu.memref_slice %arg5[%dma_wait3A, %dma_wait3A_62] : memref<1x400xi32, #tpu.memory_space<vmem>> -> memref<1x400xi32, #tpu.memory_space<vmem>>
    %dma_wait3A_64 = tpu.memref_squeeze %dma_wait3A_63 : memref<1x400xi32, #tpu.memory_space<vmem>> -> memref<400xi32, #tpu.memory_space<vmem>>
    %dma_wait3A_65 = tpu.memref_slice %arg3[%add3A_61] : memref<640000xi32, #tpu.memory_space<hbm>> -> memref<400xi32, #tpu.memory_space<hbm>>
    %dma_wait3A_66 = arith.constant 0 : i32
    %dma_wait3A_67 = tpu.memref_slice %arg5[%dma_wait3A, %dma_wait3A_66] : memref<1x400xi32, #tpu.memory_space<vmem>> -> memref<1x400xi32, #tpu.memory_space<vmem>>
    %dma_wait3A_68 = tpu.memref_squeeze %dma_wait3A_67 : memref<1x400xi32, #tpu.memory_space<vmem>> -> memref<400xi32, #tpu.memory_space<vmem>>
    %dma_wait3A_69 = tpu.memref_slice %arg3[%add3A_61] : memref<640000xi32, #tpu.memory_space<hbm>> -> memref<400xi32, #tpu.memory_space<hbm>>
    tpu.wait_dma2 semaphore(%arg15 : memref<!tpu.dma_semaphore, #tpu.memory_space<semaphore_mem>>) src(%dma_wait3A_69 : memref<400xi32, #tpu.memory_space<hbm>>) dst(%dma_wait3A_68 : memref<400xi32, #tpu.memory_space<vmem>>)
    %add3A_70 = arith.constant 320000 : i32
    %add3A_71 = arith.addi %add3A_70, %mul3A_59 : i32
    %add3A_72 = arith.constant 0 : i32
    %add3A_73 = arith.addi %add3A_71, %add3A_72 : i32
    %dma_wait3A_74 = arith.constant 0 : i32
    %dma_wait3A_75 = arith.constant 0 : i32
    %dma_wait3A_76 = tpu.memref_slice %arg6[%dma_wait3A_74, %dma_wait3A_75] : memref<1x400xi32, #tpu.memory_space<vmem>> -> memref<1x400xi32, #tpu.memory_space<vmem>>
    %dma_wait3A_77 = tpu.memref_squeeze %dma_wait3A_76 : memref<1x400xi32, #tpu.memory_space<vmem>> -> memref<400xi32, #tpu.memory_space<vmem>>
    %dma_wait3A_78 = tpu.memref_slice %arg3[%add3A_73] : memref<640000xi32, #tpu.memory_space<hbm>> -> memref<400xi32, #tpu.memory_space<hbm>>
    %dma_wait3A_79 = arith.constant 0 : i32
    %dma_wait3A_80 = tpu.memref_slice %arg6[%dma_wait3A_74, %dma_wait3A_79] : memref<1x400xi32, #tpu.memory_space<vmem>> -> memref<1x400xi32, #tpu.memory_space<vmem>>
    %dma_wait3A_81 = tpu.memref_squeeze %dma_wait3A_80 : memref<1x400xi32, #tpu.memory_space<vmem>> -> memref<400xi32, #tpu.memory_space<vmem>>
    %dma_wait3A_82 = tpu.memref_slice %arg3[%add3A_73] : memref<640000xi32, #tpu.memory_space<hbm>> -> memref<400xi32, #tpu.memory_space<hbm>>
    tpu.wait_dma2 semaphore(%arg15 : memref<!tpu.dma_semaphore, #tpu.memory_space<semaphore_mem>>) src(%dma_wait3A_82 : memref<400xi32, #tpu.memory_space<hbm>>) dst(%dma_wait3A_81 : memref<400xi32, #tpu.memory_space<vmem>>)
    %dma_start3A_83 = arith.constant 0 : i32
    %dma_start3A_84 = arith.constant 0 : i32
    %dma_start3A_85 = arith.constant 0 : i32
    %dma_start3A_86 = tpu.memref_slice %arg9[%dma_start3A_84, %dma_start3A_85] : memref<400x64xi32, #tpu.memory_space<vmem>> -> memref<400x64xi32, #tpu.memory_space<vmem>>
    %dma_start3A_87 = arith.constant 0 : i32
    %dma_start3A_88 = tpu.memref_slice %arg5[%dma_start3A_83, %dma_start3A_87] : memref<1x400xi32, #tpu.memory_space<vmem>> -> memref<1x400xi32, #tpu.memory_space<vmem>>
    %dma_start3A_89 = tpu.memref_squeeze %dma_start3A_88 : memref<1x400xi32, #tpu.memory_space<vmem>> -> memref<400xi32, #tpu.memory_space<vmem>>
    %dma_start3A_90 = arith.constant 0 : i32
    %dma_start3A_91 = arith.constant 0 : i32
    %dma_start3A_92 = tpu.memref_slice %arg2[%dma_start3A_90, %dma_start3A_91] : memref<10000x64xi32, #tpu.memory_space<hbm>> -> memref<10000x64xi32, #tpu.memory_space<hbm>>
    tpu.enqueue_indirect_dma source(%dma_start3A_92 : memref<10000x64xi32, #tpu.memory_space<hbm>>) target(%dma_start3A_86 : memref<400x64xi32, #tpu.memory_space<vmem>>) offsets(%dma_start3A_89 : memref<400xi32, #tpu.memory_space<vmem>>) semaphore(%arg17 : memref<!tpu.dma_semaphore, #tpu.memory_space<semaphore_mem>>)
    %dma_start3A_93 = arith.constant 0 : i32
    %dma_start3A_94 = arith.constant 0 : i32
    %dma_start3A_95 = arith.constant 0 : i32
    %dma_start3A_96 = tpu.memref_slice %arg10[%dma_start3A_94, %dma_start3A_95] : memref<400x64xi32, #tpu.memory_space<vmem>> -> memref<400x64xi32, #tpu.memory_space<vmem>>
    %dma_start3A_97 = arith.constant 0 : i32
    %dma_start3A_98 = tpu.memref_slice %arg6[%dma_start3A_93, %dma_start3A_97] : memref<1x400xi32, #tpu.memory_space<vmem>> -> memref<1x400xi32, #tpu.memory_space<vmem>>
    %dma_start3A_99 = tpu.memref_squeeze %dma_start3A_98 : memref<1x400xi32, #tpu.memory_space<vmem>> -> memref<400xi32, #tpu.memory_space<vmem>>
    %dma_start3A_100 = arith.constant 0 : i32
    %dma_start3A_101 = arith.constant 0 : i32
    %dma_start3A_102 = tpu.memref_slice %arg2[%dma_start3A_100, %dma_start3A_101] : memref<10000x64xi32, #tpu.memory_space<hbm>> -> memref<10000x64xi32, #tpu.memory_space<hbm>>
    tpu.enqueue_indirect_dma source(%dma_start3A_102 : memref<10000x64xi32, #tpu.memory_space<hbm>>) target(%dma_start3A_96 : memref<400x64xi32, #tpu.memory_space<vmem>>) offsets(%dma_start3A_99 : memref<400xi32, #tpu.memory_space<vmem>>) semaphore(%arg17 : memref<!tpu.dma_semaphore, #tpu.memory_space<semaphore_mem>>)
    %scan3A = arith.constant 0 : i32
    %scan3A_103 = arith.constant 25 : i32
    %scan3A_104 = arith.constant 0 : i32
    %scan3A_105 = arith.constant 13 : i32
    %scan3A_106 = arith.addi %scan3A_104, %scan3A_105 : i32
    %scan3A_107 = arith.constant 1 : i32
    scf.for %scan3A_166 = %scan3A_104 to %scan3A_106 step %scan3A_107  : i32 {
      %mul3A_167 = arith.constant 2 : i32
      %mul3A_168 = arith.muli %mul3A_167, %scan3A_166 : i32
      %add3A_169 = arith.constant 0 : i32
      %add3A_170 = arith.addi %mul3A_168, %add3A_169 : i32
      %add3A_171 = arith.constant 1 : i32
      %add3A_172 = arith.addi %add3A_170, %add3A_171 : i32
      %lt3A_173 = arith.cmpi slt, %add3A_172, %scan3A_103 : i32
      %convert_element_type3A_174 = arith.extui %lt3A_173 : i1 to i32
      %cond3A = arith.constant 0 : i32
      %cond3A_175 = arith.cmpi ne, %convert_element_type3A_174, %cond3A : i32
      scf.if %cond3A_175 {
        %add3A_223 = arith.constant 1 : i32
        %add3A_224 = arith.addi %add3A_170, %add3A_223 : i32
        %mul3A_225 = arith.constant 32 : i32
        %mul3A_226 = arith.muli %mul3A_225, %add3A_224 : i32
        %add3A_227 = arith.addi %add3A, %mul3A_226 : i32
        %mul3A_228 = arith.constant 400 : i32
        %mul3A_229 = arith.muli %add3A_227, %mul3A_228 : i32
        %add3A_230 = arith.constant 0 : i32
        %add3A_231 = arith.addi %mul3A_229, %add3A_230 : i32
        %dma_wait3A_232 = arith.constant 0 : i32
        %dma_wait3A_233 = arith.constant 0 : i32
        %dma_wait3A_234 = tpu.memref_slice %arg7[%dma_wait3A_232, %dma_wait3A_233] : memref<1x400xi32, #tpu.memory_space<vmem>> -> memref<1x400xi32, #tpu.memory_space<vmem>>
        %dma_wait3A_235 = tpu.memref_squeeze %dma_wait3A_234 : memref<1x400xi32, #tpu.memory_space<vmem>> -> memref<400xi32, #tpu.memory_space<vmem>>
        %dma_wait3A_236 = tpu.memref_slice %arg3[%add3A_231] : memref<640000xi32, #tpu.memory_space<hbm>> -> memref<400xi32, #tpu.memory_space<hbm>>
        %dma_wait3A_237 = arith.constant 0 : i32
        %dma_wait3A_238 = tpu.memref_slice %arg7[%dma_wait3A_232, %dma_wait3A_237] : memref<1x400xi32, #tpu.memory_space<vmem>> -> memref<1x400xi32, #tpu.memory_space<vmem>>
        %dma_wait3A_239 = tpu.memref_squeeze %dma_wait3A_238 : memref<1x400xi32, #tpu.memory_space<vmem>> -> memref<400xi32, #tpu.memory_space<vmem>>
        %dma_wait3A_240 = tpu.memref_slice %arg3[%add3A_231] : memref<640000xi32, #tpu.memory_space<hbm>> -> memref<400xi32, #tpu.memory_space<hbm>>
        tpu.wait_dma2 semaphore(%arg16 : memref<!tpu.dma_semaphore, #tpu.memory_space<semaphore_mem>>) src(%dma_wait3A_240 : memref<400xi32, #tpu.memory_space<hbm>>) dst(%dma_wait3A_239 : memref<400xi32, #tpu.memory_space<vmem>>)
        %add3A_241 = arith.constant 320000 : i32
        %add3A_242 = arith.addi %add3A_241, %mul3A_229 : i32
        %add3A_243 = arith.constant 0 : i32
        %add3A_244 = arith.addi %add3A_242, %add3A_243 : i32
        %dma_wait3A_245 = arith.constant 0 : i32
        %dma_wait3A_246 = arith.constant 0 : i32
        %dma_wait3A_247 = tpu.memref_slice %arg8[%dma_wait3A_245, %dma_wait3A_246] : memref<1x400xi32, #tpu.memory_space<vmem>> -> memref<1x400xi32, #tpu.memory_space<vmem>>
        %dma_wait3A_248 = tpu.memref_squeeze %dma_wait3A_247 : memref<1x400xi32, #tpu.memory_space<vmem>> -> memref<400xi32, #tpu.memory_space<vmem>>
        %dma_wait3A_249 = tpu.memref_slice %arg3[%add3A_244] : memref<640000xi32, #tpu.memory_space<hbm>> -> memref<400xi32, #tpu.memory_space<hbm>>
        %dma_wait3A_250 = arith.constant 0 : i32
        %dma_wait3A_251 = tpu.memref_slice %arg8[%dma_wait3A_245, %dma_wait3A_250] : memref<1x400xi32, #tpu.memory_space<vmem>> -> memref<1x400xi32, #tpu.memory_space<vmem>>
        %dma_wait3A_252 = tpu.memref_squeeze %dma_wait3A_251 : memref<1x400xi32, #tpu.memory_space<vmem>> -> memref<400xi32, #tpu.memory_space<vmem>>
        %dma_wait3A_253 = tpu.memref_slice %arg3[%add3A_244] : memref<640000xi32, #tpu.memory_space<hbm>> -> memref<400xi32, #tpu.memory_space<hbm>>
        tpu.wait_dma2 semaphore(%arg16 : memref<!tpu.dma_semaphore, #tpu.memory_space<semaphore_mem>>) src(%dma_wait3A_253 : memref<400xi32, #tpu.memory_space<hbm>>) dst(%dma_wait3A_252 : memref<400xi32, #tpu.memory_space<vmem>>)
        %dma_start3A_254 = arith.constant 0 : i32
        %dma_start3A_255 = arith.constant 0 : i32
        %dma_start3A_256 = arith.constant 0 : i32
        %dma_start3A_257 = tpu.memref_slice %arg11[%dma_start3A_255, %dma_start3A_256] : memref<400x64xi32, #tpu.memory_space<vmem>> -> memref<400x64xi32, #tpu.memory_space<vmem>>
        %dma_start3A_258 = arith.constant 0 : i32
        %dma_start3A_259 = tpu.memref_slice %arg7[%dma_start3A_254, %dma_start3A_258] : memref<1x400xi32, #tpu.memory_space<vmem>> -> memref<1x400xi32, #tpu.memory_space<vmem>>
        %dma_start3A_260 = tpu.memref_squeeze %dma_start3A_259 : memref<1x400xi32, #tpu.memory_space<vmem>> -> memref<400xi32, #tpu.memory_space<vmem>>
        %dma_start3A_261 = arith.constant 0 : i32
        %dma_start3A_262 = arith.constant 0 : i32
        %dma_start3A_263 = tpu.memref_slice %arg2[%dma_start3A_261, %dma_start3A_262] : memref<10000x64xi32, #tpu.memory_space<hbm>> -> memref<10000x64xi32, #tpu.memory_space<hbm>>
        tpu.enqueue_indirect_dma source(%dma_start3A_263 : memref<10000x64xi32, #tpu.memory_space<hbm>>) target(%dma_start3A_257 : memref<400x64xi32, #tpu.memory_space<vmem>>) offsets(%dma_start3A_260 : memref<400xi32, #tpu.memory_space<vmem>>) semaphore(%arg18 : memref<!tpu.dma_semaphore, #tpu.memory_space<semaphore_mem>>)
        %dma_start3A_264 = arith.constant 0 : i32
        %dma_start3A_265 = arith.constant 0 : i32
        %dma_start3A_266 = arith.constant 0 : i32
        %dma_start3A_267 = tpu.memref_slice %arg12[%dma_start3A_265, %dma_start3A_266] : memref<400x64xi32, #tpu.memory_space<vmem>> -> memref<400x64xi32, #tpu.memory_space<vmem>>
        %dma_start3A_268 = arith.constant 0 : i32
        %dma_start3A_269 = tpu.memref_slice %arg8[%dma_start3A_264, %dma_start3A_268] : memref<1x400xi32, #tpu.memory_space<vmem>> -> memref<1x400xi32, #tpu.memory_space<vmem>>
        %dma_start3A_270 = tpu.memref_squeeze %dma_start3A_269 : memref<1x400xi32, #tpu.memory_space<vmem>> -> memref<400xi32, #tpu.memory_space<vmem>>
        %dma_start3A_271 = arith.constant 0 : i32
        %dma_start3A_272 = arith.constant 0 : i32
        %dma_start3A_273 = tpu.memref_slice %arg2[%dma_start3A_271, %dma_start3A_272] : memref<10000x64xi32, #tpu.memory_space<hbm>> -> memref<10000x64xi32, #tpu.memory_space<hbm>>
        tpu.enqueue_indirect_dma source(%dma_start3A_273 : memref<10000x64xi32, #tpu.memory_space<hbm>>) target(%dma_start3A_267 : memref<400x64xi32, #tpu.memory_space<vmem>>) offsets(%dma_start3A_270 : memref<400xi32, #tpu.memory_space<vmem>>) semaphore(%arg18 : memref<!tpu.dma_semaphore, #tpu.memory_space<semaphore_mem>>)
      } else {
      }
      %dma_wait3A_176 = arith.constant 0 : i32
      %dma_wait3A_177 = arith.constant 0 : i32
      %dma_wait3A_178 = arith.constant 0 : i32
      %dma_wait3A_179 = tpu.memref_slice %arg9[%dma_wait3A_177, %dma_wait3A_178] : memref<400x64xi32, #tpu.memory_space<vmem>> -> memref<400x64xi32, #tpu.memory_space<vmem>>
      %dma_wait3A_180 = arith.constant 0 : i32
      %dma_wait3A_181 = tpu.memref_slice %arg5[%dma_wait3A_176, %dma_wait3A_180] : memref<1x400xi32, #tpu.memory_space<vmem>> -> memref<1x400xi32, #tpu.memory_space<vmem>>
      %dma_wait3A_182 = tpu.memref_squeeze %dma_wait3A_181 : memref<1x400xi32, #tpu.memory_space<vmem>> -> memref<400xi32, #tpu.memory_space<vmem>>
      %dma_wait3A_183 = arith.constant 0 : i32
      %dma_wait3A_184 = arith.constant 0 : i32
      %dma_wait3A_185 = tpu.memref_slice %arg2[%dma_wait3A_183, %dma_wait3A_184] : memref<10000x64xi32, #tpu.memory_space<hbm>> -> memref<10000x64xi32, #tpu.memory_space<hbm>>
      tpu.wait_indirect_dma semaphore(%arg17 : memref<!tpu.dma_semaphore, #tpu.memory_space<semaphore_mem>>) src(%dma_wait3A_185 : memref<10000x64xi32, #tpu.memory_space<hbm>>) dst(%dma_wait3A_179 : memref<400x64xi32, #tpu.memory_space<vmem>>)
      %dma_wait3A_186 = arith.constant 0 : i32
      %dma_wait3A_187 = arith.constant 0 : i32
      %dma_wait3A_188 = arith.constant 0 : i32
      %dma_wait3A_189 = tpu.memref_slice %arg10[%dma_wait3A_187, %dma_wait3A_188] : memref<400x64xi32, #tpu.memory_space<vmem>> -> memref<400x64xi32, #tpu.memory_space<vmem>>
      %dma_wait3A_190 = arith.constant 0 : i32
      %dma_wait3A_191 = tpu.memref_slice %arg6[%dma_wait3A_186, %dma_wait3A_190] : memref<1x400xi32, #tpu.memory_space<vmem>> -> memref<1x400xi32, #tpu.memory_space<vmem>>
      %dma_wait3A_192 = tpu.memref_squeeze %dma_wait3A_191 : memref<1x400xi32, #tpu.memory_space<vmem>> -> memref<400xi32, #tpu.memory_space<vmem>>
      %dma_wait3A_193 = arith.constant 0 : i32
      %dma_wait3A_194 = arith.constant 0 : i32
      %dma_wait3A_195 = tpu.memref_slice %arg2[%dma_wait3A_193, %dma_wait3A_194] : memref<10000x64xi32, #tpu.memory_space<hbm>> -> memref<10000x64xi32, #tpu.memory_space<hbm>>
      tpu.wait_indirect_dma semaphore(%arg17 : memref<!tpu.dma_semaphore, #tpu.memory_space<semaphore_mem>>) src(%dma_wait3A_195 : memref<10000x64xi32, #tpu.memory_space<hbm>>) dst(%dma_wait3A_189 : memref<400x64xi32, #tpu.memory_space<vmem>>)
      %add3A_196 = arith.constant 2 : i32
      %add3A_197 = arith.addi %add3A_170, %add3A_196 : i32
      %lt3A_198 = arith.cmpi slt, %add3A_197, %scan3A_103 : i32
      %convert_element_type3A_199 = arith.extui %lt3A_198 : i1 to i32
      %cond3A_200 = arith.constant 0 : i32
      %cond3A_201 = arith.cmpi ne, %convert_element_type3A_199, %cond3A_200 : i32
      scf.if %cond3A_201 {
        %add3A_223 = arith.constant 2 : i32
        %add3A_224 = arith.addi %add3A_170, %add3A_223 : i32
        %mul3A_225 = arith.constant 32 : i32
        %mul3A_226 = arith.muli %mul3A_225, %add3A_224 : i32
        %add3A_227 = arith.addi %add3A, %mul3A_226 : i32
        %mul3A_228 = arith.constant 400 : i32
        %mul3A_229 = arith.muli %add3A_227, %mul3A_228 : i32
        %add3A_230 = arith.constant 0 : i32
        %add3A_231 = arith.addi %mul3A_229, %add3A_230 : i32
        %dma_start3A_232 = arith.constant 0 : i32
        %dma_start3A_233 = arith.constant 0 : i32
        %dma_start3A_234 = tpu.memref_slice %arg5[%dma_start3A_232, %dma_start3A_233] : memref<1x400xi32, #tpu.memory_space<vmem>> -> memref<1x400xi32, #tpu.memory_space<vmem>>
        %dma_start3A_235 = tpu.memref_squeeze %dma_start3A_234 : memref<1x400xi32, #tpu.memory_space<vmem>> -> memref<400xi32, #tpu.memory_space<vmem>>
        %dma_start3A_236 = tpu.memref_slice %arg3[%add3A_231] : memref<640000xi32, #tpu.memory_space<hbm>> -> memref<400xi32, #tpu.memory_space<hbm>>
        %dma_start3A_237 = arith.constant 0 : i32
        %dma_start3A_238 = tpu.memref_slice %arg5[%dma_start3A_232, %dma_start3A_237] : memref<1x400xi32, #tpu.memory_space<vmem>> -> memref<1x400xi32, #tpu.memory_space<vmem>>
        %dma_start3A_239 = tpu.memref_squeeze %dma_start3A_238 : memref<1x400xi32, #tpu.memory_space<vmem>> -> memref<400xi32, #tpu.memory_space<vmem>>
        %dma_start3A_240 = tpu.memref_slice %arg3[%add3A_231] : memref<640000xi32, #tpu.memory_space<hbm>> -> memref<400xi32, #tpu.memory_space<hbm>>
        tpu.enqueue_dma source(%dma_start3A_240 : memref<400xi32, #tpu.memory_space<hbm>>) target(%dma_start3A_239 : memref<400xi32, #tpu.memory_space<vmem>>) target_semaphore(%arg15 : memref<!tpu.dma_semaphore, #tpu.memory_space<semaphore_mem>>)
        %add3A_241 = arith.constant 320000 : i32
        %add3A_242 = arith.addi %add3A_241, %mul3A_229 : i32
        %add3A_243 = arith.constant 0 : i32
        %add3A_244 = arith.addi %add3A_242, %add3A_243 : i32
        %dma_start3A_245 = arith.constant 0 : i32
        %dma_start3A_246 = arith.constant 0 : i32
        %dma_start3A_247 = tpu.memref_slice %arg6[%dma_start3A_245, %dma_start3A_246] : memref<1x400xi32, #tpu.memory_space<vmem>> -> memref<1x400xi32, #tpu.memory_space<vmem>>
        %dma_start3A_248 = tpu.memref_squeeze %dma_start3A_247 : memref<1x400xi32, #tpu.memory_space<vmem>> -> memref<400xi32, #tpu.memory_space<vmem>>
        %dma_start3A_249 = tpu.memref_slice %arg3[%add3A_244] : memref<640000xi32, #tpu.memory_space<hbm>> -> memref<400xi32, #tpu.memory_space<hbm>>
        %dma_start3A_250 = arith.constant 0 : i32
        %dma_start3A_251 = tpu.memref_slice %arg6[%dma_start3A_245, %dma_start3A_250] : memref<1x400xi32, #tpu.memory_space<vmem>> -> memref<1x400xi32, #tpu.memory_space<vmem>>
        %dma_start3A_252 = tpu.memref_squeeze %dma_start3A_251 : memref<1x400xi32, #tpu.memory_space<vmem>> -> memref<400xi32, #tpu.memory_space<vmem>>
        %dma_start3A_253 = tpu.memref_slice %arg3[%add3A_244] : memref<640000xi32, #tpu.memory_space<hbm>> -> memref<400xi32, #tpu.memory_space<hbm>>
        tpu.enqueue_dma source(%dma_start3A_253 : memref<400xi32, #tpu.memory_space<hbm>>) target(%dma_start3A_252 : memref<400xi32, #tpu.memory_space<vmem>>) target_semaphore(%arg15 : memref<!tpu.dma_semaphore, #tpu.memory_space<semaphore_mem>>)
      } else {
      }
      %ge3A = arith.constant 2 : i32
      %ge3A_202 = arith.cmpi sge, %add3A_170, %ge3A : i32
      %convert_element_type3A_203 = arith.extui %ge3A_202 : i1 to i32
      %cond3A_204 = arith.constant 0 : i32
      %cond3A_205 = arith.cmpi ne, %convert_element_type3A_203, %cond3A_204 : i32
      scf.if %cond3A_205 {
        %sub3A_223 = arith.constant 2 : i32
        %sub3A_224 = arith.subi %add3A_170, %sub3A_223 : i32
        %mul3A_225 = arith.constant 32 : i32
        %mul3A_226 = arith.muli %mul3A_225, %sub3A_224 : i32
        %add3A_227 = arith.addi %add3A, %mul3A_226 : i32
        %mul3A_228 = arith.constant 400 : i32
        %mul3A_229 = arith.muli %add3A_227, %mul3A_228 : i32
        %dma_wait3A_230 = tpu.memref_slice %arg4[%mul3A_229] : memref<320000xf32, #tpu.memory_space<hbm>> -> memref<400xf32, #tpu.memory_space<hbm>>
        %dma_wait3A_231 = tpu.memref_slice %arg4[%mul3A_229] : memref<320000xf32, #tpu.memory_space<hbm>> -> memref<400xf32, #tpu.memory_space<hbm>>
        tpu.wait_dma2 semaphore(%arg19 : memref<!tpu.dma_semaphore, #tpu.memory_space<semaphore_mem>>) src(%arg13 : memref<400xf32, #tpu.memory_space<vmem>>) dst(%dma_wait3A_231 : memref<400xf32, #tpu.memory_space<hbm>>)
      } else {
      }
      %parallel_loop3A = arith.constant 0 : i32
      %parallel_loop3A_206 = arith.constant 25 : i32
      %parallel_loop3A_207 = arith.constant 1 : i32
      scf.for %parallel_loop3A_223 = %parallel_loop3A to %parallel_loop3A_206 step %parallel_loop3A_207  : i32 {
        %parallel_loop3A_224 = tpu.iota {dimensions = array<i32: 0>} : vector<16xi32>
        %parallel_loop3A_225 = arith.constant 16 : i32
        %parallel_loop3A_226 = arith.muli %parallel_loop3A_223, %parallel_loop3A_225 : i32
        %parallel_loop3A_227 = vector.broadcast %parallel_loop3A_226 : i32 to vector<16xi32>
        %parallel_loop3A_228 = arith.addi %parallel_loop3A_227, %parallel_loop3A_224 : vector<16xi32>
        %parallel_loop3A_229 = arith.constant 0.000000e+00 : f32
        %parallel_loop3A_230 = vector.broadcast %parallel_loop3A_229 : f32 to vector<16xf32>
        %parallel_loop3A_231 = arith.constant 0.000000e+00 : f32
        %parallel_loop3A_232 = vector.broadcast %parallel_loop3A_231 : f32 to vector<16xf32>
        %parallel_loop3A_233 = tpu.vector_load_idx %arg9[%parallel_loop3A_228, %parallel_loop3A_224] : memref<400x64xi32, #tpu.memory_space<vmem>>[vector<16xi32>, vector<16xi32>], vector<16xi32>,
        %parallel_loop3A_234 = tpu.vector_load_idx %arg10[%parallel_loop3A_228, %parallel_loop3A_224] : memref<400x64xi32, #tpu.memory_space<vmem>>[vector<16xi32>, vector<16xi32>], vector<16xi32>,
        %parallel_loop3A_235 = vector.bitcast %parallel_loop3A_233 : vector<16xi32> to vector<32xbf16>
        %parallel_loop3A_236 = vector.bitcast %parallel_loop3A_234 : vector<16xi32> to vector<32xbf16>
        %parallel_loop3A_237 = arith.mulf %parallel_loop3A_235, %parallel_loop3A_236 : vector<32xbf16>
        %parallel_loop3A_238 = tpu.unpack_subelements %parallel_loop3A_237, 0 {pack_format = #tpu.pack_format<interleaved>} : vector<32xbf16> -> vector<16xf32>
        %parallel_loop3A_239 = tpu.unpack_subelements %parallel_loop3A_237, 1 {pack_format = #tpu.pack_format<interleaved>} : vector<32xbf16> -> vector<16xf32>
        %parallel_loop3A_240 = arith.addf %parallel_loop3A_230, %parallel_loop3A_238 : vector<16xf32>
        %parallel_loop3A_241 = arith.addf %parallel_loop3A_232, %parallel_loop3A_239 : vector<16xf32>
        %parallel_loop3A_242 = arith.constant 1 : i32
        %parallel_loop3A_243 = vector.broadcast %parallel_loop3A_242 : i32 to vector<16xi32>
        %parallel_loop3A_244 = arith.addi %parallel_loop3A_224, %parallel_loop3A_243 : vector<16xi32>
        %parallel_loop3A_245 = arith.constant 63 : i32
        %parallel_loop3A_246 = vector.broadcast %parallel_loop3A_245 : i32 to vector<16xi32>
        %parallel_loop3A_247 = arith.andi %parallel_loop3A_244, %parallel_loop3A_246 : vector<16xi32>
        %parallel_loop3A_248 = tpu.vector_load_idx %arg9[%parallel_loop3A_228, %parallel_loop3A_247] : memref<400x64xi32, #tpu.memory_space<vmem>>[vector<16xi32>, vector<16xi32>], vector<16xi32>,
        %parallel_loop3A_249 = tpu.vector_load_idx %arg10[%parallel_loop3A_228, %parallel_loop3A_247] : memref<400x64xi32, #tpu.memory_space<vmem>>[vector<16xi32>, vector<16xi32>], vector<16xi32>,
        %parallel_loop3A_250 = vector.bitcast %parallel_loop3A_248 : vector<16xi32> to vector<32xbf16>
        %parallel_loop3A_251 = vector.bitcast %parallel_loop3A_249 : vector<16xi32> to vector<32xbf16>
        %parallel_loop3A_252 = arith.mulf %parallel_loop3A_250, %parallel_loop3A_251 : vector<32xbf16>
        %parallel_loop3A_253 = tpu.unpack_subelements %parallel_loop3A_252, 0 {pack_format = #tpu.pack_format<interleaved>} : vector<32xbf16> -> vector<16xf32>
        %parallel_loop3A_254 = tpu.unpack_subelements %parallel_loop3A_252, 1 {pack_format = #tpu.pack_format<interleaved>} : vector<32xbf16> -> vector<16xf32>
        %parallel_loop3A_255 = arith.addf %parallel_loop3A_240, %parallel_loop3A_253 : vector<16xf32>
        %parallel_loop3A_256 = arith.addf %parallel_loop3A_241, %parallel_loop3A_254 : vector<16xf32>
        %parallel_loop3A_257 = arith.constant 1 : i32
        %parallel_loop3A_258 = vector.broadcast %parallel_loop3A_257 : i32 to vector<16xi32>
        %parallel_loop3A_259 = arith.addi %parallel_loop3A_247, %parallel_loop3A_258 : vector<16xi32>
        %parallel_loop3A_260 = arith.constant 63 : i32
        %parallel_loop3A_261 = vector.broadcast %parallel_loop3A_260 : i32 to vector<16xi32>
        %parallel_loop3A_262 = arith.andi %parallel_loop3A_259, %parallel_loop3A_261 : vector<16xi32>
        %parallel_loop3A_263 = tpu.vector_load_idx %arg9[%parallel_loop3A_228, %parallel_loop3A_262] : memref<400x64xi32, #tpu.memory_space<vmem>>[vector<16xi32>, vector<16xi32>], vector<16xi32>,
        %parallel_loop3A_264 = tpu.vector_load_idx %arg10[%parallel_loop3A_228, %parallel_loop3A_262] : memref<400x64xi32, #tpu.memory_space<vmem>>[vector<16xi32>, vector<16xi32>], vector<16xi32>,
        %parallel_loop3A_265 = vector.bitcast %parallel_loop3A_263 : vector<16xi32> to vector<32xbf16>
        %parallel_loop3A_266 = vector.bitcast %parallel_loop3A_264 : vector<16xi32> to vector<32xbf16>
        %parallel_loop3A_267 = arith.mulf %parallel_loop3A_265, %parallel_loop3A_266 : vector<32xbf16>
        %parallel_loop3A_268 = tpu.unpack_subelements %parallel_loop3A_267, 0 {pack_format = #tpu.pack_format<interleaved>} : vector<32xbf16> -> vector<16xf32>
        %parallel_loop3A_269 = tpu.unpack_subelements %parallel_loop3A_267, 1 {pack_format = #tpu.pack_format<interleaved>} : vector<32xbf16> -> vector<16xf32>
        %parallel_loop3A_270 = arith.addf %parallel_loop3A_255, %parallel_loop3A_268 : vector<16xf32>
        %parallel_loop3A_271 = arith.addf %parallel_loop3A_256, %parallel_loop3A_269 : vector<16xf32>
        %parallel_loop3A_272 = arith.constant 1 : i32
        %parallel_loop3A_273 = vector.broadcast %parallel_loop3A_272 : i32 to vector<16xi32>
        %parallel_loop3A_274 = arith.addi %parallel_loop3A_262, %parallel_loop3A_273 : vector<16xi32>
        %parallel_loop3A_275 = arith.constant 63 : i32
        %parallel_loop3A_276 = vector.broadcast %parallel_loop3A_275 : i32 to vector<16xi32>
        %parallel_loop3A_277 = arith.andi %parallel_loop3A_274, %parallel_loop3A_276 : vector<16xi32>
        %parallel_loop3A_278 = tpu.vector_load_idx %arg9[%parallel_loop3A_228, %parallel_loop3A_277] : memref<400x64xi32, #tpu.memory_space<vmem>>[vector<16xi32>, vector<16xi32>], vector<16xi32>,
        %parallel_loop3A_279 = tpu.vector_load_idx %arg10[%parallel_loop3A_228, %parallel_loop3A_277] : memref<400x64xi32, #tpu.memory_space<vmem>>[vector<16xi32>, vector<16xi32>], vector<16xi32>,
        %parallel_loop3A_280 = vector.bitcast %parallel_loop3A_278 : vector<16xi32> to vector<32xbf16>
        %parallel_loop3A_281 = vector.bitcast %parallel_loop3A_279 : vector<16xi32> to vector<32xbf16>
        %parallel_loop3A_282 = arith.mulf %parallel_loop3A_280, %parallel_loop3A_281 : vector<32xbf16>
        %parallel_loop3A_283 = tpu.unpack_subelements %parallel_loop3A_282, 0 {pack_format = #tpu.pack_format<interleaved>} : vector<32xbf16> -> vector<16xf32>
        %parallel_loop3A_284 = tpu.unpack_subelements %parallel_loop3A_282, 1 {pack_format = #tpu.pack_format<interleaved>} : vector<32xbf16> -> vector<16xf32>
        %parallel_loop3A_285 = arith.addf %parallel_loop3A_270, %parallel_loop3A_283 : vector<16xf32>
        %parallel_loop3A_286 = arith.addf %parallel_loop3A_271, %parallel_loop3A_284 : vector<16xf32>
        %parallel_loop3A_287 = arith.constant 1 : i32
        %parallel_loop3A_288 = vector.broadcast %parallel_loop3A_287 : i32 to vector<16xi32>
        %parallel_loop3A_289 = arith.addi %parallel_loop3A_277, %parallel_loop3A_288 : vector<16xi32>
        %parallel_loop3A_290 = arith.constant 63 : i32
        %parallel_loop3A_291 = vector.broadcast %parallel_loop3A_290 : i32 to vector<16xi32>
        %parallel_loop3A_292 = arith.andi %parallel_loop3A_289, %parallel_loop3A_291 : vector<16xi32>
        %parallel_loop3A_293 = tpu.vector_load_idx %arg9[%parallel_loop3A_228, %parallel_loop3A_292] : memref<400x64xi32, #tpu.memory_space<vmem>>[vector<16xi32>, vector<16xi32>], vector<16xi32>,
        %parallel_loop3A_294 = tpu.vector_load_idx %arg10[%parallel_loop3A_228, %parallel_loop3A_292] : memref<400x64xi32, #tpu.memory_space<vmem>>[vector<16xi32>, vector<16xi32>], vector<16xi32>,
        %parallel_loop3A_295 = vector.bitcast %parallel_loop3A_293 : vector<16xi32> to vector<32xbf16>
        %parallel_loop3A_296 = vector.bitcast %parallel_loop3A_294 : vector<16xi32> to vector<32xbf16>
        %parallel_loop3A_297 = arith.mulf %parallel_loop3A_295, %parallel_loop3A_296 : vector<32xbf16>
        %parallel_loop3A_298 = tpu.unpack_subelements %parallel_loop3A_297, 0 {pack_format = #tpu.pack_format<interleaved>} : vector<32xbf16> -> vector<16xf32>
        %parallel_loop3A_299 = tpu.unpack_subelements %parallel_loop3A_297, 1 {pack_format = #tpu.pack_format<interleaved>} : vector<32xbf16> -> vector<16xf32>
        %parallel_loop3A_300 = arith.addf %parallel_loop3A_285, %parallel_loop3A_298 : vector<16xf32>
        %parallel_loop3A_301 = arith.addf %parallel_loop3A_286, %parallel_loop3A_299 : vector<16xf32>
        %parallel_loop3A_302 = arith.constant 1 : i32
        %parallel_loop3A_303 = vector.broadcast %parallel_loop3A_302 : i32 to vector<16xi32>
        %parallel_loop3A_304 = arith.addi %parallel_loop3A_292, %parallel_loop3A_303 : vector<16xi32>
        %parallel_loop3A_305 = arith.constant 63 : i32
        %parallel_loop3A_306 = vector.broadcast %parallel_loop3A_305 : i32 to vector<16xi32>
        %parallel_loop3A_307 = arith.andi %parallel_loop3A_304, %parallel_loop3A_306 : vector<16xi32>
        %parallel_loop3A_308 = tpu.vector_load_idx %arg9[%parallel_loop3A_228, %parallel_loop3A_307] : memref<400x64xi32, #tpu.memory_space<vmem>>[vector<16xi32>, vector<16xi32>], vector<16xi32>,
        %parallel_loop3A_309 = tpu.vector_load_idx %arg10[%parallel_loop3A_228, %parallel_loop3A_307] : memref<400x64xi32, #tpu.memory_space<vmem>>[vector<16xi32>, vector<16xi32>], vector<16xi32>,
        %parallel_loop3A_310 = vector.bitcast %parallel_loop3A_308 : vector<16xi32> to vector<32xbf16>
        %parallel_loop3A_311 = vector.bitcast %parallel_loop3A_309 : vector<16xi32> to vector<32xbf16>
        %parallel_loop3A_312 = arith.mulf %parallel_loop3A_310, %parallel_loop3A_311 : vector<32xbf16>
        %parallel_loop3A_313 = tpu.unpack_subelements %parallel_loop3A_312, 0 {pack_format = #tpu.pack_format<interleaved>} : vector<32xbf16> -> vector<16xf32>
        %parallel_loop3A_314 = tpu.unpack_subelements %parallel_loop3A_312, 1 {pack_format = #tpu.pack_format<interleaved>} : vector<32xbf16> -> vector<16xf32>
        %parallel_loop3A_315 = arith.addf %parallel_loop3A_300, %parallel_loop3A_313 : vector<16xf32>
        %parallel_loop3A_316 = arith.addf %parallel_loop3A_301, %parallel_loop3A_314 : vector<16xf32>
        %parallel_loop3A_317 = arith.constant 1 : i32
        %parallel_loop3A_318 = vector.broadcast %parallel_loop3A_317 : i32 to vector<16xi32>
        %parallel_loop3A_319 = arith.addi %parallel_loop3A_307, %parallel_loop3A_318 : vector<16xi32>
        %parallel_loop3A_320 = arith.constant 63 : i32
        %parallel_loop3A_321 = vector.broadcast %parallel_loop3A_320 : i32 to vector<16xi32>
        %parallel_loop3A_322 = arith.andi %parallel_loop3A_319, %parallel_loop3A_321 : vector<16xi32>
        %parallel_loop3A_323 = tpu.vector_load_idx %arg9[%parallel_loop3A_228, %parallel_loop3A_322] : memref<400x64xi32, #tpu.memory_space<vmem>>[vector<16xi32>, vector<16xi32>], vector<16xi32>,
        %parallel_loop3A_324 = tpu.vector_load_idx %arg10[%parallel_loop3A_228, %parallel_loop3A_322] : memref<400x64xi32, #tpu.memory_space<vmem>>[vector<16xi32>, vector<16xi32>], vector<16xi32>,
        %parallel_loop3A_325 = vector.bitcast %parallel_loop3A_323 : vector<16xi32> to vector<32xbf16>
        %parallel_loop3A_326 = vector.bitcast %parallel_loop3A_324 : vector<16xi32> to vector<32xbf16>
        %parallel_loop3A_327 = arith.mulf %parallel_loop3A_325, %parallel_loop3A_326 : vector<32xbf16>
        %parallel_loop3A_328 = tpu.unpack_subelements %parallel_loop3A_327, 0 {pack_format = #tpu.pack_format<interleaved>} : vector<32xbf16> -> vector<16xf32>
        %parallel_loop3A_329 = tpu.unpack_subelements %parallel_loop3A_327, 1 {pack_format = #tpu.pack_format<interleaved>} : vector<32xbf16> -> vector<16xf32>
        %parallel_loop3A_330 = arith.addf %parallel_loop3A_315, %parallel_loop3A_328 : vector<16xf32>
        %parallel_loop3A_331 = arith.addf %parallel_loop3A_316, %parallel_loop3A_329 : vector<16xf32>
        %parallel_loop3A_332 = arith.constant 1 : i32
        %parallel_loop3A_333 = vector.broadcast %parallel_loop3A_332 : i32 to vector<16xi32>
        %parallel_loop3A_334 = arith.addi %parallel_loop3A_322, %parallel_loop3A_333 : vector<16xi32>
        %parallel_loop3A_335 = arith.constant 63 : i32
        %parallel_loop3A_336 = vector.broadcast %parallel_loop3A_335 : i32 to vector<16xi32>
        %parallel_loop3A_337 = arith.andi %parallel_loop3A_334, %parallel_loop3A_336 : vector<16xi32>
        %parallel_loop3A_338 = tpu.vector_load_idx %arg9[%parallel_loop3A_228, %parallel_loop3A_337] : memref<400x64xi32, #tpu.memory_space<vmem>>[vector<16xi32>, vector<16xi32>], vector<16xi32>,
        %parallel_loop3A_339 = tpu.vector_load_idx %arg10[%parallel_loop3A_228, %parallel_loop3A_337] : memref<400x64xi32, #tpu.memory_space<vmem>>[vector<16xi32>, vector<16xi32>], vector<16xi32>,
        %parallel_loop3A_340 = vector.bitcast %parallel_loop3A_338 : vector<16xi32> to vector<32xbf16>
        %parallel_loop3A_341 = vector.bitcast %parallel_loop3A_339 : vector<16xi32> to vector<32xbf16>
        %parallel_loop3A_342 = arith.mulf %parallel_loop3A_340, %parallel_loop3A_341 : vector<32xbf16>
        %parallel_loop3A_343 = tpu.unpack_subelements %parallel_loop3A_342, 0 {pack_format = #tpu.pack_format<interleaved>} : vector<32xbf16> -> vector<16xf32>
        %parallel_loop3A_344 = tpu.unpack_subelements %parallel_loop3A_342, 1 {pack_format = #tpu.pack_format<interleaved>} : vector<32xbf16> -> vector<16xf32>
        %parallel_loop3A_345 = arith.addf %parallel_loop3A_330, %parallel_loop3A_343 : vector<16xf32>
        %parallel_loop3A_346 = arith.addf %parallel_loop3A_331, %parallel_loop3A_344 : vector<16xf32>
        %parallel_loop3A_347 = arith.constant 1 : i32
        %parallel_loop3A_348 = vector.broadcast %parallel_loop3A_347 : i32 to vector<16xi32>
        %parallel_loop3A_349 = arith.addi %parallel_loop3A_337, %parallel_loop3A_348 : vector<16xi32>
        %parallel_loop3A_350 = arith.constant 63 : i32
        %parallel_loop3A_351 = vector.broadcast %parallel_loop3A_350 : i32 to vector<16xi32>
        %parallel_loop3A_352 = arith.andi %parallel_loop3A_349, %parallel_loop3A_351 : vector<16xi32>
        %parallel_loop3A_353 = tpu.vector_load_idx %arg9[%parallel_loop3A_228, %parallel_loop3A_352] : memref<400x64xi32, #tpu.memory_space<vmem>>[vector<16xi32>, vector<16xi32>], vector<16xi32>,
        %parallel_loop3A_354 = tpu.vector_load_idx %arg10[%parallel_loop3A_228, %parallel_loop3A_352] : memref<400x64xi32, #tpu.memory_space<vmem>>[vector<16xi32>, vector<16xi32>], vector<16xi32>,
        %parallel_loop3A_355 = vector.bitcast %parallel_loop3A_353 : vector<16xi32> to vector<32xbf16>
        %parallel_loop3A_356 = vector.bitcast %parallel_loop3A_354 : vector<16xi32> to vector<32xbf16>
        %parallel_loop3A_357 = arith.mulf %parallel_loop3A_355, %parallel_loop3A_356 : vector<32xbf16>
        %parallel_loop3A_358 = tpu.unpack_subelements %parallel_loop3A_357, 0 {pack_format = #tpu.pack_format<interleaved>} : vector<32xbf16> -> vector<16xf32>
        %parallel_loop3A_359 = tpu.unpack_subelements %parallel_loop3A_357, 1 {pack_format = #tpu.pack_format<interleaved>} : vector<32xbf16> -> vector<16xf32>
        %parallel_loop3A_360 = arith.addf %parallel_loop3A_345, %parallel_loop3A_358 : vector<16xf32>
        %parallel_loop3A_361 = arith.addf %parallel_loop3A_346, %parallel_loop3A_359 : vector<16xf32>
        %parallel_loop3A_362 = arith.constant 1 : i32
        %parallel_loop3A_363 = vector.broadcast %parallel_loop3A_362 : i32 to vector<16xi32>
        %parallel_loop3A_364 = arith.addi %parallel_loop3A_352, %parallel_loop3A_363 : vector<16xi32>
        %parallel_loop3A_365 = arith.constant 63 : i32
        %parallel_loop3A_366 = vector.broadcast %parallel_loop3A_365 : i32 to vector<16xi32>
        %parallel_loop3A_367 = arith.andi %parallel_loop3A_364, %parallel_loop3A_366 : vector<16xi32>
        %parallel_loop3A_368 = tpu.vector_load_idx %arg9[%parallel_loop3A_228, %parallel_loop3A_367] : memref<400x64xi32, #tpu.memory_space<vmem>>[vector<16xi32>, vector<16xi32>], vector<16xi32>,
        %parallel_loop3A_369 = tpu.vector_load_idx %arg10[%parallel_loop3A_228, %parallel_loop3A_367] : memref<400x64xi32, #tpu.memory_space<vmem>>[vector<16xi32>, vector<16xi32>], vector<16xi32>,
        %parallel_loop3A_370 = vector.bitcast %parallel_loop3A_368 : vector<16xi32> to vector<32xbf16>
        %parallel_loop3A_371 = vector.bitcast %parallel_loop3A_369 : vector<16xi32> to vector<32xbf16>
        %parallel_loop3A_372 = arith.mulf %parallel_loop3A_370, %parallel_loop3A_371 : vector<32xbf16>
        %parallel_loop3A_373 = tpu.unpack_subelements %parallel_loop3A_372, 0 {pack_format = #tpu.pack_format<interleaved>} : vector<32xbf16> -> vector<16xf32>
        %parallel_loop3A_374 = tpu.unpack_subelements %parallel_loop3A_372, 1 {pack_format = #tpu.pack_format<interleaved>} : vector<32xbf16> -> vector<16xf32>
        %parallel_loop3A_375 = arith.addf %parallel_loop3A_360, %parallel_loop3A_373 : vector<16xf32>
        %parallel_loop3A_376 = arith.addf %parallel_loop3A_361, %parallel_loop3A_374 : vector<16xf32>
        %parallel_loop3A_377 = arith.constant 1 : i32
        %parallel_loop3A_378 = vector.broadcast %parallel_loop3A_377 : i32 to vector<16xi32>
        %parallel_loop3A_379 = arith.addi %parallel_loop3A_367, %parallel_loop3A_378 : vector<16xi32>
        %parallel_loop3A_380 = arith.constant 63 : i32
        %parallel_loop3A_381 = vector.broadcast %parallel_loop3A_380 : i32 to vector<16xi32>
        %parallel_loop3A_382 = arith.andi %parallel_loop3A_379, %parallel_loop3A_381 : vector<16xi32>
        %parallel_loop3A_383 = tpu.vector_load_idx %arg9[%parallel_loop3A_228, %parallel_loop3A_382] : memref<400x64xi32, #tpu.memory_space<vmem>>[vector<16xi32>, vector<16xi32>], vector<16xi32>,
        %parallel_loop3A_384 = tpu.vector_load_idx %arg10[%parallel_loop3A_228, %parallel_loop3A_382] : memref<400x64xi32, #tpu.memory_space<vmem>>[vector<16xi32>, vector<16xi32>], vector<16xi32>,
        %parallel_loop3A_385 = vector.bitcast %parallel_loop3A_383 : vector<16xi32> to vector<32xbf16>
        %parallel_loop3A_386 = vector.bitcast %parallel_loop3A_384 : vector<16xi32> to vector<32xbf16>
        %parallel_loop3A_387 = arith.mulf %parallel_loop3A_385, %parallel_loop3A_386 : vector<32xbf16>
        %parallel_loop3A_388 = tpu.unpack_subelements %parallel_loop3A_387, 0 {pack_format = #tpu.pack_format<interleaved>} : vector<32xbf16> -> vector<16xf32>
        %parallel_loop3A_389 = tpu.unpack_subelements %parallel_loop3A_387, 1 {pack_format = #tpu.pack_format<interleaved>} : vector<32xbf16> -> vector<16xf32>
        %parallel_loop3A_390 = arith.addf %parallel_loop3A_375, %parallel_loop3A_388 : vector<16xf32>
        %parallel_loop3A_391 = arith.addf %parallel_loop3A_376, %parallel_loop3A_389 : vector<16xf32>
        %parallel_loop3A_392 = arith.constant 1 : i32
        %parallel_loop3A_393 = vector.broadcast %parallel_loop3A_392 : i32 to vector<16xi32>
        %parallel_loop3A_394 = arith.addi %parallel_loop3A_382, %parallel_loop3A_393 : vector<16xi32>
        %parallel_loop3A_395 = arith.constant 63 : i32
        %parallel_loop3A_396 = vector.broadcast %parallel_loop3A_395 : i32 to vector<16xi32>
        %parallel_loop3A_397 = arith.andi %parallel_loop3A_394, %parallel_loop3A_396 : vector<16xi32>
        %parallel_loop3A_398 = tpu.vector_load_idx %arg9[%parallel_loop3A_228, %parallel_loop3A_397] : memref<400x64xi32, #tpu.memory_space<vmem>>[vector<16xi32>, vector<16xi32>], vector<16xi32>,
        %parallel_loop3A_399 = tpu.vector_load_idx %arg10[%parallel_loop3A_228, %parallel_loop3A_397] : memref<400x64xi32, #tpu.memory_space<vmem>>[vector<16xi32>, vector<16xi32>], vector<16xi32>,
        %parallel_loop3A_400 = vector.bitcast %parallel_loop3A_398 : vector<16xi32> to vector<32xbf16>
        %parallel_loop3A_401 = vector.bitcast %parallel_loop3A_399 : vector<16xi32> to vector<32xbf16>
        %parallel_loop3A_402 = arith.mulf %parallel_loop3A_400, %parallel_loop3A_401 : vector<32xbf16>
        %parallel_loop3A_403 = tpu.unpack_subelements %parallel_loop3A_402, 0 {pack_format = #tpu.pack_format<interleaved>} : vector<32xbf16> -> vector<16xf32>
        %parallel_loop3A_404 = tpu.unpack_subelements %parallel_loop3A_402, 1 {pack_format = #tpu.pack_format<interleaved>} : vector<32xbf16> -> vector<16xf32>
        %parallel_loop3A_405 = arith.addf %parallel_loop3A_390, %parallel_loop3A_403 : vector<16xf32>
        %parallel_loop3A_406 = arith.addf %parallel_loop3A_391, %parallel_loop3A_404 : vector<16xf32>
        %parallel_loop3A_407 = arith.constant 1 : i32
        %parallel_loop3A_408 = vector.broadcast %parallel_loop3A_407 : i32 to vector<16xi32>
        %parallel_loop3A_409 = arith.addi %parallel_loop3A_397, %parallel_loop3A_408 : vector<16xi32>
        %parallel_loop3A_410 = arith.constant 63 : i32
        %parallel_loop3A_411 = vector.broadcast %parallel_loop3A_410 : i32 to vector<16xi32>
        %parallel_loop3A_412 = arith.andi %parallel_loop3A_409, %parallel_loop3A_411 : vector<16xi32>
        %parallel_loop3A_413 = tpu.vector_load_idx %arg9[%parallel_loop3A_228, %parallel_loop3A_412] : memref<400x64xi32, #tpu.memory_space<vmem>>[vector<16xi32>, vector<16xi32>], vector<16xi32>,
        %parallel_loop3A_414 = tpu.vector_load_idx %arg10[%parallel_loop3A_228, %parallel_loop3A_412] : memref<400x64xi32, #tpu.memory_space<vmem>>[vector<16xi32>, vector<16xi32>], vector<16xi32>,
        %parallel_loop3A_415 = vector.bitcast %parallel_loop3A_413 : vector<16xi32> to vector<32xbf16>
        %parallel_loop3A_416 = vector.bitcast %parallel_loop3A_414 : vector<16xi32> to vector<32xbf16>
        %parallel_loop3A_417 = arith.mulf %parallel_loop3A_415, %parallel_loop3A_416 : vector<32xbf16>
        %parallel_loop3A_418 = tpu.unpack_subelements %parallel_loop3A_417, 0 {pack_format = #tpu.pack_format<interleaved>} : vector<32xbf16> -> vector<16xf32>
        %parallel_loop3A_419 = tpu.unpack_subelements %parallel_loop3A_417, 1 {pack_format = #tpu.pack_format<interleaved>} : vector<32xbf16> -> vector<16xf32>
        %parallel_loop3A_420 = arith.addf %parallel_loop3A_405, %parallel_loop3A_418 : vector<16xf32>
        %parallel_loop3A_421 = arith.addf %parallel_loop3A_406, %parallel_loop3A_419 : vector<16xf32>
        %parallel_loop3A_422 = arith.constant 1 : i32
        %parallel_loop3A_423 = vector.broadcast %parallel_loop3A_422 : i32 to vector<16xi32>
        %parallel_loop3A_424 = arith.addi %parallel_loop3A_412, %parallel_loop3A_423 : vector<16xi32>
        %parallel_loop3A_425 = arith.constant 63 : i32
        %parallel_loop3A_426 = vector.broadcast %parallel_loop3A_425 : i32 to vector<16xi32>
        %parallel_loop3A_427 = arith.andi %parallel_loop3A_424, %parallel_loop3A_426 : vector<16xi32>
        %parallel_loop3A_428 = tpu.vector_load_idx %arg9[%parallel_loop3A_228, %parallel_loop3A_427] : memref<400x64xi32, #tpu.memory_space<vmem>>[vector<16xi32>, vector<16xi32>], vector<16xi32>,
        %parallel_loop3A_429 = tpu.vector_load_idx %arg10[%parallel_loop3A_228, %parallel_loop3A_427] : memref<400x64xi32, #tpu.memory_space<vmem>>[vector<16xi32>, vector<16xi32>], vector<16xi32>,
        %parallel_loop3A_430 = vector.bitcast %parallel_loop3A_428 : vector<16xi32> to vector<32xbf16>
        %parallel_loop3A_431 = vector.bitcast %parallel_loop3A_429 : vector<16xi32> to vector<32xbf16>
        %parallel_loop3A_432 = arith.mulf %parallel_loop3A_430, %parallel_loop3A_431 : vector<32xbf16>
        %parallel_loop3A_433 = tpu.unpack_subelements %parallel_loop3A_432, 0 {pack_format = #tpu.pack_format<interleaved>} : vector<32xbf16> -> vector<16xf32>
        %parallel_loop3A_434 = tpu.unpack_subelements %parallel_loop3A_432, 1 {pack_format = #tpu.pack_format<interleaved>} : vector<32xbf16> -> vector<16xf32>
        %parallel_loop3A_435 = arith.addf %parallel_loop3A_420, %parallel_loop3A_433 : vector<16xf32>
        %parallel_loop3A_436 = arith.addf %parallel_loop3A_421, %parallel_loop3A_434 : vector<16xf32>
        %parallel_loop3A_437 = arith.constant 1 : i32
        %parallel_loop3A_438 = vector.broadcast %parallel_loop3A_437 : i32 to vector<16xi32>
        %parallel_loop3A_439 = arith.addi %parallel_loop3A_427, %parallel_loop3A_438 : vector<16xi32>
        %parallel_loop3A_440 = arith.constant 63 : i32
        %parallel_loop3A_441 = vector.broadcast %parallel_loop3A_440 : i32 to vector<16xi32>
        %parallel_loop3A_442 = arith.andi %parallel_loop3A_439, %parallel_loop3A_441 : vector<16xi32>
        %parallel_loop3A_443 = tpu.vector_load_idx %arg9[%parallel_loop3A_228, %parallel_loop3A_442] : memref<400x64xi32, #tpu.memory_space<vmem>>[vector<16xi32>, vector<16xi32>], vector<16xi32>,
        %parallel_loop3A_444 = tpu.vector_load_idx %arg10[%parallel_loop3A_228, %parallel_loop3A_442] : memref<400x64xi32, #tpu.memory_space<vmem>>[vector<16xi32>, vector<16xi32>], vector<16xi32>,
        %parallel_loop3A_445 = vector.bitcast %parallel_loop3A_443 : vector<16xi32> to vector<32xbf16>
        %parallel_loop3A_446 = vector.bitcast %parallel_loop3A_444 : vector<16xi32> to vector<32xbf16>
        %parallel_loop3A_447 = arith.mulf %parallel_loop3A_445, %parallel_loop3A_446 : vector<32xbf16>
        %parallel_loop3A_448 = tpu.unpack_subelements %parallel_loop3A_447, 0 {pack_format = #tpu.pack_format<interleaved>} : vector<32xbf16> -> vector<16xf32>
        %parallel_loop3A_449 = tpu.unpack_subelements %parallel_loop3A_447, 1 {pack_format = #tpu.pack_format<interleaved>} : vector<32xbf16> -> vector<16xf32>
        %parallel_loop3A_450 = arith.addf %parallel_loop3A_435, %parallel_loop3A_448 : vector<16xf32>
        %parallel_loop3A_451 = arith.addf %parallel_loop3A_436, %parallel_loop3A_449 : vector<16xf32>
        %parallel_loop3A_452 = arith.constant 1 : i32
        %parallel_loop3A_453 = vector.broadcast %parallel_loop3A_452 : i32 to vector<16xi32>
        %parallel_loop3A_454 = arith.addi %parallel_loop3A_442, %parallel_loop3A_453 : vector<16xi32>
        %parallel_loop3A_455 = arith.constant 63 : i32
        %parallel_loop3A_456 = vector.broadcast %parallel_loop3A_455 : i32 to vector<16xi32>
        %parallel_loop3A_457 = arith.andi %parallel_loop3A_454, %parallel_loop3A_456 : vector<16xi32>
        %parallel_loop3A_458 = tpu.vector_load_idx %arg9[%parallel_loop3A_228, %parallel_loop3A_457] : memref<400x64xi32, #tpu.memory_space<vmem>>[vector<16xi32>, vector<16xi32>], vector<16xi32>,
        %parallel_loop3A_459 = tpu.vector_load_idx %arg10[%parallel_loop3A_228, %parallel_loop3A_457] : memref<400x64xi32, #tpu.memory_space<vmem>>[vector<16xi32>, vector<16xi32>], vector<16xi32>,
        %parallel_loop3A_460 = vector.bitcast %parallel_loop3A_458 : vector<16xi32> to vector<32xbf16>
        %parallel_loop3A_461 = vector.bitcast %parallel_loop3A_459 : vector<16xi32> to vector<32xbf16>
        %parallel_loop3A_462 = arith.mulf %parallel_loop3A_460, %parallel_loop3A_461 : vector<32xbf16>
        %parallel_loop3A_463 = tpu.unpack_subelements %parallel_loop3A_462, 0 {pack_format = #tpu.pack_format<interleaved>} : vector<32xbf16> -> vector<16xf32>
        %parallel_loop3A_464 = tpu.unpack_subelements %parallel_loop3A_462, 1 {pack_format = #tpu.pack_format<interleaved>} : vector<32xbf16> -> vector<16xf32>
        %parallel_loop3A_465 = arith.addf %parallel_loop3A_450, %parallel_loop3A_463 : vector<16xf32>
        %parallel_loop3A_466 = arith.addf %parallel_loop3A_451, %parallel_loop3A_464 : vector<16xf32>
        %parallel_loop3A_467 = arith.constant 1 : i32
        %parallel_loop3A_468 = vector.broadcast %parallel_loop3A_467 : i32 to vector<16xi32>
        %parallel_loop3A_469 = arith.addi %parallel_loop3A_457, %parallel_loop3A_468 : vector<16xi32>
        %parallel_loop3A_470 = arith.constant 63 : i32
        %parallel_loop3A_471 = vector.broadcast %parallel_loop3A_470 : i32 to vector<16xi32>
        %parallel_loop3A_472 = arith.andi %parallel_loop3A_469, %parallel_loop3A_471 : vector<16xi32>
        %parallel_loop3A_473 = tpu.vector_load_idx %arg9[%parallel_loop3A_228, %parallel_loop3A_472] : memref<400x64xi32, #tpu.memory_space<vmem>>[vector<16xi32>, vector<16xi32>], vector<16xi32>,
        %parallel_loop3A_474 = tpu.vector_load_idx %arg10[%parallel_loop3A_228, %parallel_loop3A_472] : memref<400x64xi32, #tpu.memory_space<vmem>>[vector<16xi32>, vector<16xi32>], vector<16xi32>,
        %parallel_loop3A_475 = vector.bitcast %parallel_loop3A_473 : vector<16xi32> to vector<32xbf16>
        %parallel_loop3A_476 = vector.bitcast %parallel_loop3A_474 : vector<16xi32> to vector<32xbf16>
        %parallel_loop3A_477 = arith.mulf %parallel_loop3A_475, %parallel_loop3A_476 : vector<32xbf16>
        %parallel_loop3A_478 = tpu.unpack_subelements %parallel_loop3A_477, 0 {pack_format = #tpu.pack_format<interleaved>} : vector<32xbf16> -> vector<16xf32>
        %parallel_loop3A_479 = tpu.unpack_subelements %parallel_loop3A_477, 1 {pack_format = #tpu.pack_format<interleaved>} : vector<32xbf16> -> vector<16xf32>
        %parallel_loop3A_480 = arith.addf %parallel_loop3A_465, %parallel_loop3A_478 : vector<16xf32>
        %parallel_loop3A_481 = arith.addf %parallel_loop3A_466, %parallel_loop3A_479 : vector<16xf32>
        %parallel_loop3A_482 = arith.constant 1 : i32
        %parallel_loop3A_483 = vector.broadcast %parallel_loop3A_482 : i32 to vector<16xi32>
        %parallel_loop3A_484 = arith.addi %parallel_loop3A_472, %parallel_loop3A_483 : vector<16xi32>
        %parallel_loop3A_485 = arith.constant 63 : i32
        %parallel_loop3A_486 = vector.broadcast %parallel_loop3A_485 : i32 to vector<16xi32>
        %parallel_loop3A_487 = arith.andi %parallel_loop3A_484, %parallel_loop3A_486 : vector<16xi32>
        %parallel_loop3A_488 = tpu.vector_load_idx %arg9[%parallel_loop3A_228, %parallel_loop3A_487] : memref<400x64xi32, #tpu.memory_space<vmem>>[vector<16xi32>, vector<16xi32>], vector<16xi32>,
        %parallel_loop3A_489 = tpu.vector_load_idx %arg10[%parallel_loop3A_228, %parallel_loop3A_487] : memref<400x64xi32, #tpu.memory_space<vmem>>[vector<16xi32>, vector<16xi32>], vector<16xi32>,
        %parallel_loop3A_490 = vector.bitcast %parallel_loop3A_488 : vector<16xi32> to vector<32xbf16>
        %parallel_loop3A_491 = vector.bitcast %parallel_loop3A_489 : vector<16xi32> to vector<32xbf16>
        %parallel_loop3A_492 = arith.mulf %parallel_loop3A_490, %parallel_loop3A_491 : vector<32xbf16>
        %parallel_loop3A_493 = tpu.unpack_subelements %parallel_loop3A_492, 0 {pack_format = #tpu.pack_format<interleaved>} : vector<32xbf16> -> vector<16xf32>
        %parallel_loop3A_494 = tpu.unpack_subelements %parallel_loop3A_492, 1 {pack_format = #tpu.pack_format<interleaved>} : vector<32xbf16> -> vector<16xf32>
        %parallel_loop3A_495 = arith.addf %parallel_loop3A_480, %parallel_loop3A_493 : vector<16xf32>
        %parallel_loop3A_496 = arith.addf %parallel_loop3A_481, %parallel_loop3A_494 : vector<16xf32>
        %parallel_loop3A_497 = arith.constant 1 : i32
        %parallel_loop3A_498 = vector.broadcast %parallel_loop3A_497 : i32 to vector<16xi32>
        %parallel_loop3A_499 = arith.addi %parallel_loop3A_487, %parallel_loop3A_498 : vector<16xi32>
        %parallel_loop3A_500 = arith.constant 63 : i32
        %parallel_loop3A_501 = vector.broadcast %parallel_loop3A_500 : i32 to vector<16xi32>
        %parallel_loop3A_502 = arith.andi %parallel_loop3A_499, %parallel_loop3A_501 : vector<16xi32>
        %parallel_loop3A_503 = tpu.vector_load_idx %arg9[%parallel_loop3A_228, %parallel_loop3A_502] : memref<400x64xi32, #tpu.memory_space<vmem>>[vector<16xi32>, vector<16xi32>], vector<16xi32>,
        %parallel_loop3A_504 = tpu.vector_load_idx %arg10[%parallel_loop3A_228, %parallel_loop3A_502] : memref<400x64xi32, #tpu.memory_space<vmem>>[vector<16xi32>, vector<16xi32>], vector<16xi32>,
        %parallel_loop3A_505 = vector.bitcast %parallel_loop3A_503 : vector<16xi32> to vector<32xbf16>
        %parallel_loop3A_506 = vector.bitcast %parallel_loop3A_504 : vector<16xi32> to vector<32xbf16>
        %parallel_loop3A_507 = arith.mulf %parallel_loop3A_505, %parallel_loop3A_506 : vector<32xbf16>
        %parallel_loop3A_508 = tpu.unpack_subelements %parallel_loop3A_507, 0 {pack_format = #tpu.pack_format<interleaved>} : vector<32xbf16> -> vector<16xf32>
        %parallel_loop3A_509 = tpu.unpack_subelements %parallel_loop3A_507, 1 {pack_format = #tpu.pack_format<interleaved>} : vector<32xbf16> -> vector<16xf32>
        %parallel_loop3A_510 = arith.addf %parallel_loop3A_495, %parallel_loop3A_508 : vector<16xf32>
        %parallel_loop3A_511 = arith.addf %parallel_loop3A_496, %parallel_loop3A_509 : vector<16xf32>
        %parallel_loop3A_512 = arith.constant 1 : i32
        %parallel_loop3A_513 = vector.broadcast %parallel_loop3A_512 : i32 to vector<16xi32>
        %parallel_loop3A_514 = arith.addi %parallel_loop3A_502, %parallel_loop3A_513 : vector<16xi32>
        %parallel_loop3A_515 = arith.constant 63 : i32
        %parallel_loop3A_516 = vector.broadcast %parallel_loop3A_515 : i32 to vector<16xi32>
        %parallel_loop3A_517 = arith.andi %parallel_loop3A_514, %parallel_loop3A_516 : vector<16xi32>
        %parallel_loop3A_518 = tpu.vector_load_idx %arg9[%parallel_loop3A_228, %parallel_loop3A_517] : memref<400x64xi32, #tpu.memory_space<vmem>>[vector<16xi32>, vector<16xi32>], vector<16xi32>,
        %parallel_loop3A_519 = tpu.vector_load_idx %arg10[%parallel_loop3A_228, %parallel_loop3A_517] : memref<400x64xi32, #tpu.memory_space<vmem>>[vector<16xi32>, vector<16xi32>], vector<16xi32>,
        %parallel_loop3A_520 = vector.bitcast %parallel_loop3A_518 : vector<16xi32> to vector<32xbf16>
        %parallel_loop3A_521 = vector.bitcast %parallel_loop3A_519 : vector<16xi32> to vector<32xbf16>
        %parallel_loop3A_522 = arith.mulf %parallel_loop3A_520, %parallel_loop3A_521 : vector<32xbf16>
        %parallel_loop3A_523 = tpu.unpack_subelements %parallel_loop3A_522, 0 {pack_format = #tpu.pack_format<interleaved>} : vector<32xbf16> -> vector<16xf32>
        %parallel_loop3A_524 = tpu.unpack_subelements %parallel_loop3A_522, 1 {pack_format = #tpu.pack_format<interleaved>} : vector<32xbf16> -> vector<16xf32>
        %parallel_loop3A_525 = arith.addf %parallel_loop3A_510, %parallel_loop3A_523 : vector<16xf32>
        %parallel_loop3A_526 = arith.addf %parallel_loop3A_511, %parallel_loop3A_524 : vector<16xf32>
        %parallel_loop3A_527 = arith.constant 1 : i32
        %parallel_loop3A_528 = vector.broadcast %parallel_loop3A_527 : i32 to vector<16xi32>
        %parallel_loop3A_529 = arith.addi %parallel_loop3A_517, %parallel_loop3A_528 : vector<16xi32>
        %parallel_loop3A_530 = arith.constant 63 : i32
        %parallel_loop3A_531 = vector.broadcast %parallel_loop3A_530 : i32 to vector<16xi32>
        %parallel_loop3A_532 = arith.andi %parallel_loop3A_529, %parallel_loop3A_531 : vector<16xi32>
        %parallel_loop3A_533 = tpu.vector_load_idx %arg9[%parallel_loop3A_228, %parallel_loop3A_532] : memref<400x64xi32, #tpu.memory_space<vmem>>[vector<16xi32>, vector<16xi32>], vector<16xi32>,
        %parallel_loop3A_534 = tpu.vector_load_idx %arg10[%parallel_loop3A_228, %parallel_loop3A_532] : memref<400x64xi32, #tpu.memory_space<vmem>>[vector<16xi32>, vector<16xi32>], vector<16xi32>,
        %parallel_loop3A_535 = vector.bitcast %parallel_loop3A_533 : vector<16xi32> to vector<32xbf16>
        %parallel_loop3A_536 = vector.bitcast %parallel_loop3A_534 : vector<16xi32> to vector<32xbf16>
        %parallel_loop3A_537 = arith.mulf %parallel_loop3A_535, %parallel_loop3A_536 : vector<32xbf16>
        %parallel_loop3A_538 = tpu.unpack_subelements %parallel_loop3A_537, 0 {pack_format = #tpu.pack_format<interleaved>} : vector<32xbf16> -> vector<16xf32>
        %parallel_loop3A_539 = tpu.unpack_subelements %parallel_loop3A_537, 1 {pack_format = #tpu.pack_format<interleaved>} : vector<32xbf16> -> vector<16xf32>
        %parallel_loop3A_540 = arith.addf %parallel_loop3A_525, %parallel_loop3A_538 : vector<16xf32>
        %parallel_loop3A_541 = arith.addf %parallel_loop3A_526, %parallel_loop3A_539 : vector<16xf32>
        %parallel_loop3A_542 = arith.constant 1 : i32
        %parallel_loop3A_543 = vector.broadcast %parallel_loop3A_542 : i32 to vector<16xi32>
        %parallel_loop3A_544 = arith.addi %parallel_loop3A_532, %parallel_loop3A_543 : vector<16xi32>
        %parallel_loop3A_545 = arith.constant 63 : i32
        %parallel_loop3A_546 = vector.broadcast %parallel_loop3A_545 : i32 to vector<16xi32>
        %parallel_loop3A_547 = arith.andi %parallel_loop3A_544, %parallel_loop3A_546 : vector<16xi32>
        %parallel_loop3A_548 = tpu.vector_load_idx %arg9[%parallel_loop3A_228, %parallel_loop3A_547] : memref<400x64xi32, #tpu.memory_space<vmem>>[vector<16xi32>, vector<16xi32>], vector<16xi32>,
        %parallel_loop3A_549 = tpu.vector_load_idx %arg10[%parallel_loop3A_228, %parallel_loop3A_547] : memref<400x64xi32, #tpu.memory_space<vmem>>[vector<16xi32>, vector<16xi32>], vector<16xi32>,
        %parallel_loop3A_550 = vector.bitcast %parallel_loop3A_548 : vector<16xi32> to vector<32xbf16>
        %parallel_loop3A_551 = vector.bitcast %parallel_loop3A_549 : vector<16xi32> to vector<32xbf16>
        %parallel_loop3A_552 = arith.mulf %parallel_loop3A_550, %parallel_loop3A_551 : vector<32xbf16>
        %parallel_loop3A_553 = tpu.unpack_subelements %parallel_loop3A_552, 0 {pack_format = #tpu.pack_format<interleaved>} : vector<32xbf16> -> vector<16xf32>
        %parallel_loop3A_554 = tpu.unpack_subelements %parallel_loop3A_552, 1 {pack_format = #tpu.pack_format<interleaved>} : vector<32xbf16> -> vector<16xf32>
        %parallel_loop3A_555 = arith.addf %parallel_loop3A_540, %parallel_loop3A_553 : vector<16xf32>
        %parallel_loop3A_556 = arith.addf %parallel_loop3A_541, %parallel_loop3A_554 : vector<16xf32>
        %parallel_loop3A_557 = arith.constant 1 : i32
        %parallel_loop3A_558 = vector.broadcast %parallel_loop3A_557 : i32 to vector<16xi32>
        %parallel_loop3A_559 = arith.addi %parallel_loop3A_547, %parallel_loop3A_558 : vector<16xi32>
        %parallel_loop3A_560 = arith.constant 63 : i32
        %parallel_loop3A_561 = vector.broadcast %parallel_loop3A_560 : i32 to vector<16xi32>
        %parallel_loop3A_562 = arith.andi %parallel_loop3A_559, %parallel_loop3A_561 : vector<16xi32>
        %parallel_loop3A_563 = tpu.vector_load_idx %arg9[%parallel_loop3A_228, %parallel_loop3A_562] : memref<400x64xi32, #tpu.memory_space<vmem>>[vector<16xi32>, vector<16xi32>], vector<16xi32>,
        %parallel_loop3A_564 = tpu.vector_load_idx %arg10[%parallel_loop3A_228, %parallel_loop3A_562] : memref<400x64xi32, #tpu.memory_space<vmem>>[vector<16xi32>, vector<16xi32>], vector<16xi32>,
        %parallel_loop3A_565 = vector.bitcast %parallel_loop3A_563 : vector<16xi32> to vector<32xbf16>
        %parallel_loop3A_566 = vector.bitcast %parallel_loop3A_564 : vector<16xi32> to vector<32xbf16>
        %parallel_loop3A_567 = arith.mulf %parallel_loop3A_565, %parallel_loop3A_566 : vector<32xbf16>
        %parallel_loop3A_568 = tpu.unpack_subelements %parallel_loop3A_567, 0 {pack_format = #tpu.pack_format<interleaved>} : vector<32xbf16> -> vector<16xf32>
        %parallel_loop3A_569 = tpu.unpack_subelements %parallel_loop3A_567, 1 {pack_format = #tpu.pack_format<interleaved>} : vector<32xbf16> -> vector<16xf32>
        %parallel_loop3A_570 = arith.addf %parallel_loop3A_555, %parallel_loop3A_568 : vector<16xf32>
        %parallel_loop3A_571 = arith.addf %parallel_loop3A_556, %parallel_loop3A_569 : vector<16xf32>
        %parallel_loop3A_572 = arith.constant 1 : i32
        %parallel_loop3A_573 = vector.broadcast %parallel_loop3A_572 : i32 to vector<16xi32>
        %parallel_loop3A_574 = arith.addi %parallel_loop3A_562, %parallel_loop3A_573 : vector<16xi32>
        %parallel_loop3A_575 = arith.constant 63 : i32
        %parallel_loop3A_576 = vector.broadcast %parallel_loop3A_575 : i32 to vector<16xi32>
        %parallel_loop3A_577 = arith.andi %parallel_loop3A_574, %parallel_loop3A_576 : vector<16xi32>
        %parallel_loop3A_578 = tpu.vector_load_idx %arg9[%parallel_loop3A_228, %parallel_loop3A_577] : memref<400x64xi32, #tpu.memory_space<vmem>>[vector<16xi32>, vector<16xi32>], vector<16xi32>,
        %parallel_loop3A_579 = tpu.vector_load_idx %arg10[%parallel_loop3A_228, %parallel_loop3A_577] : memref<400x64xi32, #tpu.memory_space<vmem>>[vector<16xi32>, vector<16xi32>], vector<16xi32>,
        %parallel_loop3A_580 = vector.bitcast %parallel_loop3A_578 : vector<16xi32> to vector<32xbf16>
        %parallel_loop3A_581 = vector.bitcast %parallel_loop3A_579 : vector<16xi32> to vector<32xbf16>
        %parallel_loop3A_582 = arith.mulf %parallel_loop3A_580, %parallel_loop3A_581 : vector<32xbf16>
        %parallel_loop3A_583 = tpu.unpack_subelements %parallel_loop3A_582, 0 {pack_format = #tpu.pack_format<interleaved>} : vector<32xbf16> -> vector<16xf32>
        %parallel_loop3A_584 = tpu.unpack_subelements %parallel_loop3A_582, 1 {pack_format = #tpu.pack_format<interleaved>} : vector<32xbf16> -> vector<16xf32>
        %parallel_loop3A_585 = arith.addf %parallel_loop3A_570, %parallel_loop3A_583 : vector<16xf32>
        %parallel_loop3A_586 = arith.addf %parallel_loop3A_571, %parallel_loop3A_584 : vector<16xf32>
        %parallel_loop3A_587 = arith.constant 1 : i32
        %parallel_loop3A_588 = vector.broadcast %parallel_loop3A_587 : i32 to vector<16xi32>
        %parallel_loop3A_589 = arith.addi %parallel_loop3A_577, %parallel_loop3A_588 : vector<16xi32>
        %parallel_loop3A_590 = arith.constant 63 : i32
        %parallel_loop3A_591 = vector.broadcast %parallel_loop3A_590 : i32 to vector<16xi32>
        %parallel_loop3A_592 = arith.andi %parallel_loop3A_589, %parallel_loop3A_591 : vector<16xi32>
        %parallel_loop3A_593 = tpu.vector_load_idx %arg9[%parallel_loop3A_228, %parallel_loop3A_592] : memref<400x64xi32, #tpu.memory_space<vmem>>[vector<16xi32>, vector<16xi32>], vector<16xi32>,
        %parallel_loop3A_594 = tpu.vector_load_idx %arg10[%parallel_loop3A_228, %parallel_loop3A_592] : memref<400x64xi32, #tpu.memory_space<vmem>>[vector<16xi32>, vector<16xi32>], vector<16xi32>,
        %parallel_loop3A_595 = vector.bitcast %parallel_loop3A_593 : vector<16xi32> to vector<32xbf16>
        %parallel_loop3A_596 = vector.bitcast %parallel_loop3A_594 : vector<16xi32> to vector<32xbf16>
        %parallel_loop3A_597 = arith.mulf %parallel_loop3A_595, %parallel_loop3A_596 : vector<32xbf16>
        %parallel_loop3A_598 = tpu.unpack_subelements %parallel_loop3A_597, 0 {pack_format = #tpu.pack_format<interleaved>} : vector<32xbf16> -> vector<16xf32>
        %parallel_loop3A_599 = tpu.unpack_subelements %parallel_loop3A_597, 1 {pack_format = #tpu.pack_format<interleaved>} : vector<32xbf16> -> vector<16xf32>
        %parallel_loop3A_600 = arith.addf %parallel_loop3A_585, %parallel_loop3A_598 : vector<16xf32>
        %parallel_loop3A_601 = arith.addf %parallel_loop3A_586, %parallel_loop3A_599 : vector<16xf32>
        %parallel_loop3A_602 = arith.constant 1 : i32
        %parallel_loop3A_603 = vector.broadcast %parallel_loop3A_602 : i32 to vector<16xi32>
        %parallel_loop3A_604 = arith.addi %parallel_loop3A_592, %parallel_loop3A_603 : vector<16xi32>
        %parallel_loop3A_605 = arith.constant 63 : i32
        %parallel_loop3A_606 = vector.broadcast %parallel_loop3A_605 : i32 to vector<16xi32>
        %parallel_loop3A_607 = arith.andi %parallel_loop3A_604, %parallel_loop3A_606 : vector<16xi32>
        %parallel_loop3A_608 = tpu.vector_load_idx %arg9[%parallel_loop3A_228, %parallel_loop3A_607] : memref<400x64xi32, #tpu.memory_space<vmem>>[vector<16xi32>, vector<16xi32>], vector<16xi32>,
        %parallel_loop3A_609 = tpu.vector_load_idx %arg10[%parallel_loop3A_228, %parallel_loop3A_607] : memref<400x64xi32, #tpu.memory_space<vmem>>[vector<16xi32>, vector<16xi32>], vector<16xi32>,
        %parallel_loop3A_610 = vector.bitcast %parallel_loop3A_608 : vector<16xi32> to vector<32xbf16>
        %parallel_loop3A_611 = vector.bitcast %parallel_loop3A_609 : vector<16xi32> to vector<32xbf16>
        %parallel_loop3A_612 = arith.mulf %parallel_loop3A_610, %parallel_loop3A_611 : vector<32xbf16>
        %parallel_loop3A_613 = tpu.unpack_subelements %parallel_loop3A_612, 0 {pack_format = #tpu.pack_format<interleaved>} : vector<32xbf16> -> vector<16xf32>
        %parallel_loop3A_614 = tpu.unpack_subelements %parallel_loop3A_612, 1 {pack_format = #tpu.pack_format<interleaved>} : vector<32xbf16> -> vector<16xf32>
        %parallel_loop3A_615 = arith.addf %parallel_loop3A_600, %parallel_loop3A_613 : vector<16xf32>
        %parallel_loop3A_616 = arith.addf %parallel_loop3A_601, %parallel_loop3A_614 : vector<16xf32>
        %parallel_loop3A_617 = arith.constant 1 : i32
        %parallel_loop3A_618 = vector.broadcast %parallel_loop3A_617 : i32 to vector<16xi32>
        %parallel_loop3A_619 = arith.addi %parallel_loop3A_607, %parallel_loop3A_618 : vector<16xi32>
        %parallel_loop3A_620 = arith.constant 63 : i32
        %parallel_loop3A_621 = vector.broadcast %parallel_loop3A_620 : i32 to vector<16xi32>
        %parallel_loop3A_622 = arith.andi %parallel_loop3A_619, %parallel_loop3A_621 : vector<16xi32>
        %parallel_loop3A_623 = tpu.vector_load_idx %arg9[%parallel_loop3A_228, %parallel_loop3A_622] : memref<400x64xi32, #tpu.memory_space<vmem>>[vector<16xi32>, vector<16xi32>], vector<16xi32>,
        %parallel_loop3A_624 = tpu.vector_load_idx %arg10[%parallel_loop3A_228, %parallel_loop3A_622] : memref<400x64xi32, #tpu.memory_space<vmem>>[vector<16xi32>, vector<16xi32>], vector<16xi32>,
        %parallel_loop3A_625 = vector.bitcast %parallel_loop3A_623 : vector<16xi32> to vector<32xbf16>
        %parallel_loop3A_626 = vector.bitcast %parallel_loop3A_624 : vector<16xi32> to vector<32xbf16>
        %parallel_loop3A_627 = arith.mulf %parallel_loop3A_625, %parallel_loop3A_626 : vector<32xbf16>
        %parallel_loop3A_628 = tpu.unpack_subelements %parallel_loop3A_627, 0 {pack_format = #tpu.pack_format<interleaved>} : vector<32xbf16> -> vector<16xf32>
        %parallel_loop3A_629 = tpu.unpack_subelements %parallel_loop3A_627, 1 {pack_format = #tpu.pack_format<interleaved>} : vector<32xbf16> -> vector<16xf32>
        %parallel_loop3A_630 = arith.addf %parallel_loop3A_615, %parallel_loop3A_628 : vector<16xf32>
        %parallel_loop3A_631 = arith.addf %parallel_loop3A_616, %parallel_loop3A_629 : vector<16xf32>
        %parallel_loop3A_632 = arith.constant 1 : i32
        %parallel_loop3A_633 = vector.broadcast %parallel_loop3A_632 : i32 to vector<16xi32>
        %parallel_loop3A_634 = arith.addi %parallel_loop3A_622, %parallel_loop3A_633 : vector<16xi32>
        %parallel_loop3A_635 = arith.constant 63 : i32
        %parallel_loop3A_636 = vector.broadcast %parallel_loop3A_635 : i32 to vector<16xi32>
        %parallel_loop3A_637 = arith.andi %parallel_loop3A_634, %parallel_loop3A_636 : vector<16xi32>
        %parallel_loop3A_638 = tpu.vector_load_idx %arg9[%parallel_loop3A_228, %parallel_loop3A_637] : memref<400x64xi32, #tpu.memory_space<vmem>>[vector<16xi32>, vector<16xi32>], vector<16xi32>,
        %parallel_loop3A_639 = tpu.vector_load_idx %arg10[%parallel_loop3A_228, %parallel_loop3A_637] : memref<400x64xi32, #tpu.memory_space<vmem>>[vector<16xi32>, vector<16xi32>], vector<16xi32>,
        %parallel_loop3A_640 = vector.bitcast %parallel_loop3A_638 : vector<16xi32> to vector<32xbf16>
        %parallel_loop3A_641 = vector.bitcast %parallel_loop3A_639 : vector<16xi32> to vector<32xbf16>
        %parallel_loop3A_642 = arith.mulf %parallel_loop3A_640, %parallel_loop3A_641 : vector<32xbf16>
        %parallel_loop3A_643 = tpu.unpack_subelements %parallel_loop3A_642, 0 {pack_format = #tpu.pack_format<interleaved>} : vector<32xbf16> -> vector<16xf32>
        %parallel_loop3A_644 = tpu.unpack_subelements %parallel_loop3A_642, 1 {pack_format = #tpu.pack_format<interleaved>} : vector<32xbf16> -> vector<16xf32>
        %parallel_loop3A_645 = arith.addf %parallel_loop3A_630, %parallel_loop3A_643 : vector<16xf32>
        %parallel_loop3A_646 = arith.addf %parallel_loop3A_631, %parallel_loop3A_644 : vector<16xf32>
        %parallel_loop3A_647 = arith.constant 1 : i32
        %parallel_loop3A_648 = vector.broadcast %parallel_loop3A_647 : i32 to vector<16xi32>
        %parallel_loop3A_649 = arith.addi %parallel_loop3A_637, %parallel_loop3A_648 : vector<16xi32>
        %parallel_loop3A_650 = arith.constant 63 : i32
        %parallel_loop3A_651 = vector.broadcast %parallel_loop3A_650 : i32 to vector<16xi32>
        %parallel_loop3A_652 = arith.andi %parallel_loop3A_649, %parallel_loop3A_651 : vector<16xi32>
        %parallel_loop3A_653 = tpu.vector_load_idx %arg9[%parallel_loop3A_228, %parallel_loop3A_652] : memref<400x64xi32, #tpu.memory_space<vmem>>[vector<16xi32>, vector<16xi32>], vector<16xi32>,
        %parallel_loop3A_654 = tpu.vector_load_idx %arg10[%parallel_loop3A_228, %parallel_loop3A_652] : memref<400x64xi32, #tpu.memory_space<vmem>>[vector<16xi32>, vector<16xi32>], vector<16xi32>,
        %parallel_loop3A_655 = vector.bitcast %parallel_loop3A_653 : vector<16xi32> to vector<32xbf16>
        %parallel_loop3A_656 = vector.bitcast %parallel_loop3A_654 : vector<16xi32> to vector<32xbf16>
        %parallel_loop3A_657 = arith.mulf %parallel_loop3A_655, %parallel_loop3A_656 : vector<32xbf16>
        %parallel_loop3A_658 = tpu.unpack_subelements %parallel_loop3A_657, 0 {pack_format = #tpu.pack_format<interleaved>} : vector<32xbf16> -> vector<16xf32>
        %parallel_loop3A_659 = tpu.unpack_subelements %parallel_loop3A_657, 1 {pack_format = #tpu.pack_format<interleaved>} : vector<32xbf16> -> vector<16xf32>
        %parallel_loop3A_660 = arith.addf %parallel_loop3A_645, %parallel_loop3A_658 : vector<16xf32>
        %parallel_loop3A_661 = arith.addf %parallel_loop3A_646, %parallel_loop3A_659 : vector<16xf32>
        %parallel_loop3A_662 = arith.constant 1 : i32
        %parallel_loop3A_663 = vector.broadcast %parallel_loop3A_662 : i32 to vector<16xi32>
        %parallel_loop3A_664 = arith.addi %parallel_loop3A_652, %parallel_loop3A_663 : vector<16xi32>
        %parallel_loop3A_665 = arith.constant 63 : i32
        %parallel_loop3A_666 = vector.broadcast %parallel_loop3A_665 : i32 to vector<16xi32>
        %parallel_loop3A_667 = arith.andi %parallel_loop3A_664, %parallel_loop3A_666 : vector<16xi32>
        %parallel_loop3A_668 = tpu.vector_load_idx %arg9[%parallel_loop3A_228, %parallel_loop3A_667] : memref<400x64xi32, #tpu.memory_space<vmem>>[vector<16xi32>, vector<16xi32>], vector<16xi32>,
        %parallel_loop3A_669 = tpu.vector_load_idx %arg10[%parallel_loop3A_228, %parallel_loop3A_667] : memref<400x64xi32, #tpu.memory_space<vmem>>[vector<16xi32>, vector<16xi32>], vector<16xi32>,
        %parallel_loop3A_670 = vector.bitcast %parallel_loop3A_668 : vector<16xi32> to vector<32xbf16>
        %parallel_loop3A_671 = vector.bitcast %parallel_loop3A_669 : vector<16xi32> to vector<32xbf16>
        %parallel_loop3A_672 = arith.mulf %parallel_loop3A_670, %parallel_loop3A_671 : vector<32xbf16>
        %parallel_loop3A_673 = tpu.unpack_subelements %parallel_loop3A_672, 0 {pack_format = #tpu.pack_format<interleaved>} : vector<32xbf16> -> vector<16xf32>
        %parallel_loop3A_674 = tpu.unpack_subelements %parallel_loop3A_672, 1 {pack_format = #tpu.pack_format<interleaved>} : vector<32xbf16> -> vector<16xf32>
        %parallel_loop3A_675 = arith.addf %parallel_loop3A_660, %parallel_loop3A_673 : vector<16xf32>
        %parallel_loop3A_676 = arith.addf %parallel_loop3A_661, %parallel_loop3A_674 : vector<16xf32>
        %parallel_loop3A_677 = arith.constant 1 : i32
        %parallel_loop3A_678 = vector.broadcast %parallel_loop3A_677 : i32 to vector<16xi32>
        %parallel_loop3A_679 = arith.addi %parallel_loop3A_667, %parallel_loop3A_678 : vector<16xi32>
        %parallel_loop3A_680 = arith.constant 63 : i32
        %parallel_loop3A_681 = vector.broadcast %parallel_loop3A_680 : i32 to vector<16xi32>
        %parallel_loop3A_682 = arith.andi %parallel_loop3A_679, %parallel_loop3A_681 : vector<16xi32>
        %parallel_loop3A_683 = tpu.vector_load_idx %arg9[%parallel_loop3A_228, %parallel_loop3A_682] : memref<400x64xi32, #tpu.memory_space<vmem>>[vector<16xi32>, vector<16xi32>], vector<16xi32>,
        %parallel_loop3A_684 = tpu.vector_load_idx %arg10[%parallel_loop3A_228, %parallel_loop3A_682] : memref<400x64xi32, #tpu.memory_space<vmem>>[vector<16xi32>, vector<16xi32>], vector<16xi32>,
        %parallel_loop3A_685 = vector.bitcast %parallel_loop3A_683 : vector<16xi32> to vector<32xbf16>
        %parallel_loop3A_686 = vector.bitcast %parallel_loop3A_684 : vector<16xi32> to vector<32xbf16>
        %parallel_loop3A_687 = arith.mulf %parallel_loop3A_685, %parallel_loop3A_686 : vector<32xbf16>
        %parallel_loop3A_688 = tpu.unpack_subelements %parallel_loop3A_687, 0 {pack_format = #tpu.pack_format<interleaved>} : vector<32xbf16> -> vector<16xf32>
        %parallel_loop3A_689 = tpu.unpack_subelements %parallel_loop3A_687, 1 {pack_format = #tpu.pack_format<interleaved>} : vector<32xbf16> -> vector<16xf32>
        %parallel_loop3A_690 = arith.addf %parallel_loop3A_675, %parallel_loop3A_688 : vector<16xf32>
        %parallel_loop3A_691 = arith.addf %parallel_loop3A_676, %parallel_loop3A_689 : vector<16xf32>
        %parallel_loop3A_692 = arith.constant 1 : i32
        %parallel_loop3A_693 = vector.broadcast %parallel_loop3A_692 : i32 to vector<16xi32>
        %parallel_loop3A_694 = arith.addi %parallel_loop3A_682, %parallel_loop3A_693 : vector<16xi32>
        %parallel_loop3A_695 = arith.constant 63 : i32
        %parallel_loop3A_696 = vector.broadcast %parallel_loop3A_695 : i32 to vector<16xi32>
        %parallel_loop3A_697 = arith.andi %parallel_loop3A_694, %parallel_loop3A_696 : vector<16xi32>
        %parallel_loop3A_698 = tpu.vector_load_idx %arg9[%parallel_loop3A_228, %parallel_loop3A_697] : memref<400x64xi32, #tpu.memory_space<vmem>>[vector<16xi32>, vector<16xi32>], vector<16xi32>,
        %parallel_loop3A_699 = tpu.vector_load_idx %arg10[%parallel_loop3A_228, %parallel_loop3A_697] : memref<400x64xi32, #tpu.memory_space<vmem>>[vector<16xi32>, vector<16xi32>], vector<16xi32>,
        %parallel_loop3A_700 = vector.bitcast %parallel_loop3A_698 : vector<16xi32> to vector<32xbf16>
        %parallel_loop3A_701 = vector.bitcast %parallel_loop3A_699 : vector<16xi32> to vector<32xbf16>
        %parallel_loop3A_702 = arith.mulf %parallel_loop3A_700, %parallel_loop3A_701 : vector<32xbf16>
        %parallel_loop3A_703 = tpu.unpack_subelements %parallel_loop3A_702, 0 {pack_format = #tpu.pack_format<interleaved>} : vector<32xbf16> -> vector<16xf32>
        %parallel_loop3A_704 = tpu.unpack_subelements %parallel_loop3A_702, 1 {pack_format = #tpu.pack_format<interleaved>} : vector<32xbf16> -> vector<16xf32>
        %parallel_loop3A_705 = arith.addf %parallel_loop3A_690, %parallel_loop3A_703 : vector<16xf32>
        %parallel_loop3A_706 = arith.addf %parallel_loop3A_691, %parallel_loop3A_704 : vector<16xf32>
        %parallel_loop3A_707 = arith.constant 1 : i32
        %parallel_loop3A_708 = vector.broadcast %parallel_loop3A_707 : i32 to vector<16xi32>
        %parallel_loop3A_709 = arith.addi %parallel_loop3A_697, %parallel_loop3A_708 : vector<16xi32>
        %parallel_loop3A_710 = arith.constant 63 : i32
        %parallel_loop3A_711 = vector.broadcast %parallel_loop3A_710 : i32 to vector<16xi32>
        %parallel_loop3A_712 = arith.andi %parallel_loop3A_709, %parallel_loop3A_711 : vector<16xi32>
        %parallel_loop3A_713 = tpu.vector_load_idx %arg9[%parallel_loop3A_228, %parallel_loop3A_712] : memref<400x64xi32, #tpu.memory_space<vmem>>[vector<16xi32>, vector<16xi32>], vector<16xi32>,
        %parallel_loop3A_714 = tpu.vector_load_idx %arg10[%parallel_loop3A_228, %parallel_loop3A_712] : memref<400x64xi32, #tpu.memory_space<vmem>>[vector<16xi32>, vector<16xi32>], vector<16xi32>,
        %parallel_loop3A_715 = vector.bitcast %parallel_loop3A_713 : vector<16xi32> to vector<32xbf16>
        %parallel_loop3A_716 = vector.bitcast %parallel_loop3A_714 : vector<16xi32> to vector<32xbf16>
        %parallel_loop3A_717 = arith.mulf %parallel_loop3A_715, %parallel_loop3A_716 : vector<32xbf16>
        %parallel_loop3A_718 = tpu.unpack_subelements %parallel_loop3A_717, 0 {pack_format = #tpu.pack_format<interleaved>} : vector<32xbf16> -> vector<16xf32>
        %parallel_loop3A_719 = tpu.unpack_subelements %parallel_loop3A_717, 1 {pack_format = #tpu.pack_format<interleaved>} : vector<32xbf16> -> vector<16xf32>
        %parallel_loop3A_720 = arith.addf %parallel_loop3A_705, %parallel_loop3A_718 : vector<16xf32>
        %parallel_loop3A_721 = arith.addf %parallel_loop3A_706, %parallel_loop3A_719 : vector<16xf32>
        %parallel_loop3A_722 = arith.constant 1 : i32
        %parallel_loop3A_723 = vector.broadcast %parallel_loop3A_722 : i32 to vector<16xi32>
        %parallel_loop3A_724 = arith.addi %parallel_loop3A_712, %parallel_loop3A_723 : vector<16xi32>
        %parallel_loop3A_725 = arith.constant 63 : i32
        %parallel_loop3A_726 = vector.broadcast %parallel_loop3A_725 : i32 to vector<16xi32>
        %parallel_loop3A_727 = arith.andi %parallel_loop3A_724, %parallel_loop3A_726 : vector<16xi32>
        %parallel_loop3A_728 = tpu.vector_load_idx %arg9[%parallel_loop3A_228, %parallel_loop3A_727] : memref<400x64xi32, #tpu.memory_space<vmem>>[vector<16xi32>, vector<16xi32>], vector<16xi32>,
        %parallel_loop3A_729 = tpu.vector_load_idx %arg10[%parallel_loop3A_228, %parallel_loop3A_727] : memref<400x64xi32, #tpu.memory_space<vmem>>[vector<16xi32>, vector<16xi32>], vector<16xi32>,
        %parallel_loop3A_730 = vector.bitcast %parallel_loop3A_728 : vector<16xi32> to vector<32xbf16>
        %parallel_loop3A_731 = vector.bitcast %parallel_loop3A_729 : vector<16xi32> to vector<32xbf16>
        %parallel_loop3A_732 = arith.mulf %parallel_loop3A_730, %parallel_loop3A_731 : vector<32xbf16>
        %parallel_loop3A_733 = tpu.unpack_subelements %parallel_loop3A_732, 0 {pack_format = #tpu.pack_format<interleaved>} : vector<32xbf16> -> vector<16xf32>
        %parallel_loop3A_734 = tpu.unpack_subelements %parallel_loop3A_732, 1 {pack_format = #tpu.pack_format<interleaved>} : vector<32xbf16> -> vector<16xf32>
        %parallel_loop3A_735 = arith.addf %parallel_loop3A_720, %parallel_loop3A_733 : vector<16xf32>
        %parallel_loop3A_736 = arith.addf %parallel_loop3A_721, %parallel_loop3A_734 : vector<16xf32>
        %parallel_loop3A_737 = arith.constant 1 : i32
        %parallel_loop3A_738 = vector.broadcast %parallel_loop3A_737 : i32 to vector<16xi32>
        %parallel_loop3A_739 = arith.addi %parallel_loop3A_727, %parallel_loop3A_738 : vector<16xi32>
        %parallel_loop3A_740 = arith.constant 63 : i32
        %parallel_loop3A_741 = vector.broadcast %parallel_loop3A_740 : i32 to vector<16xi32>
        %parallel_loop3A_742 = arith.andi %parallel_loop3A_739, %parallel_loop3A_741 : vector<16xi32>
        %parallel_loop3A_743 = tpu.vector_load_idx %arg9[%parallel_loop3A_228, %parallel_loop3A_742] : memref<400x64xi32, #tpu.memory_space<vmem>>[vector<16xi32>, vector<16xi32>], vector<16xi32>,
        %parallel_loop3A_744 = tpu.vector_load_idx %arg10[%parallel_loop3A_228, %parallel_loop3A_742] : memref<400x64xi32, #tpu.memory_space<vmem>>[vector<16xi32>, vector<16xi32>], vector<16xi32>,
        %parallel_loop3A_745 = vector.bitcast %parallel_loop3A_743 : vector<16xi32> to vector<32xbf16>
        %parallel_loop3A_746 = vector.bitcast %parallel_loop3A_744 : vector<16xi32> to vector<32xbf16>
        %parallel_loop3A_747 = arith.mulf %parallel_loop3A_745, %parallel_loop3A_746 : vector<32xbf16>
        %parallel_loop3A_748 = tpu.unpack_subelements %parallel_loop3A_747, 0 {pack_format = #tpu.pack_format<interleaved>} : vector<32xbf16> -> vector<16xf32>
        %parallel_loop3A_749 = tpu.unpack_subelements %parallel_loop3A_747, 1 {pack_format = #tpu.pack_format<interleaved>} : vector<32xbf16> -> vector<16xf32>
        %parallel_loop3A_750 = arith.addf %parallel_loop3A_735, %parallel_loop3A_748 : vector<16xf32>
        %parallel_loop3A_751 = arith.addf %parallel_loop3A_736, %parallel_loop3A_749 : vector<16xf32>
        %parallel_loop3A_752 = arith.constant 1 : i32
        %parallel_loop3A_753 = vector.broadcast %parallel_loop3A_752 : i32 to vector<16xi32>
        %parallel_loop3A_754 = arith.addi %parallel_loop3A_742, %parallel_loop3A_753 : vector<16xi32>
        %parallel_loop3A_755 = arith.constant 63 : i32
        %parallel_loop3A_756 = vector.broadcast %parallel_loop3A_755 : i32 to vector<16xi32>
        %parallel_loop3A_757 = arith.andi %parallel_loop3A_754, %parallel_loop3A_756 : vector<16xi32>
        %parallel_loop3A_758 = tpu.vector_load_idx %arg9[%parallel_loop3A_228, %parallel_loop3A_757] : memref<400x64xi32, #tpu.memory_space<vmem>>[vector<16xi32>, vector<16xi32>], vector<16xi32>,
        %parallel_loop3A_759 = tpu.vector_load_idx %arg10[%parallel_loop3A_228, %parallel_loop3A_757] : memref<400x64xi32, #tpu.memory_space<vmem>>[vector<16xi32>, vector<16xi32>], vector<16xi32>,
        %parallel_loop3A_760 = vector.bitcast %parallel_loop3A_758 : vector<16xi32> to vector<32xbf16>
        %parallel_loop3A_761 = vector.bitcast %parallel_loop3A_759 : vector<16xi32> to vector<32xbf16>
        %parallel_loop3A_762 = arith.mulf %parallel_loop3A_760, %parallel_loop3A_761 : vector<32xbf16>
        %parallel_loop3A_763 = tpu.unpack_subelements %parallel_loop3A_762, 0 {pack_format = #tpu.pack_format<interleaved>} : vector<32xbf16> -> vector<16xf32>
        %parallel_loop3A_764 = tpu.unpack_subelements %parallel_loop3A_762, 1 {pack_format = #tpu.pack_format<interleaved>} : vector<32xbf16> -> vector<16xf32>
        %parallel_loop3A_765 = arith.addf %parallel_loop3A_750, %parallel_loop3A_763 : vector<16xf32>
        %parallel_loop3A_766 = arith.addf %parallel_loop3A_751, %parallel_loop3A_764 : vector<16xf32>
        %parallel_loop3A_767 = arith.constant 1 : i32
        %parallel_loop3A_768 = vector.broadcast %parallel_loop3A_767 : i32 to vector<16xi32>
        %parallel_loop3A_769 = arith.addi %parallel_loop3A_757, %parallel_loop3A_768 : vector<16xi32>
        %parallel_loop3A_770 = arith.constant 63 : i32
        %parallel_loop3A_771 = vector.broadcast %parallel_loop3A_770 : i32 to vector<16xi32>
        %parallel_loop3A_772 = arith.andi %parallel_loop3A_769, %parallel_loop3A_771 : vector<16xi32>
        %parallel_loop3A_773 = tpu.vector_load_idx %arg9[%parallel_loop3A_228, %parallel_loop3A_772] : memref<400x64xi32, #tpu.memory_space<vmem>>[vector<16xi32>, vector<16xi32>], vector<16xi32>,
        %parallel_loop3A_774 = tpu.vector_load_idx %arg10[%parallel_loop3A_228, %parallel_loop3A_772] : memref<400x64xi32, #tpu.memory_space<vmem>>[vector<16xi32>, vector<16xi32>], vector<16xi32>,
        %parallel_loop3A_775 = vector.bitcast %parallel_loop3A_773 : vector<16xi32> to vector<32xbf16>
        %parallel_loop3A_776 = vector.bitcast %parallel_loop3A_774 : vector<16xi32> to vector<32xbf16>
        %parallel_loop3A_777 = arith.mulf %parallel_loop3A_775, %parallel_loop3A_776 : vector<32xbf16>
        %parallel_loop3A_778 = tpu.unpack_subelements %parallel_loop3A_777, 0 {pack_format = #tpu.pack_format<interleaved>} : vector<32xbf16> -> vector<16xf32>
        %parallel_loop3A_779 = tpu.unpack_subelements %parallel_loop3A_777, 1 {pack_format = #tpu.pack_format<interleaved>} : vector<32xbf16> -> vector<16xf32>
        %parallel_loop3A_780 = arith.addf %parallel_loop3A_765, %parallel_loop3A_778 : vector<16xf32>
        %parallel_loop3A_781 = arith.addf %parallel_loop3A_766, %parallel_loop3A_779 : vector<16xf32>
        %parallel_loop3A_782 = arith.constant 1 : i32
        %parallel_loop3A_783 = vector.broadcast %parallel_loop3A_782 : i32 to vector<16xi32>
        %parallel_loop3A_784 = arith.addi %parallel_loop3A_772, %parallel_loop3A_783 : vector<16xi32>
        %parallel_loop3A_785 = arith.constant 63 : i32
        %parallel_loop3A_786 = vector.broadcast %parallel_loop3A_785 : i32 to vector<16xi32>
        %parallel_loop3A_787 = arith.andi %parallel_loop3A_784, %parallel_loop3A_786 : vector<16xi32>
        %parallel_loop3A_788 = tpu.vector_load_idx %arg9[%parallel_loop3A_228, %parallel_loop3A_787] : memref<400x64xi32, #tpu.memory_space<vmem>>[vector<16xi32>, vector<16xi32>], vector<16xi32>,
        %parallel_loop3A_789 = tpu.vector_load_idx %arg10[%parallel_loop3A_228, %parallel_loop3A_787] : memref<400x64xi32, #tpu.memory_space<vmem>>[vector<16xi32>, vector<16xi32>], vector<16xi32>,
        %parallel_loop3A_790 = vector.bitcast %parallel_loop3A_788 : vector<16xi32> to vector<32xbf16>
        %parallel_loop3A_791 = vector.bitcast %parallel_loop3A_789 : vector<16xi32> to vector<32xbf16>
        %parallel_loop3A_792 = arith.mulf %parallel_loop3A_790, %parallel_loop3A_791 : vector<32xbf16>
        %parallel_loop3A_793 = tpu.unpack_subelements %parallel_loop3A_792, 0 {pack_format = #tpu.pack_format<interleaved>} : vector<32xbf16> -> vector<16xf32>
        %parallel_loop3A_794 = tpu.unpack_subelements %parallel_loop3A_792, 1 {pack_format = #tpu.pack_format<interleaved>} : vector<32xbf16> -> vector<16xf32>
        %parallel_loop3A_795 = arith.addf %parallel_loop3A_780, %parallel_loop3A_793 : vector<16xf32>
        %parallel_loop3A_796 = arith.addf %parallel_loop3A_781, %parallel_loop3A_794 : vector<16xf32>
        %parallel_loop3A_797 = arith.constant 1 : i32
        %parallel_loop3A_798 = vector.broadcast %parallel_loop3A_797 : i32 to vector<16xi32>
        %parallel_loop3A_799 = arith.addi %parallel_loop3A_787, %parallel_loop3A_798 : vector<16xi32>
        %parallel_loop3A_800 = arith.constant 63 : i32
        %parallel_loop3A_801 = vector.broadcast %parallel_loop3A_800 : i32 to vector<16xi32>
        %parallel_loop3A_802 = arith.andi %parallel_loop3A_799, %parallel_loop3A_801 : vector<16xi32>
        %parallel_loop3A_803 = tpu.vector_load_idx %arg9[%parallel_loop3A_228, %parallel_loop3A_802] : memref<400x64xi32, #tpu.memory_space<vmem>>[vector<16xi32>, vector<16xi32>], vector<16xi32>,
        %parallel_loop3A_804 = tpu.vector_load_idx %arg10[%parallel_loop3A_228, %parallel_loop3A_802] : memref<400x64xi32, #tpu.memory_space<vmem>>[vector<16xi32>, vector<16xi32>], vector<16xi32>,
        %parallel_loop3A_805 = vector.bitcast %parallel_loop3A_803 : vector<16xi32> to vector<32xbf16>
        %parallel_loop3A_806 = vector.bitcast %parallel_loop3A_804 : vector<16xi32> to vector<32xbf16>
        %parallel_loop3A_807 = arith.mulf %parallel_loop3A_805, %parallel_loop3A_806 : vector<32xbf16>
        %parallel_loop3A_808 = tpu.unpack_subelements %parallel_loop3A_807, 0 {pack_format = #tpu.pack_format<interleaved>} : vector<32xbf16> -> vector<16xf32>
        %parallel_loop3A_809 = tpu.unpack_subelements %parallel_loop3A_807, 1 {pack_format = #tpu.pack_format<interleaved>} : vector<32xbf16> -> vector<16xf32>
        %parallel_loop3A_810 = arith.addf %parallel_loop3A_795, %parallel_loop3A_808 : vector<16xf32>
        %parallel_loop3A_811 = arith.addf %parallel_loop3A_796, %parallel_loop3A_809 : vector<16xf32>
        %parallel_loop3A_812 = arith.constant 1 : i32
        %parallel_loop3A_813 = vector.broadcast %parallel_loop3A_812 : i32 to vector<16xi32>
        %parallel_loop3A_814 = arith.addi %parallel_loop3A_802, %parallel_loop3A_813 : vector<16xi32>
        %parallel_loop3A_815 = arith.constant 63 : i32
        %parallel_loop3A_816 = vector.broadcast %parallel_loop3A_815 : i32 to vector<16xi32>
        %parallel_loop3A_817 = arith.andi %parallel_loop3A_814, %parallel_loop3A_816 : vector<16xi32>
        %parallel_loop3A_818 = tpu.vector_load_idx %arg9[%parallel_loop3A_228, %parallel_loop3A_817] : memref<400x64xi32, #tpu.memory_space<vmem>>[vector<16xi32>, vector<16xi32>], vector<16xi32>,
        %parallel_loop3A_819 = tpu.vector_load_idx %arg10[%parallel_loop3A_228, %parallel_loop3A_817] : memref<400x64xi32, #tpu.memory_space<vmem>>[vector<16xi32>, vector<16xi32>], vector<16xi32>,
        %parallel_loop3A_820 = vector.bitcast %parallel_loop3A_818 : vector<16xi32> to vector<32xbf16>
        %parallel_loop3A_821 = vector.bitcast %parallel_loop3A_819 : vector<16xi32> to vector<32xbf16>
        %parallel_loop3A_822 = arith.mulf %parallel_loop3A_820, %parallel_loop3A_821 : vector<32xbf16>
        %parallel_loop3A_823 = tpu.unpack_subelements %parallel_loop3A_822, 0 {pack_format = #tpu.pack_format<interleaved>} : vector<32xbf16> -> vector<16xf32>
        %parallel_loop3A_824 = tpu.unpack_subelements %parallel_loop3A_822, 1 {pack_format = #tpu.pack_format<interleaved>} : vector<32xbf16> -> vector<16xf32>
        %parallel_loop3A_825 = arith.addf %parallel_loop3A_810, %parallel_loop3A_823 : vector<16xf32>
        %parallel_loop3A_826 = arith.addf %parallel_loop3A_811, %parallel_loop3A_824 : vector<16xf32>
        %parallel_loop3A_827 = arith.constant 1 : i32
        %parallel_loop3A_828 = vector.broadcast %parallel_loop3A_827 : i32 to vector<16xi32>
        %parallel_loop3A_829 = arith.addi %parallel_loop3A_817, %parallel_loop3A_828 : vector<16xi32>
        %parallel_loop3A_830 = arith.constant 63 : i32
        %parallel_loop3A_831 = vector.broadcast %parallel_loop3A_830 : i32 to vector<16xi32>
        %parallel_loop3A_832 = arith.andi %parallel_loop3A_829, %parallel_loop3A_831 : vector<16xi32>
        %parallel_loop3A_833 = tpu.vector_load_idx %arg9[%parallel_loop3A_228, %parallel_loop3A_832] : memref<400x64xi32, #tpu.memory_space<vmem>>[vector<16xi32>, vector<16xi32>], vector<16xi32>,
        %parallel_loop3A_834 = tpu.vector_load_idx %arg10[%parallel_loop3A_228, %parallel_loop3A_832] : memref<400x64xi32, #tpu.memory_space<vmem>>[vector<16xi32>, vector<16xi32>], vector<16xi32>,
        %parallel_loop3A_835 = vector.bitcast %parallel_loop3A_833 : vector<16xi32> to vector<32xbf16>
        %parallel_loop3A_836 = vector.bitcast %parallel_loop3A_834 : vector<16xi32> to vector<32xbf16>
        %parallel_loop3A_837 = arith.mulf %parallel_loop3A_835, %parallel_loop3A_836 : vector<32xbf16>
        %parallel_loop3A_838 = tpu.unpack_subelements %parallel_loop3A_837, 0 {pack_format = #tpu.pack_format<interleaved>} : vector<32xbf16> -> vector<16xf32>
        %parallel_loop3A_839 = tpu.unpack_subelements %parallel_loop3A_837, 1 {pack_format = #tpu.pack_format<interleaved>} : vector<32xbf16> -> vector<16xf32>
        %parallel_loop3A_840 = arith.addf %parallel_loop3A_825, %parallel_loop3A_838 : vector<16xf32>
        %parallel_loop3A_841 = arith.addf %parallel_loop3A_826, %parallel_loop3A_839 : vector<16xf32>
        %parallel_loop3A_842 = arith.constant 1 : i32
        %parallel_loop3A_843 = vector.broadcast %parallel_loop3A_842 : i32 to vector<16xi32>
        %parallel_loop3A_844 = arith.addi %parallel_loop3A_832, %parallel_loop3A_843 : vector<16xi32>
        %parallel_loop3A_845 = arith.constant 63 : i32
        %parallel_loop3A_846 = vector.broadcast %parallel_loop3A_845 : i32 to vector<16xi32>
        %parallel_loop3A_847 = arith.andi %parallel_loop3A_844, %parallel_loop3A_846 : vector<16xi32>
        %parallel_loop3A_848 = tpu.vector_load_idx %arg9[%parallel_loop3A_228, %parallel_loop3A_847] : memref<400x64xi32, #tpu.memory_space<vmem>>[vector<16xi32>, vector<16xi32>], vector<16xi32>,
        %parallel_loop3A_849 = tpu.vector_load_idx %arg10[%parallel_loop3A_228, %parallel_loop3A_847] : memref<400x64xi32, #tpu.memory_space<vmem>>[vector<16xi32>, vector<16xi32>], vector<16xi32>,
        %parallel_loop3A_850 = vector.bitcast %parallel_loop3A_848 : vector<16xi32> to vector<32xbf16>
        %parallel_loop3A_851 = vector.bitcast %parallel_loop3A_849 : vector<16xi32> to vector<32xbf16>
        %parallel_loop3A_852 = arith.mulf %parallel_loop3A_850, %parallel_loop3A_851 : vector<32xbf16>
        %parallel_loop3A_853 = tpu.unpack_subelements %parallel_loop3A_852, 0 {pack_format = #tpu.pack_format<interleaved>} : vector<32xbf16> -> vector<16xf32>
        %parallel_loop3A_854 = tpu.unpack_subelements %parallel_loop3A_852, 1 {pack_format = #tpu.pack_format<interleaved>} : vector<32xbf16> -> vector<16xf32>
        %parallel_loop3A_855 = arith.addf %parallel_loop3A_840, %parallel_loop3A_853 : vector<16xf32>
        %parallel_loop3A_856 = arith.addf %parallel_loop3A_841, %parallel_loop3A_854 : vector<16xf32>
        %parallel_loop3A_857 = arith.constant 1 : i32
        %parallel_loop3A_858 = vector.broadcast %parallel_loop3A_857 : i32 to vector<16xi32>
        %parallel_loop3A_859 = arith.addi %parallel_loop3A_847, %parallel_loop3A_858 : vector<16xi32>
        %parallel_loop3A_860 = arith.constant 63 : i32
        %parallel_loop3A_861 = vector.broadcast %parallel_loop3A_860 : i32 to vector<16xi32>
        %parallel_loop3A_862 = arith.andi %parallel_loop3A_859, %parallel_loop3A_861 : vector<16xi32>
        %parallel_loop3A_863 = tpu.vector_load_idx %arg9[%parallel_loop3A_228, %parallel_loop3A_862] : memref<400x64xi32, #tpu.memory_space<vmem>>[vector<16xi32>, vector<16xi32>], vector<16xi32>,
        %parallel_loop3A_864 = tpu.vector_load_idx %arg10[%parallel_loop3A_228, %parallel_loop3A_862] : memref<400x64xi32, #tpu.memory_space<vmem>>[vector<16xi32>, vector<16xi32>], vector<16xi32>,
        %parallel_loop3A_865 = vector.bitcast %parallel_loop3A_863 : vector<16xi32> to vector<32xbf16>
        %parallel_loop3A_866 = vector.bitcast %parallel_loop3A_864 : vector<16xi32> to vector<32xbf16>
        %parallel_loop3A_867 = arith.mulf %parallel_loop3A_865, %parallel_loop3A_866 : vector<32xbf16>
        %parallel_loop3A_868 = tpu.unpack_subelements %parallel_loop3A_867, 0 {pack_format = #tpu.pack_format<interleaved>} : vector<32xbf16> -> vector<16xf32>
        %parallel_loop3A_869 = tpu.unpack_subelements %parallel_loop3A_867, 1 {pack_format = #tpu.pack_format<interleaved>} : vector<32xbf16> -> vector<16xf32>
        %parallel_loop3A_870 = arith.addf %parallel_loop3A_855, %parallel_loop3A_868 : vector<16xf32>
        %parallel_loop3A_871 = arith.addf %parallel_loop3A_856, %parallel_loop3A_869 : vector<16xf32>
        %parallel_loop3A_872 = arith.constant 1 : i32
        %parallel_loop3A_873 = vector.broadcast %parallel_loop3A_872 : i32 to vector<16xi32>
        %parallel_loop3A_874 = arith.addi %parallel_loop3A_862, %parallel_loop3A_873 : vector<16xi32>
        %parallel_loop3A_875 = arith.constant 63 : i32
        %parallel_loop3A_876 = vector.broadcast %parallel_loop3A_875 : i32 to vector<16xi32>
        %parallel_loop3A_877 = arith.andi %parallel_loop3A_874, %parallel_loop3A_876 : vector<16xi32>
        %parallel_loop3A_878 = tpu.vector_load_idx %arg9[%parallel_loop3A_228, %parallel_loop3A_877] : memref<400x64xi32, #tpu.memory_space<vmem>>[vector<16xi32>, vector<16xi32>], vector<16xi32>,
        %parallel_loop3A_879 = tpu.vector_load_idx %arg10[%parallel_loop3A_228, %parallel_loop3A_877] : memref<400x64xi32, #tpu.memory_space<vmem>>[vector<16xi32>, vector<16xi32>], vector<16xi32>,
        %parallel_loop3A_880 = vector.bitcast %parallel_loop3A_878 : vector<16xi32> to vector<32xbf16>
        %parallel_loop3A_881 = vector.bitcast %parallel_loop3A_879 : vector<16xi32> to vector<32xbf16>
        %parallel_loop3A_882 = arith.mulf %parallel_loop3A_880, %parallel_loop3A_881 : vector<32xbf16>
        %parallel_loop3A_883 = tpu.unpack_subelements %parallel_loop3A_882, 0 {pack_format = #tpu.pack_format<interleaved>} : vector<32xbf16> -> vector<16xf32>
        %parallel_loop3A_884 = tpu.unpack_subelements %parallel_loop3A_882, 1 {pack_format = #tpu.pack_format<interleaved>} : vector<32xbf16> -> vector<16xf32>
        %parallel_loop3A_885 = arith.addf %parallel_loop3A_870, %parallel_loop3A_883 : vector<16xf32>
        %parallel_loop3A_886 = arith.addf %parallel_loop3A_871, %parallel_loop3A_884 : vector<16xf32>
        %parallel_loop3A_887 = arith.constant 1 : i32
        %parallel_loop3A_888 = vector.broadcast %parallel_loop3A_887 : i32 to vector<16xi32>
        %parallel_loop3A_889 = arith.addi %parallel_loop3A_877, %parallel_loop3A_888 : vector<16xi32>
        %parallel_loop3A_890 = arith.constant 63 : i32
        %parallel_loop3A_891 = vector.broadcast %parallel_loop3A_890 : i32 to vector<16xi32>
        %parallel_loop3A_892 = arith.andi %parallel_loop3A_889, %parallel_loop3A_891 : vector<16xi32>
        %parallel_loop3A_893 = tpu.vector_load_idx %arg9[%parallel_loop3A_228, %parallel_loop3A_892] : memref<400x64xi32, #tpu.memory_space<vmem>>[vector<16xi32>, vector<16xi32>], vector<16xi32>,
        %parallel_loop3A_894 = tpu.vector_load_idx %arg10[%parallel_loop3A_228, %parallel_loop3A_892] : memref<400x64xi32, #tpu.memory_space<vmem>>[vector<16xi32>, vector<16xi32>], vector<16xi32>,
        %parallel_loop3A_895 = vector.bitcast %parallel_loop3A_893 : vector<16xi32> to vector<32xbf16>
        %parallel_loop3A_896 = vector.bitcast %parallel_loop3A_894 : vector<16xi32> to vector<32xbf16>
        %parallel_loop3A_897 = arith.mulf %parallel_loop3A_895, %parallel_loop3A_896 : vector<32xbf16>
        %parallel_loop3A_898 = tpu.unpack_subelements %parallel_loop3A_897, 0 {pack_format = #tpu.pack_format<interleaved>} : vector<32xbf16> -> vector<16xf32>
        %parallel_loop3A_899 = tpu.unpack_subelements %parallel_loop3A_897, 1 {pack_format = #tpu.pack_format<interleaved>} : vector<32xbf16> -> vector<16xf32>
        %parallel_loop3A_900 = arith.addf %parallel_loop3A_885, %parallel_loop3A_898 : vector<16xf32>
        %parallel_loop3A_901 = arith.addf %parallel_loop3A_886, %parallel_loop3A_899 : vector<16xf32>
        %parallel_loop3A_902 = arith.constant 1 : i32
        %parallel_loop3A_903 = vector.broadcast %parallel_loop3A_902 : i32 to vector<16xi32>
        %parallel_loop3A_904 = arith.addi %parallel_loop3A_892, %parallel_loop3A_903 : vector<16xi32>
        %parallel_loop3A_905 = arith.constant 63 : i32
        %parallel_loop3A_906 = vector.broadcast %parallel_loop3A_905 : i32 to vector<16xi32>
        %parallel_loop3A_907 = arith.andi %parallel_loop3A_904, %parallel_loop3A_906 : vector<16xi32>
        %parallel_loop3A_908 = tpu.vector_load_idx %arg9[%parallel_loop3A_228, %parallel_loop3A_907] : memref<400x64xi32, #tpu.memory_space<vmem>>[vector<16xi32>, vector<16xi32>], vector<16xi32>,
        %parallel_loop3A_909 = tpu.vector_load_idx %arg10[%parallel_loop3A_228, %parallel_loop3A_907] : memref<400x64xi32, #tpu.memory_space<vmem>>[vector<16xi32>, vector<16xi32>], vector<16xi32>,
        %parallel_loop3A_910 = vector.bitcast %parallel_loop3A_908 : vector<16xi32> to vector<32xbf16>
        %parallel_loop3A_911 = vector.bitcast %parallel_loop3A_909 : vector<16xi32> to vector<32xbf16>
        %parallel_loop3A_912 = arith.mulf %parallel_loop3A_910, %parallel_loop3A_911 : vector<32xbf16>
        %parallel_loop3A_913 = tpu.unpack_subelements %parallel_loop3A_912, 0 {pack_format = #tpu.pack_format<interleaved>} : vector<32xbf16> -> vector<16xf32>
        %parallel_loop3A_914 = tpu.unpack_subelements %parallel_loop3A_912, 1 {pack_format = #tpu.pack_format<interleaved>} : vector<32xbf16> -> vector<16xf32>
        %parallel_loop3A_915 = arith.addf %parallel_loop3A_900, %parallel_loop3A_913 : vector<16xf32>
        %parallel_loop3A_916 = arith.addf %parallel_loop3A_901, %parallel_loop3A_914 : vector<16xf32>
        %parallel_loop3A_917 = arith.constant 1 : i32
        %parallel_loop3A_918 = vector.broadcast %parallel_loop3A_917 : i32 to vector<16xi32>
        %parallel_loop3A_919 = arith.addi %parallel_loop3A_907, %parallel_loop3A_918 : vector<16xi32>
        %parallel_loop3A_920 = arith.constant 63 : i32
        %parallel_loop3A_921 = vector.broadcast %parallel_loop3A_920 : i32 to vector<16xi32>
        %parallel_loop3A_922 = arith.andi %parallel_loop3A_919, %parallel_loop3A_921 : vector<16xi32>
        %parallel_loop3A_923 = tpu.vector_load_idx %arg9[%parallel_loop3A_228, %parallel_loop3A_922] : memref<400x64xi32, #tpu.memory_space<vmem>>[vector<16xi32>, vector<16xi32>], vector<16xi32>,
        %parallel_loop3A_924 = tpu.vector_load_idx %arg10[%parallel_loop3A_228, %parallel_loop3A_922] : memref<400x64xi32, #tpu.memory_space<vmem>>[vector<16xi32>, vector<16xi32>], vector<16xi32>,
        %parallel_loop3A_925 = vector.bitcast %parallel_loop3A_923 : vector<16xi32> to vector<32xbf16>
        %parallel_loop3A_926 = vector.bitcast %parallel_loop3A_924 : vector<16xi32> to vector<32xbf16>
        %parallel_loop3A_927 = arith.mulf %parallel_loop3A_925, %parallel_loop3A_926 : vector<32xbf16>
        %parallel_loop3A_928 = tpu.unpack_subelements %parallel_loop3A_927, 0 {pack_format = #tpu.pack_format<interleaved>} : vector<32xbf16> -> vector<16xf32>
        %parallel_loop3A_929 = tpu.unpack_subelements %parallel_loop3A_927, 1 {pack_format = #tpu.pack_format<interleaved>} : vector<32xbf16> -> vector<16xf32>
        %parallel_loop3A_930 = arith.addf %parallel_loop3A_915, %parallel_loop3A_928 : vector<16xf32>
        %parallel_loop3A_931 = arith.addf %parallel_loop3A_916, %parallel_loop3A_929 : vector<16xf32>
        %parallel_loop3A_932 = arith.constant 1 : i32
        %parallel_loop3A_933 = vector.broadcast %parallel_loop3A_932 : i32 to vector<16xi32>
        %parallel_loop3A_934 = arith.addi %parallel_loop3A_922, %parallel_loop3A_933 : vector<16xi32>
        %parallel_loop3A_935 = arith.constant 63 : i32
        %parallel_loop3A_936 = vector.broadcast %parallel_loop3A_935 : i32 to vector<16xi32>
        %parallel_loop3A_937 = arith.andi %parallel_loop3A_934, %parallel_loop3A_936 : vector<16xi32>
        %parallel_loop3A_938 = tpu.vector_load_idx %arg9[%parallel_loop3A_228, %parallel_loop3A_937] : memref<400x64xi32, #tpu.memory_space<vmem>>[vector<16xi32>, vector<16xi32>], vector<16xi32>,
        %parallel_loop3A_939 = tpu.vector_load_idx %arg10[%parallel_loop3A_228, %parallel_loop3A_937] : memref<400x64xi32, #tpu.memory_space<vmem>>[vector<16xi32>, vector<16xi32>], vector<16xi32>,
        %parallel_loop3A_940 = vector.bitcast %parallel_loop3A_938 : vector<16xi32> to vector<32xbf16>
        %parallel_loop3A_941 = vector.bitcast %parallel_loop3A_939 : vector<16xi32> to vector<32xbf16>
        %parallel_loop3A_942 = arith.mulf %parallel_loop3A_940, %parallel_loop3A_941 : vector<32xbf16>
        %parallel_loop3A_943 = tpu.unpack_subelements %parallel_loop3A_942, 0 {pack_format = #tpu.pack_format<interleaved>} : vector<32xbf16> -> vector<16xf32>
        %parallel_loop3A_944 = tpu.unpack_subelements %parallel_loop3A_942, 1 {pack_format = #tpu.pack_format<interleaved>} : vector<32xbf16> -> vector<16xf32>
        %parallel_loop3A_945 = arith.addf %parallel_loop3A_930, %parallel_loop3A_943 : vector<16xf32>
        %parallel_loop3A_946 = arith.addf %parallel_loop3A_931, %parallel_loop3A_944 : vector<16xf32>
        %parallel_loop3A_947 = arith.constant 1 : i32
        %parallel_loop3A_948 = vector.broadcast %parallel_loop3A_947 : i32 to vector<16xi32>
        %parallel_loop3A_949 = arith.addi %parallel_loop3A_937, %parallel_loop3A_948 : vector<16xi32>
        %parallel_loop3A_950 = arith.constant 63 : i32
        %parallel_loop3A_951 = vector.broadcast %parallel_loop3A_950 : i32 to vector<16xi32>
        %parallel_loop3A_952 = arith.andi %parallel_loop3A_949, %parallel_loop3A_951 : vector<16xi32>
        %parallel_loop3A_953 = tpu.vector_load_idx %arg9[%parallel_loop3A_228, %parallel_loop3A_952] : memref<400x64xi32, #tpu.memory_space<vmem>>[vector<16xi32>, vector<16xi32>], vector<16xi32>,
        %parallel_loop3A_954 = tpu.vector_load_idx %arg10[%parallel_loop3A_228, %parallel_loop3A_952] : memref<400x64xi32, #tpu.memory_space<vmem>>[vector<16xi32>, vector<16xi32>], vector<16xi32>,
        %parallel_loop3A_955 = vector.bitcast %parallel_loop3A_953 : vector<16xi32> to vector<32xbf16>
        %parallel_loop3A_956 = vector.bitcast %parallel_loop3A_954 : vector<16xi32> to vector<32xbf16>
        %parallel_loop3A_957 = arith.mulf %parallel_loop3A_955, %parallel_loop3A_956 : vector<32xbf16>
        %parallel_loop3A_958 = tpu.unpack_subelements %parallel_loop3A_957, 0 {pack_format = #tpu.pack_format<interleaved>} : vector<32xbf16> -> vector<16xf32>
        %parallel_loop3A_959 = tpu.unpack_subelements %parallel_loop3A_957, 1 {pack_format = #tpu.pack_format<interleaved>} : vector<32xbf16> -> vector<16xf32>
        %parallel_loop3A_960 = arith.addf %parallel_loop3A_945, %parallel_loop3A_958 : vector<16xf32>
        %parallel_loop3A_961 = arith.addf %parallel_loop3A_946, %parallel_loop3A_959 : vector<16xf32>
        %parallel_loop3A_962 = arith.constant 1 : i32
        %parallel_loop3A_963 = vector.broadcast %parallel_loop3A_962 : i32 to vector<16xi32>
        %parallel_loop3A_964 = arith.addi %parallel_loop3A_952, %parallel_loop3A_963 : vector<16xi32>
        %parallel_loop3A_965 = arith.constant 63 : i32
        %parallel_loop3A_966 = vector.broadcast %parallel_loop3A_965 : i32 to vector<16xi32>
        %parallel_loop3A_967 = arith.andi %parallel_loop3A_964, %parallel_loop3A_966 : vector<16xi32>
        %parallel_loop3A_968 = tpu.vector_load_idx %arg9[%parallel_loop3A_228, %parallel_loop3A_967] : memref<400x64xi32, #tpu.memory_space<vmem>>[vector<16xi32>, vector<16xi32>], vector<16xi32>,
        %parallel_loop3A_969 = tpu.vector_load_idx %arg10[%parallel_loop3A_228, %parallel_loop3A_967] : memref<400x64xi32, #tpu.memory_space<vmem>>[vector<16xi32>, vector<16xi32>], vector<16xi32>,
        %parallel_loop3A_970 = vector.bitcast %parallel_loop3A_968 : vector<16xi32> to vector<32xbf16>
        %parallel_loop3A_971 = vector.bitcast %parallel_loop3A_969 : vector<16xi32> to vector<32xbf16>
        %parallel_loop3A_972 = arith.mulf %parallel_loop3A_970, %parallel_loop3A_971 : vector<32xbf16>
        %parallel_loop3A_973 = tpu.unpack_subelements %parallel_loop3A_972, 0 {pack_format = #tpu.pack_format<interleaved>} : vector<32xbf16> -> vector<16xf32>
        %parallel_loop3A_974 = tpu.unpack_subelements %parallel_loop3A_972, 1 {pack_format = #tpu.pack_format<interleaved>} : vector<32xbf16> -> vector<16xf32>
        %parallel_loop3A_975 = arith.addf %parallel_loop3A_960, %parallel_loop3A_973 : vector<16xf32>
        %parallel_loop3A_976 = arith.addf %parallel_loop3A_961, %parallel_loop3A_974 : vector<16xf32>
        %parallel_loop3A_977 = arith.constant 1 : i32
        %parallel_loop3A_978 = vector.broadcast %parallel_loop3A_977 : i32 to vector<16xi32>
        %parallel_loop3A_979 = arith.addi %parallel_loop3A_967, %parallel_loop3A_978 : vector<16xi32>
        %parallel_loop3A_980 = arith.constant 63 : i32
        %parallel_loop3A_981 = vector.broadcast %parallel_loop3A_980 : i32 to vector<16xi32>
        %parallel_loop3A_982 = arith.andi %parallel_loop3A_979, %parallel_loop3A_981 : vector<16xi32>
        %parallel_loop3A_983 = tpu.vector_load_idx %arg9[%parallel_loop3A_228, %parallel_loop3A_982] : memref<400x64xi32, #tpu.memory_space<vmem>>[vector<16xi32>, vector<16xi32>], vector<16xi32>,
        %parallel_loop3A_984 = tpu.vector_load_idx %arg10[%parallel_loop3A_228, %parallel_loop3A_982] : memref<400x64xi32, #tpu.memory_space<vmem>>[vector<16xi32>, vector<16xi32>], vector<16xi32>,
        %parallel_loop3A_985 = vector.bitcast %parallel_loop3A_983 : vector<16xi32> to vector<32xbf16>
        %parallel_loop3A_986 = vector.bitcast %parallel_loop3A_984 : vector<16xi32> to vector<32xbf16>
        %parallel_loop3A_987 = arith.mulf %parallel_loop3A_985, %parallel_loop3A_986 : vector<32xbf16>
        %parallel_loop3A_988 = tpu.unpack_subelements %parallel_loop3A_987, 0 {pack_format = #tpu.pack_format<interleaved>} : vector<32xbf16> -> vector<16xf32>
        %parallel_loop3A_989 = tpu.unpack_subelements %parallel_loop3A_987, 1 {pack_format = #tpu.pack_format<interleaved>} : vector<32xbf16> -> vector<16xf32>
        %parallel_loop3A_990 = arith.addf %parallel_loop3A_975, %parallel_loop3A_988 : vector<16xf32>
        %parallel_loop3A_991 = arith.addf %parallel_loop3A_976, %parallel_loop3A_989 : vector<16xf32>
        %parallel_loop3A_992 = arith.constant 1 : i32
        %parallel_loop3A_993 = vector.broadcast %parallel_loop3A_992 : i32 to vector<16xi32>
        %parallel_loop3A_994 = arith.addi %parallel_loop3A_982, %parallel_loop3A_993 : vector<16xi32>
        %parallel_loop3A_995 = arith.constant 63 : i32
        %parallel_loop3A_996 = vector.broadcast %parallel_loop3A_995 : i32 to vector<16xi32>
        %parallel_loop3A_997 = arith.andi %parallel_loop3A_994, %parallel_loop3A_996 : vector<16xi32>
        %parallel_loop3A_998 = tpu.vector_load_idx %arg9[%parallel_loop3A_228, %parallel_loop3A_997] : memref<400x64xi32, #tpu.memory_space<vmem>>[vector<16xi32>, vector<16xi32>], vector<16xi32>,
        %parallel_loop3A_999 = tpu.vector_load_idx %arg10[%parallel_loop3A_228, %parallel_loop3A_997] : memref<400x64xi32, #tpu.memory_space<vmem>>[vector<16xi32>, vector<16xi32>], vector<16xi32>,
        %parallel_loop3A_1000 = vector.bitcast %parallel_loop3A_998 : vector<16xi32> to vector<32xbf16>
        %parallel_loop3A_1001 = vector.bitcast %parallel_loop3A_999 : vector<16xi32> to vector<32xbf16>
        %parallel_loop3A_1002 = arith.mulf %parallel_loop3A_1000, %parallel_loop3A_1001 : vector<32xbf16>
        %parallel_loop3A_1003 = tpu.unpack_subelements %parallel_loop3A_1002, 0 {pack_format = #tpu.pack_format<interleaved>} : vector<32xbf16> -> vector<16xf32>
        %parallel_loop3A_1004 = tpu.unpack_subelements %parallel_loop3A_1002, 1 {pack_format = #tpu.pack_format<interleaved>} : vector<32xbf16> -> vector<16xf32>
        %parallel_loop3A_1005 = arith.addf %parallel_loop3A_990, %parallel_loop3A_1003 : vector<16xf32>
        %parallel_loop3A_1006 = arith.addf %parallel_loop3A_991, %parallel_loop3A_1004 : vector<16xf32>
        %parallel_loop3A_1007 = arith.constant 1 : i32
        %parallel_loop3A_1008 = vector.broadcast %parallel_loop3A_1007 : i32 to vector<16xi32>
        %parallel_loop3A_1009 = arith.addi %parallel_loop3A_997, %parallel_loop3A_1008 : vector<16xi32>
        %parallel_loop3A_1010 = arith.constant 63 : i32
        %parallel_loop3A_1011 = vector.broadcast %parallel_loop3A_1010 : i32 to vector<16xi32>
        %parallel_loop3A_1012 = arith.andi %parallel_loop3A_1009, %parallel_loop3A_1011 : vector<16xi32>
        %parallel_loop3A_1013 = tpu.vector_load_idx %arg9[%parallel_loop3A_228, %parallel_loop3A_1012] : memref<400x64xi32, #tpu.memory_space<vmem>>[vector<16xi32>, vector<16xi32>], vector<16xi32>,
        %parallel_loop3A_1014 = tpu.vector_load_idx %arg10[%parallel_loop3A_228, %parallel_loop3A_1012] : memref<400x64xi32, #tpu.memory_space<vmem>>[vector<16xi32>, vector<16xi32>], vector<16xi32>,
        %parallel_loop3A_1015 = vector.bitcast %parallel_loop3A_1013 : vector<16xi32> to vector<32xbf16>
        %parallel_loop3A_1016 = vector.bitcast %parallel_loop3A_1014 : vector<16xi32> to vector<32xbf16>
        %parallel_loop3A_1017 = arith.mulf %parallel_loop3A_1015, %parallel_loop3A_1016 : vector<32xbf16>
        %parallel_loop3A_1018 = tpu.unpack_subelements %parallel_loop3A_1017, 0 {pack_format = #tpu.pack_format<interleaved>} : vector<32xbf16> -> vector<16xf32>
        %parallel_loop3A_1019 = tpu.unpack_subelements %parallel_loop3A_1017, 1 {pack_format = #tpu.pack_format<interleaved>} : vector<32xbf16> -> vector<16xf32>
        %parallel_loop3A_1020 = arith.addf %parallel_loop3A_1005, %parallel_loop3A_1018 : vector<16xf32>
        %parallel_loop3A_1021 = arith.addf %parallel_loop3A_1006, %parallel_loop3A_1019 : vector<16xf32>
        %parallel_loop3A_1022 = arith.constant 1 : i32
        %parallel_loop3A_1023 = vector.broadcast %parallel_loop3A_1022 : i32 to vector<16xi32>
        %parallel_loop3A_1024 = arith.addi %parallel_loop3A_1012, %parallel_loop3A_1023 : vector<16xi32>
        %parallel_loop3A_1025 = arith.constant 63 : i32
        %parallel_loop3A_1026 = vector.broadcast %parallel_loop3A_1025 : i32 to vector<16xi32>
        %parallel_loop3A_1027 = arith.andi %parallel_loop3A_1024, %parallel_loop3A_1026 : vector<16xi32>
        %parallel_loop3A_1028 = tpu.vector_load_idx %arg9[%parallel_loop3A_228, %parallel_loop3A_1027] : memref<400x64xi32, #tpu.memory_space<vmem>>[vector<16xi32>, vector<16xi32>], vector<16xi32>,
        %parallel_loop3A_1029 = tpu.vector_load_idx %arg10[%parallel_loop3A_228, %parallel_loop3A_1027] : memref<400x64xi32, #tpu.memory_space<vmem>>[vector<16xi32>, vector<16xi32>], vector<16xi32>,
        %parallel_loop3A_1030 = vector.bitcast %parallel_loop3A_1028 : vector<16xi32> to vector<32xbf16>
        %parallel_loop3A_1031 = vector.bitcast %parallel_loop3A_1029 : vector<16xi32> to vector<32xbf16>
        %parallel_loop3A_1032 = arith.mulf %parallel_loop3A_1030, %parallel_loop3A_1031 : vector<32xbf16>
        %parallel_loop3A_1033 = tpu.unpack_subelements %parallel_loop3A_1032, 0 {pack_format = #tpu.pack_format<interleaved>} : vector<32xbf16> -> vector<16xf32>
        %parallel_loop3A_1034 = tpu.unpack_subelements %parallel_loop3A_1032, 1 {pack_format = #tpu.pack_format<interleaved>} : vector<32xbf16> -> vector<16xf32>
        %parallel_loop3A_1035 = arith.addf %parallel_loop3A_1020, %parallel_loop3A_1033 : vector<16xf32>
        %parallel_loop3A_1036 = arith.addf %parallel_loop3A_1021, %parallel_loop3A_1034 : vector<16xf32>
        %parallel_loop3A_1037 = arith.constant 1 : i32
        %parallel_loop3A_1038 = vector.broadcast %parallel_loop3A_1037 : i32 to vector<16xi32>
        %parallel_loop3A_1039 = arith.addi %parallel_loop3A_1027, %parallel_loop3A_1038 : vector<16xi32>
        %parallel_loop3A_1040 = arith.constant 63 : i32
        %parallel_loop3A_1041 = vector.broadcast %parallel_loop3A_1040 : i32 to vector<16xi32>
        %parallel_loop3A_1042 = arith.andi %parallel_loop3A_1039, %parallel_loop3A_1041 : vector<16xi32>
        %parallel_loop3A_1043 = tpu.vector_load_idx %arg9[%parallel_loop3A_228, %parallel_loop3A_1042] : memref<400x64xi32, #tpu.memory_space<vmem>>[vector<16xi32>, vector<16xi32>], vector<16xi32>,
        %parallel_loop3A_1044 = tpu.vector_load_idx %arg10[%parallel_loop3A_228, %parallel_loop3A_1042] : memref<400x64xi32, #tpu.memory_space<vmem>>[vector<16xi32>, vector<16xi32>], vector<16xi32>,
        %parallel_loop3A_1045 = vector.bitcast %parallel_loop3A_1043 : vector<16xi32> to vector<32xbf16>
        %parallel_loop3A_1046 = vector.bitcast %parallel_loop3A_1044 : vector<16xi32> to vector<32xbf16>
        %parallel_loop3A_1047 = arith.mulf %parallel_loop3A_1045, %parallel_loop3A_1046 : vector<32xbf16>
        %parallel_loop3A_1048 = tpu.unpack_subelements %parallel_loop3A_1047, 0 {pack_format = #tpu.pack_format<interleaved>} : vector<32xbf16> -> vector<16xf32>
        %parallel_loop3A_1049 = tpu.unpack_subelements %parallel_loop3A_1047, 1 {pack_format = #tpu.pack_format<interleaved>} : vector<32xbf16> -> vector<16xf32>
        %parallel_loop3A_1050 = arith.addf %parallel_loop3A_1035, %parallel_loop3A_1048 : vector<16xf32>
        %parallel_loop3A_1051 = arith.addf %parallel_loop3A_1036, %parallel_loop3A_1049 : vector<16xf32>
        %parallel_loop3A_1052 = arith.constant 1 : i32
        %parallel_loop3A_1053 = vector.broadcast %parallel_loop3A_1052 : i32 to vector<16xi32>
        %parallel_loop3A_1054 = arith.addi %parallel_loop3A_1042, %parallel_loop3A_1053 : vector<16xi32>
        %parallel_loop3A_1055 = arith.constant 63 : i32
        %parallel_loop3A_1056 = vector.broadcast %parallel_loop3A_1055 : i32 to vector<16xi32>
        %parallel_loop3A_1057 = arith.andi %parallel_loop3A_1054, %parallel_loop3A_1056 : vector<16xi32>
        %parallel_loop3A_1058 = tpu.vector_load_idx %arg9[%parallel_loop3A_228, %parallel_loop3A_1057] : memref<400x64xi32, #tpu.memory_space<vmem>>[vector<16xi32>, vector<16xi32>], vector<16xi32>,
        %parallel_loop3A_1059 = tpu.vector_load_idx %arg10[%parallel_loop3A_228, %parallel_loop3A_1057] : memref<400x64xi32, #tpu.memory_space<vmem>>[vector<16xi32>, vector<16xi32>], vector<16xi32>,
        %parallel_loop3A_1060 = vector.bitcast %parallel_loop3A_1058 : vector<16xi32> to vector<32xbf16>
        %parallel_loop3A_1061 = vector.bitcast %parallel_loop3A_1059 : vector<16xi32> to vector<32xbf16>
        %parallel_loop3A_1062 = arith.mulf %parallel_loop3A_1060, %parallel_loop3A_1061 : vector<32xbf16>
        %parallel_loop3A_1063 = tpu.unpack_subelements %parallel_loop3A_1062, 0 {pack_format = #tpu.pack_format<interleaved>} : vector<32xbf16> -> vector<16xf32>
        %parallel_loop3A_1064 = tpu.unpack_subelements %parallel_loop3A_1062, 1 {pack_format = #tpu.pack_format<interleaved>} : vector<32xbf16> -> vector<16xf32>
        %parallel_loop3A_1065 = arith.addf %parallel_loop3A_1050, %parallel_loop3A_1063 : vector<16xf32>
        %parallel_loop3A_1066 = arith.addf %parallel_loop3A_1051, %parallel_loop3A_1064 : vector<16xf32>
        %parallel_loop3A_1067 = arith.constant 1 : i32
        %parallel_loop3A_1068 = vector.broadcast %parallel_loop3A_1067 : i32 to vector<16xi32>
        %parallel_loop3A_1069 = arith.addi %parallel_loop3A_1057, %parallel_loop3A_1068 : vector<16xi32>
        %parallel_loop3A_1070 = arith.constant 63 : i32
        %parallel_loop3A_1071 = vector.broadcast %parallel_loop3A_1070 : i32 to vector<16xi32>
        %parallel_loop3A_1072 = arith.andi %parallel_loop3A_1069, %parallel_loop3A_1071 : vector<16xi32>
        %parallel_loop3A_1073 = tpu.vector_load_idx %arg9[%parallel_loop3A_228, %parallel_loop3A_1072] : memref<400x64xi32, #tpu.memory_space<vmem>>[vector<16xi32>, vector<16xi32>], vector<16xi32>,
        %parallel_loop3A_1074 = tpu.vector_load_idx %arg10[%parallel_loop3A_228, %parallel_loop3A_1072] : memref<400x64xi32, #tpu.memory_space<vmem>>[vector<16xi32>, vector<16xi32>], vector<16xi32>,
        %parallel_loop3A_1075 = vector.bitcast %parallel_loop3A_1073 : vector<16xi32> to vector<32xbf16>
        %parallel_loop3A_1076 = vector.bitcast %parallel_loop3A_1074 : vector<16xi32> to vector<32xbf16>
        %parallel_loop3A_1077 = arith.mulf %parallel_loop3A_1075, %parallel_loop3A_1076 : vector<32xbf16>
        %parallel_loop3A_1078 = tpu.unpack_subelements %parallel_loop3A_1077, 0 {pack_format = #tpu.pack_format<interleaved>} : vector<32xbf16> -> vector<16xf32>
        %parallel_loop3A_1079 = tpu.unpack_subelements %parallel_loop3A_1077, 1 {pack_format = #tpu.pack_format<interleaved>} : vector<32xbf16> -> vector<16xf32>
        %parallel_loop3A_1080 = arith.addf %parallel_loop3A_1065, %parallel_loop3A_1078 : vector<16xf32>
        %parallel_loop3A_1081 = arith.addf %parallel_loop3A_1066, %parallel_loop3A_1079 : vector<16xf32>
        %parallel_loop3A_1082 = arith.constant 1 : i32
        %parallel_loop3A_1083 = vector.broadcast %parallel_loop3A_1082 : i32 to vector<16xi32>
        %parallel_loop3A_1084 = arith.addi %parallel_loop3A_1072, %parallel_loop3A_1083 : vector<16xi32>
        %parallel_loop3A_1085 = arith.constant 63 : i32
        %parallel_loop3A_1086 = vector.broadcast %parallel_loop3A_1085 : i32 to vector<16xi32>
        %parallel_loop3A_1087 = arith.andi %parallel_loop3A_1084, %parallel_loop3A_1086 : vector<16xi32>
        %parallel_loop3A_1088 = tpu.vector_load_idx %arg9[%parallel_loop3A_228, %parallel_loop3A_1087] : memref<400x64xi32, #tpu.memory_space<vmem>>[vector<16xi32>, vector<16xi32>], vector<16xi32>,
        %parallel_loop3A_1089 = tpu.vector_load_idx %arg10[%parallel_loop3A_228, %parallel_loop3A_1087] : memref<400x64xi32, #tpu.memory_space<vmem>>[vector<16xi32>, vector<16xi32>], vector<16xi32>,
        %parallel_loop3A_1090 = vector.bitcast %parallel_loop3A_1088 : vector<16xi32> to vector<32xbf16>
        %parallel_loop3A_1091 = vector.bitcast %parallel_loop3A_1089 : vector<16xi32> to vector<32xbf16>
        %parallel_loop3A_1092 = arith.mulf %parallel_loop3A_1090, %parallel_loop3A_1091 : vector<32xbf16>
        %parallel_loop3A_1093 = tpu.unpack_subelements %parallel_loop3A_1092, 0 {pack_format = #tpu.pack_format<interleaved>} : vector<32xbf16> -> vector<16xf32>
        %parallel_loop3A_1094 = tpu.unpack_subelements %parallel_loop3A_1092, 1 {pack_format = #tpu.pack_format<interleaved>} : vector<32xbf16> -> vector<16xf32>
        %parallel_loop3A_1095 = arith.addf %parallel_loop3A_1080, %parallel_loop3A_1093 : vector<16xf32>
        %parallel_loop3A_1096 = arith.addf %parallel_loop3A_1081, %parallel_loop3A_1094 : vector<16xf32>
        %parallel_loop3A_1097 = arith.constant 1 : i32
        %parallel_loop3A_1098 = vector.broadcast %parallel_loop3A_1097 : i32 to vector<16xi32>
        %parallel_loop3A_1099 = arith.addi %parallel_loop3A_1087, %parallel_loop3A_1098 : vector<16xi32>
        %parallel_loop3A_1100 = arith.constant 63 : i32
        %parallel_loop3A_1101 = vector.broadcast %parallel_loop3A_1100 : i32 to vector<16xi32>
        %parallel_loop3A_1102 = arith.andi %parallel_loop3A_1099, %parallel_loop3A_1101 : vector<16xi32>
        %parallel_loop3A_1103 = tpu.vector_load_idx %arg9[%parallel_loop3A_228, %parallel_loop3A_1102] : memref<400x64xi32, #tpu.memory_space<vmem>>[vector<16xi32>, vector<16xi32>], vector<16xi32>,
        %parallel_loop3A_1104 = tpu.vector_load_idx %arg10[%parallel_loop3A_228, %parallel_loop3A_1102] : memref<400x64xi32, #tpu.memory_space<vmem>>[vector<16xi32>, vector<16xi32>], vector<16xi32>,
        %parallel_loop3A_1105 = vector.bitcast %parallel_loop3A_1103 : vector<16xi32> to vector<32xbf16>
        %parallel_loop3A_1106 = vector.bitcast %parallel_loop3A_1104 : vector<16xi32> to vector<32xbf16>
        %parallel_loop3A_1107 = arith.mulf %parallel_loop3A_1105, %parallel_loop3A_1106 : vector<32xbf16>
        %parallel_loop3A_1108 = tpu.unpack_subelements %parallel_loop3A_1107, 0 {pack_format = #tpu.pack_format<interleaved>} : vector<32xbf16> -> vector<16xf32>
        %parallel_loop3A_1109 = tpu.unpack_subelements %parallel_loop3A_1107, 1 {pack_format = #tpu.pack_format<interleaved>} : vector<32xbf16> -> vector<16xf32>
        %parallel_loop3A_1110 = arith.addf %parallel_loop3A_1095, %parallel_loop3A_1108 : vector<16xf32>
        %parallel_loop3A_1111 = arith.addf %parallel_loop3A_1096, %parallel_loop3A_1109 : vector<16xf32>
        %parallel_loop3A_1112 = arith.constant 1 : i32
        %parallel_loop3A_1113 = vector.broadcast %parallel_loop3A_1112 : i32 to vector<16xi32>
        %parallel_loop3A_1114 = arith.addi %parallel_loop3A_1102, %parallel_loop3A_1113 : vector<16xi32>
        %parallel_loop3A_1115 = arith.constant 63 : i32
        %parallel_loop3A_1116 = vector.broadcast %parallel_loop3A_1115 : i32 to vector<16xi32>
        %parallel_loop3A_1117 = arith.andi %parallel_loop3A_1114, %parallel_loop3A_1116 : vector<16xi32>
        %parallel_loop3A_1118 = tpu.vector_load_idx %arg9[%parallel_loop3A_228, %parallel_loop3A_1117] : memref<400x64xi32, #tpu.memory_space<vmem>>[vector<16xi32>, vector<16xi32>], vector<16xi32>,
        %parallel_loop3A_1119 = tpu.vector_load_idx %arg10[%parallel_loop3A_228, %parallel_loop3A_1117] : memref<400x64xi32, #tpu.memory_space<vmem>>[vector<16xi32>, vector<16xi32>], vector<16xi32>,
        %parallel_loop3A_1120 = vector.bitcast %parallel_loop3A_1118 : vector<16xi32> to vector<32xbf16>
        %parallel_loop3A_1121 = vector.bitcast %parallel_loop3A_1119 : vector<16xi32> to vector<32xbf16>
        %parallel_loop3A_1122 = arith.mulf %parallel_loop3A_1120, %parallel_loop3A_1121 : vector<32xbf16>
        %parallel_loop3A_1123 = tpu.unpack_subelements %parallel_loop3A_1122, 0 {pack_format = #tpu.pack_format<interleaved>} : vector<32xbf16> -> vector<16xf32>
        %parallel_loop3A_1124 = tpu.unpack_subelements %parallel_loop3A_1122, 1 {pack_format = #tpu.pack_format<interleaved>} : vector<32xbf16> -> vector<16xf32>
        %parallel_loop3A_1125 = arith.addf %parallel_loop3A_1110, %parallel_loop3A_1123 : vector<16xf32>
        %parallel_loop3A_1126 = arith.addf %parallel_loop3A_1111, %parallel_loop3A_1124 : vector<16xf32>
        %parallel_loop3A_1127 = arith.constant 1 : i32
        %parallel_loop3A_1128 = vector.broadcast %parallel_loop3A_1127 : i32 to vector<16xi32>
        %parallel_loop3A_1129 = arith.addi %parallel_loop3A_1117, %parallel_loop3A_1128 : vector<16xi32>
        %parallel_loop3A_1130 = arith.constant 63 : i32
        %parallel_loop3A_1131 = vector.broadcast %parallel_loop3A_1130 : i32 to vector<16xi32>
        %parallel_loop3A_1132 = arith.andi %parallel_loop3A_1129, %parallel_loop3A_1131 : vector<16xi32>
        %parallel_loop3A_1133 = tpu.vector_load_idx %arg9[%parallel_loop3A_228, %parallel_loop3A_1132] : memref<400x64xi32, #tpu.memory_space<vmem>>[vector<16xi32>, vector<16xi32>], vector<16xi32>,
        %parallel_loop3A_1134 = tpu.vector_load_idx %arg10[%parallel_loop3A_228, %parallel_loop3A_1132] : memref<400x64xi32, #tpu.memory_space<vmem>>[vector<16xi32>, vector<16xi32>], vector<16xi32>,
        %parallel_loop3A_1135 = vector.bitcast %parallel_loop3A_1133 : vector<16xi32> to vector<32xbf16>
        %parallel_loop3A_1136 = vector.bitcast %parallel_loop3A_1134 : vector<16xi32> to vector<32xbf16>
        %parallel_loop3A_1137 = arith.mulf %parallel_loop3A_1135, %parallel_loop3A_1136 : vector<32xbf16>
        %parallel_loop3A_1138 = tpu.unpack_subelements %parallel_loop3A_1137, 0 {pack_format = #tpu.pack_format<interleaved>} : vector<32xbf16> -> vector<16xf32>
        %parallel_loop3A_1139 = tpu.unpack_subelements %parallel_loop3A_1137, 1 {pack_format = #tpu.pack_format<interleaved>} : vector<32xbf16> -> vector<16xf32>
        %parallel_loop3A_1140 = arith.addf %parallel_loop3A_1125, %parallel_loop3A_1138 : vector<16xf32>
        %parallel_loop3A_1141 = arith.addf %parallel_loop3A_1126, %parallel_loop3A_1139 : vector<16xf32>
        %parallel_loop3A_1142 = arith.constant 1 : i32
        %parallel_loop3A_1143 = vector.broadcast %parallel_loop3A_1142 : i32 to vector<16xi32>
        %parallel_loop3A_1144 = arith.addi %parallel_loop3A_1132, %parallel_loop3A_1143 : vector<16xi32>
        %parallel_loop3A_1145 = arith.constant 63 : i32
        %parallel_loop3A_1146 = vector.broadcast %parallel_loop3A_1145 : i32 to vector<16xi32>
        %parallel_loop3A_1147 = arith.andi %parallel_loop3A_1144, %parallel_loop3A_1146 : vector<16xi32>
        %parallel_loop3A_1148 = tpu.vector_load_idx %arg9[%parallel_loop3A_228, %parallel_loop3A_1147] : memref<400x64xi32, #tpu.memory_space<vmem>>[vector<16xi32>, vector<16xi32>], vector<16xi32>,
        %parallel_loop3A_1149 = tpu.vector_load_idx %arg10[%parallel_loop3A_228, %parallel_loop3A_1147] : memref<400x64xi32, #tpu.memory_space<vmem>>[vector<16xi32>, vector<16xi32>], vector<16xi32>,
        %parallel_loop3A_1150 = vector.bitcast %parallel_loop3A_1148 : vector<16xi32> to vector<32xbf16>
        %parallel_loop3A_1151 = vector.bitcast %parallel_loop3A_1149 : vector<16xi32> to vector<32xbf16>
        %parallel_loop3A_1152 = arith.mulf %parallel_loop3A_1150, %parallel_loop3A_1151 : vector<32xbf16>
        %parallel_loop3A_1153 = tpu.unpack_subelements %parallel_loop3A_1152, 0 {pack_format = #tpu.pack_format<interleaved>} : vector<32xbf16> -> vector<16xf32>
        %parallel_loop3A_1154 = tpu.unpack_subelements %parallel_loop3A_1152, 1 {pack_format = #tpu.pack_format<interleaved>} : vector<32xbf16> -> vector<16xf32>
        %parallel_loop3A_1155 = arith.addf %parallel_loop3A_1140, %parallel_loop3A_1153 : vector<16xf32>
        %parallel_loop3A_1156 = arith.addf %parallel_loop3A_1141, %parallel_loop3A_1154 : vector<16xf32>
        %parallel_loop3A_1157 = arith.constant 1 : i32
        %parallel_loop3A_1158 = vector.broadcast %parallel_loop3A_1157 : i32 to vector<16xi32>
        %parallel_loop3A_1159 = arith.addi %parallel_loop3A_1147, %parallel_loop3A_1158 : vector<16xi32>
        %parallel_loop3A_1160 = arith.constant 63 : i32
        %parallel_loop3A_1161 = vector.broadcast %parallel_loop3A_1160 : i32 to vector<16xi32>
        %parallel_loop3A_1162 = arith.andi %parallel_loop3A_1159, %parallel_loop3A_1161 : vector<16xi32>
        %parallel_loop3A_1163 = tpu.vector_load_idx %arg9[%parallel_loop3A_228, %parallel_loop3A_1162] : memref<400x64xi32, #tpu.memory_space<vmem>>[vector<16xi32>, vector<16xi32>], vector<16xi32>,
        %parallel_loop3A_1164 = tpu.vector_load_idx %arg10[%parallel_loop3A_228, %parallel_loop3A_1162] : memref<400x64xi32, #tpu.memory_space<vmem>>[vector<16xi32>, vector<16xi32>], vector<16xi32>,
        %parallel_loop3A_1165 = vector.bitcast %parallel_loop3A_1163 : vector<16xi32> to vector<32xbf16>
        %parallel_loop3A_1166 = vector.bitcast %parallel_loop3A_1164 : vector<16xi32> to vector<32xbf16>
        %parallel_loop3A_1167 = arith.mulf %parallel_loop3A_1165, %parallel_loop3A_1166 : vector<32xbf16>
        %parallel_loop3A_1168 = tpu.unpack_subelements %parallel_loop3A_1167, 0 {pack_format = #tpu.pack_format<interleaved>} : vector<32xbf16> -> vector<16xf32>
        %parallel_loop3A_1169 = tpu.unpack_subelements %parallel_loop3A_1167, 1 {pack_format = #tpu.pack_format<interleaved>} : vector<32xbf16> -> vector<16xf32>
        %parallel_loop3A_1170 = arith.addf %parallel_loop3A_1155, %parallel_loop3A_1168 : vector<16xf32>
        %parallel_loop3A_1171 = arith.addf %parallel_loop3A_1156, %parallel_loop3A_1169 : vector<16xf32>
        %parallel_loop3A_1172 = arith.constant 1 : i32
        %parallel_loop3A_1173 = vector.broadcast %parallel_loop3A_1172 : i32 to vector<16xi32>
        %parallel_loop3A_1174 = arith.addi %parallel_loop3A_1162, %parallel_loop3A_1173 : vector<16xi32>
        %parallel_loop3A_1175 = arith.constant 63 : i32
        %parallel_loop3A_1176 = vector.broadcast %parallel_loop3A_1175 : i32 to vector<16xi32>
        %parallel_loop3A_1177 = arith.andi %parallel_loop3A_1174, %parallel_loop3A_1176 : vector<16xi32>
        %parallel_loop3A_1178 = tpu.vector_load_idx %arg9[%parallel_loop3A_228, %parallel_loop3A_1177] : memref<400x64xi32, #tpu.memory_space<vmem>>[vector<16xi32>, vector<16xi32>], vector<16xi32>,
        %parallel_loop3A_1179 = tpu.vector_load_idx %arg10[%parallel_loop3A_228, %parallel_loop3A_1177] : memref<400x64xi32, #tpu.memory_space<vmem>>[vector<16xi32>, vector<16xi32>], vector<16xi32>,
        %parallel_loop3A_1180 = vector.bitcast %parallel_loop3A_1178 : vector<16xi32> to vector<32xbf16>
        %parallel_loop3A_1181 = vector.bitcast %parallel_loop3A_1179 : vector<16xi32> to vector<32xbf16>
        %parallel_loop3A_1182 = arith.mulf %parallel_loop3A_1180, %parallel_loop3A_1181 : vector<32xbf16>
        %parallel_loop3A_1183 = tpu.unpack_subelements %parallel_loop3A_1182, 0 {pack_format = #tpu.pack_format<interleaved>} : vector<32xbf16> -> vector<16xf32>
        %parallel_loop3A_1184 = tpu.unpack_subelements %parallel_loop3A_1182, 1 {pack_format = #tpu.pack_format<interleaved>} : vector<32xbf16> -> vector<16xf32>
        %parallel_loop3A_1185 = arith.addf %parallel_loop3A_1170, %parallel_loop3A_1183 : vector<16xf32>
        %parallel_loop3A_1186 = arith.addf %parallel_loop3A_1171, %parallel_loop3A_1184 : vector<16xf32>
        %parallel_loop3A_1187 = arith.addf %parallel_loop3A_1185, %parallel_loop3A_1186 : vector<16xf32>
        %parallel_loop3A_1188 = arith.constant 0.000000e+00 : f32
        %parallel_loop3A_1189 = vector.broadcast %parallel_loop3A_1188 : f32 to vector<16xf32>
        %parallel_loop3A_1190 = arith.subf %parallel_loop3A_1189, %parallel_loop3A_1187 : vector<16xf32>
        %parallel_loop3A_1191 = math.exp %parallel_loop3A_1190 : vector<16xf32>
        %parallel_loop3A_1192 = arith.constant 1.000000e+00 : f32
        %parallel_loop3A_1193 = vector.broadcast %parallel_loop3A_1192 : f32 to vector<16xf32>
        %parallel_loop3A_1194 = arith.addf %parallel_loop3A_1193, %parallel_loop3A_1191 : vector<16xf32>
        %parallel_loop3A_1195 = arith.constant 1.000000e+00 : f32
        %parallel_loop3A_1196 = vector.broadcast %parallel_loop3A_1195 : f32 to vector<16xf32>
        %parallel_loop3A_1197 = arith.divf %parallel_loop3A_1196, %parallel_loop3A_1194 : vector<16xf32>
        %parallel_loop3A_1198 = arith.constant 16 : i32
        %parallel_loop3A_1199 = arith.muli %parallel_loop3A_223, %parallel_loop3A_1198 : i32
        %parallel_loop3A_1200 = arith.index_cast %parallel_loop3A_1199 : i32 to index
        %parallel_loop3A_1201 = tpu.vector_load %arg13[%parallel_loop3A_1200] {strides = array<i32>} : memref<400xf32, #tpu.memory_space<vmem>>, vector<16xf32>,
        tpu.vector_store %arg13[%parallel_loop3A_1200], %parallel_loop3A_1197 {strides = array<i32>} : memref<400xf32, #tpu.memory_space<vmem>>, vector<16xf32>,
      } {sc.loop_unroll_factor = 2 : i64, sc.parallel_access}
      %mul3A_208 = arith.constant 32 : i32
      %mul3A_209 = arith.muli %mul3A_208, %add3A_170 : i32
      %add3A_210 = arith.addi %add3A, %mul3A_209 : i32
      %mul3A_211 = arith.constant 400 : i32
      %mul3A_212 = arith.muli %add3A_210, %mul3A_211 : i32
      %dma_start3A_213 = tpu.memref_slice %arg4[%mul3A_212] : memref<320000xf32, #tpu.memory_space<hbm>> -> memref<400xf32, #tpu.memory_space<hbm>>
      %dma_start3A_214 = tpu.memref_slice %arg4[%mul3A_212] : memref<320000xf32, #tpu.memory_space<hbm>> -> memref<400xf32, #tpu.memory_space<hbm>>
      tpu.enqueue_dma source(%arg13 : memref<400xf32, #tpu.memory_space<vmem>>) target(%dma_start3A_214 : memref<400xf32, #tpu.memory_space<hbm>>) target_semaphore(%arg19 : memref<!tpu.dma_semaphore, #tpu.memory_space<semaphore_mem>>)
      %mul3A_215 = arith.constant 2 : i32
      %mul3A_216 = arith.muli %mul3A_215, %scan3A_166 : i32
      %add3A_217 = arith.constant 1 : i32
      %add3A_218 = arith.addi %mul3A_216, %add3A_217 : i32
      %lt3A_219 = arith.cmpi slt, %add3A_218, %scan3A_103 : i32
      %convert_element_type3A_220 = arith.extui %lt3A_219 : i1 to i32
      %cond3A_221 = arith.constant 0 : i32
      %cond3A_222 = arith.cmpi ne, %convert_element_type3A_220, %cond3A_221 : i32
      scf.if %cond3A_222 {
        %add3A_223 = arith.constant 1 : i32
        %add3A_224 = arith.addi %add3A_218, %add3A_223 : i32
        %lt3A_225 = arith.cmpi slt, %add3A_224, %scan3A_103 : i32
        %convert_element_type3A_226 = arith.extui %lt3A_225 : i1 to i32
        %cond3A_227 = arith.constant 0 : i32
        %cond3A_228 = arith.cmpi ne, %convert_element_type3A_226, %cond3A_227 : i32
        scf.if %cond3A_228 {
          %add3A_270 = arith.constant 1 : i32
          %add3A_271 = arith.addi %add3A_218, %add3A_270 : i32
          %mul3A_272 = arith.constant 32 : i32
          %mul3A_273 = arith.muli %mul3A_272, %add3A_271 : i32
          %add3A_274 = arith.addi %add3A, %mul3A_273 : i32
          %mul3A_275 = arith.constant 400 : i32
          %mul3A_276 = arith.muli %add3A_274, %mul3A_275 : i32
          %add3A_277 = arith.constant 0 : i32
          %add3A_278 = arith.addi %mul3A_276, %add3A_277 : i32
          %dma_wait3A_279 = arith.constant 0 : i32
          %dma_wait3A_280 = arith.constant 0 : i32
          %dma_wait3A_281 = tpu.memref_slice %arg5[%dma_wait3A_279, %dma_wait3A_280] : memref<1x400xi32, #tpu.memory_space<vmem>> -> memref<1x400xi32, #tpu.memory_space<vmem>>
          %dma_wait3A_282 = tpu.memref_squeeze %dma_wait3A_281 : memref<1x400xi32, #tpu.memory_space<vmem>> -> memref<400xi32, #tpu.memory_space<vmem>>
          %dma_wait3A_283 = tpu.memref_slice %arg3[%add3A_278] : memref<640000xi32, #tpu.memory_space<hbm>> -> memref<400xi32, #tpu.memory_space<hbm>>
          %dma_wait3A_284 = arith.constant 0 : i32
          %dma_wait3A_285 = tpu.memref_slice %arg5[%dma_wait3A_279, %dma_wait3A_284] : memref<1x400xi32, #tpu.memory_space<vmem>> -> memref<1x400xi32, #tpu.memory_space<vmem>>
          %dma_wait3A_286 = tpu.memref_squeeze %dma_wait3A_285 : memref<1x400xi32, #tpu.memory_space<vmem>> -> memref<400xi32, #tpu.memory_space<vmem>>
          %dma_wait3A_287 = tpu.memref_slice %arg3[%add3A_278] : memref<640000xi32, #tpu.memory_space<hbm>> -> memref<400xi32, #tpu.memory_space<hbm>>
          tpu.wait_dma2 semaphore(%arg15 : memref<!tpu.dma_semaphore, #tpu.memory_space<semaphore_mem>>) src(%dma_wait3A_287 : memref<400xi32, #tpu.memory_space<hbm>>) dst(%dma_wait3A_286 : memref<400xi32, #tpu.memory_space<vmem>>)
          %add3A_288 = arith.constant 320000 : i32
          %add3A_289 = arith.addi %add3A_288, %mul3A_276 : i32
          %add3A_290 = arith.constant 0 : i32
          %add3A_291 = arith.addi %add3A_289, %add3A_290 : i32
          %dma_wait3A_292 = arith.constant 0 : i32
          %dma_wait3A_293 = arith.constant 0 : i32
          %dma_wait3A_294 = tpu.memref_slice %arg6[%dma_wait3A_292, %dma_wait3A_293] : memref<1x400xi32, #tpu.memory_space<vmem>> -> memref<1x400xi32, #tpu.memory_space<vmem>>
          %dma_wait3A_295 = tpu.memref_squeeze %dma_wait3A_294 : memref<1x400xi32, #tpu.memory_space<vmem>> -> memref<400xi32, #tpu.memory_space<vmem>>
          %dma_wait3A_296 = tpu.memref_slice %arg3[%add3A_291] : memref<640000xi32, #tpu.memory_space<hbm>> -> memref<400xi32, #tpu.memory_space<hbm>>
          %dma_wait3A_297 = arith.constant 0 : i32
          %dma_wait3A_298 = tpu.memref_slice %arg6[%dma_wait3A_292, %dma_wait3A_297] : memref<1x400xi32, #tpu.memory_space<vmem>> -> memref<1x400xi32, #tpu.memory_space<vmem>>
          %dma_wait3A_299 = tpu.memref_squeeze %dma_wait3A_298 : memref<1x400xi32, #tpu.memory_space<vmem>> -> memref<400xi32, #tpu.memory_space<vmem>>
          %dma_wait3A_300 = tpu.memref_slice %arg3[%add3A_291] : memref<640000xi32, #tpu.memory_space<hbm>> -> memref<400xi32, #tpu.memory_space<hbm>>
          tpu.wait_dma2 semaphore(%arg15 : memref<!tpu.dma_semaphore, #tpu.memory_space<semaphore_mem>>) src(%dma_wait3A_300 : memref<400xi32, #tpu.memory_space<hbm>>) dst(%dma_wait3A_299 : memref<400xi32, #tpu.memory_space<vmem>>)
          %dma_start3A_301 = arith.constant 0 : i32
          %dma_start3A_302 = arith.constant 0 : i32
          %dma_start3A_303 = arith.constant 0 : i32
          %dma_start3A_304 = tpu.memref_slice %arg9[%dma_start3A_302, %dma_start3A_303] : memref<400x64xi32, #tpu.memory_space<vmem>> -> memref<400x64xi32, #tpu.memory_space<vmem>>
          %dma_start3A_305 = arith.constant 0 : i32
          %dma_start3A_306 = tpu.memref_slice %arg5[%dma_start3A_301, %dma_start3A_305] : memref<1x400xi32, #tpu.memory_space<vmem>> -> memref<1x400xi32, #tpu.memory_space<vmem>>
          %dma_start3A_307 = tpu.memref_squeeze %dma_start3A_306 : memref<1x400xi32, #tpu.memory_space<vmem>> -> memref<400xi32, #tpu.memory_space<vmem>>
          %dma_start3A_308 = arith.constant 0 : i32
          %dma_start3A_309 = arith.constant 0 : i32
          %dma_start3A_310 = tpu.memref_slice %arg2[%dma_start3A_308, %dma_start3A_309] : memref<10000x64xi32, #tpu.memory_space<hbm>> -> memref<10000x64xi32, #tpu.memory_space<hbm>>
          tpu.enqueue_indirect_dma source(%dma_start3A_310 : memref<10000x64xi32, #tpu.memory_space<hbm>>) target(%dma_start3A_304 : memref<400x64xi32, #tpu.memory_space<vmem>>) offsets(%dma_start3A_307 : memref<400xi32, #tpu.memory_space<vmem>>) semaphore(%arg17 : memref<!tpu.dma_semaphore, #tpu.memory_space<semaphore_mem>>)
          %dma_start3A_311 = arith.constant 0 : i32
          %dma_start3A_312 = arith.constant 0 : i32
          %dma_start3A_313 = arith.constant 0 : i32
          %dma_start3A_314 = tpu.memref_slice %arg10[%dma_start3A_312, %dma_start3A_313] : memref<400x64xi32, #tpu.memory_space<vmem>> -> memref<400x64xi32, #tpu.memory_space<vmem>>
          %dma_start3A_315 = arith.constant 0 : i32
          %dma_start3A_316 = tpu.memref_slice %arg6[%dma_start3A_311, %dma_start3A_315] : memref<1x400xi32, #tpu.memory_space<vmem>> -> memref<1x400xi32, #tpu.memory_space<vmem>>
          %dma_start3A_317 = tpu.memref_squeeze %dma_start3A_316 : memref<1x400xi32, #tpu.memory_space<vmem>> -> memref<400xi32, #tpu.memory_space<vmem>>
          %dma_start3A_318 = arith.constant 0 : i32
          %dma_start3A_319 = arith.constant 0 : i32
          %dma_start3A_320 = tpu.memref_slice %arg2[%dma_start3A_318, %dma_start3A_319] : memref<10000x64xi32, #tpu.memory_space<hbm>> -> memref<10000x64xi32, #tpu.memory_space<hbm>>
          tpu.enqueue_indirect_dma source(%dma_start3A_320 : memref<10000x64xi32, #tpu.memory_space<hbm>>) target(%dma_start3A_314 : memref<400x64xi32, #tpu.memory_space<vmem>>) offsets(%dma_start3A_317 : memref<400xi32, #tpu.memory_space<vmem>>) semaphore(%arg17 : memref<!tpu.dma_semaphore, #tpu.memory_space<semaphore_mem>>)
        } else {
        }
        %dma_wait3A_229 = arith.constant 0 : i32
        %dma_wait3A_230 = arith.constant 0 : i32
        %dma_wait3A_231 = arith.constant 0 : i32
        %dma_wait3A_232 = tpu.memref_slice %arg11[%dma_wait3A_230, %dma_wait3A_231] : memref<400x64xi32, #tpu.memory_space<vmem>> -> memref<400x64xi32, #tpu.memory_space<vmem>>
        %dma_wait3A_233 = arith.constant 0 : i32
        %dma_wait3A_234 = tpu.memref_slice %arg7[%dma_wait3A_229, %dma_wait3A_233] : memref<1x400xi32, #tpu.memory_space<vmem>> -> memref<1x400xi32, #tpu.memory_space<vmem>>
        %dma_wait3A_235 = tpu.memref_squeeze %dma_wait3A_234 : memref<1x400xi32, #tpu.memory_space<vmem>> -> memref<400xi32, #tpu.memory_space<vmem>>
        %dma_wait3A_236 = arith.constant 0 : i32
        %dma_wait3A_237 = arith.constant 0 : i32
        %dma_wait3A_238 = tpu.memref_slice %arg2[%dma_wait3A_236, %dma_wait3A_237] : memref<10000x64xi32, #tpu.memory_space<hbm>> -> memref<10000x64xi32, #tpu.memory_space<hbm>>
        tpu.wait_indirect_dma semaphore(%arg18 : memref<!tpu.dma_semaphore, #tpu.memory_space<semaphore_mem>>) src(%dma_wait3A_238 : memref<10000x64xi32, #tpu.memory_space<hbm>>) dst(%dma_wait3A_232 : memref<400x64xi32, #tpu.memory_space<vmem>>)
        %dma_wait3A_239 = arith.constant 0 : i32
        %dma_wait3A_240 = arith.constant 0 : i32
        %dma_wait3A_241 = arith.constant 0 : i32
        %dma_wait3A_242 = tpu.memref_slice %arg12[%dma_wait3A_240, %dma_wait3A_241] : memref<400x64xi32, #tpu.memory_space<vmem>> -> memref<400x64xi32, #tpu.memory_space<vmem>>
        %dma_wait3A_243 = arith.constant 0 : i32
        %dma_wait3A_244 = tpu.memref_slice %arg8[%dma_wait3A_239, %dma_wait3A_243] : memref<1x400xi32, #tpu.memory_space<vmem>> -> memref<1x400xi32, #tpu.memory_space<vmem>>
        %dma_wait3A_245 = tpu.memref_squeeze %dma_wait3A_244 : memref<1x400xi32, #tpu.memory_space<vmem>> -> memref<400xi32, #tpu.memory_space<vmem>>
        %dma_wait3A_246 = arith.constant 0 : i32
        %dma_wait3A_247 = arith.constant 0 : i32
        %dma_wait3A_248 = tpu.memref_slice %arg2[%dma_wait3A_246, %dma_wait3A_247] : memref<10000x64xi32, #tpu.memory_space<hbm>> -> memref<10000x64xi32, #tpu.memory_space<hbm>>
        tpu.wait_indirect_dma semaphore(%arg18 : memref<!tpu.dma_semaphore, #tpu.memory_space<semaphore_mem>>) src(%dma_wait3A_248 : memref<10000x64xi32, #tpu.memory_space<hbm>>) dst(%dma_wait3A_242 : memref<400x64xi32, #tpu.memory_space<vmem>>)
        %add3A_249 = arith.constant 2 : i32
        %add3A_250 = arith.addi %add3A_218, %add3A_249 : i32
        %lt3A_251 = arith.cmpi slt, %add3A_250, %scan3A_103 : i32
        %convert_element_type3A_252 = arith.extui %lt3A_251 : i1 to i32
        %cond3A_253 = arith.constant 0 : i32
        %cond3A_254 = arith.cmpi ne, %convert_element_type3A_252, %cond3A_253 : i32
        scf.if %cond3A_254 {
          %add3A_270 = arith.constant 2 : i32
          %add3A_271 = arith.addi %add3A_218, %add3A_270 : i32
          %mul3A_272 = arith.constant 32 : i32
          %mul3A_273 = arith.muli %mul3A_272, %add3A_271 : i32
          %add3A_274 = arith.addi %add3A, %mul3A_273 : i32
          %mul3A_275 = arith.constant 400 : i32
          %mul3A_276 = arith.muli %add3A_274, %mul3A_275 : i32
          %add3A_277 = arith.constant 0 : i32
          %add3A_278 = arith.addi %mul3A_276, %add3A_277 : i32
          %dma_start3A_279 = arith.constant 0 : i32
          %dma_start3A_280 = arith.constant 0 : i32
          %dma_start3A_281 = tpu.memref_slice %arg7[%dma_start3A_279, %dma_start3A_280] : memref<1x400xi32, #tpu.memory_space<vmem>> -> memref<1x400xi32, #tpu.memory_space<vmem>>
          %dma_start3A_282 = tpu.memref_squeeze %dma_start3A_281 : memref<1x400xi32, #tpu.memory_space<vmem>> -> memref<400xi32, #tpu.memory_space<vmem>>
          %dma_start3A_283 = tpu.memref_slice %arg3[%add3A_278] : memref<640000xi32, #tpu.memory_space<hbm>> -> memref<400xi32, #tpu.memory_space<hbm>>
          %dma_start3A_284 = arith.constant 0 : i32
          %dma_start3A_285 = tpu.memref_slice %arg7[%dma_start3A_279, %dma_start3A_284] : memref<1x400xi32, #tpu.memory_space<vmem>> -> memref<1x400xi32, #tpu.memory_space<vmem>>
          %dma_start3A_286 = tpu.memref_squeeze %dma_start3A_285 : memref<1x400xi32, #tpu.memory_space<vmem>> -> memref<400xi32, #tpu.memory_space<vmem>>
          %dma_start3A_287 = tpu.memref_slice %arg3[%add3A_278] : memref<640000xi32, #tpu.memory_space<hbm>> -> memref<400xi32, #tpu.memory_space<hbm>>
          tpu.enqueue_dma source(%dma_start3A_287 : memref<400xi32, #tpu.memory_space<hbm>>) target(%dma_start3A_286 : memref<400xi32, #tpu.memory_space<vmem>>) target_semaphore(%arg16 : memref<!tpu.dma_semaphore, #tpu.memory_space<semaphore_mem>>)
          %add3A_288 = arith.constant 320000 : i32
          %add3A_289 = arith.addi %add3A_288, %mul3A_276 : i32
          %add3A_290 = arith.constant 0 : i32
          %add3A_291 = arith.addi %add3A_289, %add3A_290 : i32
          %dma_start3A_292 = arith.constant 0 : i32
          %dma_start3A_293 = arith.constant 0 : i32
          %dma_start3A_294 = tpu.memref_slice %arg8[%dma_start3A_292, %dma_start3A_293] : memref<1x400xi32, #tpu.memory_space<vmem>> -> memref<1x400xi32, #tpu.memory_space<vmem>>
          %dma_start3A_295 = tpu.memref_squeeze %dma_start3A_294 : memref<1x400xi32, #tpu.memory_space<vmem>> -> memref<400xi32, #tpu.memory_space<vmem>>
          %dma_start3A_296 = tpu.memref_slice %arg3[%add3A_291] : memref<640000xi32, #tpu.memory_space<hbm>> -> memref<400xi32, #tpu.memory_space<hbm>>
          %dma_start3A_297 = arith.constant 0 : i32
          %dma_start3A_298 = tpu.memref_slice %arg8[%dma_start3A_292, %dma_start3A_297] : memref<1x400xi32, #tpu.memory_space<vmem>> -> memref<1x400xi32, #tpu.memory_space<vmem>>
          %dma_start3A_299 = tpu.memref_squeeze %dma_start3A_298 : memref<1x400xi32, #tpu.memory_space<vmem>> -> memref<400xi32, #tpu.memory_space<vmem>>
          %dma_start3A_300 = tpu.memref_slice %arg3[%add3A_291] : memref<640000xi32, #tpu.memory_space<hbm>> -> memref<400xi32, #tpu.memory_space<hbm>>
          tpu.enqueue_dma source(%dma_start3A_300 : memref<400xi32, #tpu.memory_space<hbm>>) target(%dma_start3A_299 : memref<400xi32, #tpu.memory_space<vmem>>) target_semaphore(%arg16 : memref<!tpu.dma_semaphore, #tpu.memory_space<semaphore_mem>>)
        } else {
        }
        %ge3A_255 = arith.constant 2 : i32
        %ge3A_256 = arith.cmpi sge, %add3A_218, %ge3A_255 : i32
        %convert_element_type3A_257 = arith.extui %ge3A_256 : i1 to i32
        %cond3A_258 = arith.constant 0 : i32
        %cond3A_259 = arith.cmpi ne, %convert_element_type3A_257, %cond3A_258 : i32
        scf.if %cond3A_259 {
          %sub3A_270 = arith.constant 2 : i32
          %sub3A_271 = arith.subi %add3A_218, %sub3A_270 : i32
          %mul3A_272 = arith.constant 32 : i32
          %mul3A_273 = arith.muli %mul3A_272, %sub3A_271 : i32
          %add3A_274 = arith.addi %add3A, %mul3A_273 : i32
          %mul3A_275 = arith.constant 400 : i32
          %mul3A_276 = arith.muli %add3A_274, %mul3A_275 : i32
          %dma_wait3A_277 = tpu.memref_slice %arg4[%mul3A_276] : memref<320000xf32, #tpu.memory_space<hbm>> -> memref<400xf32, #tpu.memory_space<hbm>>
          %dma_wait3A_278 = tpu.memref_slice %arg4[%mul3A_276] : memref<320000xf32, #tpu.memory_space<hbm>> -> memref<400xf32, #tpu.memory_space<hbm>>
          tpu.wait_dma2 semaphore(%arg20 : memref<!tpu.dma_semaphore, #tpu.memory_space<semaphore_mem>>) src(%arg14 : memref<400xf32, #tpu.memory_space<vmem>>) dst(%dma_wait3A_278 : memref<400xf32, #tpu.memory_space<hbm>>)
        } else {
        }
        %parallel_loop3A_260 = arith.constant 0 : i32
        %parallel_loop3A_261 = arith.constant 25 : i32
        %parallel_loop3A_262 = arith.constant 1 : i32
        scf.for %parallel_loop3A_270 = %parallel_loop3A_260 to %parallel_loop3A_261 step %parallel_loop3A_262  : i32 {
          %parallel_loop3A_271 = tpu.iota {dimensions = array<i32: 0>} : vector<16xi32>
          %parallel_loop3A_272 = arith.constant 16 : i32
          %parallel_loop3A_273 = arith.muli %parallel_loop3A_270, %parallel_loop3A_272 : i32
          %parallel_loop3A_274 = vector.broadcast %parallel_loop3A_273 : i32 to vector<16xi32>
          %parallel_loop3A_275 = arith.addi %parallel_loop3A_274, %parallel_loop3A_271 : vector<16xi32>
          %parallel_loop3A_276 = arith.constant 0.000000e+00 : f32
          %parallel_loop3A_277 = vector.broadcast %parallel_loop3A_276 : f32 to vector<16xf32>
          %parallel_loop3A_278 = arith.constant 0.000000e+00 : f32
          %parallel_loop3A_279 = vector.broadcast %parallel_loop3A_278 : f32 to vector<16xf32>
          %parallel_loop3A_280 = tpu.vector_load_idx %arg11[%parallel_loop3A_275, %parallel_loop3A_271] : memref<400x64xi32, #tpu.memory_space<vmem>>[vector<16xi32>, vector<16xi32>], vector<16xi32>,
          %parallel_loop3A_281 = tpu.vector_load_idx %arg12[%parallel_loop3A_275, %parallel_loop3A_271] : memref<400x64xi32, #tpu.memory_space<vmem>>[vector<16xi32>, vector<16xi32>], vector<16xi32>,
          %parallel_loop3A_282 = vector.bitcast %parallel_loop3A_280 : vector<16xi32> to vector<32xbf16>
          %parallel_loop3A_283 = vector.bitcast %parallel_loop3A_281 : vector<16xi32> to vector<32xbf16>
          %parallel_loop3A_284 = arith.mulf %parallel_loop3A_282, %parallel_loop3A_283 : vector<32xbf16>
          %parallel_loop3A_285 = tpu.unpack_subelements %parallel_loop3A_284, 0 {pack_format = #tpu.pack_format<interleaved>} : vector<32xbf16> -> vector<16xf32>
          %parallel_loop3A_286 = tpu.unpack_subelements %parallel_loop3A_284, 1 {pack_format = #tpu.pack_format<interleaved>} : vector<32xbf16> -> vector<16xf32>
          %parallel_loop3A_287 = arith.addf %parallel_loop3A_277, %parallel_loop3A_285 : vector<16xf32>
          %parallel_loop3A_288 = arith.addf %parallel_loop3A_279, %parallel_loop3A_286 : vector<16xf32>
          %parallel_loop3A_289 = arith.constant 1 : i32
          %parallel_loop3A_290 = vector.broadcast %parallel_loop3A_289 : i32 to vector<16xi32>
          %parallel_loop3A_291 = arith.addi %parallel_loop3A_271, %parallel_loop3A_290 : vector<16xi32>
          %parallel_loop3A_292 = arith.constant 63 : i32
          %parallel_loop3A_293 = vector.broadcast %parallel_loop3A_292 : i32 to vector<16xi32>
          %parallel_loop3A_294 = arith.andi %parallel_loop3A_291, %parallel_loop3A_293 : vector<16xi32>
          %parallel_loop3A_295 = tpu.vector_load_idx %arg11[%parallel_loop3A_275, %parallel_loop3A_294] : memref<400x64xi32, #tpu.memory_space<vmem>>[vector<16xi32>, vector<16xi32>], vector<16xi32>,
          %parallel_loop3A_296 = tpu.vector_load_idx %arg12[%parallel_loop3A_275, %parallel_loop3A_294] : memref<400x64xi32, #tpu.memory_space<vmem>>[vector<16xi32>, vector<16xi32>], vector<16xi32>,
          %parallel_loop3A_297 = vector.bitcast %parallel_loop3A_295 : vector<16xi32> to vector<32xbf16>
          %parallel_loop3A_298 = vector.bitcast %parallel_loop3A_296 : vector<16xi32> to vector<32xbf16>
          %parallel_loop3A_299 = arith.mulf %parallel_loop3A_297, %parallel_loop3A_298 : vector<32xbf16>
          %parallel_loop3A_300 = tpu.unpack_subelements %parallel_loop3A_299, 0 {pack_format = #tpu.pack_format<interleaved>} : vector<32xbf16> -> vector<16xf32>
          %parallel_loop3A_301 = tpu.unpack_subelements %parallel_loop3A_299, 1 {pack_format = #tpu.pack_format<interleaved>} : vector<32xbf16> -> vector<16xf32>
          %parallel_loop3A_302 = arith.addf %parallel_loop3A_287, %parallel_loop3A_300 : vector<16xf32>
          %parallel_loop3A_303 = arith.addf %parallel_loop3A_288, %parallel_loop3A_301 : vector<16xf32>
          %parallel_loop3A_304 = arith.constant 1 : i32
          %parallel_loop3A_305 = vector.broadcast %parallel_loop3A_304 : i32 to vector<16xi32>
          %parallel_loop3A_306 = arith.addi %parallel_loop3A_294, %parallel_loop3A_305 : vector<16xi32>
          %parallel_loop3A_307 = arith.constant 63 : i32
          %parallel_loop3A_308 = vector.broadcast %parallel_loop3A_307 : i32 to vector<16xi32>
          %parallel_loop3A_309 = arith.andi %parallel_loop3A_306, %parallel_loop3A_308 : vector<16xi32>
          %parallel_loop3A_310 = tpu.vector_load_idx %arg11[%parallel_loop3A_275, %parallel_loop3A_309] : memref<400x64xi32, #tpu.memory_space<vmem>>[vector<16xi32>, vector<16xi32>], vector<16xi32>,
          %parallel_loop3A_311 = tpu.vector_load_idx %arg12[%parallel_loop3A_275, %parallel_loop3A_309] : memref<400x64xi32, #tpu.memory_space<vmem>>[vector<16xi32>, vector<16xi32>], vector<16xi32>,
          %parallel_loop3A_312 = vector.bitcast %parallel_loop3A_310 : vector<16xi32> to vector<32xbf16>
          %parallel_loop3A_313 = vector.bitcast %parallel_loop3A_311 : vector<16xi32> to vector<32xbf16>
          %parallel_loop3A_314 = arith.mulf %parallel_loop3A_312, %parallel_loop3A_313 : vector<32xbf16>
          %parallel_loop3A_315 = tpu.unpack_subelements %parallel_loop3A_314, 0 {pack_format = #tpu.pack_format<interleaved>} : vector<32xbf16> -> vector<16xf32>
          %parallel_loop3A_316 = tpu.unpack_subelements %parallel_loop3A_314, 1 {pack_format = #tpu.pack_format<interleaved>} : vector<32xbf16> -> vector<16xf32>
          %parallel_loop3A_317 = arith.addf %parallel_loop3A_302, %parallel_loop3A_315 : vector<16xf32>
          %parallel_loop3A_318 = arith.addf %parallel_loop3A_303, %parallel_loop3A_316 : vector<16xf32>
          %parallel_loop3A_319 = arith.constant 1 : i32
          %parallel_loop3A_320 = vector.broadcast %parallel_loop3A_319 : i32 to vector<16xi32>
          %parallel_loop3A_321 = arith.addi %parallel_loop3A_309, %parallel_loop3A_320 : vector<16xi32>
          %parallel_loop3A_322 = arith.constant 63 : i32
          %parallel_loop3A_323 = vector.broadcast %parallel_loop3A_322 : i32 to vector<16xi32>
          %parallel_loop3A_324 = arith.andi %parallel_loop3A_321, %parallel_loop3A_323 : vector<16xi32>
          %parallel_loop3A_325 = tpu.vector_load_idx %arg11[%parallel_loop3A_275, %parallel_loop3A_324] : memref<400x64xi32, #tpu.memory_space<vmem>>[vector<16xi32>, vector<16xi32>], vector<16xi32>,
          %parallel_loop3A_326 = tpu.vector_load_idx %arg12[%parallel_loop3A_275, %parallel_loop3A_324] : memref<400x64xi32, #tpu.memory_space<vmem>>[vector<16xi32>, vector<16xi32>], vector<16xi32>,
          %parallel_loop3A_327 = vector.bitcast %parallel_loop3A_325 : vector<16xi32> to vector<32xbf16>
          %parallel_loop3A_328 = vector.bitcast %parallel_loop3A_326 : vector<16xi32> to vector<32xbf16>
          %parallel_loop3A_329 = arith.mulf %parallel_loop3A_327, %parallel_loop3A_328 : vector<32xbf16>
          %parallel_loop3A_330 = tpu.unpack_subelements %parallel_loop3A_329, 0 {pack_format = #tpu.pack_format<interleaved>} : vector<32xbf16> -> vector<16xf32>
          %parallel_loop3A_331 = tpu.unpack_subelements %parallel_loop3A_329, 1 {pack_format = #tpu.pack_format<interleaved>} : vector<32xbf16> -> vector<16xf32>
          %parallel_loop3A_332 = arith.addf %parallel_loop3A_317, %parallel_loop3A_330 : vector<16xf32>
          %parallel_loop3A_333 = arith.addf %parallel_loop3A_318, %parallel_loop3A_331 : vector<16xf32>
          %parallel_loop3A_334 = arith.constant 1 : i32
          %parallel_loop3A_335 = vector.broadcast %parallel_loop3A_334 : i32 to vector<16xi32>
          %parallel_loop3A_336 = arith.addi %parallel_loop3A_324, %parallel_loop3A_335 : vector<16xi32>
          %parallel_loop3A_337 = arith.constant 63 : i32
          %parallel_loop3A_338 = vector.broadcast %parallel_loop3A_337 : i32 to vector<16xi32>
          %parallel_loop3A_339 = arith.andi %parallel_loop3A_336, %parallel_loop3A_338 : vector<16xi32>
          %parallel_loop3A_340 = tpu.vector_load_idx %arg11[%parallel_loop3A_275, %parallel_loop3A_339] : memref<400x64xi32, #tpu.memory_space<vmem>>[vector<16xi32>, vector<16xi32>], vector<16xi32>,
          %parallel_loop3A_341 = tpu.vector_load_idx %arg12[%parallel_loop3A_275, %parallel_loop3A_339] : memref<400x64xi32, #tpu.memory_space<vmem>>[vector<16xi32>, vector<16xi32>], vector<16xi32>,
          %parallel_loop3A_342 = vector.bitcast %parallel_loop3A_340 : vector<16xi32> to vector<32xbf16>
          %parallel_loop3A_343 = vector.bitcast %parallel_loop3A_341 : vector<16xi32> to vector<32xbf16>
          %parallel_loop3A_344 = arith.mulf %parallel_loop3A_342, %parallel_loop3A_343 : vector<32xbf16>
          %parallel_loop3A_345 = tpu.unpack_subelements %parallel_loop3A_344, 0 {pack_format = #tpu.pack_format<interleaved>} : vector<32xbf16> -> vector<16xf32>
          %parallel_loop3A_346 = tpu.unpack_subelements %parallel_loop3A_344, 1 {pack_format = #tpu.pack_format<interleaved>} : vector<32xbf16> -> vector<16xf32>
          %parallel_loop3A_347 = arith.addf %parallel_loop3A_332, %parallel_loop3A_345 : vector<16xf32>
          %parallel_loop3A_348 = arith.addf %parallel_loop3A_333, %parallel_loop3A_346 : vector<16xf32>
          %parallel_loop3A_349 = arith.constant 1 : i32
          %parallel_loop3A_350 = vector.broadcast %parallel_loop3A_349 : i32 to vector<16xi32>
          %parallel_loop3A_351 = arith.addi %parallel_loop3A_339, %parallel_loop3A_350 : vector<16xi32>
          %parallel_loop3A_352 = arith.constant 63 : i32
          %parallel_loop3A_353 = vector.broadcast %parallel_loop3A_352 : i32 to vector<16xi32>
          %parallel_loop3A_354 = arith.andi %parallel_loop3A_351, %parallel_loop3A_353 : vector<16xi32>
          %parallel_loop3A_355 = tpu.vector_load_idx %arg11[%parallel_loop3A_275, %parallel_loop3A_354] : memref<400x64xi32, #tpu.memory_space<vmem>>[vector<16xi32>, vector<16xi32>], vector<16xi32>,
          %parallel_loop3A_356 = tpu.vector_load_idx %arg12[%parallel_loop3A_275, %parallel_loop3A_354] : memref<400x64xi32, #tpu.memory_space<vmem>>[vector<16xi32>, vector<16xi32>], vector<16xi32>,
          %parallel_loop3A_357 = vector.bitcast %parallel_loop3A_355 : vector<16xi32> to vector<32xbf16>
          %parallel_loop3A_358 = vector.bitcast %parallel_loop3A_356 : vector<16xi32> to vector<32xbf16>
          %parallel_loop3A_359 = arith.mulf %parallel_loop3A_357, %parallel_loop3A_358 : vector<32xbf16>
          %parallel_loop3A_360 = tpu.unpack_subelements %parallel_loop3A_359, 0 {pack_format = #tpu.pack_format<interleaved>} : vector<32xbf16> -> vector<16xf32>
          %parallel_loop3A_361 = tpu.unpack_subelements %parallel_loop3A_359, 1 {pack_format = #tpu.pack_format<interleaved>} : vector<32xbf16> -> vector<16xf32>
          %parallel_loop3A_362 = arith.addf %parallel_loop3A_347, %parallel_loop3A_360 : vector<16xf32>
          %parallel_loop3A_363 = arith.addf %parallel_loop3A_348, %parallel_loop3A_361 : vector<16xf32>
          %parallel_loop3A_364 = arith.constant 1 : i32
          %parallel_loop3A_365 = vector.broadcast %parallel_loop3A_364 : i32 to vector<16xi32>
          %parallel_loop3A_366 = arith.addi %parallel_loop3A_354, %parallel_loop3A_365 : vector<16xi32>
          %parallel_loop3A_367 = arith.constant 63 : i32
          %parallel_loop3A_368 = vector.broadcast %parallel_loop3A_367 : i32 to vector<16xi32>
          %parallel_loop3A_369 = arith.andi %parallel_loop3A_366, %parallel_loop3A_368 : vector<16xi32>
          %parallel_loop3A_370 = tpu.vector_load_idx %arg11[%parallel_loop3A_275, %parallel_loop3A_369] : memref<400x64xi32, #tpu.memory_space<vmem>>[vector<16xi32>, vector<16xi32>], vector<16xi32>,
          %parallel_loop3A_371 = tpu.vector_load_idx %arg12[%parallel_loop3A_275, %parallel_loop3A_369] : memref<400x64xi32, #tpu.memory_space<vmem>>[vector<16xi32>, vector<16xi32>], vector<16xi32>,
          %parallel_loop3A_372 = vector.bitcast %parallel_loop3A_370 : vector<16xi32> to vector<32xbf16>
          %parallel_loop3A_373 = vector.bitcast %parallel_loop3A_371 : vector<16xi32> to vector<32xbf16>
          %parallel_loop3A_374 = arith.mulf %parallel_loop3A_372, %parallel_loop3A_373 : vector<32xbf16>
          %parallel_loop3A_375 = tpu.unpack_subelements %parallel_loop3A_374, 0 {pack_format = #tpu.pack_format<interleaved>} : vector<32xbf16> -> vector<16xf32>
          %parallel_loop3A_376 = tpu.unpack_subelements %parallel_loop3A_374, 1 {pack_format = #tpu.pack_format<interleaved>} : vector<32xbf16> -> vector<16xf32>
          %parallel_loop3A_377 = arith.addf %parallel_loop3A_362, %parallel_loop3A_375 : vector<16xf32>
          %parallel_loop3A_378 = arith.addf %parallel_loop3A_363, %parallel_loop3A_376 : vector<16xf32>
          %parallel_loop3A_379 = arith.constant 1 : i32
          %parallel_loop3A_380 = vector.broadcast %parallel_loop3A_379 : i32 to vector<16xi32>
          %parallel_loop3A_381 = arith.addi %parallel_loop3A_369, %parallel_loop3A_380 : vector<16xi32>
          %parallel_loop3A_382 = arith.constant 63 : i32
          %parallel_loop3A_383 = vector.broadcast %parallel_loop3A_382 : i32 to vector<16xi32>
          %parallel_loop3A_384 = arith.andi %parallel_loop3A_381, %parallel_loop3A_383 : vector<16xi32>
          %parallel_loop3A_385 = tpu.vector_load_idx %arg11[%parallel_loop3A_275, %parallel_loop3A_384] : memref<400x64xi32, #tpu.memory_space<vmem>>[vector<16xi32>, vector<16xi32>], vector<16xi32>,
          %parallel_loop3A_386 = tpu.vector_load_idx %arg12[%parallel_loop3A_275, %parallel_loop3A_384] : memref<400x64xi32, #tpu.memory_space<vmem>>[vector<16xi32>, vector<16xi32>], vector<16xi32>,
          %parallel_loop3A_387 = vector.bitcast %parallel_loop3A_385 : vector<16xi32> to vector<32xbf16>
          %parallel_loop3A_388 = vector.bitcast %parallel_loop3A_386 : vector<16xi32> to vector<32xbf16>
          %parallel_loop3A_389 = arith.mulf %parallel_loop3A_387, %parallel_loop3A_388 : vector<32xbf16>
          %parallel_loop3A_390 = tpu.unpack_subelements %parallel_loop3A_389, 0 {pack_format = #tpu.pack_format<interleaved>} : vector<32xbf16> -> vector<16xf32>
          %parallel_loop3A_391 = tpu.unpack_subelements %parallel_loop3A_389, 1 {pack_format = #tpu.pack_format<interleaved>} : vector<32xbf16> -> vector<16xf32>
          %parallel_loop3A_392 = arith.addf %parallel_loop3A_377, %parallel_loop3A_390 : vector<16xf32>
          %parallel_loop3A_393 = arith.addf %parallel_loop3A_378, %parallel_loop3A_391 : vector<16xf32>
          %parallel_loop3A_394 = arith.constant 1 : i32
          %parallel_loop3A_395 = vector.broadcast %parallel_loop3A_394 : i32 to vector<16xi32>
          %parallel_loop3A_396 = arith.addi %parallel_loop3A_384, %parallel_loop3A_395 : vector<16xi32>
          %parallel_loop3A_397 = arith.constant 63 : i32
          %parallel_loop3A_398 = vector.broadcast %parallel_loop3A_397 : i32 to vector<16xi32>
          %parallel_loop3A_399 = arith.andi %parallel_loop3A_396, %parallel_loop3A_398 : vector<16xi32>
          %parallel_loop3A_400 = tpu.vector_load_idx %arg11[%parallel_loop3A_275, %parallel_loop3A_399] : memref<400x64xi32, #tpu.memory_space<vmem>>[vector<16xi32>, vector<16xi32>], vector<16xi32>,
          %parallel_loop3A_401 = tpu.vector_load_idx %arg12[%parallel_loop3A_275, %parallel_loop3A_399] : memref<400x64xi32, #tpu.memory_space<vmem>>[vector<16xi32>, vector<16xi32>], vector<16xi32>,
          %parallel_loop3A_402 = vector.bitcast %parallel_loop3A_400 : vector<16xi32> to vector<32xbf16>
          %parallel_loop3A_403 = vector.bitcast %parallel_loop3A_401 : vector<16xi32> to vector<32xbf16>
          %parallel_loop3A_404 = arith.mulf %parallel_loop3A_402, %parallel_loop3A_403 : vector<32xbf16>
          %parallel_loop3A_405 = tpu.unpack_subelements %parallel_loop3A_404, 0 {pack_format = #tpu.pack_format<interleaved>} : vector<32xbf16> -> vector<16xf32>
          %parallel_loop3A_406 = tpu.unpack_subelements %parallel_loop3A_404, 1 {pack_format = #tpu.pack_format<interleaved>} : vector<32xbf16> -> vector<16xf32>
          %parallel_loop3A_407 = arith.addf %parallel_loop3A_392, %parallel_loop3A_405 : vector<16xf32>
          %parallel_loop3A_408 = arith.addf %parallel_loop3A_393, %parallel_loop3A_406 : vector<16xf32>
          %parallel_loop3A_409 = arith.constant 1 : i32
          %parallel_loop3A_410 = vector.broadcast %parallel_loop3A_409 : i32 to vector<16xi32>
          %parallel_loop3A_411 = arith.addi %parallel_loop3A_399, %parallel_loop3A_410 : vector<16xi32>
          %parallel_loop3A_412 = arith.constant 63 : i32
          %parallel_loop3A_413 = vector.broadcast %parallel_loop3A_412 : i32 to vector<16xi32>
          %parallel_loop3A_414 = arith.andi %parallel_loop3A_411, %parallel_loop3A_413 : vector<16xi32>
          %parallel_loop3A_415 = tpu.vector_load_idx %arg11[%parallel_loop3A_275, %parallel_loop3A_414] : memref<400x64xi32, #tpu.memory_space<vmem>>[vector<16xi32>, vector<16xi32>], vector<16xi32>,
          %parallel_loop3A_416 = tpu.vector_load_idx %arg12[%parallel_loop3A_275, %parallel_loop3A_414] : memref<400x64xi32, #tpu.memory_space<vmem>>[vector<16xi32>, vector<16xi32>], vector<16xi32>,
          %parallel_loop3A_417 = vector.bitcast %parallel_loop3A_415 : vector<16xi32> to vector<32xbf16>
          %parallel_loop3A_418 = vector.bitcast %parallel_loop3A_416 : vector<16xi32> to vector<32xbf16>
          %parallel_loop3A_419 = arith.mulf %parallel_loop3A_417, %parallel_loop3A_418 : vector<32xbf16>
          %parallel_loop3A_420 = tpu.unpack_subelements %parallel_loop3A_419, 0 {pack_format = #tpu.pack_format<interleaved>} : vector<32xbf16> -> vector<16xf32>
          %parallel_loop3A_421 = tpu.unpack_subelements %parallel_loop3A_419, 1 {pack_format = #tpu.pack_format<interleaved>} : vector<32xbf16> -> vector<16xf32>
          %parallel_loop3A_422 = arith.addf %parallel_loop3A_407, %parallel_loop3A_420 : vector<16xf32>
          %parallel_loop3A_423 = arith.addf %parallel_loop3A_408, %parallel_loop3A_421 : vector<16xf32>
          %parallel_loop3A_424 = arith.constant 1 : i32
          %parallel_loop3A_425 = vector.broadcast %parallel_loop3A_424 : i32 to vector<16xi32>
          %parallel_loop3A_426 = arith.addi %parallel_loop3A_414, %parallel_loop3A_425 : vector<16xi32>
          %parallel_loop3A_427 = arith.constant 63 : i32
          %parallel_loop3A_428 = vector.broadcast %parallel_loop3A_427 : i32 to vector<16xi32>
          %parallel_loop3A_429 = arith.andi %parallel_loop3A_426, %parallel_loop3A_428 : vector<16xi32>
          %parallel_loop3A_430 = tpu.vector_load_idx %arg11[%parallel_loop3A_275, %parallel_loop3A_429] : memref<400x64xi32, #tpu.memory_space<vmem>>[vector<16xi32>, vector<16xi32>], vector<16xi32>,
          %parallel_loop3A_431 = tpu.vector_load_idx %arg12[%parallel_loop3A_275, %parallel_loop3A_429] : memref<400x64xi32, #tpu.memory_space<vmem>>[vector<16xi32>, vector<16xi32>], vector<16xi32>,
          %parallel_loop3A_432 = vector.bitcast %parallel_loop3A_430 : vector<16xi32> to vector<32xbf16>
          %parallel_loop3A_433 = vector.bitcast %parallel_loop3A_431 : vector<16xi32> to vector<32xbf16>
          %parallel_loop3A_434 = arith.mulf %parallel_loop3A_432, %parallel_loop3A_433 : vector<32xbf16>
          %parallel_loop3A_435 = tpu.unpack_subelements %parallel_loop3A_434, 0 {pack_format = #tpu.pack_format<interleaved>} : vector<32xbf16> -> vector<16xf32>
          %parallel_loop3A_436 = tpu.unpack_subelements %parallel_loop3A_434, 1 {pack_format = #tpu.pack_format<interleaved>} : vector<32xbf16> -> vector<16xf32>
          %parallel_loop3A_437 = arith.addf %parallel_loop3A_422, %parallel_loop3A_435 : vector<16xf32>
          %parallel_loop3A_438 = arith.addf %parallel_loop3A_423, %parallel_loop3A_436 : vector<16xf32>
          %parallel_loop3A_439 = arith.constant 1 : i32
          %parallel_loop3A_440 = vector.broadcast %parallel_loop3A_439 : i32 to vector<16xi32>
          %parallel_loop3A_441 = arith.addi %parallel_loop3A_429, %parallel_loop3A_440 : vector<16xi32>
          %parallel_loop3A_442 = arith.constant 63 : i32
          %parallel_loop3A_443 = vector.broadcast %parallel_loop3A_442 : i32 to vector<16xi32>
          %parallel_loop3A_444 = arith.andi %parallel_loop3A_441, %parallel_loop3A_443 : vector<16xi32>
          %parallel_loop3A_445 = tpu.vector_load_idx %arg11[%parallel_loop3A_275, %parallel_loop3A_444] : memref<400x64xi32, #tpu.memory_space<vmem>>[vector<16xi32>, vector<16xi32>], vector<16xi32>,
          %parallel_loop3A_446 = tpu.vector_load_idx %arg12[%parallel_loop3A_275, %parallel_loop3A_444] : memref<400x64xi32, #tpu.memory_space<vmem>>[vector<16xi32>, vector<16xi32>], vector<16xi32>,
          %parallel_loop3A_447 = vector.bitcast %parallel_loop3A_445 : vector<16xi32> to vector<32xbf16>
          %parallel_loop3A_448 = vector.bitcast %parallel_loop3A_446 : vector<16xi32> to vector<32xbf16>
          %parallel_loop3A_449 = arith.mulf %parallel_loop3A_447, %parallel_loop3A_448 : vector<32xbf16>
          %parallel_loop3A_450 = tpu.unpack_subelements %parallel_loop3A_449, 0 {pack_format = #tpu.pack_format<interleaved>} : vector<32xbf16> -> vector<16xf32>
          %parallel_loop3A_451 = tpu.unpack_subelements %parallel_loop3A_449, 1 {pack_format = #tpu.pack_format<interleaved>} : vector<32xbf16> -> vector<16xf32>
          %parallel_loop3A_452 = arith.addf %parallel_loop3A_437, %parallel_loop3A_450 : vector<16xf32>
          %parallel_loop3A_453 = arith.addf %parallel_loop3A_438, %parallel_loop3A_451 : vector<16xf32>
          %parallel_loop3A_454 = arith.constant 1 : i32
          %parallel_loop3A_455 = vector.broadcast %parallel_loop3A_454 : i32 to vector<16xi32>
          %parallel_loop3A_456 = arith.addi %parallel_loop3A_444, %parallel_loop3A_455 : vector<16xi32>
          %parallel_loop3A_457 = arith.constant 63 : i32
          %parallel_loop3A_458 = vector.broadcast %parallel_loop3A_457 : i32 to vector<16xi32>
          %parallel_loop3A_459 = arith.andi %parallel_loop3A_456, %parallel_loop3A_458 : vector<16xi32>
          %parallel_loop3A_460 = tpu.vector_load_idx %arg11[%parallel_loop3A_275, %parallel_loop3A_459] : memref<400x64xi32, #tpu.memory_space<vmem>>[vector<16xi32>, vector<16xi32>], vector<16xi32>,
          %parallel_loop3A_461 = tpu.vector_load_idx %arg12[%parallel_loop3A_275, %parallel_loop3A_459] : memref<400x64xi32, #tpu.memory_space<vmem>>[vector<16xi32>, vector<16xi32>], vector<16xi32>,
          %parallel_loop3A_462 = vector.bitcast %parallel_loop3A_460 : vector<16xi32> to vector<32xbf16>
          %parallel_loop3A_463 = vector.bitcast %parallel_loop3A_461 : vector<16xi32> to vector<32xbf16>
          %parallel_loop3A_464 = arith.mulf %parallel_loop3A_462, %parallel_loop3A_463 : vector<32xbf16>
          %parallel_loop3A_465 = tpu.unpack_subelements %parallel_loop3A_464, 0 {pack_format = #tpu.pack_format<interleaved>} : vector<32xbf16> -> vector<16xf32>
          %parallel_loop3A_466 = tpu.unpack_subelements %parallel_loop3A_464, 1 {pack_format = #tpu.pack_format<interleaved>} : vector<32xbf16> -> vector<16xf32>
          %parallel_loop3A_467 = arith.addf %parallel_loop3A_452, %parallel_loop3A_465 : vector<16xf32>
          %parallel_loop3A_468 = arith.addf %parallel_loop3A_453, %parallel_loop3A_466 : vector<16xf32>
          %parallel_loop3A_469 = arith.constant 1 : i32
          %parallel_loop3A_470 = vector.broadcast %parallel_loop3A_469 : i32 to vector<16xi32>
          %parallel_loop3A_471 = arith.addi %parallel_loop3A_459, %parallel_loop3A_470 : vector<16xi32>
          %parallel_loop3A_472 = arith.constant 63 : i32
          %parallel_loop3A_473 = vector.broadcast %parallel_loop3A_472 : i32 to vector<16xi32>
          %parallel_loop3A_474 = arith.andi %parallel_loop3A_471, %parallel_loop3A_473 : vector<16xi32>
          %parallel_loop3A_475 = tpu.vector_load_idx %arg11[%parallel_loop3A_275, %parallel_loop3A_474] : memref<400x64xi32, #tpu.memory_space<vmem>>[vector<16xi32>, vector<16xi32>], vector<16xi32>,
          %parallel_loop3A_476 = tpu.vector_load_idx %arg12[%parallel_loop3A_275, %parallel_loop3A_474] : memref<400x64xi32, #tpu.memory_space<vmem>>[vector<16xi32>, vector<16xi32>], vector<16xi32>,
          %parallel_loop3A_477 = vector.bitcast %parallel_loop3A_475 : vector<16xi32> to vector<32xbf16>
          %parallel_loop3A_478 = vector.bitcast %parallel_loop3A_476 : vector<16xi32> to vector<32xbf16>
          %parallel_loop3A_479 = arith.mulf %parallel_loop3A_477, %parallel_loop3A_478 : vector<32xbf16>
          %parallel_loop3A_480 = tpu.unpack_subelements %parallel_loop3A_479, 0 {pack_format = #tpu.pack_format<interleaved>} : vector<32xbf16> -> vector<16xf32>
          %parallel_loop3A_481 = tpu.unpack_subelements %parallel_loop3A_479, 1 {pack_format = #tpu.pack_format<interleaved>} : vector<32xbf16> -> vector<16xf32>
          %parallel_loop3A_482 = arith.addf %parallel_loop3A_467, %parallel_loop3A_480 : vector<16xf32>
          %parallel_loop3A_483 = arith.addf %parallel_loop3A_468, %parallel_loop3A_481 : vector<16xf32>
          %parallel_loop3A_484 = arith.constant 1 : i32
          %parallel_loop3A_485 = vector.broadcast %parallel_loop3A_484 : i32 to vector<16xi32>
          %parallel_loop3A_486 = arith.addi %parallel_loop3A_474, %parallel_loop3A_485 : vector<16xi32>
          %parallel_loop3A_487 = arith.constant 63 : i32
          %parallel_loop3A_488 = vector.broadcast %parallel_loop3A_487 : i32 to vector<16xi32>
          %parallel_loop3A_489 = arith.andi %parallel_loop3A_486, %parallel_loop3A_488 : vector<16xi32>
          %parallel_loop3A_490 = tpu.vector_load_idx %arg11[%parallel_loop3A_275, %parallel_loop3A_489] : memref<400x64xi32, #tpu.memory_space<vmem>>[vector<16xi32>, vector<16xi32>], vector<16xi32>,
          %parallel_loop3A_491 = tpu.vector_load_idx %arg12[%parallel_loop3A_275, %parallel_loop3A_489] : memref<400x64xi32, #tpu.memory_space<vmem>>[vector<16xi32>, vector<16xi32>], vector<16xi32>,
          %parallel_loop3A_492 = vector.bitcast %parallel_loop3A_490 : vector<16xi32> to vector<32xbf16>
          %parallel_loop3A_493 = vector.bitcast %parallel_loop3A_491 : vector<16xi32> to vector<32xbf16>
          %parallel_loop3A_494 = arith.mulf %parallel_loop3A_492, %parallel_loop3A_493 : vector<32xbf16>
          %parallel_loop3A_495 = tpu.unpack_subelements %parallel_loop3A_494, 0 {pack_format = #tpu.pack_format<interleaved>} : vector<32xbf16> -> vector<16xf32>
          %parallel_loop3A_496 = tpu.unpack_subelements %parallel_loop3A_494, 1 {pack_format = #tpu.pack_format<interleaved>} : vector<32xbf16> -> vector<16xf32>
          %parallel_loop3A_497 = arith.addf %parallel_loop3A_482, %parallel_loop3A_495 : vector<16xf32>
          %parallel_loop3A_498 = arith.addf %parallel_loop3A_483, %parallel_loop3A_496 : vector<16xf32>
          %parallel_loop3A_499 = arith.constant 1 : i32
          %parallel_loop3A_500 = vector.broadcast %parallel_loop3A_499 : i32 to vector<16xi32>
          %parallel_loop3A_501 = arith.addi %parallel_loop3A_489, %parallel_loop3A_500 : vector<16xi32>
          %parallel_loop3A_502 = arith.constant 63 : i32
          %parallel_loop3A_503 = vector.broadcast %parallel_loop3A_502 : i32 to vector<16xi32>
          %parallel_loop3A_504 = arith.andi %parallel_loop3A_501, %parallel_loop3A_503 : vector<16xi32>
          %parallel_loop3A_505 = tpu.vector_load_idx %arg11[%parallel_loop3A_275, %parallel_loop3A_504] : memref<400x64xi32, #tpu.memory_space<vmem>>[vector<16xi32>, vector<16xi32>], vector<16xi32>,
          %parallel_loop3A_506 = tpu.vector_load_idx %arg12[%parallel_loop3A_275, %parallel_loop3A_504] : memref<400x64xi32, #tpu.memory_space<vmem>>[vector<16xi32>, vector<16xi32>], vector<16xi32>,
          %parallel_loop3A_507 = vector.bitcast %parallel_loop3A_505 : vector<16xi32> to vector<32xbf16>
          %parallel_loop3A_508 = vector.bitcast %parallel_loop3A_506 : vector<16xi32> to vector<32xbf16>
          %parallel_loop3A_509 = arith.mulf %parallel_loop3A_507, %parallel_loop3A_508 : vector<32xbf16>
          %parallel_loop3A_510 = tpu.unpack_subelements %parallel_loop3A_509, 0 {pack_format = #tpu.pack_format<interleaved>} : vector<32xbf16> -> vector<16xf32>
          %parallel_loop3A_511 = tpu.unpack_subelements %parallel_loop3A_509, 1 {pack_format = #tpu.pack_format<interleaved>} : vector<32xbf16> -> vector<16xf32>
          %parallel_loop3A_512 = arith.addf %parallel_loop3A_497, %parallel_loop3A_510 : vector<16xf32>
          %parallel_loop3A_513 = arith.addf %parallel_loop3A_498, %parallel_loop3A_511 : vector<16xf32>
          %parallel_loop3A_514 = arith.constant 1 : i32
          %parallel_loop3A_515 = vector.broadcast %parallel_loop3A_514 : i32 to vector<16xi32>
          %parallel_loop3A_516 = arith.addi %parallel_loop3A_504, %parallel_loop3A_515 : vector<16xi32>
          %parallel_loop3A_517 = arith.constant 63 : i32
          %parallel_loop3A_518 = vector.broadcast %parallel_loop3A_517 : i32 to vector<16xi32>
          %parallel_loop3A_519 = arith.andi %parallel_loop3A_516, %parallel_loop3A_518 : vector<16xi32>
          %parallel_loop3A_520 = tpu.vector_load_idx %arg11[%parallel_loop3A_275, %parallel_loop3A_519] : memref<400x64xi32, #tpu.memory_space<vmem>>[vector<16xi32>, vector<16xi32>], vector<16xi32>,
          %parallel_loop3A_521 = tpu.vector_load_idx %arg12[%parallel_loop3A_275, %parallel_loop3A_519] : memref<400x64xi32, #tpu.memory_space<vmem>>[vector<16xi32>, vector<16xi32>], vector<16xi32>,
          %parallel_loop3A_522 = vector.bitcast %parallel_loop3A_520 : vector<16xi32> to vector<32xbf16>
          %parallel_loop3A_523 = vector.bitcast %parallel_loop3A_521 : vector<16xi32> to vector<32xbf16>
          %parallel_loop3A_524 = arith.mulf %parallel_loop3A_522, %parallel_loop3A_523 : vector<32xbf16>
          %parallel_loop3A_525 = tpu.unpack_subelements %parallel_loop3A_524, 0 {pack_format = #tpu.pack_format<interleaved>} : vector<32xbf16> -> vector<16xf32>
          %parallel_loop3A_526 = tpu.unpack_subelements %parallel_loop3A_524, 1 {pack_format = #tpu.pack_format<interleaved>} : vector<32xbf16> -> vector<16xf32>
          %parallel_loop3A_527 = arith.addf %parallel_loop3A_512, %parallel_loop3A_525 : vector<16xf32>
          %parallel_loop3A_528 = arith.addf %parallel_loop3A_513, %parallel_loop3A_526 : vector<16xf32>
          %parallel_loop3A_529 = arith.constant 1 : i32
          %parallel_loop3A_530 = vector.broadcast %parallel_loop3A_529 : i32 to vector<16xi32>
          %parallel_loop3A_531 = arith.addi %parallel_loop3A_519, %parallel_loop3A_530 : vector<16xi32>
          %parallel_loop3A_532 = arith.constant 63 : i32
          %parallel_loop3A_533 = vector.broadcast %parallel_loop3A_532 : i32 to vector<16xi32>
          %parallel_loop3A_534 = arith.andi %parallel_loop3A_531, %parallel_loop3A_533 : vector<16xi32>
          %parallel_loop3A_535 = tpu.vector_load_idx %arg11[%parallel_loop3A_275, %parallel_loop3A_534] : memref<400x64xi32, #tpu.memory_space<vmem>>[vector<16xi32>, vector<16xi32>], vector<16xi32>,
          %parallel_loop3A_536 = tpu.vector_load_idx %arg12[%parallel_loop3A_275, %parallel_loop3A_534] : memref<400x64xi32, #tpu.memory_space<vmem>>[vector<16xi32>, vector<16xi32>], vector<16xi32>,
          %parallel_loop3A_537 = vector.bitcast %parallel_loop3A_535 : vector<16xi32> to vector<32xbf16>
          %parallel_loop3A_538 = vector.bitcast %parallel_loop3A_536 : vector<16xi32> to vector<32xbf16>
          %parallel_loop3A_539 = arith.mulf %parallel_loop3A_537, %parallel_loop3A_538 : vector<32xbf16>
          %parallel_loop3A_540 = tpu.unpack_subelements %parallel_loop3A_539, 0 {pack_format = #tpu.pack_format<interleaved>} : vector<32xbf16> -> vector<16xf32>
          %parallel_loop3A_541 = tpu.unpack_subelements %parallel_loop3A_539, 1 {pack_format = #tpu.pack_format<interleaved>} : vector<32xbf16> -> vector<16xf32>
          %parallel_loop3A_542 = arith.addf %parallel_loop3A_527, %parallel_loop3A_540 : vector<16xf32>
          %parallel_loop3A_543 = arith.addf %parallel_loop3A_528, %parallel_loop3A_541 : vector<16xf32>
          %parallel_loop3A_544 = arith.constant 1 : i32
          %parallel_loop3A_545 = vector.broadcast %parallel_loop3A_544 : i32 to vector<16xi32>
          %parallel_loop3A_546 = arith.addi %parallel_loop3A_534, %parallel_loop3A_545 : vector<16xi32>
          %parallel_loop3A_547 = arith.constant 63 : i32
          %parallel_loop3A_548 = vector.broadcast %parallel_loop3A_547 : i32 to vector<16xi32>
          %parallel_loop3A_549 = arith.andi %parallel_loop3A_546, %parallel_loop3A_548 : vector<16xi32>
          %parallel_loop3A_550 = tpu.vector_load_idx %arg11[%parallel_loop3A_275, %parallel_loop3A_549] : memref<400x64xi32, #tpu.memory_space<vmem>>[vector<16xi32>, vector<16xi32>], vector<16xi32>,
          %parallel_loop3A_551 = tpu.vector_load_idx %arg12[%parallel_loop3A_275, %parallel_loop3A_549] : memref<400x64xi32, #tpu.memory_space<vmem>>[vector<16xi32>, vector<16xi32>], vector<16xi32>,
          %parallel_loop3A_552 = vector.bitcast %parallel_loop3A_550 : vector<16xi32> to vector<32xbf16>
          %parallel_loop3A_553 = vector.bitcast %parallel_loop3A_551 : vector<16xi32> to vector<32xbf16>
          %parallel_loop3A_554 = arith.mulf %parallel_loop3A_552, %parallel_loop3A_553 : vector<32xbf16>
          %parallel_loop3A_555 = tpu.unpack_subelements %parallel_loop3A_554, 0 {pack_format = #tpu.pack_format<interleaved>} : vector<32xbf16> -> vector<16xf32>
          %parallel_loop3A_556 = tpu.unpack_subelements %parallel_loop3A_554, 1 {pack_format = #tpu.pack_format<interleaved>} : vector<32xbf16> -> vector<16xf32>
          %parallel_loop3A_557 = arith.addf %parallel_loop3A_542, %parallel_loop3A_555 : vector<16xf32>
          %parallel_loop3A_558 = arith.addf %parallel_loop3A_543, %parallel_loop3A_556 : vector<16xf32>
          %parallel_loop3A_559 = arith.constant 1 : i32
          %parallel_loop3A_560 = vector.broadcast %parallel_loop3A_559 : i32 to vector<16xi32>
          %parallel_loop3A_561 = arith.addi %parallel_loop3A_549, %parallel_loop3A_560 : vector<16xi32>
          %parallel_loop3A_562 = arith.constant 63 : i32
          %parallel_loop3A_563 = vector.broadcast %parallel_loop3A_562 : i32 to vector<16xi32>
          %parallel_loop3A_564 = arith.andi %parallel_loop3A_561, %parallel_loop3A_563 : vector<16xi32>
          %parallel_loop3A_565 = tpu.vector_load_idx %arg11[%parallel_loop3A_275, %parallel_loop3A_564] : memref<400x64xi32, #tpu.memory_space<vmem>>[vector<16xi32>, vector<16xi32>], vector<16xi32>,
          %parallel_loop3A_566 = tpu.vector_load_idx %arg12[%parallel_loop3A_275, %parallel_loop3A_564] : memref<400x64xi32, #tpu.memory_space<vmem>>[vector<16xi32>, vector<16xi32>], vector<16xi32>,
          %parallel_loop3A_567 = vector.bitcast %parallel_loop3A_565 : vector<16xi32> to vector<32xbf16>
          %parallel_loop3A_568 = vector.bitcast %parallel_loop3A_566 : vector<16xi32> to vector<32xbf16>
          %parallel_loop3A_569 = arith.mulf %parallel_loop3A_567, %parallel_loop3A_568 : vector<32xbf16>
          %parallel_loop3A_570 = tpu.unpack_subelements %parallel_loop3A_569, 0 {pack_format = #tpu.pack_format<interleaved>} : vector<32xbf16> -> vector<16xf32>
          %parallel_loop3A_571 = tpu.unpack_subelements %parallel_loop3A_569, 1 {pack_format = #tpu.pack_format<interleaved>} : vector<32xbf16> -> vector<16xf32>
          %parallel_loop3A_572 = arith.addf %parallel_loop3A_557, %parallel_loop3A_570 : vector<16xf32>
          %parallel_loop3A_573 = arith.addf %parallel_loop3A_558, %parallel_loop3A_571 : vector<16xf32>
          %parallel_loop3A_574 = arith.constant 1 : i32
          %parallel_loop3A_575 = vector.broadcast %parallel_loop3A_574 : i32 to vector<16xi32>
          %parallel_loop3A_576 = arith.addi %parallel_loop3A_564, %parallel_loop3A_575 : vector<16xi32>
          %parallel_loop3A_577 = arith.constant 63 : i32
          %parallel_loop3A_578 = vector.broadcast %parallel_loop3A_577 : i32 to vector<16xi32>
          %parallel_loop3A_579 = arith.andi %parallel_loop3A_576, %parallel_loop3A_578 : vector<16xi32>
          %parallel_loop3A_580 = tpu.vector_load_idx %arg11[%parallel_loop3A_275, %parallel_loop3A_579] : memref<400x64xi32, #tpu.memory_space<vmem>>[vector<16xi32>, vector<16xi32>], vector<16xi32>,
          %parallel_loop3A_581 = tpu.vector_load_idx %arg12[%parallel_loop3A_275, %parallel_loop3A_579] : memref<400x64xi32, #tpu.memory_space<vmem>>[vector<16xi32>, vector<16xi32>], vector<16xi32>,
          %parallel_loop3A_582 = vector.bitcast %parallel_loop3A_580 : vector<16xi32> to vector<32xbf16>
          %parallel_loop3A_583 = vector.bitcast %parallel_loop3A_581 : vector<16xi32> to vector<32xbf16>
          %parallel_loop3A_584 = arith.mulf %parallel_loop3A_582, %parallel_loop3A_583 : vector<32xbf16>
          %parallel_loop3A_585 = tpu.unpack_subelements %parallel_loop3A_584, 0 {pack_format = #tpu.pack_format<interleaved>} : vector<32xbf16> -> vector<16xf32>
          %parallel_loop3A_586 = tpu.unpack_subelements %parallel_loop3A_584, 1 {pack_format = #tpu.pack_format<interleaved>} : vector<32xbf16> -> vector<16xf32>
          %parallel_loop3A_587 = arith.addf %parallel_loop3A_572, %parallel_loop3A_585 : vector<16xf32>
          %parallel_loop3A_588 = arith.addf %parallel_loop3A_573, %parallel_loop3A_586 : vector<16xf32>
          %parallel_loop3A_589 = arith.constant 1 : i32
          %parallel_loop3A_590 = vector.broadcast %parallel_loop3A_589 : i32 to vector<16xi32>
          %parallel_loop3A_591 = arith.addi %parallel_loop3A_579, %parallel_loop3A_590 : vector<16xi32>
          %parallel_loop3A_592 = arith.constant 63 : i32
          %parallel_loop3A_593 = vector.broadcast %parallel_loop3A_592 : i32 to vector<16xi32>
          %parallel_loop3A_594 = arith.andi %parallel_loop3A_591, %parallel_loop3A_593 : vector<16xi32>
          %parallel_loop3A_595 = tpu.vector_load_idx %arg11[%parallel_loop3A_275, %parallel_loop3A_594] : memref<400x64xi32, #tpu.memory_space<vmem>>[vector<16xi32>, vector<16xi32>], vector<16xi32>,
          %parallel_loop3A_596 = tpu.vector_load_idx %arg12[%parallel_loop3A_275, %parallel_loop3A_594] : memref<400x64xi32, #tpu.memory_space<vmem>>[vector<16xi32>, vector<16xi32>], vector<16xi32>,
          %parallel_loop3A_597 = vector.bitcast %parallel_loop3A_595 : vector<16xi32> to vector<32xbf16>
          %parallel_loop3A_598 = vector.bitcast %parallel_loop3A_596 : vector<16xi32> to vector<32xbf16>
          %parallel_loop3A_599 = arith.mulf %parallel_loop3A_597, %parallel_loop3A_598 : vector<32xbf16>
          %parallel_loop3A_600 = tpu.unpack_subelements %parallel_loop3A_599, 0 {pack_format = #tpu.pack_format<interleaved>} : vector<32xbf16> -> vector<16xf32>
          %parallel_loop3A_601 = tpu.unpack_subelements %parallel_loop3A_599, 1 {pack_format = #tpu.pack_format<interleaved>} : vector<32xbf16> -> vector<16xf32>
          %parallel_loop3A_602 = arith.addf %parallel_loop3A_587, %parallel_loop3A_600 : vector<16xf32>
          %parallel_loop3A_603 = arith.addf %parallel_loop3A_588, %parallel_loop3A_601 : vector<16xf32>
          %parallel_loop3A_604 = arith.constant 1 : i32
          %parallel_loop3A_605 = vector.broadcast %parallel_loop3A_604 : i32 to vector<16xi32>
          %parallel_loop3A_606 = arith.addi %parallel_loop3A_594, %parallel_loop3A_605 : vector<16xi32>
          %parallel_loop3A_607 = arith.constant 63 : i32
          %parallel_loop3A_608 = vector.broadcast %parallel_loop3A_607 : i32 to vector<16xi32>
          %parallel_loop3A_609 = arith.andi %parallel_loop3A_606, %parallel_loop3A_608 : vector<16xi32>
          %parallel_loop3A_610 = tpu.vector_load_idx %arg11[%parallel_loop3A_275, %parallel_loop3A_609] : memref<400x64xi32, #tpu.memory_space<vmem>>[vector<16xi32>, vector<16xi32>], vector<16xi32>,
          %parallel_loop3A_611 = tpu.vector_load_idx %arg12[%parallel_loop3A_275, %parallel_loop3A_609] : memref<400x64xi32, #tpu.memory_space<vmem>>[vector<16xi32>, vector<16xi32>], vector<16xi32>,
          %parallel_loop3A_612 = vector.bitcast %parallel_loop3A_610 : vector<16xi32> to vector<32xbf16>
          %parallel_loop3A_613 = vector.bitcast %parallel_loop3A_611 : vector<16xi32> to vector<32xbf16>
          %parallel_loop3A_614 = arith.mulf %parallel_loop3A_612, %parallel_loop3A_613 : vector<32xbf16>
          %parallel_loop3A_615 = tpu.unpack_subelements %parallel_loop3A_614, 0 {pack_format = #tpu.pack_format<interleaved>} : vector<32xbf16> -> vector<16xf32>
          %parallel_loop3A_616 = tpu.unpack_subelements %parallel_loop3A_614, 1 {pack_format = #tpu.pack_format<interleaved>} : vector<32xbf16> -> vector<16xf32>
          %parallel_loop3A_617 = arith.addf %parallel_loop3A_602, %parallel_loop3A_615 : vector<16xf32>
          %parallel_loop3A_618 = arith.addf %parallel_loop3A_603, %parallel_loop3A_616 : vector<16xf32>
          %parallel_loop3A_619 = arith.constant 1 : i32
          %parallel_loop3A_620 = vector.broadcast %parallel_loop3A_619 : i32 to vector<16xi32>
          %parallel_loop3A_621 = arith.addi %parallel_loop3A_609, %parallel_loop3A_620 : vector<16xi32>
          %parallel_loop3A_622 = arith.constant 63 : i32
          %parallel_loop3A_623 = vector.broadcast %parallel_loop3A_622 : i32 to vector<16xi32>
          %parallel_loop3A_624 = arith.andi %parallel_loop3A_621, %parallel_loop3A_623 : vector<16xi32>
          %parallel_loop3A_625 = tpu.vector_load_idx %arg11[%parallel_loop3A_275, %parallel_loop3A_624] : memref<400x64xi32, #tpu.memory_space<vmem>>[vector<16xi32>, vector<16xi32>], vector<16xi32>,
          %parallel_loop3A_626 = tpu.vector_load_idx %arg12[%parallel_loop3A_275, %parallel_loop3A_624] : memref<400x64xi32, #tpu.memory_space<vmem>>[vector<16xi32>, vector<16xi32>], vector<16xi32>,
          %parallel_loop3A_627 = vector.bitcast %parallel_loop3A_625 : vector<16xi32> to vector<32xbf16>
          %parallel_loop3A_628 = vector.bitcast %parallel_loop3A_626 : vector<16xi32> to vector<32xbf16>
          %parallel_loop3A_629 = arith.mulf %parallel_loop3A_627, %parallel_loop3A_628 : vector<32xbf16>
          %parallel_loop3A_630 = tpu.unpack_subelements %parallel_loop3A_629, 0 {pack_format = #tpu.pack_format<interleaved>} : vector<32xbf16> -> vector<16xf32>
          %parallel_loop3A_631 = tpu.unpack_subelements %parallel_loop3A_629, 1 {pack_format = #tpu.pack_format<interleaved>} : vector<32xbf16> -> vector<16xf32>
          %parallel_loop3A_632 = arith.addf %parallel_loop3A_617, %parallel_loop3A_630 : vector<16xf32>
          %parallel_loop3A_633 = arith.addf %parallel_loop3A_618, %parallel_loop3A_631 : vector<16xf32>
          %parallel_loop3A_634 = arith.constant 1 : i32
          %parallel_loop3A_635 = vector.broadcast %parallel_loop3A_634 : i32 to vector<16xi32>
          %parallel_loop3A_636 = arith.addi %parallel_loop3A_624, %parallel_loop3A_635 : vector<16xi32>
          %parallel_loop3A_637 = arith.constant 63 : i32
          %parallel_loop3A_638 = vector.broadcast %parallel_loop3A_637 : i32 to vector<16xi32>
          %parallel_loop3A_639 = arith.andi %parallel_loop3A_636, %parallel_loop3A_638 : vector<16xi32>
          %parallel_loop3A_640 = tpu.vector_load_idx %arg11[%parallel_loop3A_275, %parallel_loop3A_639] : memref<400x64xi32, #tpu.memory_space<vmem>>[vector<16xi32>, vector<16xi32>], vector<16xi32>,
          %parallel_loop3A_641 = tpu.vector_load_idx %arg12[%parallel_loop3A_275, %parallel_loop3A_639] : memref<400x64xi32, #tpu.memory_space<vmem>>[vector<16xi32>, vector<16xi32>], vector<16xi32>,
          %parallel_loop3A_642 = vector.bitcast %parallel_loop3A_640 : vector<16xi32> to vector<32xbf16>
          %parallel_loop3A_643 = vector.bitcast %parallel_loop3A_641 : vector<16xi32> to vector<32xbf16>
          %parallel_loop3A_644 = arith.mulf %parallel_loop3A_642, %parallel_loop3A_643 : vector<32xbf16>
          %parallel_loop3A_645 = tpu.unpack_subelements %parallel_loop3A_644, 0 {pack_format = #tpu.pack_format<interleaved>} : vector<32xbf16> -> vector<16xf32>
          %parallel_loop3A_646 = tpu.unpack_subelements %parallel_loop3A_644, 1 {pack_format = #tpu.pack_format<interleaved>} : vector<32xbf16> -> vector<16xf32>
          %parallel_loop3A_647 = arith.addf %parallel_loop3A_632, %parallel_loop3A_645 : vector<16xf32>
          %parallel_loop3A_648 = arith.addf %parallel_loop3A_633, %parallel_loop3A_646 : vector<16xf32>
          %parallel_loop3A_649 = arith.constant 1 : i32
          %parallel_loop3A_650 = vector.broadcast %parallel_loop3A_649 : i32 to vector<16xi32>
          %parallel_loop3A_651 = arith.addi %parallel_loop3A_639, %parallel_loop3A_650 : vector<16xi32>
          %parallel_loop3A_652 = arith.constant 63 : i32
          %parallel_loop3A_653 = vector.broadcast %parallel_loop3A_652 : i32 to vector<16xi32>
          %parallel_loop3A_654 = arith.andi %parallel_loop3A_651, %parallel_loop3A_653 : vector<16xi32>
          %parallel_loop3A_655 = tpu.vector_load_idx %arg11[%parallel_loop3A_275, %parallel_loop3A_654] : memref<400x64xi32, #tpu.memory_space<vmem>>[vector<16xi32>, vector<16xi32>], vector<16xi32>,
          %parallel_loop3A_656 = tpu.vector_load_idx %arg12[%parallel_loop3A_275, %parallel_loop3A_654] : memref<400x64xi32, #tpu.memory_space<vmem>>[vector<16xi32>, vector<16xi32>], vector<16xi32>,
          %parallel_loop3A_657 = vector.bitcast %parallel_loop3A_655 : vector<16xi32> to vector<32xbf16>
          %parallel_loop3A_658 = vector.bitcast %parallel_loop3A_656 : vector<16xi32> to vector<32xbf16>
          %parallel_loop3A_659 = arith.mulf %parallel_loop3A_657, %parallel_loop3A_658 : vector<32xbf16>
          %parallel_loop3A_660 = tpu.unpack_subelements %parallel_loop3A_659, 0 {pack_format = #tpu.pack_format<interleaved>} : vector<32xbf16> -> vector<16xf32>
          %parallel_loop3A_661 = tpu.unpack_subelements %parallel_loop3A_659, 1 {pack_format = #tpu.pack_format<interleaved>} : vector<32xbf16> -> vector<16xf32>
          %parallel_loop3A_662 = arith.addf %parallel_loop3A_647, %parallel_loop3A_660 : vector<16xf32>
          %parallel_loop3A_663 = arith.addf %parallel_loop3A_648, %parallel_loop3A_661 : vector<16xf32>
          %parallel_loop3A_664 = arith.constant 1 : i32
          %parallel_loop3A_665 = vector.broadcast %parallel_loop3A_664 : i32 to vector<16xi32>
          %parallel_loop3A_666 = arith.addi %parallel_loop3A_654, %parallel_loop3A_665 : vector<16xi32>
          %parallel_loop3A_667 = arith.constant 63 : i32
          %parallel_loop3A_668 = vector.broadcast %parallel_loop3A_667 : i32 to vector<16xi32>
          %parallel_loop3A_669 = arith.andi %parallel_loop3A_666, %parallel_loop3A_668 : vector<16xi32>
          %parallel_loop3A_670 = tpu.vector_load_idx %arg11[%parallel_loop3A_275, %parallel_loop3A_669] : memref<400x64xi32, #tpu.memory_space<vmem>>[vector<16xi32>, vector<16xi32>], vector<16xi32>,
          %parallel_loop3A_671 = tpu.vector_load_idx %arg12[%parallel_loop3A_275, %parallel_loop3A_669] : memref<400x64xi32, #tpu.memory_space<vmem>>[vector<16xi32>, vector<16xi32>], vector<16xi32>,
          %parallel_loop3A_672 = vector.bitcast %parallel_loop3A_670 : vector<16xi32> to vector<32xbf16>
          %parallel_loop3A_673 = vector.bitcast %parallel_loop3A_671 : vector<16xi32> to vector<32xbf16>
          %parallel_loop3A_674 = arith.mulf %parallel_loop3A_672, %parallel_loop3A_673 : vector<32xbf16>
          %parallel_loop3A_675 = tpu.unpack_subelements %parallel_loop3A_674, 0 {pack_format = #tpu.pack_format<interleaved>} : vector<32xbf16> -> vector<16xf32>
          %parallel_loop3A_676 = tpu.unpack_subelements %parallel_loop3A_674, 1 {pack_format = #tpu.pack_format<interleaved>} : vector<32xbf16> -> vector<16xf32>
          %parallel_loop3A_677 = arith.addf %parallel_loop3A_662, %parallel_loop3A_675 : vector<16xf32>
          %parallel_loop3A_678 = arith.addf %parallel_loop3A_663, %parallel_loop3A_676 : vector<16xf32>
          %parallel_loop3A_679 = arith.constant 1 : i32
          %parallel_loop3A_680 = vector.broadcast %parallel_loop3A_679 : i32 to vector<16xi32>
          %parallel_loop3A_681 = arith.addi %parallel_loop3A_669, %parallel_loop3A_680 : vector<16xi32>
          %parallel_loop3A_682 = arith.constant 63 : i32
          %parallel_loop3A_683 = vector.broadcast %parallel_loop3A_682 : i32 to vector<16xi32>
          %parallel_loop3A_684 = arith.andi %parallel_loop3A_681, %parallel_loop3A_683 : vector<16xi32>
          %parallel_loop3A_685 = tpu.vector_load_idx %arg11[%parallel_loop3A_275, %parallel_loop3A_684] : memref<400x64xi32, #tpu.memory_space<vmem>>[vector<16xi32>, vector<16xi32>], vector<16xi32>,
          %parallel_loop3A_686 = tpu.vector_load_idx %arg12[%parallel_loop3A_275, %parallel_loop3A_684] : memref<400x64xi32, #tpu.memory_space<vmem>>[vector<16xi32>, vector<16xi32>], vector<16xi32>,
          %parallel_loop3A_687 = vector.bitcast %parallel_loop3A_685 : vector<16xi32> to vector<32xbf16>
          %parallel_loop3A_688 = vector.bitcast %parallel_loop3A_686 : vector<16xi32> to vector<32xbf16>
          %parallel_loop3A_689 = arith.mulf %parallel_loop3A_687, %parallel_loop3A_688 : vector<32xbf16>
          %parallel_loop3A_690 = tpu.unpack_subelements %parallel_loop3A_689, 0 {pack_format = #tpu.pack_format<interleaved>} : vector<32xbf16> -> vector<16xf32>
          %parallel_loop3A_691 = tpu.unpack_subelements %parallel_loop3A_689, 1 {pack_format = #tpu.pack_format<interleaved>} : vector<32xbf16> -> vector<16xf32>
          %parallel_loop3A_692 = arith.addf %parallel_loop3A_677, %parallel_loop3A_690 : vector<16xf32>
          %parallel_loop3A_693 = arith.addf %parallel_loop3A_678, %parallel_loop3A_691 : vector<16xf32>
          %parallel_loop3A_694 = arith.constant 1 : i32
          %parallel_loop3A_695 = vector.broadcast %parallel_loop3A_694 : i32 to vector<16xi32>
          %parallel_loop3A_696 = arith.addi %parallel_loop3A_684, %parallel_loop3A_695 : vector<16xi32>
          %parallel_loop3A_697 = arith.constant 63 : i32
          %parallel_loop3A_698 = vector.broadcast %parallel_loop3A_697 : i32 to vector<16xi32>
          %parallel_loop3A_699 = arith.andi %parallel_loop3A_696, %parallel_loop3A_698 : vector<16xi32>
          %parallel_loop3A_700 = tpu.vector_load_idx %arg11[%parallel_loop3A_275, %parallel_loop3A_699] : memref<400x64xi32, #tpu.memory_space<vmem>>[vector<16xi32>, vector<16xi32>], vector<16xi32>,
          %parallel_loop3A_701 = tpu.vector_load_idx %arg12[%parallel_loop3A_275, %parallel_loop3A_699] : memref<400x64xi32, #tpu.memory_space<vmem>>[vector<16xi32>, vector<16xi32>], vector<16xi32>,
          %parallel_loop3A_702 = vector.bitcast %parallel_loop3A_700 : vector<16xi32> to vector<32xbf16>
          %parallel_loop3A_703 = vector.bitcast %parallel_loop3A_701 : vector<16xi32> to vector<32xbf16>
          %parallel_loop3A_704 = arith.mulf %parallel_loop3A_702, %parallel_loop3A_703 : vector<32xbf16>
          %parallel_loop3A_705 = tpu.unpack_subelements %parallel_loop3A_704, 0 {pack_format = #tpu.pack_format<interleaved>} : vector<32xbf16> -> vector<16xf32>
          %parallel_loop3A_706 = tpu.unpack_subelements %parallel_loop3A_704, 1 {pack_format = #tpu.pack_format<interleaved>} : vector<32xbf16> -> vector<16xf32>
          %parallel_loop3A_707 = arith.addf %parallel_loop3A_692, %parallel_loop3A_705 : vector<16xf32>
          %parallel_loop3A_708 = arith.addf %parallel_loop3A_693, %parallel_loop3A_706 : vector<16xf32>
          %parallel_loop3A_709 = arith.constant 1 : i32
          %parallel_loop3A_710 = vector.broadcast %parallel_loop3A_709 : i32 to vector<16xi32>
          %parallel_loop3A_711 = arith.addi %parallel_loop3A_699, %parallel_loop3A_710 : vector<16xi32>
          %parallel_loop3A_712 = arith.constant 63 : i32
          %parallel_loop3A_713 = vector.broadcast %parallel_loop3A_712 : i32 to vector<16xi32>
          %parallel_loop3A_714 = arith.andi %parallel_loop3A_711, %parallel_loop3A_713 : vector<16xi32>
          %parallel_loop3A_715 = tpu.vector_load_idx %arg11[%parallel_loop3A_275, %parallel_loop3A_714] : memref<400x64xi32, #tpu.memory_space<vmem>>[vector<16xi32>, vector<16xi32>], vector<16xi32>,
          %parallel_loop3A_716 = tpu.vector_load_idx %arg12[%parallel_loop3A_275, %parallel_loop3A_714] : memref<400x64xi32, #tpu.memory_space<vmem>>[vector<16xi32>, vector<16xi32>], vector<16xi32>,
          %parallel_loop3A_717 = vector.bitcast %parallel_loop3A_715 : vector<16xi32> to vector<32xbf16>
          %parallel_loop3A_718 = vector.bitcast %parallel_loop3A_716 : vector<16xi32> to vector<32xbf16>
          %parallel_loop3A_719 = arith.mulf %parallel_loop3A_717, %parallel_loop3A_718 : vector<32xbf16>
          %parallel_loop3A_720 = tpu.unpack_subelements %parallel_loop3A_719, 0 {pack_format = #tpu.pack_format<interleaved>} : vector<32xbf16> -> vector<16xf32>
          %parallel_loop3A_721 = tpu.unpack_subelements %parallel_loop3A_719, 1 {pack_format = #tpu.pack_format<interleaved>} : vector<32xbf16> -> vector<16xf32>
          %parallel_loop3A_722 = arith.addf %parallel_loop3A_707, %parallel_loop3A_720 : vector<16xf32>
          %parallel_loop3A_723 = arith.addf %parallel_loop3A_708, %parallel_loop3A_721 : vector<16xf32>
          %parallel_loop3A_724 = arith.constant 1 : i32
          %parallel_loop3A_725 = vector.broadcast %parallel_loop3A_724 : i32 to vector<16xi32>
          %parallel_loop3A_726 = arith.addi %parallel_loop3A_714, %parallel_loop3A_725 : vector<16xi32>
          %parallel_loop3A_727 = arith.constant 63 : i32
          %parallel_loop3A_728 = vector.broadcast %parallel_loop3A_727 : i32 to vector<16xi32>
          %parallel_loop3A_729 = arith.andi %parallel_loop3A_726, %parallel_loop3A_728 : vector<16xi32>
          %parallel_loop3A_730 = tpu.vector_load_idx %arg11[%parallel_loop3A_275, %parallel_loop3A_729] : memref<400x64xi32, #tpu.memory_space<vmem>>[vector<16xi32>, vector<16xi32>], vector<16xi32>,
          %parallel_loop3A_731 = tpu.vector_load_idx %arg12[%parallel_loop3A_275, %parallel_loop3A_729] : memref<400x64xi32, #tpu.memory_space<vmem>>[vector<16xi32>, vector<16xi32>], vector<16xi32>,
          %parallel_loop3A_732 = vector.bitcast %parallel_loop3A_730 : vector<16xi32> to vector<32xbf16>
          %parallel_loop3A_733 = vector.bitcast %parallel_loop3A_731 : vector<16xi32> to vector<32xbf16>
          %parallel_loop3A_734 = arith.mulf %parallel_loop3A_732, %parallel_loop3A_733 : vector<32xbf16>
          %parallel_loop3A_735 = tpu.unpack_subelements %parallel_loop3A_734, 0 {pack_format = #tpu.pack_format<interleaved>} : vector<32xbf16> -> vector<16xf32>
          %parallel_loop3A_736 = tpu.unpack_subelements %parallel_loop3A_734, 1 {pack_format = #tpu.pack_format<interleaved>} : vector<32xbf16> -> vector<16xf32>
          %parallel_loop3A_737 = arith.addf %parallel_loop3A_722, %parallel_loop3A_735 : vector<16xf32>
          %parallel_loop3A_738 = arith.addf %parallel_loop3A_723, %parallel_loop3A_736 : vector<16xf32>
          %parallel_loop3A_739 = arith.constant 1 : i32
          %parallel_loop3A_740 = vector.broadcast %parallel_loop3A_739 : i32 to vector<16xi32>
          %parallel_loop3A_741 = arith.addi %parallel_loop3A_729, %parallel_loop3A_740 : vector<16xi32>
          %parallel_loop3A_742 = arith.constant 63 : i32
          %parallel_loop3A_743 = vector.broadcast %parallel_loop3A_742 : i32 to vector<16xi32>
          %parallel_loop3A_744 = arith.andi %parallel_loop3A_741, %parallel_loop3A_743 : vector<16xi32>
          %parallel_loop3A_745 = tpu.vector_load_idx %arg11[%parallel_loop3A_275, %parallel_loop3A_744] : memref<400x64xi32, #tpu.memory_space<vmem>>[vector<16xi32>, vector<16xi32>], vector<16xi32>,
          %parallel_loop3A_746 = tpu.vector_load_idx %arg12[%parallel_loop3A_275, %parallel_loop3A_744] : memref<400x64xi32, #tpu.memory_space<vmem>>[vector<16xi32>, vector<16xi32>], vector<16xi32>,
          %parallel_loop3A_747 = vector.bitcast %parallel_loop3A_745 : vector<16xi32> to vector<32xbf16>
          %parallel_loop3A_748 = vector.bitcast %parallel_loop3A_746 : vector<16xi32> to vector<32xbf16>
          %parallel_loop3A_749 = arith.mulf %parallel_loop3A_747, %parallel_loop3A_748 : vector<32xbf16>
          %parallel_loop3A_750 = tpu.unpack_subelements %parallel_loop3A_749, 0 {pack_format = #tpu.pack_format<interleaved>} : vector<32xbf16> -> vector<16xf32>
          %parallel_loop3A_751 = tpu.unpack_subelements %parallel_loop3A_749, 1 {pack_format = #tpu.pack_format<interleaved>} : vector<32xbf16> -> vector<16xf32>
          %parallel_loop3A_752 = arith.addf %parallel_loop3A_737, %parallel_loop3A_750 : vector<16xf32>
          %parallel_loop3A_753 = arith.addf %parallel_loop3A_738, %parallel_loop3A_751 : vector<16xf32>
          %parallel_loop3A_754 = arith.constant 1 : i32
          %parallel_loop3A_755 = vector.broadcast %parallel_loop3A_754 : i32 to vector<16xi32>
          %parallel_loop3A_756 = arith.addi %parallel_loop3A_744, %parallel_loop3A_755 : vector<16xi32>
          %parallel_loop3A_757 = arith.constant 63 : i32
          %parallel_loop3A_758 = vector.broadcast %parallel_loop3A_757 : i32 to vector<16xi32>
          %parallel_loop3A_759 = arith.andi %parallel_loop3A_756, %parallel_loop3A_758 : vector<16xi32>
          %parallel_loop3A_760 = tpu.vector_load_idx %arg11[%parallel_loop3A_275, %parallel_loop3A_759] : memref<400x64xi32, #tpu.memory_space<vmem>>[vector<16xi32>, vector<16xi32>], vector<16xi32>,
          %parallel_loop3A_761 = tpu.vector_load_idx %arg12[%parallel_loop3A_275, %parallel_loop3A_759] : memref<400x64xi32, #tpu.memory_space<vmem>>[vector<16xi32>, vector<16xi32>], vector<16xi32>,
          %parallel_loop3A_762 = vector.bitcast %parallel_loop3A_760 : vector<16xi32> to vector<32xbf16>
          %parallel_loop3A_763 = vector.bitcast %parallel_loop3A_761 : vector<16xi32> to vector<32xbf16>
          %parallel_loop3A_764 = arith.mulf %parallel_loop3A_762, %parallel_loop3A_763 : vector<32xbf16>
          %parallel_loop3A_765 = tpu.unpack_subelements %parallel_loop3A_764, 0 {pack_format = #tpu.pack_format<interleaved>} : vector<32xbf16> -> vector<16xf32>
          %parallel_loop3A_766 = tpu.unpack_subelements %parallel_loop3A_764, 1 {pack_format = #tpu.pack_format<interleaved>} : vector<32xbf16> -> vector<16xf32>
          %parallel_loop3A_767 = arith.addf %parallel_loop3A_752, %parallel_loop3A_765 : vector<16xf32>
          %parallel_loop3A_768 = arith.addf %parallel_loop3A_753, %parallel_loop3A_766 : vector<16xf32>
          %parallel_loop3A_769 = arith.constant 1 : i32
          %parallel_loop3A_770 = vector.broadcast %parallel_loop3A_769 : i32 to vector<16xi32>
          %parallel_loop3A_771 = arith.addi %parallel_loop3A_759, %parallel_loop3A_770 : vector<16xi32>
          %parallel_loop3A_772 = arith.constant 63 : i32
          %parallel_loop3A_773 = vector.broadcast %parallel_loop3A_772 : i32 to vector<16xi32>
          %parallel_loop3A_774 = arith.andi %parallel_loop3A_771, %parallel_loop3A_773 : vector<16xi32>
          %parallel_loop3A_775 = tpu.vector_load_idx %arg11[%parallel_loop3A_275, %parallel_loop3A_774] : memref<400x64xi32, #tpu.memory_space<vmem>>[vector<16xi32>, vector<16xi32>], vector<16xi32>,
          %parallel_loop3A_776 = tpu.vector_load_idx %arg12[%parallel_loop3A_275, %parallel_loop3A_774] : memref<400x64xi32, #tpu.memory_space<vmem>>[vector<16xi32>, vector<16xi32>], vector<16xi32>,
          %parallel_loop3A_777 = vector.bitcast %parallel_loop3A_775 : vector<16xi32> to vector<32xbf16>
          %parallel_loop3A_778 = vector.bitcast %parallel_loop3A_776 : vector<16xi32> to vector<32xbf16>
          %parallel_loop3A_779 = arith.mulf %parallel_loop3A_777, %parallel_loop3A_778 : vector<32xbf16>
          %parallel_loop3A_780 = tpu.unpack_subelements %parallel_loop3A_779, 0 {pack_format = #tpu.pack_format<interleaved>} : vector<32xbf16> -> vector<16xf32>
          %parallel_loop3A_781 = tpu.unpack_subelements %parallel_loop3A_779, 1 {pack_format = #tpu.pack_format<interleaved>} : vector<32xbf16> -> vector<16xf32>
          %parallel_loop3A_782 = arith.addf %parallel_loop3A_767, %parallel_loop3A_780 : vector<16xf32>
          %parallel_loop3A_783 = arith.addf %parallel_loop3A_768, %parallel_loop3A_781 : vector<16xf32>
          %parallel_loop3A_784 = arith.constant 1 : i32
          %parallel_loop3A_785 = vector.broadcast %parallel_loop3A_784 : i32 to vector<16xi32>
          %parallel_loop3A_786 = arith.addi %parallel_loop3A_774, %parallel_loop3A_785 : vector<16xi32>
          %parallel_loop3A_787 = arith.constant 63 : i32
          %parallel_loop3A_788 = vector.broadcast %parallel_loop3A_787 : i32 to vector<16xi32>
          %parallel_loop3A_789 = arith.andi %parallel_loop3A_786, %parallel_loop3A_788 : vector<16xi32>
          %parallel_loop3A_790 = tpu.vector_load_idx %arg11[%parallel_loop3A_275, %parallel_loop3A_789] : memref<400x64xi32, #tpu.memory_space<vmem>>[vector<16xi32>, vector<16xi32>], vector<16xi32>,
          %parallel_loop3A_791 = tpu.vector_load_idx %arg12[%parallel_loop3A_275, %parallel_loop3A_789] : memref<400x64xi32, #tpu.memory_space<vmem>>[vector<16xi32>, vector<16xi32>], vector<16xi32>,
          %parallel_loop3A_792 = vector.bitcast %parallel_loop3A_790 : vector<16xi32> to vector<32xbf16>
          %parallel_loop3A_793 = vector.bitcast %parallel_loop3A_791 : vector<16xi32> to vector<32xbf16>
          %parallel_loop3A_794 = arith.mulf %parallel_loop3A_792, %parallel_loop3A_793 : vector<32xbf16>
          %parallel_loop3A_795 = tpu.unpack_subelements %parallel_loop3A_794, 0 {pack_format = #tpu.pack_format<interleaved>} : vector<32xbf16> -> vector<16xf32>
          %parallel_loop3A_796 = tpu.unpack_subelements %parallel_loop3A_794, 1 {pack_format = #tpu.pack_format<interleaved>} : vector<32xbf16> -> vector<16xf32>
          %parallel_loop3A_797 = arith.addf %parallel_loop3A_782, %parallel_loop3A_795 : vector<16xf32>
          %parallel_loop3A_798 = arith.addf %parallel_loop3A_783, %parallel_loop3A_796 : vector<16xf32>
          %parallel_loop3A_799 = arith.constant 1 : i32
          %parallel_loop3A_800 = vector.broadcast %parallel_loop3A_799 : i32 to vector<16xi32>
          %parallel_loop3A_801 = arith.addi %parallel_loop3A_789, %parallel_loop3A_800 : vector<16xi32>
          %parallel_loop3A_802 = arith.constant 63 : i32
          %parallel_loop3A_803 = vector.broadcast %parallel_loop3A_802 : i32 to vector<16xi32>
          %parallel_loop3A_804 = arith.andi %parallel_loop3A_801, %parallel_loop3A_803 : vector<16xi32>
          %parallel_loop3A_805 = tpu.vector_load_idx %arg11[%parallel_loop3A_275, %parallel_loop3A_804] : memref<400x64xi32, #tpu.memory_space<vmem>>[vector<16xi32>, vector<16xi32>], vector<16xi32>,
          %parallel_loop3A_806 = tpu.vector_load_idx %arg12[%parallel_loop3A_275, %parallel_loop3A_804] : memref<400x64xi32, #tpu.memory_space<vmem>>[vector<16xi32>, vector<16xi32>], vector<16xi32>,
          %parallel_loop3A_807 = vector.bitcast %parallel_loop3A_805 : vector<16xi32> to vector<32xbf16>
          %parallel_loop3A_808 = vector.bitcast %parallel_loop3A_806 : vector<16xi32> to vector<32xbf16>
          %parallel_loop3A_809 = arith.mulf %parallel_loop3A_807, %parallel_loop3A_808 : vector<32xbf16>
          %parallel_loop3A_810 = tpu.unpack_subelements %parallel_loop3A_809, 0 {pack_format = #tpu.pack_format<interleaved>} : vector<32xbf16> -> vector<16xf32>
          %parallel_loop3A_811 = tpu.unpack_subelements %parallel_loop3A_809, 1 {pack_format = #tpu.pack_format<interleaved>} : vector<32xbf16> -> vector<16xf32>
          %parallel_loop3A_812 = arith.addf %parallel_loop3A_797, %parallel_loop3A_810 : vector<16xf32>
          %parallel_loop3A_813 = arith.addf %parallel_loop3A_798, %parallel_loop3A_811 : vector<16xf32>
          %parallel_loop3A_814 = arith.constant 1 : i32
          %parallel_loop3A_815 = vector.broadcast %parallel_loop3A_814 : i32 to vector<16xi32>
          %parallel_loop3A_816 = arith.addi %parallel_loop3A_804, %parallel_loop3A_815 : vector<16xi32>
          %parallel_loop3A_817 = arith.constant 63 : i32
          %parallel_loop3A_818 = vector.broadcast %parallel_loop3A_817 : i32 to vector<16xi32>
          %parallel_loop3A_819 = arith.andi %parallel_loop3A_816, %parallel_loop3A_818 : vector<16xi32>
          %parallel_loop3A_820 = tpu.vector_load_idx %arg11[%parallel_loop3A_275, %parallel_loop3A_819] : memref<400x64xi32, #tpu.memory_space<vmem>>[vector<16xi32>, vector<16xi32>], vector<16xi32>,
          %parallel_loop3A_821 = tpu.vector_load_idx %arg12[%parallel_loop3A_275, %parallel_loop3A_819] : memref<400x64xi32, #tpu.memory_space<vmem>>[vector<16xi32>, vector<16xi32>], vector<16xi32>,
          %parallel_loop3A_822 = vector.bitcast %parallel_loop3A_820 : vector<16xi32> to vector<32xbf16>
          %parallel_loop3A_823 = vector.bitcast %parallel_loop3A_821 : vector<16xi32> to vector<32xbf16>
          %parallel_loop3A_824 = arith.mulf %parallel_loop3A_822, %parallel_loop3A_823 : vector<32xbf16>
          %parallel_loop3A_825 = tpu.unpack_subelements %parallel_loop3A_824, 0 {pack_format = #tpu.pack_format<interleaved>} : vector<32xbf16> -> vector<16xf32>
          %parallel_loop3A_826 = tpu.unpack_subelements %parallel_loop3A_824, 1 {pack_format = #tpu.pack_format<interleaved>} : vector<32xbf16> -> vector<16xf32>
          %parallel_loop3A_827 = arith.addf %parallel_loop3A_812, %parallel_loop3A_825 : vector<16xf32>
          %parallel_loop3A_828 = arith.addf %parallel_loop3A_813, %parallel_loop3A_826 : vector<16xf32>
          %parallel_loop3A_829 = arith.constant 1 : i32
          %parallel_loop3A_830 = vector.broadcast %parallel_loop3A_829 : i32 to vector<16xi32>
          %parallel_loop3A_831 = arith.addi %parallel_loop3A_819, %parallel_loop3A_830 : vector<16xi32>
          %parallel_loop3A_832 = arith.constant 63 : i32
          %parallel_loop3A_833 = vector.broadcast %parallel_loop3A_832 : i32 to vector<16xi32>
          %parallel_loop3A_834 = arith.andi %parallel_loop3A_831, %parallel_loop3A_833 : vector<16xi32>
          %parallel_loop3A_835 = tpu.vector_load_idx %arg11[%parallel_loop3A_275, %parallel_loop3A_834] : memref<400x64xi32, #tpu.memory_space<vmem>>[vector<16xi32>, vector<16xi32>], vector<16xi32>,
          %parallel_loop3A_836 = tpu.vector_load_idx %arg12[%parallel_loop3A_275, %parallel_loop3A_834] : memref<400x64xi32, #tpu.memory_space<vmem>>[vector<16xi32>, vector<16xi32>], vector<16xi32>,
          %parallel_loop3A_837 = vector.bitcast %parallel_loop3A_835 : vector<16xi32> to vector<32xbf16>
          %parallel_loop3A_838 = vector.bitcast %parallel_loop3A_836 : vector<16xi32> to vector<32xbf16>
          %parallel_loop3A_839 = arith.mulf %parallel_loop3A_837, %parallel_loop3A_838 : vector<32xbf16>
          %parallel_loop3A_840 = tpu.unpack_subelements %parallel_loop3A_839, 0 {pack_format = #tpu.pack_format<interleaved>} : vector<32xbf16> -> vector<16xf32>
          %parallel_loop3A_841 = tpu.unpack_subelements %parallel_loop3A_839, 1 {pack_format = #tpu.pack_format<interleaved>} : vector<32xbf16> -> vector<16xf32>
          %parallel_loop3A_842 = arith.addf %parallel_loop3A_827, %parallel_loop3A_840 : vector<16xf32>
          %parallel_loop3A_843 = arith.addf %parallel_loop3A_828, %parallel_loop3A_841 : vector<16xf32>
          %parallel_loop3A_844 = arith.constant 1 : i32
          %parallel_loop3A_845 = vector.broadcast %parallel_loop3A_844 : i32 to vector<16xi32>
          %parallel_loop3A_846 = arith.addi %parallel_loop3A_834, %parallel_loop3A_845 : vector<16xi32>
          %parallel_loop3A_847 = arith.constant 63 : i32
          %parallel_loop3A_848 = vector.broadcast %parallel_loop3A_847 : i32 to vector<16xi32>
          %parallel_loop3A_849 = arith.andi %parallel_loop3A_846, %parallel_loop3A_848 : vector<16xi32>
          %parallel_loop3A_850 = tpu.vector_load_idx %arg11[%parallel_loop3A_275, %parallel_loop3A_849] : memref<400x64xi32, #tpu.memory_space<vmem>>[vector<16xi32>, vector<16xi32>], vector<16xi32>,
          %parallel_loop3A_851 = tpu.vector_load_idx %arg12[%parallel_loop3A_275, %parallel_loop3A_849] : memref<400x64xi32, #tpu.memory_space<vmem>>[vector<16xi32>, vector<16xi32>], vector<16xi32>,
          %parallel_loop3A_852 = vector.bitcast %parallel_loop3A_850 : vector<16xi32> to vector<32xbf16>
          %parallel_loop3A_853 = vector.bitcast %parallel_loop3A_851 : vector<16xi32> to vector<32xbf16>
          %parallel_loop3A_854 = arith.mulf %parallel_loop3A_852, %parallel_loop3A_853 : vector<32xbf16>
          %parallel_loop3A_855 = tpu.unpack_subelements %parallel_loop3A_854, 0 {pack_format = #tpu.pack_format<interleaved>} : vector<32xbf16> -> vector<16xf32>
          %parallel_loop3A_856 = tpu.unpack_subelements %parallel_loop3A_854, 1 {pack_format = #tpu.pack_format<interleaved>} : vector<32xbf16> -> vector<16xf32>
          %parallel_loop3A_857 = arith.addf %parallel_loop3A_842, %parallel_loop3A_855 : vector<16xf32>
          %parallel_loop3A_858 = arith.addf %parallel_loop3A_843, %parallel_loop3A_856 : vector<16xf32>
          %parallel_loop3A_859 = arith.constant 1 : i32
          %parallel_loop3A_860 = vector.broadcast %parallel_loop3A_859 : i32 to vector<16xi32>
          %parallel_loop3A_861 = arith.addi %parallel_loop3A_849, %parallel_loop3A_860 : vector<16xi32>
          %parallel_loop3A_862 = arith.constant 63 : i32
          %parallel_loop3A_863 = vector.broadcast %parallel_loop3A_862 : i32 to vector<16xi32>
          %parallel_loop3A_864 = arith.andi %parallel_loop3A_861, %parallel_loop3A_863 : vector<16xi32>
          %parallel_loop3A_865 = tpu.vector_load_idx %arg11[%parallel_loop3A_275, %parallel_loop3A_864] : memref<400x64xi32, #tpu.memory_space<vmem>>[vector<16xi32>, vector<16xi32>], vector<16xi32>,
          %parallel_loop3A_866 = tpu.vector_load_idx %arg12[%parallel_loop3A_275, %parallel_loop3A_864] : memref<400x64xi32, #tpu.memory_space<vmem>>[vector<16xi32>, vector<16xi32>], vector<16xi32>,
          %parallel_loop3A_867 = vector.bitcast %parallel_loop3A_865 : vector<16xi32> to vector<32xbf16>
          %parallel_loop3A_868 = vector.bitcast %parallel_loop3A_866 : vector<16xi32> to vector<32xbf16>
          %parallel_loop3A_869 = arith.mulf %parallel_loop3A_867, %parallel_loop3A_868 : vector<32xbf16>
          %parallel_loop3A_870 = tpu.unpack_subelements %parallel_loop3A_869, 0 {pack_format = #tpu.pack_format<interleaved>} : vector<32xbf16> -> vector<16xf32>
          %parallel_loop3A_871 = tpu.unpack_subelements %parallel_loop3A_869, 1 {pack_format = #tpu.pack_format<interleaved>} : vector<32xbf16> -> vector<16xf32>
          %parallel_loop3A_872 = arith.addf %parallel_loop3A_857, %parallel_loop3A_870 : vector<16xf32>
          %parallel_loop3A_873 = arith.addf %parallel_loop3A_858, %parallel_loop3A_871 : vector<16xf32>
          %parallel_loop3A_874 = arith.constant 1 : i32
          %parallel_loop3A_875 = vector.broadcast %parallel_loop3A_874 : i32 to vector<16xi32>
          %parallel_loop3A_876 = arith.addi %parallel_loop3A_864, %parallel_loop3A_875 : vector<16xi32>
          %parallel_loop3A_877 = arith.constant 63 : i32
          %parallel_loop3A_878 = vector.broadcast %parallel_loop3A_877 : i32 to vector<16xi32>
          %parallel_loop3A_879 = arith.andi %parallel_loop3A_876, %parallel_loop3A_878 : vector<16xi32>
          %parallel_loop3A_880 = tpu.vector_load_idx %arg11[%parallel_loop3A_275, %parallel_loop3A_879] : memref<400x64xi32, #tpu.memory_space<vmem>>[vector<16xi32>, vector<16xi32>], vector<16xi32>,
          %parallel_loop3A_881 = tpu.vector_load_idx %arg12[%parallel_loop3A_275, %parallel_loop3A_879] : memref<400x64xi32, #tpu.memory_space<vmem>>[vector<16xi32>, vector<16xi32>], vector<16xi32>,
          %parallel_loop3A_882 = vector.bitcast %parallel_loop3A_880 : vector<16xi32> to vector<32xbf16>
          %parallel_loop3A_883 = vector.bitcast %parallel_loop3A_881 : vector<16xi32> to vector<32xbf16>
          %parallel_loop3A_884 = arith.mulf %parallel_loop3A_882, %parallel_loop3A_883 : vector<32xbf16>
          %parallel_loop3A_885 = tpu.unpack_subelements %parallel_loop3A_884, 0 {pack_format = #tpu.pack_format<interleaved>} : vector<32xbf16> -> vector<16xf32>
          %parallel_loop3A_886 = tpu.unpack_subelements %parallel_loop3A_884, 1 {pack_format = #tpu.pack_format<interleaved>} : vector<32xbf16> -> vector<16xf32>
          %parallel_loop3A_887 = arith.addf %parallel_loop3A_872, %parallel_loop3A_885 : vector<16xf32>
          %parallel_loop3A_888 = arith.addf %parallel_loop3A_873, %parallel_loop3A_886 : vector<16xf32>
          %parallel_loop3A_889 = arith.constant 1 : i32
          %parallel_loop3A_890 = vector.broadcast %parallel_loop3A_889 : i32 to vector<16xi32>
          %parallel_loop3A_891 = arith.addi %parallel_loop3A_879, %parallel_loop3A_890 : vector<16xi32>
          %parallel_loop3A_892 = arith.constant 63 : i32
          %parallel_loop3A_893 = vector.broadcast %parallel_loop3A_892 : i32 to vector<16xi32>
          %parallel_loop3A_894 = arith.andi %parallel_loop3A_891, %parallel_loop3A_893 : vector<16xi32>
          %parallel_loop3A_895 = tpu.vector_load_idx %arg11[%parallel_loop3A_275, %parallel_loop3A_894] : memref<400x64xi32, #tpu.memory_space<vmem>>[vector<16xi32>, vector<16xi32>], vector<16xi32>,
          %parallel_loop3A_896 = tpu.vector_load_idx %arg12[%parallel_loop3A_275, %parallel_loop3A_894] : memref<400x64xi32, #tpu.memory_space<vmem>>[vector<16xi32>, vector<16xi32>], vector<16xi32>,
          %parallel_loop3A_897 = vector.bitcast %parallel_loop3A_895 : vector<16xi32> to vector<32xbf16>
          %parallel_loop3A_898 = vector.bitcast %parallel_loop3A_896 : vector<16xi32> to vector<32xbf16>
          %parallel_loop3A_899 = arith.mulf %parallel_loop3A_897, %parallel_loop3A_898 : vector<32xbf16>
          %parallel_loop3A_900 = tpu.unpack_subelements %parallel_loop3A_899, 0 {pack_format = #tpu.pack_format<interleaved>} : vector<32xbf16> -> vector<16xf32>
          %parallel_loop3A_901 = tpu.unpack_subelements %parallel_loop3A_899, 1 {pack_format = #tpu.pack_format<interleaved>} : vector<32xbf16> -> vector<16xf32>
          %parallel_loop3A_902 = arith.addf %parallel_loop3A_887, %parallel_loop3A_900 : vector<16xf32>
          %parallel_loop3A_903 = arith.addf %parallel_loop3A_888, %parallel_loop3A_901 : vector<16xf32>
          %parallel_loop3A_904 = arith.constant 1 : i32
          %parallel_loop3A_905 = vector.broadcast %parallel_loop3A_904 : i32 to vector<16xi32>
          %parallel_loop3A_906 = arith.addi %parallel_loop3A_894, %parallel_loop3A_905 : vector<16xi32>
          %parallel_loop3A_907 = arith.constant 63 : i32
          %parallel_loop3A_908 = vector.broadcast %parallel_loop3A_907 : i32 to vector<16xi32>
          %parallel_loop3A_909 = arith.andi %parallel_loop3A_906, %parallel_loop3A_908 : vector<16xi32>
          %parallel_loop3A_910 = tpu.vector_load_idx %arg11[%parallel_loop3A_275, %parallel_loop3A_909] : memref<400x64xi32, #tpu.memory_space<vmem>>[vector<16xi32>, vector<16xi32>], vector<16xi32>,
          %parallel_loop3A_911 = tpu.vector_load_idx %arg12[%parallel_loop3A_275, %parallel_loop3A_909] : memref<400x64xi32, #tpu.memory_space<vmem>>[vector<16xi32>, vector<16xi32>], vector<16xi32>,
          %parallel_loop3A_912 = vector.bitcast %parallel_loop3A_910 : vector<16xi32> to vector<32xbf16>
          %parallel_loop3A_913 = vector.bitcast %parallel_loop3A_911 : vector<16xi32> to vector<32xbf16>
          %parallel_loop3A_914 = arith.mulf %parallel_loop3A_912, %parallel_loop3A_913 : vector<32xbf16>
          %parallel_loop3A_915 = tpu.unpack_subelements %parallel_loop3A_914, 0 {pack_format = #tpu.pack_format<interleaved>} : vector<32xbf16> -> vector<16xf32>
          %parallel_loop3A_916 = tpu.unpack_subelements %parallel_loop3A_914, 1 {pack_format = #tpu.pack_format<interleaved>} : vector<32xbf16> -> vector<16xf32>
          %parallel_loop3A_917 = arith.addf %parallel_loop3A_902, %parallel_loop3A_915 : vector<16xf32>
          %parallel_loop3A_918 = arith.addf %parallel_loop3A_903, %parallel_loop3A_916 : vector<16xf32>
          %parallel_loop3A_919 = arith.constant 1 : i32
          %parallel_loop3A_920 = vector.broadcast %parallel_loop3A_919 : i32 to vector<16xi32>
          %parallel_loop3A_921 = arith.addi %parallel_loop3A_909, %parallel_loop3A_920 : vector<16xi32>
          %parallel_loop3A_922 = arith.constant 63 : i32
          %parallel_loop3A_923 = vector.broadcast %parallel_loop3A_922 : i32 to vector<16xi32>
          %parallel_loop3A_924 = arith.andi %parallel_loop3A_921, %parallel_loop3A_923 : vector<16xi32>
          %parallel_loop3A_925 = tpu.vector_load_idx %arg11[%parallel_loop3A_275, %parallel_loop3A_924] : memref<400x64xi32, #tpu.memory_space<vmem>>[vector<16xi32>, vector<16xi32>], vector<16xi32>,
          %parallel_loop3A_926 = tpu.vector_load_idx %arg12[%parallel_loop3A_275, %parallel_loop3A_924] : memref<400x64xi32, #tpu.memory_space<vmem>>[vector<16xi32>, vector<16xi32>], vector<16xi32>,
          %parallel_loop3A_927 = vector.bitcast %parallel_loop3A_925 : vector<16xi32> to vector<32xbf16>
          %parallel_loop3A_928 = vector.bitcast %parallel_loop3A_926 : vector<16xi32> to vector<32xbf16>
          %parallel_loop3A_929 = arith.mulf %parallel_loop3A_927, %parallel_loop3A_928 : vector<32xbf16>
          %parallel_loop3A_930 = tpu.unpack_subelements %parallel_loop3A_929, 0 {pack_format = #tpu.pack_format<interleaved>} : vector<32xbf16> -> vector<16xf32>
          %parallel_loop3A_931 = tpu.unpack_subelements %parallel_loop3A_929, 1 {pack_format = #tpu.pack_format<interleaved>} : vector<32xbf16> -> vector<16xf32>
          %parallel_loop3A_932 = arith.addf %parallel_loop3A_917, %parallel_loop3A_930 : vector<16xf32>
          %parallel_loop3A_933 = arith.addf %parallel_loop3A_918, %parallel_loop3A_931 : vector<16xf32>
          %parallel_loop3A_934 = arith.constant 1 : i32
          %parallel_loop3A_935 = vector.broadcast %parallel_loop3A_934 : i32 to vector<16xi32>
          %parallel_loop3A_936 = arith.addi %parallel_loop3A_924, %parallel_loop3A_935 : vector<16xi32>
          %parallel_loop3A_937 = arith.constant 63 : i32
          %parallel_loop3A_938 = vector.broadcast %parallel_loop3A_937 : i32 to vector<16xi32>
          %parallel_loop3A_939 = arith.andi %parallel_loop3A_936, %parallel_loop3A_938 : vector<16xi32>
          %parallel_loop3A_940 = tpu.vector_load_idx %arg11[%parallel_loop3A_275, %parallel_loop3A_939] : memref<400x64xi32, #tpu.memory_space<vmem>>[vector<16xi32>, vector<16xi32>], vector<16xi32>,
          %parallel_loop3A_941 = tpu.vector_load_idx %arg12[%parallel_loop3A_275, %parallel_loop3A_939] : memref<400x64xi32, #tpu.memory_space<vmem>>[vector<16xi32>, vector<16xi32>], vector<16xi32>,
          %parallel_loop3A_942 = vector.bitcast %parallel_loop3A_940 : vector<16xi32> to vector<32xbf16>
          %parallel_loop3A_943 = vector.bitcast %parallel_loop3A_941 : vector<16xi32> to vector<32xbf16>
          %parallel_loop3A_944 = arith.mulf %parallel_loop3A_942, %parallel_loop3A_943 : vector<32xbf16>
          %parallel_loop3A_945 = tpu.unpack_subelements %parallel_loop3A_944, 0 {pack_format = #tpu.pack_format<interleaved>} : vector<32xbf16> -> vector<16xf32>
          %parallel_loop3A_946 = tpu.unpack_subelements %parallel_loop3A_944, 1 {pack_format = #tpu.pack_format<interleaved>} : vector<32xbf16> -> vector<16xf32>
          %parallel_loop3A_947 = arith.addf %parallel_loop3A_932, %parallel_loop3A_945 : vector<16xf32>
          %parallel_loop3A_948 = arith.addf %parallel_loop3A_933, %parallel_loop3A_946 : vector<16xf32>
          %parallel_loop3A_949 = arith.constant 1 : i32
          %parallel_loop3A_950 = vector.broadcast %parallel_loop3A_949 : i32 to vector<16xi32>
          %parallel_loop3A_951 = arith.addi %parallel_loop3A_939, %parallel_loop3A_950 : vector<16xi32>
          %parallel_loop3A_952 = arith.constant 63 : i32
          %parallel_loop3A_953 = vector.broadcast %parallel_loop3A_952 : i32 to vector<16xi32>
          %parallel_loop3A_954 = arith.andi %parallel_loop3A_951, %parallel_loop3A_953 : vector<16xi32>
          %parallel_loop3A_955 = tpu.vector_load_idx %arg11[%parallel_loop3A_275, %parallel_loop3A_954] : memref<400x64xi32, #tpu.memory_space<vmem>>[vector<16xi32>, vector<16xi32>], vector<16xi32>,
          %parallel_loop3A_956 = tpu.vector_load_idx %arg12[%parallel_loop3A_275, %parallel_loop3A_954] : memref<400x64xi32, #tpu.memory_space<vmem>>[vector<16xi32>, vector<16xi32>], vector<16xi32>,
          %parallel_loop3A_957 = vector.bitcast %parallel_loop3A_955 : vector<16xi32> to vector<32xbf16>
          %parallel_loop3A_958 = vector.bitcast %parallel_loop3A_956 : vector<16xi32> to vector<32xbf16>
          %parallel_loop3A_959 = arith.mulf %parallel_loop3A_957, %parallel_loop3A_958 : vector<32xbf16>
          %parallel_loop3A_960 = tpu.unpack_subelements %parallel_loop3A_959, 0 {pack_format = #tpu.pack_format<interleaved>} : vector<32xbf16> -> vector<16xf32>
          %parallel_loop3A_961 = tpu.unpack_subelements %parallel_loop3A_959, 1 {pack_format = #tpu.pack_format<interleaved>} : vector<32xbf16> -> vector<16xf32>
          %parallel_loop3A_962 = arith.addf %parallel_loop3A_947, %parallel_loop3A_960 : vector<16xf32>
          %parallel_loop3A_963 = arith.addf %parallel_loop3A_948, %parallel_loop3A_961 : vector<16xf32>
          %parallel_loop3A_964 = arith.constant 1 : i32
          %parallel_loop3A_965 = vector.broadcast %parallel_loop3A_964 : i32 to vector<16xi32>
          %parallel_loop3A_966 = arith.addi %parallel_loop3A_954, %parallel_loop3A_965 : vector<16xi32>
          %parallel_loop3A_967 = arith.constant 63 : i32
          %parallel_loop3A_968 = vector.broadcast %parallel_loop3A_967 : i32 to vector<16xi32>
          %parallel_loop3A_969 = arith.andi %parallel_loop3A_966, %parallel_loop3A_968 : vector<16xi32>
          %parallel_loop3A_970 = tpu.vector_load_idx %arg11[%parallel_loop3A_275, %parallel_loop3A_969] : memref<400x64xi32, #tpu.memory_space<vmem>>[vector<16xi32>, vector<16xi32>], vector<16xi32>,
          %parallel_loop3A_971 = tpu.vector_load_idx %arg12[%parallel_loop3A_275, %parallel_loop3A_969] : memref<400x64xi32, #tpu.memory_space<vmem>>[vector<16xi32>, vector<16xi32>], vector<16xi32>,
          %parallel_loop3A_972 = vector.bitcast %parallel_loop3A_970 : vector<16xi32> to vector<32xbf16>
          %parallel_loop3A_973 = vector.bitcast %parallel_loop3A_971 : vector<16xi32> to vector<32xbf16>
          %parallel_loop3A_974 = arith.mulf %parallel_loop3A_972, %parallel_loop3A_973 : vector<32xbf16>
          %parallel_loop3A_975 = tpu.unpack_subelements %parallel_loop3A_974, 0 {pack_format = #tpu.pack_format<interleaved>} : vector<32xbf16> -> vector<16xf32>
          %parallel_loop3A_976 = tpu.unpack_subelements %parallel_loop3A_974, 1 {pack_format = #tpu.pack_format<interleaved>} : vector<32xbf16> -> vector<16xf32>
          %parallel_loop3A_977 = arith.addf %parallel_loop3A_962, %parallel_loop3A_975 : vector<16xf32>
          %parallel_loop3A_978 = arith.addf %parallel_loop3A_963, %parallel_loop3A_976 : vector<16xf32>
          %parallel_loop3A_979 = arith.constant 1 : i32
          %parallel_loop3A_980 = vector.broadcast %parallel_loop3A_979 : i32 to vector<16xi32>
          %parallel_loop3A_981 = arith.addi %parallel_loop3A_969, %parallel_loop3A_980 : vector<16xi32>
          %parallel_loop3A_982 = arith.constant 63 : i32
          %parallel_loop3A_983 = vector.broadcast %parallel_loop3A_982 : i32 to vector<16xi32>
          %parallel_loop3A_984 = arith.andi %parallel_loop3A_981, %parallel_loop3A_983 : vector<16xi32>
          %parallel_loop3A_985 = tpu.vector_load_idx %arg11[%parallel_loop3A_275, %parallel_loop3A_984] : memref<400x64xi32, #tpu.memory_space<vmem>>[vector<16xi32>, vector<16xi32>], vector<16xi32>,
          %parallel_loop3A_986 = tpu.vector_load_idx %arg12[%parallel_loop3A_275, %parallel_loop3A_984] : memref<400x64xi32, #tpu.memory_space<vmem>>[vector<16xi32>, vector<16xi32>], vector<16xi32>,
          %parallel_loop3A_987 = vector.bitcast %parallel_loop3A_985 : vector<16xi32> to vector<32xbf16>
          %parallel_loop3A_988 = vector.bitcast %parallel_loop3A_986 : vector<16xi32> to vector<32xbf16>
          %parallel_loop3A_989 = arith.mulf %parallel_loop3A_987, %parallel_loop3A_988 : vector<32xbf16>
          %parallel_loop3A_990 = tpu.unpack_subelements %parallel_loop3A_989, 0 {pack_format = #tpu.pack_format<interleaved>} : vector<32xbf16> -> vector<16xf32>
          %parallel_loop3A_991 = tpu.unpack_subelements %parallel_loop3A_989, 1 {pack_format = #tpu.pack_format<interleaved>} : vector<32xbf16> -> vector<16xf32>
          %parallel_loop3A_992 = arith.addf %parallel_loop3A_977, %parallel_loop3A_990 : vector<16xf32>
          %parallel_loop3A_993 = arith.addf %parallel_loop3A_978, %parallel_loop3A_991 : vector<16xf32>
          %parallel_loop3A_994 = arith.constant 1 : i32
          %parallel_loop3A_995 = vector.broadcast %parallel_loop3A_994 : i32 to vector<16xi32>
          %parallel_loop3A_996 = arith.addi %parallel_loop3A_984, %parallel_loop3A_995 : vector<16xi32>
          %parallel_loop3A_997 = arith.constant 63 : i32
          %parallel_loop3A_998 = vector.broadcast %parallel_loop3A_997 : i32 to vector<16xi32>
          %parallel_loop3A_999 = arith.andi %parallel_loop3A_996, %parallel_loop3A_998 : vector<16xi32>
          %parallel_loop3A_1000 = tpu.vector_load_idx %arg11[%parallel_loop3A_275, %parallel_loop3A_999] : memref<400x64xi32, #tpu.memory_space<vmem>>[vector<16xi32>, vector<16xi32>], vector<16xi32>,
          %parallel_loop3A_1001 = tpu.vector_load_idx %arg12[%parallel_loop3A_275, %parallel_loop3A_999] : memref<400x64xi32, #tpu.memory_space<vmem>>[vector<16xi32>, vector<16xi32>], vector<16xi32>,
          %parallel_loop3A_1002 = vector.bitcast %parallel_loop3A_1000 : vector<16xi32> to vector<32xbf16>
          %parallel_loop3A_1003 = vector.bitcast %parallel_loop3A_1001 : vector<16xi32> to vector<32xbf16>
          %parallel_loop3A_1004 = arith.mulf %parallel_loop3A_1002, %parallel_loop3A_1003 : vector<32xbf16>
          %parallel_loop3A_1005 = tpu.unpack_subelements %parallel_loop3A_1004, 0 {pack_format = #tpu.pack_format<interleaved>} : vector<32xbf16> -> vector<16xf32>
          %parallel_loop3A_1006 = tpu.unpack_subelements %parallel_loop3A_1004, 1 {pack_format = #tpu.pack_format<interleaved>} : vector<32xbf16> -> vector<16xf32>
          %parallel_loop3A_1007 = arith.addf %parallel_loop3A_992, %parallel_loop3A_1005 : vector<16xf32>
          %parallel_loop3A_1008 = arith.addf %parallel_loop3A_993, %parallel_loop3A_1006 : vector<16xf32>
          %parallel_loop3A_1009 = arith.constant 1 : i32
          %parallel_loop3A_1010 = vector.broadcast %parallel_loop3A_1009 : i32 to vector<16xi32>
          %parallel_loop3A_1011 = arith.addi %parallel_loop3A_999, %parallel_loop3A_1010 : vector<16xi32>
          %parallel_loop3A_1012 = arith.constant 63 : i32
          %parallel_loop3A_1013 = vector.broadcast %parallel_loop3A_1012 : i32 to vector<16xi32>
          %parallel_loop3A_1014 = arith.andi %parallel_loop3A_1011, %parallel_loop3A_1013 : vector<16xi32>
          %parallel_loop3A_1015 = tpu.vector_load_idx %arg11[%parallel_loop3A_275, %parallel_loop3A_1014] : memref<400x64xi32, #tpu.memory_space<vmem>>[vector<16xi32>, vector<16xi32>], vector<16xi32>,
          %parallel_loop3A_1016 = tpu.vector_load_idx %arg12[%parallel_loop3A_275, %parallel_loop3A_1014] : memref<400x64xi32, #tpu.memory_space<vmem>>[vector<16xi32>, vector<16xi32>], vector<16xi32>,
          %parallel_loop3A_1017 = vector.bitcast %parallel_loop3A_1015 : vector<16xi32> to vector<32xbf16>
          %parallel_loop3A_1018 = vector.bitcast %parallel_loop3A_1016 : vector<16xi32> to vector<32xbf16>
          %parallel_loop3A_1019 = arith.mulf %parallel_loop3A_1017, %parallel_loop3A_1018 : vector<32xbf16>
          %parallel_loop3A_1020 = tpu.unpack_subelements %parallel_loop3A_1019, 0 {pack_format = #tpu.pack_format<interleaved>} : vector<32xbf16> -> vector<16xf32>
          %parallel_loop3A_1021 = tpu.unpack_subelements %parallel_loop3A_1019, 1 {pack_format = #tpu.pack_format<interleaved>} : vector<32xbf16> -> vector<16xf32>
          %parallel_loop3A_1022 = arith.addf %parallel_loop3A_1007, %parallel_loop3A_1020 : vector<16xf32>
          %parallel_loop3A_1023 = arith.addf %parallel_loop3A_1008, %parallel_loop3A_1021 : vector<16xf32>
          %parallel_loop3A_1024 = arith.constant 1 : i32
          %parallel_loop3A_1025 = vector.broadcast %parallel_loop3A_1024 : i32 to vector<16xi32>
          %parallel_loop3A_1026 = arith.addi %parallel_loop3A_1014, %parallel_loop3A_1025 : vector<16xi32>
          %parallel_loop3A_1027 = arith.constant 63 : i32
          %parallel_loop3A_1028 = vector.broadcast %parallel_loop3A_1027 : i32 to vector<16xi32>
          %parallel_loop3A_1029 = arith.andi %parallel_loop3A_1026, %parallel_loop3A_1028 : vector<16xi32>
          %parallel_loop3A_1030 = tpu.vector_load_idx %arg11[%parallel_loop3A_275, %parallel_loop3A_1029] : memref<400x64xi32, #tpu.memory_space<vmem>>[vector<16xi32>, vector<16xi32>], vector<16xi32>,
          %parallel_loop3A_1031 = tpu.vector_load_idx %arg12[%parallel_loop3A_275, %parallel_loop3A_1029] : memref<400x64xi32, #tpu.memory_space<vmem>>[vector<16xi32>, vector<16xi32>], vector<16xi32>,
          %parallel_loop3A_1032 = vector.bitcast %parallel_loop3A_1030 : vector<16xi32> to vector<32xbf16>
          %parallel_loop3A_1033 = vector.bitcast %parallel_loop3A_1031 : vector<16xi32> to vector<32xbf16>
          %parallel_loop3A_1034 = arith.mulf %parallel_loop3A_1032, %parallel_loop3A_1033 : vector<32xbf16>
          %parallel_loop3A_1035 = tpu.unpack_subelements %parallel_loop3A_1034, 0 {pack_format = #tpu.pack_format<interleaved>} : vector<32xbf16> -> vector<16xf32>
          %parallel_loop3A_1036 = tpu.unpack_subelements %parallel_loop3A_1034, 1 {pack_format = #tpu.pack_format<interleaved>} : vector<32xbf16> -> vector<16xf32>
          %parallel_loop3A_1037 = arith.addf %parallel_loop3A_1022, %parallel_loop3A_1035 : vector<16xf32>
          %parallel_loop3A_1038 = arith.addf %parallel_loop3A_1023, %parallel_loop3A_1036 : vector<16xf32>
          %parallel_loop3A_1039 = arith.constant 1 : i32
          %parallel_loop3A_1040 = vector.broadcast %parallel_loop3A_1039 : i32 to vector<16xi32>
          %parallel_loop3A_1041 = arith.addi %parallel_loop3A_1029, %parallel_loop3A_1040 : vector<16xi32>
          %parallel_loop3A_1042 = arith.constant 63 : i32
          %parallel_loop3A_1043 = vector.broadcast %parallel_loop3A_1042 : i32 to vector<16xi32>
          %parallel_loop3A_1044 = arith.andi %parallel_loop3A_1041, %parallel_loop3A_1043 : vector<16xi32>
          %parallel_loop3A_1045 = tpu.vector_load_idx %arg11[%parallel_loop3A_275, %parallel_loop3A_1044] : memref<400x64xi32, #tpu.memory_space<vmem>>[vector<16xi32>, vector<16xi32>], vector<16xi32>,
          %parallel_loop3A_1046 = tpu.vector_load_idx %arg12[%parallel_loop3A_275, %parallel_loop3A_1044] : memref<400x64xi32, #tpu.memory_space<vmem>>[vector<16xi32>, vector<16xi32>], vector<16xi32>,
          %parallel_loop3A_1047 = vector.bitcast %parallel_loop3A_1045 : vector<16xi32> to vector<32xbf16>
          %parallel_loop3A_1048 = vector.bitcast %parallel_loop3A_1046 : vector<16xi32> to vector<32xbf16>
          %parallel_loop3A_1049 = arith.mulf %parallel_loop3A_1047, %parallel_loop3A_1048 : vector<32xbf16>
          %parallel_loop3A_1050 = tpu.unpack_subelements %parallel_loop3A_1049, 0 {pack_format = #tpu.pack_format<interleaved>} : vector<32xbf16> -> vector<16xf32>
          %parallel_loop3A_1051 = tpu.unpack_subelements %parallel_loop3A_1049, 1 {pack_format = #tpu.pack_format<interleaved>} : vector<32xbf16> -> vector<16xf32>
          %parallel_loop3A_1052 = arith.addf %parallel_loop3A_1037, %parallel_loop3A_1050 : vector<16xf32>
          %parallel_loop3A_1053 = arith.addf %parallel_loop3A_1038, %parallel_loop3A_1051 : vector<16xf32>
          %parallel_loop3A_1054 = arith.constant 1 : i32
          %parallel_loop3A_1055 = vector.broadcast %parallel_loop3A_1054 : i32 to vector<16xi32>
          %parallel_loop3A_1056 = arith.addi %parallel_loop3A_1044, %parallel_loop3A_1055 : vector<16xi32>
          %parallel_loop3A_1057 = arith.constant 63 : i32
          %parallel_loop3A_1058 = vector.broadcast %parallel_loop3A_1057 : i32 to vector<16xi32>
          %parallel_loop3A_1059 = arith.andi %parallel_loop3A_1056, %parallel_loop3A_1058 : vector<16xi32>
          %parallel_loop3A_1060 = tpu.vector_load_idx %arg11[%parallel_loop3A_275, %parallel_loop3A_1059] : memref<400x64xi32, #tpu.memory_space<vmem>>[vector<16xi32>, vector<16xi32>], vector<16xi32>,
          %parallel_loop3A_1061 = tpu.vector_load_idx %arg12[%parallel_loop3A_275, %parallel_loop3A_1059] : memref<400x64xi32, #tpu.memory_space<vmem>>[vector<16xi32>, vector<16xi32>], vector<16xi32>,
          %parallel_loop3A_1062 = vector.bitcast %parallel_loop3A_1060 : vector<16xi32> to vector<32xbf16>
          %parallel_loop3A_1063 = vector.bitcast %parallel_loop3A_1061 : vector<16xi32> to vector<32xbf16>
          %parallel_loop3A_1064 = arith.mulf %parallel_loop3A_1062, %parallel_loop3A_1063 : vector<32xbf16>
          %parallel_loop3A_1065 = tpu.unpack_subelements %parallel_loop3A_1064, 0 {pack_format = #tpu.pack_format<interleaved>} : vector<32xbf16> -> vector<16xf32>
          %parallel_loop3A_1066 = tpu.unpack_subelements %parallel_loop3A_1064, 1 {pack_format = #tpu.pack_format<interleaved>} : vector<32xbf16> -> vector<16xf32>
          %parallel_loop3A_1067 = arith.addf %parallel_loop3A_1052, %parallel_loop3A_1065 : vector<16xf32>
          %parallel_loop3A_1068 = arith.addf %parallel_loop3A_1053, %parallel_loop3A_1066 : vector<16xf32>
          %parallel_loop3A_1069 = arith.constant 1 : i32
          %parallel_loop3A_1070 = vector.broadcast %parallel_loop3A_1069 : i32 to vector<16xi32>
          %parallel_loop3A_1071 = arith.addi %parallel_loop3A_1059, %parallel_loop3A_1070 : vector<16xi32>
          %parallel_loop3A_1072 = arith.constant 63 : i32
          %parallel_loop3A_1073 = vector.broadcast %parallel_loop3A_1072 : i32 to vector<16xi32>
          %parallel_loop3A_1074 = arith.andi %parallel_loop3A_1071, %parallel_loop3A_1073 : vector<16xi32>
          %parallel_loop3A_1075 = tpu.vector_load_idx %arg11[%parallel_loop3A_275, %parallel_loop3A_1074] : memref<400x64xi32, #tpu.memory_space<vmem>>[vector<16xi32>, vector<16xi32>], vector<16xi32>,
          %parallel_loop3A_1076 = tpu.vector_load_idx %arg12[%parallel_loop3A_275, %parallel_loop3A_1074] : memref<400x64xi32, #tpu.memory_space<vmem>>[vector<16xi32>, vector<16xi32>], vector<16xi32>,
          %parallel_loop3A_1077 = vector.bitcast %parallel_loop3A_1075 : vector<16xi32> to vector<32xbf16>
          %parallel_loop3A_1078 = vector.bitcast %parallel_loop3A_1076 : vector<16xi32> to vector<32xbf16>
          %parallel_loop3A_1079 = arith.mulf %parallel_loop3A_1077, %parallel_loop3A_1078 : vector<32xbf16>
          %parallel_loop3A_1080 = tpu.unpack_subelements %parallel_loop3A_1079, 0 {pack_format = #tpu.pack_format<interleaved>} : vector<32xbf16> -> vector<16xf32>
          %parallel_loop3A_1081 = tpu.unpack_subelements %parallel_loop3A_1079, 1 {pack_format = #tpu.pack_format<interleaved>} : vector<32xbf16> -> vector<16xf32>
          %parallel_loop3A_1082 = arith.addf %parallel_loop3A_1067, %parallel_loop3A_1080 : vector<16xf32>
          %parallel_loop3A_1083 = arith.addf %parallel_loop3A_1068, %parallel_loop3A_1081 : vector<16xf32>
          %parallel_loop3A_1084 = arith.constant 1 : i32
          %parallel_loop3A_1085 = vector.broadcast %parallel_loop3A_1084 : i32 to vector<16xi32>
          %parallel_loop3A_1086 = arith.addi %parallel_loop3A_1074, %parallel_loop3A_1085 : vector<16xi32>
          %parallel_loop3A_1087 = arith.constant 63 : i32
          %parallel_loop3A_1088 = vector.broadcast %parallel_loop3A_1087 : i32 to vector<16xi32>
          %parallel_loop3A_1089 = arith.andi %parallel_loop3A_1086, %parallel_loop3A_1088 : vector<16xi32>
          %parallel_loop3A_1090 = tpu.vector_load_idx %arg11[%parallel_loop3A_275, %parallel_loop3A_1089] : memref<400x64xi32, #tpu.memory_space<vmem>>[vector<16xi32>, vector<16xi32>], vector<16xi32>,
          %parallel_loop3A_1091 = tpu.vector_load_idx %arg12[%parallel_loop3A_275, %parallel_loop3A_1089] : memref<400x64xi32, #tpu.memory_space<vmem>>[vector<16xi32>, vector<16xi32>], vector<16xi32>,
          %parallel_loop3A_1092 = vector.bitcast %parallel_loop3A_1090 : vector<16xi32> to vector<32xbf16>
          %parallel_loop3A_1093 = vector.bitcast %parallel_loop3A_1091 : vector<16xi32> to vector<32xbf16>
          %parallel_loop3A_1094 = arith.mulf %parallel_loop3A_1092, %parallel_loop3A_1093 : vector<32xbf16>
          %parallel_loop3A_1095 = tpu.unpack_subelements %parallel_loop3A_1094, 0 {pack_format = #tpu.pack_format<interleaved>} : vector<32xbf16> -> vector<16xf32>
          %parallel_loop3A_1096 = tpu.unpack_subelements %parallel_loop3A_1094, 1 {pack_format = #tpu.pack_format<interleaved>} : vector<32xbf16> -> vector<16xf32>
          %parallel_loop3A_1097 = arith.addf %parallel_loop3A_1082, %parallel_loop3A_1095 : vector<16xf32>
          %parallel_loop3A_1098 = arith.addf %parallel_loop3A_1083, %parallel_loop3A_1096 : vector<16xf32>
          %parallel_loop3A_1099 = arith.constant 1 : i32
          %parallel_loop3A_1100 = vector.broadcast %parallel_loop3A_1099 : i32 to vector<16xi32>
          %parallel_loop3A_1101 = arith.addi %parallel_loop3A_1089, %parallel_loop3A_1100 : vector<16xi32>
          %parallel_loop3A_1102 = arith.constant 63 : i32
          %parallel_loop3A_1103 = vector.broadcast %parallel_loop3A_1102 : i32 to vector<16xi32>
          %parallel_loop3A_1104 = arith.andi %parallel_loop3A_1101, %parallel_loop3A_1103 : vector<16xi32>
          %parallel_loop3A_1105 = tpu.vector_load_idx %arg11[%parallel_loop3A_275, %parallel_loop3A_1104] : memref<400x64xi32, #tpu.memory_space<vmem>>[vector<16xi32>, vector<16xi32>], vector<16xi32>,
          %parallel_loop3A_1106 = tpu.vector_load_idx %arg12[%parallel_loop3A_275, %parallel_loop3A_1104] : memref<400x64xi32, #tpu.memory_space<vmem>>[vector<16xi32>, vector<16xi32>], vector<16xi32>,
          %parallel_loop3A_1107 = vector.bitcast %parallel_loop3A_1105 : vector<16xi32> to vector<32xbf16>
          %parallel_loop3A_1108 = vector.bitcast %parallel_loop3A_1106 : vector<16xi32> to vector<32xbf16>
          %parallel_loop3A_1109 = arith.mulf %parallel_loop3A_1107, %parallel_loop3A_1108 : vector<32xbf16>
          %parallel_loop3A_1110 = tpu.unpack_subelements %parallel_loop3A_1109, 0 {pack_format = #tpu.pack_format<interleaved>} : vector<32xbf16> -> vector<16xf32>
          %parallel_loop3A_1111 = tpu.unpack_subelements %parallel_loop3A_1109, 1 {pack_format = #tpu.pack_format<interleaved>} : vector<32xbf16> -> vector<16xf32>
          %parallel_loop3A_1112 = arith.addf %parallel_loop3A_1097, %parallel_loop3A_1110 : vector<16xf32>
          %parallel_loop3A_1113 = arith.addf %parallel_loop3A_1098, %parallel_loop3A_1111 : vector<16xf32>
          %parallel_loop3A_1114 = arith.constant 1 : i32
          %parallel_loop3A_1115 = vector.broadcast %parallel_loop3A_1114 : i32 to vector<16xi32>
          %parallel_loop3A_1116 = arith.addi %parallel_loop3A_1104, %parallel_loop3A_1115 : vector<16xi32>
          %parallel_loop3A_1117 = arith.constant 63 : i32
          %parallel_loop3A_1118 = vector.broadcast %parallel_loop3A_1117 : i32 to vector<16xi32>
          %parallel_loop3A_1119 = arith.andi %parallel_loop3A_1116, %parallel_loop3A_1118 : vector<16xi32>
          %parallel_loop3A_1120 = tpu.vector_load_idx %arg11[%parallel_loop3A_275, %parallel_loop3A_1119] : memref<400x64xi32, #tpu.memory_space<vmem>>[vector<16xi32>, vector<16xi32>], vector<16xi32>,
          %parallel_loop3A_1121 = tpu.vector_load_idx %arg12[%parallel_loop3A_275, %parallel_loop3A_1119] : memref<400x64xi32, #tpu.memory_space<vmem>>[vector<16xi32>, vector<16xi32>], vector<16xi32>,
          %parallel_loop3A_1122 = vector.bitcast %parallel_loop3A_1120 : vector<16xi32> to vector<32xbf16>
          %parallel_loop3A_1123 = vector.bitcast %parallel_loop3A_1121 : vector<16xi32> to vector<32xbf16>
          %parallel_loop3A_1124 = arith.mulf %parallel_loop3A_1122, %parallel_loop3A_1123 : vector<32xbf16>
          %parallel_loop3A_1125 = tpu.unpack_subelements %parallel_loop3A_1124, 0 {pack_format = #tpu.pack_format<interleaved>} : vector<32xbf16> -> vector<16xf32>
          %parallel_loop3A_1126 = tpu.unpack_subelements %parallel_loop3A_1124, 1 {pack_format = #tpu.pack_format<interleaved>} : vector<32xbf16> -> vector<16xf32>
          %parallel_loop3A_1127 = arith.addf %parallel_loop3A_1112, %parallel_loop3A_1125 : vector<16xf32>
          %parallel_loop3A_1128 = arith.addf %parallel_loop3A_1113, %parallel_loop3A_1126 : vector<16xf32>
          %parallel_loop3A_1129 = arith.constant 1 : i32
          %parallel_loop3A_1130 = vector.broadcast %parallel_loop3A_1129 : i32 to vector<16xi32>
          %parallel_loop3A_1131 = arith.addi %parallel_loop3A_1119, %parallel_loop3A_1130 : vector<16xi32>
          %parallel_loop3A_1132 = arith.constant 63 : i32
          %parallel_loop3A_1133 = vector.broadcast %parallel_loop3A_1132 : i32 to vector<16xi32>
          %parallel_loop3A_1134 = arith.andi %parallel_loop3A_1131, %parallel_loop3A_1133 : vector<16xi32>
          %parallel_loop3A_1135 = tpu.vector_load_idx %arg11[%parallel_loop3A_275, %parallel_loop3A_1134] : memref<400x64xi32, #tpu.memory_space<vmem>>[vector<16xi32>, vector<16xi32>], vector<16xi32>,
          %parallel_loop3A_1136 = tpu.vector_load_idx %arg12[%parallel_loop3A_275, %parallel_loop3A_1134] : memref<400x64xi32, #tpu.memory_space<vmem>>[vector<16xi32>, vector<16xi32>], vector<16xi32>,
          %parallel_loop3A_1137 = vector.bitcast %parallel_loop3A_1135 : vector<16xi32> to vector<32xbf16>
          %parallel_loop3A_1138 = vector.bitcast %parallel_loop3A_1136 : vector<16xi32> to vector<32xbf16>
          %parallel_loop3A_1139 = arith.mulf %parallel_loop3A_1137, %parallel_loop3A_1138 : vector<32xbf16>
          %parallel_loop3A_1140 = tpu.unpack_subelements %parallel_loop3A_1139, 0 {pack_format = #tpu.pack_format<interleaved>} : vector<32xbf16> -> vector<16xf32>
          %parallel_loop3A_1141 = tpu.unpack_subelements %parallel_loop3A_1139, 1 {pack_format = #tpu.pack_format<interleaved>} : vector<32xbf16> -> vector<16xf32>
          %parallel_loop3A_1142 = arith.addf %parallel_loop3A_1127, %parallel_loop3A_1140 : vector<16xf32>
          %parallel_loop3A_1143 = arith.addf %parallel_loop3A_1128, %parallel_loop3A_1141 : vector<16xf32>
          %parallel_loop3A_1144 = arith.constant 1 : i32
          %parallel_loop3A_1145 = vector.broadcast %parallel_loop3A_1144 : i32 to vector<16xi32>
          %parallel_loop3A_1146 = arith.addi %parallel_loop3A_1134, %parallel_loop3A_1145 : vector<16xi32>
          %parallel_loop3A_1147 = arith.constant 63 : i32
          %parallel_loop3A_1148 = vector.broadcast %parallel_loop3A_1147 : i32 to vector<16xi32>
          %parallel_loop3A_1149 = arith.andi %parallel_loop3A_1146, %parallel_loop3A_1148 : vector<16xi32>
          %parallel_loop3A_1150 = tpu.vector_load_idx %arg11[%parallel_loop3A_275, %parallel_loop3A_1149] : memref<400x64xi32, #tpu.memory_space<vmem>>[vector<16xi32>, vector<16xi32>], vector<16xi32>,
          %parallel_loop3A_1151 = tpu.vector_load_idx %arg12[%parallel_loop3A_275, %parallel_loop3A_1149] : memref<400x64xi32, #tpu.memory_space<vmem>>[vector<16xi32>, vector<16xi32>], vector<16xi32>,
          %parallel_loop3A_1152 = vector.bitcast %parallel_loop3A_1150 : vector<16xi32> to vector<32xbf16>
          %parallel_loop3A_1153 = vector.bitcast %parallel_loop3A_1151 : vector<16xi32> to vector<32xbf16>
          %parallel_loop3A_1154 = arith.mulf %parallel_loop3A_1152, %parallel_loop3A_1153 : vector<32xbf16>
          %parallel_loop3A_1155 = tpu.unpack_subelements %parallel_loop3A_1154, 0 {pack_format = #tpu.pack_format<interleaved>} : vector<32xbf16> -> vector<16xf32>
          %parallel_loop3A_1156 = tpu.unpack_subelements %parallel_loop3A_1154, 1 {pack_format = #tpu.pack_format<interleaved>} : vector<32xbf16> -> vector<16xf32>
          %parallel_loop3A_1157 = arith.addf %parallel_loop3A_1142, %parallel_loop3A_1155 : vector<16xf32>
          %parallel_loop3A_1158 = arith.addf %parallel_loop3A_1143, %parallel_loop3A_1156 : vector<16xf32>
          %parallel_loop3A_1159 = arith.constant 1 : i32
          %parallel_loop3A_1160 = vector.broadcast %parallel_loop3A_1159 : i32 to vector<16xi32>
          %parallel_loop3A_1161 = arith.addi %parallel_loop3A_1149, %parallel_loop3A_1160 : vector<16xi32>
          %parallel_loop3A_1162 = arith.constant 63 : i32
          %parallel_loop3A_1163 = vector.broadcast %parallel_loop3A_1162 : i32 to vector<16xi32>
          %parallel_loop3A_1164 = arith.andi %parallel_loop3A_1161, %parallel_loop3A_1163 : vector<16xi32>
          %parallel_loop3A_1165 = tpu.vector_load_idx %arg11[%parallel_loop3A_275, %parallel_loop3A_1164] : memref<400x64xi32, #tpu.memory_space<vmem>>[vector<16xi32>, vector<16xi32>], vector<16xi32>,
          %parallel_loop3A_1166 = tpu.vector_load_idx %arg12[%parallel_loop3A_275, %parallel_loop3A_1164] : memref<400x64xi32, #tpu.memory_space<vmem>>[vector<16xi32>, vector<16xi32>], vector<16xi32>,
          %parallel_loop3A_1167 = vector.bitcast %parallel_loop3A_1165 : vector<16xi32> to vector<32xbf16>
          %parallel_loop3A_1168 = vector.bitcast %parallel_loop3A_1166 : vector<16xi32> to vector<32xbf16>
          %parallel_loop3A_1169 = arith.mulf %parallel_loop3A_1167, %parallel_loop3A_1168 : vector<32xbf16>
          %parallel_loop3A_1170 = tpu.unpack_subelements %parallel_loop3A_1169, 0 {pack_format = #tpu.pack_format<interleaved>} : vector<32xbf16> -> vector<16xf32>
          %parallel_loop3A_1171 = tpu.unpack_subelements %parallel_loop3A_1169, 1 {pack_format = #tpu.pack_format<interleaved>} : vector<32xbf16> -> vector<16xf32>
          %parallel_loop3A_1172 = arith.addf %parallel_loop3A_1157, %parallel_loop3A_1170 : vector<16xf32>
          %parallel_loop3A_1173 = arith.addf %parallel_loop3A_1158, %parallel_loop3A_1171 : vector<16xf32>
          %parallel_loop3A_1174 = arith.constant 1 : i32
          %parallel_loop3A_1175 = vector.broadcast %parallel_loop3A_1174 : i32 to vector<16xi32>
          %parallel_loop3A_1176 = arith.addi %parallel_loop3A_1164, %parallel_loop3A_1175 : vector<16xi32>
          %parallel_loop3A_1177 = arith.constant 63 : i32
          %parallel_loop3A_1178 = vector.broadcast %parallel_loop3A_1177 : i32 to vector<16xi32>
          %parallel_loop3A_1179 = arith.andi %parallel_loop3A_1176, %parallel_loop3A_1178 : vector<16xi32>
          %parallel_loop3A_1180 = tpu.vector_load_idx %arg11[%parallel_loop3A_275, %parallel_loop3A_1179] : memref<400x64xi32, #tpu.memory_space<vmem>>[vector<16xi32>, vector<16xi32>], vector<16xi32>,
          %parallel_loop3A_1181 = tpu.vector_load_idx %arg12[%parallel_loop3A_275, %parallel_loop3A_1179] : memref<400x64xi32, #tpu.memory_space<vmem>>[vector<16xi32>, vector<16xi32>], vector<16xi32>,
          %parallel_loop3A_1182 = vector.bitcast %parallel_loop3A_1180 : vector<16xi32> to vector<32xbf16>
          %parallel_loop3A_1183 = vector.bitcast %parallel_loop3A_1181 : vector<16xi32> to vector<32xbf16>
          %parallel_loop3A_1184 = arith.mulf %parallel_loop3A_1182, %parallel_loop3A_1183 : vector<32xbf16>
          %parallel_loop3A_1185 = tpu.unpack_subelements %parallel_loop3A_1184, 0 {pack_format = #tpu.pack_format<interleaved>} : vector<32xbf16> -> vector<16xf32>
          %parallel_loop3A_1186 = tpu.unpack_subelements %parallel_loop3A_1184, 1 {pack_format = #tpu.pack_format<interleaved>} : vector<32xbf16> -> vector<16xf32>
          %parallel_loop3A_1187 = arith.addf %parallel_loop3A_1172, %parallel_loop3A_1185 : vector<16xf32>
          %parallel_loop3A_1188 = arith.addf %parallel_loop3A_1173, %parallel_loop3A_1186 : vector<16xf32>
          %parallel_loop3A_1189 = arith.constant 1 : i32
          %parallel_loop3A_1190 = vector.broadcast %parallel_loop3A_1189 : i32 to vector<16xi32>
          %parallel_loop3A_1191 = arith.addi %parallel_loop3A_1179, %parallel_loop3A_1190 : vector<16xi32>
          %parallel_loop3A_1192 = arith.constant 63 : i32
          %parallel_loop3A_1193 = vector.broadcast %parallel_loop3A_1192 : i32 to vector<16xi32>
          %parallel_loop3A_1194 = arith.andi %parallel_loop3A_1191, %parallel_loop3A_1193 : vector<16xi32>
          %parallel_loop3A_1195 = tpu.vector_load_idx %arg11[%parallel_loop3A_275, %parallel_loop3A_1194] : memref<400x64xi32, #tpu.memory_space<vmem>>[vector<16xi32>, vector<16xi32>], vector<16xi32>,
          %parallel_loop3A_1196 = tpu.vector_load_idx %arg12[%parallel_loop3A_275, %parallel_loop3A_1194] : memref<400x64xi32, #tpu.memory_space<vmem>>[vector<16xi32>, vector<16xi32>], vector<16xi32>,
          %parallel_loop3A_1197 = vector.bitcast %parallel_loop3A_1195 : vector<16xi32> to vector<32xbf16>
          %parallel_loop3A_1198 = vector.bitcast %parallel_loop3A_1196 : vector<16xi32> to vector<32xbf16>
          %parallel_loop3A_1199 = arith.mulf %parallel_loop3A_1197, %parallel_loop3A_1198 : vector<32xbf16>
          %parallel_loop3A_1200 = tpu.unpack_subelements %parallel_loop3A_1199, 0 {pack_format = #tpu.pack_format<interleaved>} : vector<32xbf16> -> vector<16xf32>
          %parallel_loop3A_1201 = tpu.unpack_subelements %parallel_loop3A_1199, 1 {pack_format = #tpu.pack_format<interleaved>} : vector<32xbf16> -> vector<16xf32>
          %parallel_loop3A_1202 = arith.addf %parallel_loop3A_1187, %parallel_loop3A_1200 : vector<16xf32>
          %parallel_loop3A_1203 = arith.addf %parallel_loop3A_1188, %parallel_loop3A_1201 : vector<16xf32>
          %parallel_loop3A_1204 = arith.constant 1 : i32
          %parallel_loop3A_1205 = vector.broadcast %parallel_loop3A_1204 : i32 to vector<16xi32>
          %parallel_loop3A_1206 = arith.addi %parallel_loop3A_1194, %parallel_loop3A_1205 : vector<16xi32>
          %parallel_loop3A_1207 = arith.constant 63 : i32
          %parallel_loop3A_1208 = vector.broadcast %parallel_loop3A_1207 : i32 to vector<16xi32>
          %parallel_loop3A_1209 = arith.andi %parallel_loop3A_1206, %parallel_loop3A_1208 : vector<16xi32>
          %parallel_loop3A_1210 = tpu.vector_load_idx %arg11[%parallel_loop3A_275, %parallel_loop3A_1209] : memref<400x64xi32, #tpu.memory_space<vmem>>[vector<16xi32>, vector<16xi32>], vector<16xi32>,
          %parallel_loop3A_1211 = tpu.vector_load_idx %arg12[%parallel_loop3A_275, %parallel_loop3A_1209] : memref<400x64xi32, #tpu.memory_space<vmem>>[vector<16xi32>, vector<16xi32>], vector<16xi32>,
          %parallel_loop3A_1212 = vector.bitcast %parallel_loop3A_1210 : vector<16xi32> to vector<32xbf16>
          %parallel_loop3A_1213 = vector.bitcast %parallel_loop3A_1211 : vector<16xi32> to vector<32xbf16>
          %parallel_loop3A_1214 = arith.mulf %parallel_loop3A_1212, %parallel_loop3A_1213 : vector<32xbf16>
          %parallel_loop3A_1215 = tpu.unpack_subelements %parallel_loop3A_1214, 0 {pack_format = #tpu.pack_format<interleaved>} : vector<32xbf16> -> vector<16xf32>
          %parallel_loop3A_1216 = tpu.unpack_subelements %parallel_loop3A_1214, 1 {pack_format = #tpu.pack_format<interleaved>} : vector<32xbf16> -> vector<16xf32>
          %parallel_loop3A_1217 = arith.addf %parallel_loop3A_1202, %parallel_loop3A_1215 : vector<16xf32>
          %parallel_loop3A_1218 = arith.addf %parallel_loop3A_1203, %parallel_loop3A_1216 : vector<16xf32>
          %parallel_loop3A_1219 = arith.constant 1 : i32
          %parallel_loop3A_1220 = vector.broadcast %parallel_loop3A_1219 : i32 to vector<16xi32>
          %parallel_loop3A_1221 = arith.addi %parallel_loop3A_1209, %parallel_loop3A_1220 : vector<16xi32>
          %parallel_loop3A_1222 = arith.constant 63 : i32
          %parallel_loop3A_1223 = vector.broadcast %parallel_loop3A_1222 : i32 to vector<16xi32>
          %parallel_loop3A_1224 = arith.andi %parallel_loop3A_1221, %parallel_loop3A_1223 : vector<16xi32>
          %parallel_loop3A_1225 = tpu.vector_load_idx %arg11[%parallel_loop3A_275, %parallel_loop3A_1224] : memref<400x64xi32, #tpu.memory_space<vmem>>[vector<16xi32>, vector<16xi32>], vector<16xi32>,
          %parallel_loop3A_1226 = tpu.vector_load_idx %arg12[%parallel_loop3A_275, %parallel_loop3A_1224] : memref<400x64xi32, #tpu.memory_space<vmem>>[vector<16xi32>, vector<16xi32>], vector<16xi32>,
          %parallel_loop3A_1227 = vector.bitcast %parallel_loop3A_1225 : vector<16xi32> to vector<32xbf16>
          %parallel_loop3A_1228 = vector.bitcast %parallel_loop3A_1226 : vector<16xi32> to vector<32xbf16>
          %parallel_loop3A_1229 = arith.mulf %parallel_loop3A_1227, %parallel_loop3A_1228 : vector<32xbf16>
          %parallel_loop3A_1230 = tpu.unpack_subelements %parallel_loop3A_1229, 0 {pack_format = #tpu.pack_format<interleaved>} : vector<32xbf16> -> vector<16xf32>
          %parallel_loop3A_1231 = tpu.unpack_subelements %parallel_loop3A_1229, 1 {pack_format = #tpu.pack_format<interleaved>} : vector<32xbf16> -> vector<16xf32>
          %parallel_loop3A_1232 = arith.addf %parallel_loop3A_1217, %parallel_loop3A_1230 : vector<16xf32>
          %parallel_loop3A_1233 = arith.addf %parallel_loop3A_1218, %parallel_loop3A_1231 : vector<16xf32>
          %parallel_loop3A_1234 = arith.addf %parallel_loop3A_1232, %parallel_loop3A_1233 : vector<16xf32>
          %parallel_loop3A_1235 = arith.constant 0.000000e+00 : f32
          %parallel_loop3A_1236 = vector.broadcast %parallel_loop3A_1235 : f32 to vector<16xf32>
          %parallel_loop3A_1237 = arith.subf %parallel_loop3A_1236, %parallel_loop3A_1234 : vector<16xf32>
          %parallel_loop3A_1238 = math.exp %parallel_loop3A_1237 : vector<16xf32>
          %parallel_loop3A_1239 = arith.constant 1.000000e+00 : f32
          %parallel_loop3A_1240 = vector.broadcast %parallel_loop3A_1239 : f32 to vector<16xf32>
          %parallel_loop3A_1241 = arith.addf %parallel_loop3A_1240, %parallel_loop3A_1238 : vector<16xf32>
          %parallel_loop3A_1242 = arith.constant 1.000000e+00 : f32
          %parallel_loop3A_1243 = vector.broadcast %parallel_loop3A_1242 : f32 to vector<16xf32>
          %parallel_loop3A_1244 = arith.divf %parallel_loop3A_1243, %parallel_loop3A_1241 : vector<16xf32>
          %parallel_loop3A_1245 = arith.constant 16 : i32
          %parallel_loop3A_1246 = arith.muli %parallel_loop3A_270, %parallel_loop3A_1245 : i32
          %parallel_loop3A_1247 = arith.index_cast %parallel_loop3A_1246 : i32 to index
          %parallel_loop3A_1248 = tpu.vector_load %arg14[%parallel_loop3A_1247] {strides = array<i32>} : memref<400xf32, #tpu.memory_space<vmem>>, vector<16xf32>,
          tpu.vector_store %arg14[%parallel_loop3A_1247], %parallel_loop3A_1244 {strides = array<i32>} : memref<400xf32, #tpu.memory_space<vmem>>, vector<16xf32>,
        } {sc.loop_unroll_factor = 2 : i64, sc.parallel_access}
        %mul3A_263 = arith.constant 32 : i32
        %mul3A_264 = arith.muli %mul3A_263, %add3A_218 : i32
        %add3A_265 = arith.addi %add3A, %mul3A_264 : i32
        %mul3A_266 = arith.constant 400 : i32
        %mul3A_267 = arith.muli %add3A_265, %mul3A_266 : i32
        %dma_start3A_268 = tpu.memref_slice %arg4[%mul3A_267] : memref<320000xf32, #tpu.memory_space<hbm>> -> memref<400xf32, #tpu.memory_space<hbm>>
        %dma_start3A_269 = tpu.memref_slice %arg4[%mul3A_267] : memref<320000xf32, #tpu.memory_space<hbm>> -> memref<400xf32, #tpu.memory_space<hbm>>
        tpu.enqueue_dma source(%arg14 : memref<400xf32, #tpu.memory_space<vmem>>) target(%dma_start3A_269 : memref<400xf32, #tpu.memory_space<hbm>>) target_semaphore(%arg20 : memref<!tpu.dma_semaphore, #tpu.memory_space<semaphore_mem>>)
      } else {
      }
    }
    %scan3A_108 = arith.constant 13 : i32
    %sub3A = arith.constant 25 : i32
    %sub3A_109 = arith.constant 2 : i32
    %sub3A_110 = arith.subi %sub3A, %sub3A_109 : i32
    %sub3A_111 = arith.constant 25 : i32
    %sub3A_112 = arith.constant 2 : i32
    %sub3A_113 = arith.subi %sub3A_111, %sub3A_112 : i32
    %jit3A = arith.constant 2 : i32
    %eq3A = arith.constant 0 : i32
    %eq3A_114 = arith.cmpi eq, %jit3A, %eq3A : i32
    %jit3A_115 = arith.constant 1 : i32
    %select_n3A = arith.select %eq3A_114, %jit3A_115, %jit3A : i32
    %rem3A = arith.remsi %sub3A_113, %select_n3A : i32
    %ne3A = arith.constant 0 : i32
    %ne3A_116 = arith.cmpi ne, %rem3A, %ne3A : i32
    %lt3A = arith.constant 0 : i32
    %lt3A_117 = arith.cmpi slt, %rem3A, %lt3A : i32
    %lt3A_118 = arith.constant 0 : i32
    %lt3A_119 = arith.cmpi slt, %select_n3A, %lt3A_118 : i32
    %ne3A_120 = arith.xori %lt3A_117, %lt3A_119 : i1
    %and3A = arith.andi %ne3A_120, %ne3A_116 : i1
    %add3A_121 = arith.addi %rem3A, %select_n3A : i32
    %select_n3A_122 = arith.select %and3A, %add3A_121, %rem3A : i32
    %eq3A_123 = arith.constant 1 : i32
    %eq3A_124 = arith.cmpi eq, %select_n3A_122, %eq3A_123 : i32
    %convert_element_type3A = arith.extui %eq3A_124 : i1 to i32
    %add3A_125 = arith.addi %sub3A_110, %convert_element_type3A : i32
    %mul3A_126 = arith.constant 32 : i32
    %mul3A_127 = arith.muli %mul3A_126, %add3A_125 : i32
    %add3A_128 = arith.addi %add3A, %mul3A_127 : i32
    %mul3A_129 = arith.constant 400 : i32
    %mul3A_130 = arith.muli %add3A_128, %mul3A_129 : i32
    %dma_wait3A_131 = tpu.memref_slice %arg4[%mul3A_130] : memref<320000xf32, #tpu.memory_space<hbm>> -> memref<400xf32, #tpu.memory_space<hbm>>
    %dma_wait3A_132 = tpu.memref_slice %arg4[%mul3A_130] : memref<320000xf32, #tpu.memory_space<hbm>> -> memref<400xf32, #tpu.memory_space<hbm>>
    tpu.wait_dma2 semaphore(%arg19 : memref<!tpu.dma_semaphore, #tpu.memory_space<semaphore_mem>>) src(%arg13 : memref<400xf32, #tpu.memory_space<vmem>>) dst(%dma_wait3A_132 : memref<400xf32, #tpu.memory_space<hbm>>)
    %sub3A_133 = arith.constant 25 : i32
    %sub3A_134 = arith.constant 2 : i32
    %sub3A_135 = arith.subi %sub3A_133, %sub3A_134 : i32
    %sub3A_136 = arith.constant 25 : i32
    %sub3A_137 = arith.constant 2 : i32
    %sub3A_138 = arith.subi %sub3A_136, %sub3A_137 : i32
    %jit3A_139 = arith.constant 2 : i32
    %eq3A_140 = arith.constant 0 : i32
    %eq3A_141 = arith.cmpi eq, %jit3A_139, %eq3A_140 : i32
    %jit3A_142 = arith.constant 1 : i32
    %select_n3A_143 = arith.select %eq3A_141, %jit3A_142, %jit3A_139 : i32
    %rem3A_144 = arith.remsi %sub3A_138, %select_n3A_143 : i32
    %ne3A_145 = arith.constant 0 : i32
    %ne3A_146 = arith.cmpi ne, %rem3A_144, %ne3A_145 : i32
    %lt3A_147 = arith.constant 0 : i32
    %lt3A_148 = arith.cmpi slt, %rem3A_144, %lt3A_147 : i32
    %lt3A_149 = arith.constant 0 : i32
    %lt3A_150 = arith.cmpi slt, %select_n3A_143, %lt3A_149 : i32
    %ne3A_151 = arith.xori %lt3A_148, %lt3A_150 : i1
    %and3A_152 = arith.andi %ne3A_151, %ne3A_146 : i1
    %add3A_153 = arith.addi %rem3A_144, %select_n3A_143 : i32
    %select_n3A_154 = arith.select %and3A_152, %add3A_153, %rem3A_144 : i32
    %eq3A_155 = arith.constant 0 : i32
    %eq3A_156 = arith.cmpi eq, %select_n3A_154, %eq3A_155 : i32
    %convert_element_type3A_157 = arith.extui %eq3A_156 : i1 to i32
    %add3A_158 = arith.addi %sub3A_135, %convert_element_type3A_157 : i32
    %mul3A_159 = arith.constant 32 : i32
    %mul3A_160 = arith.muli %mul3A_159, %add3A_158 : i32
    %add3A_161 = arith.addi %add3A, %mul3A_160 : i32
    %mul3A_162 = arith.constant 400 : i32
    %mul3A_163 = arith.muli %add3A_161, %mul3A_162 : i32
    %dma_wait3A_164 = tpu.memref_slice %arg4[%mul3A_163] : memref<320000xf32, #tpu.memory_space<hbm>> -> memref<400xf32, #tpu.memory_space<hbm>>
    %dma_wait3A_165 = tpu.memref_slice %arg4[%mul3A_163] : memref<320000xf32, #tpu.memory_space<hbm>> -> memref<400xf32, #tpu.memory_space<hbm>>
    tpu.wait_dma2 semaphore(%arg20 : memref<!tpu.dma_semaphore, #tpu.memory_space<semaphore_mem>>) src(%arg14 : memref<400xf32, #tpu.memory_space<vmem>>) dst(%dma_wait3A_165 : memref<400xf32, #tpu.memory_space<hbm>>)
    return
  }
}

</mosaic_0001>

<sc_bundles>
// kernel: kernel.3.cloned.1.call-start
scs
__scs_entry_jumppad:
0x0: {  	(pc) =	sbr.rel $0x88, $3  }
0x1: {  	(tag) =	ssettag $0x0;
	lr =	simm.s32 $0x1  }
0x2: {  	[smem:$0x3F9F] =	sst lr;
	_ =	strace $0xD0000000  }
0x3: {  	_ = 	snop  }
0x4: {  	_ = 	snop  }
0x5: {  	_ = 	snop  }
0x6: {  	_ = 	snop  }
0x7: {  	_ = 	snop  }
__scs_overlays_trampoline_lowered:
0x8: {  	[smem:$0x3FAE] =	sst s0  }
0x9: {  	[smem:$0x3FAF] =	sst s1  }
0xa: {  	[smem:$0x3FB0] =	sst s2  }
0xb: {  	[smem:$0x3FB1] =	sst s3  }
0xc: {  	[smem:$0x3FB2] =	sst s4  }
0xd: {  	[smem:$0x3FB3] =	sst s5  }
0xe: {  	[smem:$0x3FB4] =	sst s6  }
0xf: {  	[smem:$0x3FB5] =	sst s7  }
0x10: {  	[smem:$0x3FB6] =	sst s8  }
0x11: {  	[smem:$0x3FB7] =	sst s9;
	s0 =	simm.s32 @!p0 $0x0  }
0x12: {  	s1 =	sld [smem:$0x3F9D];
	s0 =	simm.s32 @p0 $0x1  }
0x13: {  	[smem:$0x3FB8] =	sst s0;
	s0 =	simm.s32 @!p1 $0x0  }
0x14: {  	s2 =	sld [smem:$0x3F9C];
	s0 =	simm.s32 @p1 $0x1  }
0x15: {  	[smem:$0x3FB9] =	sst s0;
	s0 =	simm.s32 @!p2 $0x0  }
0x16: {  	s3 =	sld [smem:$0x3FDB];
	s0 =	simm.s32 @p2 $0x1  }
0x17: {  	s4 =	simm.s32 $0x1BF5;
	[smem:$0x3FBB] =	sst s0  }
0x18: {  	s0 =	sld [smem:$0x3F9E];
	_ =	swait.ge [sflag:s4], $0x0  }
0x19: {  	s7 =	sld [smem:$0x3F9F]  }
0x1a: {  	s8 =	sadd.s32 $0xFFFFE003, lr  }
0x1b: {  	s9 =	sadd.s32 $0xFFFFFEF7, lr;
	s5 =	simm.s32 $0xFFFFFFFF;
	p2 =	slt.u32 s8, $0xFFFFF086  }
0x1c: {  	p1 =	slt.u32 s9, $0xF7A;
	s5 =	simm.s32 @!p2 $0x0  }
0x1d: {  	s5 =	simm.s32 @p1 $0x1;
	p0 =	seq.s32 s7, s2  }
0x1e: {  	s7 =	smul.u32 @!p0 $0xF7A, s2;
	p2 =	seq.s32 @!p0 s5, $0x0  }
0x1f: {  	s9 =	smul.u32 $0xF7A, s1;
	s8 =	simm.s32 @!p0 $0x1BF5;
	p2 =	por !p2, p0  }
0x20: {  	[sflag:s8] =	ssyncset.s32 @!p0 $0xFFFFF086;
	s6 =	sadd.s32 @!p0 s3, s7;
	s7 =	simm.s32 @!p0 $0x108  }
0x21: {  	s3 =	sadd.s32 s3, s9;
	s6 =	sadd.s32 @!p0 $0x88, s6;
	s7 =	simm.s32 @p2 $0x1082  }
0x22: {  	[simem:s7], [sflag:s8] =	dma.local @!p0 [hbm:s6], $0xF7A  }
0x23: {  	s9 =	sor.u32 $0xD0000000, s2;
	s6 =	simm.s32 $0x108;
	_ =	swait.ge @!p0 [sflag:s8], $0x0  }
0x24: {  	s3 =	sadd.s32 $0x88, s3;
	s6 =	simm.s32 @!p1 $0x1082;
	[sflag:s4] =	ssyncset.s32 $0xFFFFF086  }
0x25: {  	[simem:s6], [sflag:s4] =	dma.local [hbm:s3], $0xF7A  }
0x26: {  	[smem:$0x3F9F] =	sst s1;
	(tag) =	ssettag s2;
	_ =	strace s9  }
0x27: {  	s1 =	sld [smem:$0x3FAF]  }
0x28: {  	s2 =	sld [smem:$0x3FB0]  }
0x29: {  	s4 =	sld [smem:$0x3FB2]  }
0x2a: {  	p0 =	seq.s32 s5, $0x0;
	s5 =	sld [smem:$0x3FB3]  }
0x2b: {  	s6 =	sld [smem:$0x3FB4]  }
0x2c: {  	s7 =	sld [smem:$0x3FB5]  }
0x2d: {  	s3 =	simm.s32 $0x108;
	s8 =	sld [smem:$0x3FB6]  }
0x2e: {  	s3 =	simm.s32 @!p0 $0x1082;
	s9 =	sld [smem:$0x3FB7]  }
0x2f: {  	lr =	sadd.s32 s0, s3;
	s0 =	sld [smem:$0x3FAE]  }
0x30: {  	s3 =	sld [smem:$0x3FB1]  }
0x31: {  	[smem:$0x3FBA] =	sst s10  }
0x32: {  	s10 =	sld [smem:$0x3FB8];
	_ =	sdelay $0x3  }
0x33: {  	p0 =	seq.s32 s10, $0x1;
	s10 =	sld [smem:$0x3FBA];
	_ =	sdelay $0x3  }
0x34: {  	[smem:$0x3FBA] =	sst s10  }
0x35: {  	s10 =	sld [smem:$0x3FB9];
	_ =	sdelay $0x3  }
0x36: {  	p1 =	seq.s32 s10, $0x1;
	s10 =	sld [smem:$0x3FBA];
	_ =	sdelay $0x3  }
0x37: {  	[smem:$0x3FBA] =	sst s10  }
0x38: {  	s10 =	sld [smem:$0x3FBB]  }
0x39: {  	_ = 	snop;
	(pc) =	sbr.ind lr, $3  }
0x3a: {  	_ = 	snop  }
0x3b: {  	_ = 	snop  }
0x3c: {  	p2 =	seq.s32 s10, $0x1;
	s10 =	sld [smem:$0x3FBA]  }
0x3d: {  	_ =	shalt  }
0x3e: {  	_ =	shalt  }
0x3f: {  	_ =	shalt  }
0x40: {  	_ =	shalt  }
0x41: {  	_ =	shalt  }
0x42: {  	_ =	shalt  }
0x43: {  	_ =	shalt  }
0x44: {  	_ =	shalt  }
0x45: {  	_ =	shalt  }
0x46: {  	_ =	shalt  }
0x47: {  	_ =	shalt  }
0x48: {  	_ =	shalt  }
0x49: {  	_ =	shalt  }
0x4a: {  	_ =	shalt  }
0x4b: {  	_ =	shalt  }
0x4c: {  	_ =	shalt  }
0x4d: {  	_ =	shalt  }
0x4e: {  	_ =	shalt  }
0x4f: {  	_ =	shalt  }
0x50: {  	_ =	shalt  }
0x51: {  	_ =	shalt  }
0x52: {  	_ =	shalt  }
0x53: {  	_ =	shalt  }
0x54: {  	_ =	shalt  }
0x55: {  	_ =	shalt  }
0x56: {  	_ =	shalt  }
0x57: {  	_ =	shalt  }
0x58: {  	_ =	shalt  }
0x59: {  	_ =	shalt  }
0x5a: {  	_ =	shalt  }
0x5b: {  	_ =	shalt  }
0x5c: {  	_ =	shalt  }
0x5d: {  	_ =	shalt  }
0x5e: {  	_ =	shalt  }
0x5f: {  	_ =	shalt  }
0x60: {  	_ =	shalt  }
0x61: {  	_ =	shalt  }
0x62: {  	_ =	shalt  }
0x63: {  	_ =	shalt  }
0x64: {  	_ =	shalt  }
0x65: {  	_ =	shalt  }
0x66: {  	_ =	shalt  }
0x67: {  	_ =	shalt  }
0x68: {  	_ =	shalt  }
0x69: {  	_ =	shalt  }
0x6a: {  	_ =	shalt  }
0x6b: {  	_ =	shalt  }
0x6c: {  	_ =	shalt  }
0x6d: {  	_ =	shalt  }
0x6e: {  	_ =	shalt  }
0x6f: {  	_ =	shalt  }
0x70: {  	_ =	shalt  }
0x71: {  	_ =	shalt  }
0x72: {  	_ =	shalt  }
0x73: {  	_ =	shalt  }
0x74: {  	_ =	shalt  }
0x75: {  	_ =	shalt  }
0x76: {  	_ =	shalt  }
0x77: {  	_ =	shalt  }
0x78: {  	_ =	shalt  }
0x79: {  	_ =	shalt  }
0x7a: {  	_ =	shalt  }
0x7b: {  	_ =	shalt  }
0x7c: {  	_ =	shalt  }
0x7d: {  	_ =	shalt  }
0x7e: {  	_ =	shalt  }
0x7f: {  	_ =	shalt  }
0x80: {  	_ =	shalt  }
0x81: {  	_ =	shalt  }
0x82: {  	_ =	shalt  }
0x83: {  	_ =	shalt  }
0x84: {  	_ =	shalt  }
0x85: {  	_ =	shalt  }
0x86: {  	_ =	shalt  }
0x87: {  	_ =	shalt  }
.Lfunc_end0:
.L_simem_size_0:
called_computation_lowered:
.L_overlay_start_0:
0x88: {  	s2 =	sld [smem:$0x3FD9]  }
0x89: {  	s3 =	sld [smem:$0x3FFE];
	_ =	sdelay $0x1  }
0x8a: {  	s1 =	srdreg.scid  }
0x8b: {  	s0 =	sand.u32 $0x1, s1  }
0x8c: {  	s17 =	sshll.u32 s0, $0xA;
	s2 =	sadd.s32 s3, s2  }
0x8d: {  	s2 =	sadd.s32 s2, s17  }
0x8e: {  	[smem:$0x3FC6] =	sst s2  }
0x8f: {  	_ = 	snop  }
0x90: {  	s2 =	sld [smem:$0x3FD0];
	(tm) =	ssettm $0x1  }
0x91: {  	s18 =	sld [smem:$0x3FFB];
	_ =	sdelay $0x3  }
0x92: {  	_ =	strace s18  }
0x93: {  	s3 =	sld [smem:$0x3FFC];
	_ =	sdelay $0x3  }
0x94: {  	_ =	strace s3  }
0x95: {  	s3 =	sld [smem:$0x3FFD];
	_ =	sdelay $0x3  }
0x96: {  	_ =	strace s3  }
0x97: {  	_ =	strace $0x8FFFFFFF  }
0x98: {  	s19 =	sld [smem:$0x3FDB];
	_ =	sdelay $0x1  }
0x99: {  	s4 =	simm.s32 $_scs_section_size  }
0x9a: {  	s5 =	simm.s32 $_size__tile_overlayer_lowered;
	s6 =	simm.s32 $_tile_overlayer_lowered  }
0x9b: {  	s22 =	simm.s32 $0x1BFF;
	s21 =	sshll.u32 s6, $0x1;
	s3 =	sadd.s32 s4, s19  }
0x9c: {  	s7 =	simm.s32 $0x0;
	s20 =	sshll.u32 s5, $0x1;
	s5 =	sadd.s32 s21, s3  }
0x9d: {  	[timem:s7], [sflag:s22] =	dma.local [hbm:s5], s20  }
0x9e: {  	_ =	swait.ge [sflag:s22], s20  }
0x9f: {  	s4 =	ssub.s32 $0x0, s20;
	[sflag:s22] =	ssyncset.done $0x0  }
0xa0: {  	[sflag:s22] =	ssyncadd.s32 s4;
	_ =	sdelay $0x1  }
0xa1: {  	s23 =	simm.s32 $0x1B8B  }
0xa2: {  	_ =	swait.ge [sflag:s23], $0x1  }
0xa3: {  	[sflag:s23] =	ssyncset.done $0x0  }
0xa4: {  	s25 =	simm.s32 $0x1B8E;
	s24 =	sld [smem:$0x3FFE];
	[sflag:s23] =	ssyncadd.s32 $0xFFFFFFFF  }
0xa5: {  	s26 =	simm.s32 $execute0_lowered;
	[smem:$0x3FD2] =	sst s25  }
0xa6: {  	s5 =	sshll.u32 s26, $0x1;
	_ =	strace $0x80000046;
	[dreg:$0x1] =	wrdreg $0xFFFFFFFF  }
0xa7: {  	s28 =	simm.s32 $_size_execute0_lowered;
	s3 =	sadd.s32 s3, s5;
	[dreg:$0x0] =	wrdreg $0x0  }
0xa8: {  	s5 =	sshll.u32 s28, $0x1;
	[dreg:$0x2] =	wrdreg s3  }
0xa9: {  	[dreg:$0x3] =	wrdreg s5  }
0xaa: {  	[dreg:$0x4] =	wrdreg $0xC0  }
0xab: {  	_ =	task [dreg:s7], $0x5FFFF  }
0xac: {  	[dreg:$0x1] =	wrdreg $0xFFFFFFFF  }
0xad: {  	[dreg:$0x0] =	wrdreg $0x60  }
0xae: {  	[dreg:$0x2] =	wrdreg s24  }
0xaf: {  	[dreg:$0x3] =	wrdreg s2  }
0xb0: {  	[dreg:$0x4] =	wrdreg $0x9  }
0xb1: {  	_ =	task.clear_ibuf [dreg:s7], $0x5FFFF;
	_ =	strace $0x90000046  }
0xb2: {  	s29 =	simm.s32 $0x9;
	_ =	strace $0x80000048  }
0xb3: {  	_ =	swait.ge [sflag:s29], $0x1  }
0xb4: {  	[sflag:s29] =	ssyncadd.s32 $0xFFFFFFFF  }
0xb5: {  	_ =	strace $0x90000048  }
0xb6: {  	_ =	sfence  }
0xb7: {  	s30 =	sld [smem:$0x0];
	_ =	sdelay $0x2  }
0xb8: {  	s31 =	sshll.u32 s1, $0xD;
	s1 =	sshrl.u32 s1, $0x2  }
0xb9: {  	s3 =	sand.u32 $0x4000, s31;
	s1 =	sadd.s32 s1, s30  }
0xba: {  	s0 =	sor.u32 s3, s0;
	s1 =	sshll.u32 s1, $0x11  }
0xbb: {  	s0 =	sor.u32 s1, s0  }
0xbc: {  	s0 =	sadd.s32 $0x8F2B, s0  }
0xbd: {  	[sflag:s0] =	ssyncadd.remote.s32 $0x1  }
0xbe: {  	_ =	sfence.sel $0xFFFF  }
0xbf: {  	[dreg:$0x0] =	wrdreg $0xFFFFFFFF;
	(pc) =	sbr.abs _section_cstart, $3  }
0xc0: {  	[dreg:$0x1] =	wrdreg $0xFFFFFFFF  }
0xc1: {  	_ =	task.clear_ibuf [dreg:s7], $0x2FFFF;
	_ =	strace $0x9FFFFFFF  }
0xc2: {  	(tm) =	ssettm $0x7FFFFFFF  }
0xc3: {  	_ =	shalt  }
tec
execute0_lowered:
.L_overlay_start_1:
0x0: {  	(tag) =	ssettag $0x1  }
0x1: {  	v7 =	vlaneseq.u32  }
0x2: {  	v53 =	vimm.s32 $0x34333231;
	v1 =	vimm.s32 $0x38373635;
	vm0 =	vcmask $0x1F10  }
0x3: {  	v56 =	vimm.s32 $0x3C3B3A39;
	v57 =	vimm.s32 $0x3F3E3D;
	v59 =	vimm.s32 $0x35343332  }
0x4: {  	v3 =	vimm.s32 $0x39383736;
	v23 =	vimm.s32 $0x3D3C3B3A;
	v60 =	vimm.s32 $0x1003F3E  }
0x5: {  	v61 =	vimm.s32 $0x36353433;
	v26 =	vimm.s32 $0x3A393837;
	v8 =	vimm.s32 $0x3E3D3C3B  }
0x6: {  	v9 =	vimm.s32 $0x201003F;
	v10 =	vimm.s32 $0x3020100;
	v31 =	vimm.s32 $0x3F3E3D3C  }
0x7: {  	v32 =	vimm.s32 $0x37363534;
	v33 =	vimm.s32 $0x3B3A3938;
	v28 =	vimm.s32 $0x5040302  }
0x8: {  	v29 =	vimm.s32 $0x87654321;
	vm7 =	vcmask $0x2F10;
	vm8 =	vcmask $0x3F30  }
0x9: {  	vm1 =	vcmask $0x300;
	vm2 =	vcmask $0x704;
	vm3 =	vcmask $0xB08  }
0xa: {  	vm4 =	vcmask $0xF0C;
	vm5 =	vcmask $0x1310;
	vm6 =	vcmask $0x1714  }
0xb: {  	vm9 =	vcmask $0x2320;
	vm10 =	vcmask $0x2724;
	vm11 =	vcmask $0x2B28  }
0xc: {  	vm12 =	vcmask $0x2F2C;
	vm13 =	vcmask $0x3330;
	vm14 =	vcmask $0x3734  }
0xd: {  	vm15 =	vcmask $0x3B38;
	v21 =	vimm.s32 $0x63C6;
	v0 =	vadd.s32 $0x1, v7  }
0xe: {  	v22 =	vimm.s32 $0x63C7;
	v34 =	vadd.s32 $0x2, v7;
	v35 =	vadd.s32 $0x3, v7;
	[tilespmem:$0x1FA80] =	vst v0  }
0xf: {  	v36 =	vadd.s32 $0x4, v7;
	v37 =	vadd.s32 $0x5, v7;
	v38 =	vadd.s32 $0x6, v7;
	[tilespmem:$0x1FA90] =	vst v34  }
0x10: {  	v39 =	vadd.s32 $0x7, v7;
	v40 =	vadd.s32 $0x8, v7;
	v41 =	vadd.s32 $0x9, v7;
	[tilespmem:$0x1FAA0] =	vst v35  }
0x11: {  	v42 =	vadd.s32 $0xA, v7;
	v43 =	vadd.s32 $0xB, v7;
	v44 =	vadd.s32 $0xC, v7;
	[tilespmem:$0x1FAB0] =	vst v36  }
0x12: {  	v45 =	vadd.s32 $0xD, v7;
	v46 =	vadd.s32 $0xE, v7;
	v47 =	vadd.s32 $0xF, v7;
	[tilespmem:$0x1FAC0] =	vst v37  }
0x13: {  	v48 =	vor.u32 $0x10, v7;
	v49 =	vadd.s32 $0x11, v7;
	v50 =	vadd.s32 $0x12, v7;
	[tilespmem:$0x1FAD0] =	vst v38  }
0x14: {  	v51 =	vadd.s32 $0x13, v7;
	v52 =	vadd.s32 $0x14, v7;
	v2 =	vadd.s32 $0x15, v7;
	[tilespmem:$0x1FAE0] =	vst v39  }
0x15: {  	v12 =	vunpack.c.0.s8.s32 v1;
	v54 =	vadd.s32 $0x16, v7;
	v55 =	vadd.s32 $0x17, v7;
	[tilespmem:$0x1FAF0] =	vst v40  }
0x16: {  	v13 =	vunpack.c.0.s8.s32 v56;
	v58 =	vunpack.c.0.s8.s32 v57;
	v14 =	vunpack.c.0.s8.s32 v3;
	[tilespmem:$0x1FB00] =	vst v41  }
0x17: {  	v15 =	vunpack.c.0.s8.s32 v23;
	v3 =	vunpack.c.0.s8.s32 v60;
	v23 =	vunpack.c.0.s8.s32 v61;
	[tilespmem:$0x1FB20] =	vst v43  }
0x18: {  	v4 =	vunpack.c.0.s8.s32 v26;
	v11 =	vunpack.c.0.s8.s32 v9;
	[tilespmem:$0x1FB30] =	vst v44;
	v0 =	vunpack.c.0.s8.s32 v53  }
0x19: {  	v30 =	vunpack.c.0.s8.s32 v10;
	v5 =	vunpack.c.0.s8.s32 v31;
	v28 =	vunpack.c.0.s8.s32 v28;
	[tilespmem:$0x1FB40] =	vst v45  }
0x1a: {  	[tilespmem:$0x1FBC0] =	vst v2;
	v2 =	vunpack.c.0.s8.s32 v59;
	v27 =	vsel vm0, v58, v13;
	v0 =	vsel vm0, v12, v0  }
0x1b: {  	v56 =	vimm.s32 $0x6543A987;
	v57 =	vimm.s32 $0xD0C0B0A;
	[tilespmem:$0x1FB70] =	vst v48;
	v0 =	vcombine.low v0, v27  }
0x1c: {  	v60 =	vimm.s32 $0xE0D0C0B;
	[tilespmem:$0x1FB90] =	vst v50;
	v63 =	vsel vm0, v3, v15;
	v62 =	vsel vm0, v14, v2  }
0x1d: {  	v61 =	vimm.s32 $0x63C1;
	v6 =	vsel vm0, v4, v23;
	[tilespmem:$0x1FC00] =	vst v0;
	v0 =	vcombine.low v62, v63  }
0x1e: {  	v9 =	vimm.s32 $0x63C5;
	v34 =	vimm.s32 $0x4030201;
	v36 =	vunpack.c.l.s4.s8 v29;
	[tilespmem:$0x1FC20] =	vst v6  }
0x1f: {  	v23 =	vunpack.c.0.s8.s32 v32;
	v6 =	vunpack.c.0.s8.s32 v33;
	[tilespmem:$0x1FC10] =	vst v0;
	v0 =	vunpack.c.0.s8.s32 v8  }
0x20: {  	v38 =	vimm.s32 $0x6050403;
	v39 =	vimm.s32 $0x98765432;
	v40 =	vimm.s32 $0x76543210  }
0x21: {  	v41 =	vimm.s32 $0x32107654;
	v23 =	vsel vm0, v6, v23;
	[tilespmem:$0x1FC30] =	vst v0;
	v0 =	vsel vm0, v30, v5  }
0x22: {  	[tilespmem:$0x1FBA0] =	vst v51;
	v45 =	vimm.s32 $0xA9876543;
	v26 =	vunpack.c.0.s8.s32 v34;
	v0 =	vcombine.low v23, v0  }
0x23: {  	v48 =	vimm.s32 $0x43218765;
	v50 =	vimm.s32 $0x54329876;
	v51 =	vimm.s32 $0xB0A0908  }
0x24: {  	v35 =	vsel vm0, v26, v58;
	v26 =	vunpack.c.l.s4.s8 v39;
	[tilespmem:$0x1FC70] =	vst v0;
	v0 =	vunpack.c.0.s8.s32 v36  }
0x25: {  	[tilespmem:$0x1FBB0] =	vst v52;
	v52 =	vimm.s32 $0xC0B0A09;
	v1 =	vunpack.c.l.s4.s8 v56;
	v37 =	vsel vm0, v28, v3  }
0x26: {  	[tilespmem:$0x1FB50] =	vst v46;
	v28 =	vunpack.c.l.s4.s8 v40;
	v26 =	vunpack.c.0.s8.s32 v26;
	v0 =	vand.u32 $0xF, v0  }
0x27: {  	[tilespmem:$0x1FB60] =	vst v47;
	v29 =	vunpack.c.l.s4.s8 v41;
	v47 =	vunpack.c.l.s4.s8 v45;
	v0 =	vcombine.low v27, v0  }
0x28: {  	[tilespmem:$0x1FB80] =	vst v49;
	v2 =	vunpack.c.l.s4.s8 v48;
	v1 =	vunpack.c.0.s8.s32 v1;
	v44 =	vand.u32 $0xF, v26  }
0x29: {  	v43 =	vunpack.c.0.s8.s32 v28;
	v46 =	vunpack.c.0.s8.s32 v29;
	[tilespmem:$0x1FCC0] =	vst v0;
	v0 =	vcombine.low v63, v44  }
0x2a: {  	[tilespmem:$0x1FBD0] =	vst v54;
	v28 =	vunpack.c.0.s8.s32 v52;
	v2 =	vunpack.c.0.s8.s32 v2;
	v26 =	vunpack.c.l.s4.s8 v50  }
0x2b: {  	v29 =	vimm.s32 $0x63CB;
	v1 =	vand.u32 $0xF, v1;
	[tilespmem:$0x1FCD0] =	vst v0;
	v0 =	vunpack.c.0.s8.s32 v47  }
0x2c: {  	[tilespmem:$0x1FC60] =	vst v6;
	v6 =	vimm.s32 $0x63C3;
	v2 =	vand.u32 $0xF, v2;
	v26 =	vunpack.c.0.s8.s32 v26  }
0x2d: {  	[tilespmem:$0x1FBE0] =	vst v55;
	v49 =	vand.u32 $0xF, v46;
	v54 =	vsel vm7, v2, v58;
	v0 =	vand.u32 $0xF, v0  }
0x2e: {  	v2 =	vunpack.c.0.s8.s32 v57;
	v55 =	vand.u32 $0xF, v26;
	[tilespmem:$0x1FCE0] =	vst v0;
	v0 =	vsel vm8, v28, v54  }
0x2f: {  	v1 =	vsel vm7, v1, v11;
	v23 =	vunpack.c.0.s8.s32 v38;
	[tilespmem:$0x1FD00] =	vst v0;
	v0 =	vsel vm7, v55, v3  }
0x30: {  	v62 =	vimm.s32 $0x63C2;
	v0 =	vsel vm8, v2, v0;
	v2 =	vunpack.c.0.s8.s32 v60  }
0x31: {  	[tilespmem:$0x1FB10] =	vst v42;
	v58 =	vimm.s32 $0x63C0;
	v8 =	vimm.s32 $0x63C4;
	v42 =	vsel vm0, v23, v11  }
0x32: {  	v27 =	vunpack.c.0.s8.s32 v51;
	v3 =	vsel vm1, $0x6031, v58;
	v1 =	vsel vm8, v2, v1  }
0x33: {  	v23 =	vsel vm7, v49, v5;
	v59 =	vsel vm2, $0x6072, v3;
	[tilespmem:$0x1FD20] =	vst v1;
	v1 =	vsel vm1, $0x6032, v61  }
0x34: {  	v53 =	vsel vm8, v27, v23;
	[tilespmem:$0x1FD10] =	vst v0;
	v0 =	vsel vm3, $0x60B3, v59;
	v1 =	vsel vm2, $0x6073, v1  }
0x35: {  	vm7 =	vcmask $0x1B18;
	v0 =	vsel vm4, $0x60F4, v0;
	v1 =	vsel vm3, $0x60B4, v1  }
0x36: {  	vm8 =	vcmask $0x1F1C;
	v0 =	vsel vm5, $0x6135, v0;
	v1 =	vsel vm4, $0x60F5, v1  }
0x37: {  	v2 =	vsel vm1, $0x6033, v62;
	v0 =	vsel vm6, $0x6176, v0;
	v1 =	vsel vm5, $0x6136, v1  }
0x38: {  	v2 =	vsel vm2, $0x6074, v2;
	v0 =	vsel vm7, $0x61B7, v0;
	v1 =	vsel vm6, $0x6177, v1  }
0x39: {  	v2 =	vsel vm3, $0x60B5, v2;
	v0 =	vsel vm8, $0x61F8, v0;
	v1 =	vsel vm7, $0x61B8, v1  }
0x3a: {  	v2 =	vsel vm4, $0x60F6, v2;
	v0 =	vsel vm9, $0x6239, v0;
	v1 =	vsel vm8, $0x61F9, v1  }
0x3b: {  	v2 =	vsel vm5, $0x6137, v2;
	v0 =	vsel vm10, $0x627A, v0;
	v1 =	vsel vm9, $0x623A, v1  }
0x3c: {  	v2 =	vsel vm6, $0x6178, v2;
	v0 =	vsel vm11, $0x62BB, v0;
	v1 =	vsel vm10, $0x627B, v1  }
0x3d: {  	v2 =	vsel vm7, $0x61B9, v2;
	v0 =	vsel vm12, $0x62FC, v0;
	v1 =	vsel vm11, $0x62BC, v1  }
0x3e: {  	v2 =	vsel vm8, $0x61FA, v2;
	v0 =	vsel vm13, $0x633D, v0;
	v1 =	vsel vm12, $0x62FD, v1  }
0x3f: {  	v2 =	vsel vm9, $0x623B, v2;
	v0 =	vsel vm14, $0x637E, v0;
	v1 =	vsel vm13, $0x633E, v1  }
0x40: {  	v2 =	vsel vm10, $0x627C, v2;
	v0 =	vsel vm15, $0x63BF, v0;
	v63 =	vsel vm14, $0x637F, v1  }
0x41: {  	v23 =	vimm.s32 $0x63C8;
	v2 =	vsel vm11, $0x62BD, v2;
	[tilespmem:$0x1FD30] =	vst v0;
	v0 =	vsel vm15, $0x6380, v63  }
0x42: {  	v27 =	vimm.s32 $0x63C9;
	v2 =	vsel vm12, $0x62FE, v2;
	[tilespmem:$0x1FD40] =	vst v0;
	v0 =	vsel vm1, $0x6034, v6  }
0x43: {  	v2 =	vsel vm13, $0x633F, v2;
	v1 =	vsel vm1, $0x6035, v8;
	v0 =	vsel vm2, $0x6075, v0  }
0x44: {  	[tilespmem:$0x1FBF0] =	vst v4;
	v4 =	vsel vm14, $0x6340, v2;
	v1 =	vsel vm2, $0x6076, v1;
	v0 =	vsel vm3, $0x60B6, v0  }
0x45: {  	v2 =	vsel vm1, $0x6036, v9;
	v1 =	vsel vm3, $0x60B7, v1;
	v0 =	vsel vm4, $0x60F7, v0  }
0x46: {  	v2 =	vsel vm2, $0x6077, v2;
	v1 =	vsel vm4, $0x60F8, v1;
	v0 =	vsel vm5, $0x6138, v0  }
0x47: {  	v2 =	vsel vm3, $0x60B8, v2;
	v1 =	vsel vm5, $0x6139, v1;
	v0 =	vsel vm6, $0x6179, v0  }
0x48: {  	v2 =	vsel vm4, $0x60F9, v2;
	v1 =	vsel vm6, $0x617A, v1;
	v0 =	vsel vm7, $0x61BA, v0  }
0x49: {  	v2 =	vsel vm5, $0x613A, v2;
	v1 =	vsel vm7, $0x61BB, v1;
	v0 =	vsel vm8, $0x61FB, v0  }
0x4a: {  	v2 =	vsel vm6, $0x617B, v2;
	v1 =	vsel vm8, $0x61FC, v1;
	v0 =	vsel vm9, $0x623C, v0  }
0x4b: {  	v2 =	vsel vm7, $0x61BC, v2;
	v1 =	vsel vm9, $0x623D, v1;
	v0 =	vsel vm10, $0x627D, v0  }
0x4c: {  	v2 =	vsel vm8, $0x61FD, v2;
	v1 =	vsel vm10, $0x627E, v1;
	v0 =	vsel vm11, $0x62BE, v0  }
0x4d: {  	v2 =	vsel vm9, $0x623E, v2;
	v1 =	vsel vm11, $0x62BF, v1;
	v0 =	vsel vm12, $0x62FF, v0  }
0x4e: {  	v2 =	vsel vm10, $0x627F, v2;
	v1 =	vsel vm12, $0x62C0, v1;
	v0 =	vsel vm13, $0x6300, v0  }
0x4f: {  	[tilespmem:$0x1FC40] =	vst v11;
	v2 =	vsel vm11, $0x6280, v2;
	v1 =	vsel vm13, $0x6301, v1;
	v0 =	vsel vm14, $0x6341, v0  }
0x50: {  	[tilespmem:$0x1FC50] =	vst v5;
	v2 =	vsel vm12, $0x62C1, v2;
	v10 =	vsel vm14, $0x6342, v1;
	v0 =	vsel vm15, $0x6382, v0  }
0x51: {  	v28 =	vimm.s32 $0x63CA;
	v2 =	vsel vm13, $0x6302, v2;
	[tilespmem:$0x1FD60] =	vst v0;
	v0 =	vsel vm15, $0x6383, v10  }
0x52: {  	v5 =	vsel vm15, $0x6381, v4;
	v11 =	vsel vm14, $0x6343, v2;
	[tilespmem:$0x1FD70] =	vst v0;
	v0 =	vsel vm1, $0x6037, v21  }
0x53: {  	v2 =	vsel vm1, $0x6039, v23;
	v1 =	vsel vm1, $0x6038, v22;
	v0 =	vsel vm2, $0x6078, v0  }
0x54: {  	v20 =	vsel vm15, $0x6384, v11;
	v1 =	vsel vm2, $0x6079, v1;
	v0 =	vsel vm3, $0x60B9, v0  }
0x55: {  	v2 =	vsel vm2, $0x607A, v2;
	v1 =	vsel vm3, $0x60BA, v1;
	v0 =	vsel vm4, $0x60FA, v0  }
0x56: {  	v2 =	vsel vm3, $0x60BB, v2;
	v1 =	vsel vm4, $0x60FB, v1;
	v0 =	vsel vm5, $0x613B, v0  }
0x57: {  	v2 =	vsel vm4, $0x60FC, v2;
	v1 =	vsel vm5, $0x613C, v1;
	v0 =	vsel vm6, $0x617C, v0  }
0x58: {  	v2 =	vsel vm5, $0x613D, v2;
	v1 =	vsel vm6, $0x617D, v1;
	v0 =	vsel vm7, $0x61BD, v0  }
0x59: {  	v2 =	vsel vm6, $0x617E, v2;
	v1 =	vsel vm7, $0x61BE, v1;
	v0 =	vsel vm8, $0x61FE, v0  }
0x5a: {  	v2 =	vsel vm7, $0x61BF, v2;
	v1 =	vsel vm8, $0x61FF, v1;
	v0 =	vsel vm9, $0x623F, v0  }
0x5b: {  	v2 =	vsel vm8, $0x61C0, v2;
	v1 =	vsel vm9, $0x6200, v1;
	v0 =	vsel vm10, $0x6240, v0  }
0x5c: {  	v2 =	vsel vm9, $0x6201, v2;
	v1 =	vsel vm10, $0x6241, v1;
	v0 =	vsel vm11, $0x6281, v0  }
0x5d: {  	v2 =	vsel vm10, $0x6242, v2;
	v1 =	vsel vm11, $0x6282, v1;
	v0 =	vsel vm12, $0x62C2, v0  }
0x5e: {  	v2 =	vsel vm11, $0x6283, v2;
	v1 =	vsel vm12, $0x62C3, v1;
	v0 =	vsel vm13, $0x6303, v0  }
0x5f: {  	v2 =	vsel vm12, $0x62C4, v2;
	v1 =	vsel vm13, $0x6304, v1;
	v0 =	vsel vm14, $0x6344, v0  }
0x60: {  	v2 =	vsel vm13, $0x6305, v2;
	v24 =	vsel vm14, $0x6345, v1;
	v0 =	vsel vm15, $0x6385, v0  }
0x61: {  	v25 =	vsel vm14, $0x6346, v2;
	v2 =	vsel vm1, $0x603C, v29;
	[tilespmem:$0x1FD90] =	vst v0;
	v0 =	vsel vm15, $0x6386, v24  }
0x62: {  	v26 =	vsel vm15, $0x6387, v25;
	v2 =	vsel vm2, $0x607D, v2;
	[tilespmem:$0x1FDA0] =	vst v0;
	v0 =	vsel vm1, $0x603A, v27  }
0x63: {  	v1 =	vsel vm1, $0x603B, v28;
	v2 =	vsel vm3, $0x60BE, v2;
	v0 =	vsel vm2, $0x607B, v0  }
0x64: {  	v1 =	vsel vm2, $0x607C, v1;
	v2 =	vsel vm4, $0x60FF, v2;
	v0 =	vsel vm3, $0x60BC, v0  }
0x65: {  	v1 =	vsel vm3, $0x60BD, v1;
	v2 =	vsel vm5, $0x6100, v2;
	v0 =	vsel vm4, $0x60FD, v0  }
0x66: {  	v1 =	vsel vm4, $0x60FE, v1;
	v2 =	vsel vm6, $0x6141, v2;
	v0 =	vsel vm5, $0x613E, v0  }
0x67: {  	v1 =	vsel vm5, $0x613F, v1;
	v2 =	vsel vm7, $0x6182, v2;
	v0 =	vsel vm6, $0x617F, v0  }
0x68: {  	[tilespmem:$0x1FC90] =	vst v37;
	v1 =	vsel vm6, $0x6140, v1;
	v2 =	vsel vm8, $0x61C3, v2;
	v0 =	vsel vm7, $0x6180, v0  }
0x69: {  	[tilespmem:$0x1FC80] =	vst v35;
	v1 =	vsel vm7, $0x6181, v1;
	v2 =	vsel vm9, $0x6204, v2;
	v0 =	vsel vm8, $0x61C1, v0  }
0x6a: {  	[tilespmem:$0x1FCB0] =	vst v43;
	v1 =	vsel vm8, $0x61C2, v1;
	v2 =	vsel vm10, $0x6245, v2;
	v0 =	vsel vm9, $0x6202, v0  }
0x6b: {  	[tilespmem:$0x1FCA0] =	vst v42;
	v1 =	vsel vm9, $0x6203, v1;
	v2 =	vsel vm11, $0x6286, v2;
	v0 =	vsel vm10, $0x6243, v0  }
0x6c: {  	[tilespmem:$0x1FCF0] =	vst v53;
	v1 =	vsel vm10, $0x6244, v1;
	v2 =	vsel vm12, $0x62C7, v2;
	v0 =	vsel vm11, $0x6284, v0  }
0x6d: {  	[tilespmem:$0x1FD50] =	vst v5;
	v1 =	vsel vm11, $0x6285, v1;
	v2 =	vsel vm13, $0x6308, v2;
	v0 =	vsel vm12, $0x62C5, v0  }
0x6e: {  	[tilespmem:$0x1FD80] =	vst v20;
	v1 =	vsel vm12, $0x62C6, v1;
	v31 =	vsel vm14, $0x6349, v2;
	v0 =	vsel vm13, $0x6306, v0  }
0x6f: {  	[tilespmem:$0x1FDB0] =	vst v26;
	v1 =	vsel vm13, $0x6307, v1;
	v32 =	vsel vm15, $0x638A, v31;
	v0 =	vsel vm14, $0x6347, v0  }
0x70: {  	s3 =	stileid.u32;
	v30 =	vsel vm14, $0x6348, v1;
	[tilespmem:$0x1FDE0] =	vst v32;
	v0 =	vsel vm15, $0x6388, v0  }
0x71: {  	s0 =	rddreg [dreg:$0x0];
	s4 =	sshll.u32 s3, $0x1;
	s3 =	simm.s32 $0x0;
	[tilespmem:$0x1FDC0] =	vst v0;
	v0 =	vsel vm15, $0x6389, v30  }
0x72: {  	[smem:$0x7FF] =	sst s3;
	v39 =	vadd.s32 $0x18, v7;
	[tilespmem:$0x1FDD0] =	vst v0  }
0x73: {  	s2 =	rddreg [dreg:$0x1];
	v40 =	vadd.s32 $0x19, v7;
	_ =	strace $0x80000047;
	[tilespmem:$0x1FE20] =	vst v39  }
0x74: {  	v41 =	vadd.s32 $0x1A, v7;
	[tilespmem:$0x1FE30] =	vst v40  }
0x75: {  	v42 =	vadd.s32 $0x1B, v7;
	[tilespmem:$0x1FE40] =	vst v41  }
0x76: {  	v43 =	vadd.s32 $0x1C, v7;
	[tilespmem:$0x1FE50] =	vst v42  }
0x77: {  	v44 =	vadd.s32 $0x1D, v7;
	[tilespmem:$0x1FE60] =	vst v43  }
0x78: {  	v45 =	vadd.s32 $0x1E, v7;
	[tilespmem:$0x1FE70] =	vst v44  }
0x79: {  	v46 =	vadd.s32 $0x1F, v7;
	[tilespmem:$0x1FE80] =	vst v45  }
0x7a: {  	v47 =	vor.u32 $0x20, v7;
	[tilespmem:$0x1FE90] =	vst v46  }
0x7b: {  	v48 =	vadd.s32 $0x21, v7;
	[tilespmem:$0x1FEA0] =	vst v47  }
0x7c: {  	v49 =	vadd.s32 $0x22, v7;
	[tilespmem:$0x1FEB0] =	vst v48  }
0x7d: {  	v17 =	vmul.u32 $0x40, v7;
	v56 =	vadd.s32 $0x29, v7;
	v50 =	vadd.s32 $0x23, v7;
	[tilespmem:$0x1FEC0] =	vst v49  }
0x7e: {  	v34 =	vimm.s32 $0x63CD;
	v33 =	vimm.s32 $0x63CC;
	v51 =	vadd.s32 $0x24, v7;
	[tilespmem:$0x1FED0] =	vst v50  }
0x7f: {  	v52 =	vadd.s32 $0x25, v7;
	v35 =	vimm.s32 $0x63CE;
	v57 =	vadd.s32 $0x2A, v7;
	[tilespmem:$0x1FEE0] =	vst v51  }
0x80: {  	v53 =	vadd.s32 $0x26, v7;
	v54 =	vadd.s32 $0x27, v7;
	v55 =	vadd.s32 $0x28, v7;
	[tilespmem:$0x1FEF0] =	vst v52  }
0x81: {  	v58 =	vadd.s32 $0x2B, v7;
	v60 =	vadd.s32 $0x2D, v7;
	v59 =	vadd.s32 $0x2C, v7;
	[tilespmem:$0x1FF00] =	vst v53  }
0x82: {  	v62 =	vadd.s32 $0x2F, v7;
	v61 =	vadd.s32 $0x2E, v7;
	v2 =	vsel vm1, $0x603F, v35;
	[tilespmem:$0x1FF10] =	vst v54  }
0x83: {  	v63 =	vor.u32 $0x30, v7;
	v2 =	vsel vm2, $0x6040, v2;
	v0 =	vsel vm1, $0x603D, v33;
	[tilespmem:$0x1FF20] =	vst v55  }
0x84: {  	v1 =	vsel vm1, $0x603E, v34;
	v2 =	vsel vm3, $0x6081, v2;
	v0 =	vsel vm2, $0x607E, v0;
	[tilespmem:$0x1FF30] =	vst v56  }
0x85: {  	v1 =	vsel vm2, $0x607F, v1;
	v2 =	vsel vm4, $0x60C2, v2;
	[tilespmem:$0x1FF40] =	vst v57;
	v0 =	vsel vm3, $0x60BF, v0  }
0x86: {  	v1 =	vsel vm3, $0x6080, v1;
	v2 =	vsel vm5, $0x6103, v2;
	[tilespmem:$0x1FF50] =	vst v58;
	v0 =	vsel vm4, $0x60C0, v0  }
0x87: {  	v1 =	vsel vm4, $0x60C1, v1;
	v2 =	vsel vm6, $0x6144, v2;
	[tilespmem:$0x1FF60] =	vst v59;
	v0 =	vsel vm5, $0x6101, v0  }
0x88: {  	v1 =	vsel vm5, $0x6102, v1;
	v2 =	vsel vm7, $0x6185, v2;
	[tilespmem:$0x1FF70] =	vst v60;
	v0 =	vsel vm6, $0x6142, v0  }
0x89: {  	s1 =	srdreg.scid;
	v1 =	vsel vm6, $0x6143, v1;
	v2 =	vsel vm8, $0x61C6, v2;
	[tilespmem:$0x1FF80] =	vst v61;
	v0 =	vsel vm7, $0x6183, v0  }
0x8a: {  	s14 =	simm.s32 $0x190;
	s17 =	simm.s32 $0x1;
	s18 =	simm.s32 $0x640;
	v1 =	vsel vm7, $0x6184, v1;
	v2 =	vsel vm9, $0x6207, v2;
	[tilespmem:$0x1FF90] =	vst v62;
	v0 =	vsel vm8, $0x61C4, v0  }
0x8b: {  	s19 =	simm.s32 $0x6A40;
	s20 =	simm.s32 $0x3;
	s21 =	simm.s32 $0x19640;
	v1 =	vsel vm8, $0x61C5, v1;
	v2 =	vsel vm10, $0x6248, v2;
	[tilespmem:$0x1FFA0] =	vst v63;
	v0 =	vsel vm9, $0x6205, v0  }
0x8c: {  	s22 =	simm.s32 $0x4;
	s23 =	simm.s32 $0xCE40;
	s1 =	sand.u32 $0x1, s1;
	v1 =	vsel vm9, $0x6206, v1;
	v2 =	vsel vm11, $0x6289, v2;
	[tilespmem:$0x1FFB0] =	vst v12;
	v0 =	vsel vm10, $0x6246, v0  }
0x8d: {  	s24 =	simm.s32 $0x13240;
	s25 =	simm.s32 $0x197D0;
	s4 =	sor.u32 s1, s4;
	v1 =	vsel vm10, $0x6247, v1;
	v2 =	vsel vm12, $0x62CA, v2;
	[tilespmem:$0x1FFC0] =	vst v13;
	v0 =	vsel vm11, $0x6287, v0  }
0x8e: {  	s26 =	simm.s32 $0x5;
	s28 =	simm.s32 $0x6;
	s6 =	smul.u32 $0x190, s4;
	v1 =	vsel vm11, $0x6288, v1;
	v2 =	vsel vm13, $0x630B, v2;
	[tilespmem:$0x1FFD0] =	vst v14;
	v0 =	vsel vm12, $0x62C8, v0  }
.Ltmp0:
0x8f: {  	s29 =	simm.s32 $0x0;
	s1 =	ssub.s32 $0x2, s1;
	v1 =	vsel vm12, $0x62C9, v1;
	v37 =	vsel vm14, $0x634C, v2;
	[tilespmem:$0x1FFE0] =	vst v15;
	v0 =	vsel vm13, $0x6309, v0;
	(pc) =	sbr.rel .LBB2_1-.Ltmp0, $4  }
0x90: {  	s5 =	sadd.s32 $0x13C00, s0;
	s7 =	sshrl.u32 s1, $0x1;
	s11 =	sor.u32 $0x40, s4;
	v1 =	vsel vm13, $0x630A, v1;
	[tilespmem:$0x1FFF0] =	vst v17;
	v38 =	vsel vm15, $0x638D, v37;
	v0 =	vsel vm14, $0x634A, v0  }
0x91: {  	s12 =	sor.u32 $0x60, s4;
	s31 =	ssub.s32 s1, s7;
	s8 =	sshrl.u32 s6, $0x3;
	v36 =	vsel vm14, $0x634B, v1;
	[tilespmem:$0x1FE10] =	vst v38;
	v0 =	vsel vm15, $0x638B, v0  }
0x92: {  	s6 =	sadd.s32 $0x200, s0;
	s13 =	smax.u32 s31, $0x1;
	s7 =	sadd.s32 s5, s8;
	[tilespmem:$0x1FDF0] =	vst v0;
	v0 =	vsel vm15, $0x638C, v36  }
0x93: {  	s8 =	sadd.s32 $0x9C40, s7;
	s9 =	sadd.s32 $0x640, s7;
	s10 =	sadd.s32 $0xA280, s7;
	[tilespmem:$0x1FE00] =	vst v0  }
.LBB2_12:
0x94: {  	s29 =	sadd.s32 $0x1, s29  }
0x95: {  	_ =	swait.ge [sflag:s26], $0x190;
	p0 =	sne.s32 s29, s13  }
.Ltmp1:
0x96: {  	[sflag:s26] =	ssyncset.done $0x0;
	(pc) =	sbr.rel @!p0 .LBB2_13-.Ltmp1, $4  }
0x97: {  	[sflag:s26] =	ssyncadd.s32 $0xFFFFFE70  }
0x98: {  	_ =	swait.ge [sflag:s28], $0x190  }
0x99: {  	[sflag:s28] =	ssyncset.done $0x0  }
0x9a: {  	[sflag:s28] =	ssyncadd.s32 $0xFFFFFE70  }
.LBB2_1:
0x9b: {  	[tilespmem:s3], [sflag:$0x1] =	stream.linear.gather [hbm4b:s7+s3], $0x190, $0x38;
	[tilespmem:$0x19960] =	vst v63  }
0x9c: {  	_ = 	snop  }
0x9d: {  	[tilespmem:s14], [sflag:$0x1] =	stream.linear.gather [hbm4b:s8+s3], $0x190, $0x38;
	[tilespmem:$0x19960] =	vst v63  }
0x9e: {  	s0 =	simm.s32 $0x320  }
0x9f: {  	[tilespmem:s0], [sflag:$0x2] =	stream.linear.gather [hbm4b:s9+s3], $0x190, $0x38;
	[tilespmem:$0x19960] =	vst v63  }
0xa0: {  	s31 =	simm.s32 $0x4B0  }
0xa1: {  	[tilespmem:s31], [sflag:$0x2] =	stream.linear.gather [hbm4b:s10+s3], $0x190, $0x38;
	[tilespmem:$0x19960] =	vst v63  }
0xa2: {  	_ =	swait.ge [sflag:s17], $0x190  }
0xa3: {  	[sflag:s17] =	ssyncset.done $0x0  }
0xa4: {  	[sflag:s17] =	ssyncadd.s32 $0xFFFFFE70  }
0xa5: {  	_ =	swait.ge [sflag:s17], $0x190  }
.Ltmp2:
0xa6: {  	[sflag:s17] =	ssyncset.done $0x0;
	(pc) =	sbr.rel .LBB2_2-.Ltmp2, $4  }
0xa7: {  	[sflag:s17] =	ssyncadd.s32 $0xFFFFFE70  }
0xa8: {  	[tilespmem:s18], [sflag:$0x3] =	stream.indirect.gather [hbm4b:s6+s14], $0x40, s3, s14, $0xb8;
	[tilespmem:$0x19960] =	vst v63  }
0xa9: {  	s30 =	simm.s32 $0x0  }
0xaa: {  	[tilespmem:s19], [sflag:$0x3] =	stream.indirect.gather [hbm4b:s6+s14], $0x40, s14, s14, $0xb8;
	[tilespmem:$0x19960] =	vst v63  }
.LBB2_11:
0xab: {  	s30 =	sadd.s32 $0x1, s30  }
0xac: {  	p0 =	sne.s32 s30, $0xD  }
.Ltmp3:
0xad: {  	_ = 	snop;
	(pc) =	sbr.rel @!p0 .LBB2_12-.Ltmp3, $1  }
0xae: {  	_ =	sdelay $0x3  }
.LBB2_2:
0xaf: {  	s31 =	sshllo.u32 s30, $0x1  }
0xb0: {  	p0 =	sgt.u32 s31, $0x18  }
0xb1: {  	s0 =	simm.s32 @!p0 $0x2  }
0xb2: {  	_ =	swait.ge @!p0 [sflag:s0], $0x190  }
0xb3: {  	[sflag:s0] =	ssyncset.done @!p0 $0x0  }
0xb4: {  	[sflag:s0] =	ssyncadd.s32 @!p0 $0xFFFFFE70  }
0xb5: {  	_ =	swait.ge @!p0 [sflag:s0], $0x190  }
0xb6: {  	s1 =	simm.s32 @!p0 $0x320;
	[sflag:s0] =	ssyncset.done @!p0 $0x0  }
0xb7: {  	s15 =	simm.s32 @!p0 $0xCE40;
	[sflag:s0] =	ssyncadd.s32 @!p0 $0xFFFFFE70;
	s0 =	simm.s32 @!p0 $0x190  }
0xb8: {  	[tilespmem:s15], [sflag:$0x4] =	stream.indirect.gather @!p0 [hbm4b:s6+s0], $0x40, s1, s0, $0xb8;
	[tilespmem:$0x19960] =	vst v63  }
0xb9: {  	p1 =	seq.s32 s30, $0xC;
	s1 =	simm.s32 @!p0 $0x4B0;
	s15 =	simm.s32 @!p0 $0x13240  }
0xba: {  	[tilespmem:s15], [sflag:$0x4] =	stream.indirect.gather @!p0 [hbm4b:s6+s0], $0x40, s1, s0, $0xb8;
	[tilespmem:$0x19960] =	vst v63  }
0xbb: {  	s0 =	sshll.u32 @!p1 s30, $0x6;
	_ =	swait.ge [sflag:s20], $0x6400  }
0xbc: {  	s0 =	sadd.s32 @!p1 s11, s0;
	[sflag:s20] =	ssyncset.done $0x0  }
0xbd: {  	p2 =	seq.s32 @!p1 s30, $0x0;
	s0 =	smul.u32 @!p1 $0x190, s0;
	[sflag:s20] =	ssyncadd.s32 $0xFFFF9C00  }
0xbe: {  	p2 =	por p1, !p2;
	_ =	swait.ge [sflag:s20], $0x6400  }
.Ltmp4:
0xbf: {  	s0 =	sshrl.u32 @!p1 s0, $0x3;
	[sflag:s20] =	ssyncset.done $0x0;
	(pc) =	sbr.rel @!p2 .LBB2_3-.Ltmp4, $4  }
0xc0: {  	s1 =	simm.s32 @!p1 $0x0;
	s0 =	sadd.s32 @!p1 s5, s0;
	[sflag:s20] =	ssyncadd.s32 $0xFFFF9C00  }
0xc1: {  	[tilespmem:s1], [sflag:$0x1] =	stream.linear.gather @!p1 [hbm4b:s0+s1], $0x190, $0x38;
	[tilespmem:$0x19960] =	vst v63  }
0xc2: {  	s15 =	simm.s32 @!p1 $0x190;
	s0 =	sadd.s32 @!p1 $0x9C40, s0  }
0xc3: {  	[tilespmem:s15], [sflag:$0x1] =	stream.linear.gather @!p1 [hbm4b:s0+s1], $0x190, $0x38;
	[tilespmem:$0x19960] =	vst v63  }
.Ltmp5:
0xc4: {  	(pc) =	sbr.rel .LBB2_5-.Ltmp5, $4  }
0xc5: {  	_ = 	snop  }
0xc6: {  	_ =	swait.ge [sflag:s26], $0x190  }
0xc7: {  	[sflag:s26] =	ssyncset.done $0x0  }
0xc8: {  	p1 =	por $0x0, $0x0;
	[sflag:s26] =	ssyncadd.s32 $0xFFFFFE70  }
.LBB2_3:
0xc9: {  	p1 =	por @!p1 $0x1, $0x1  }
.LBB2_5:
0xca: {  	s1 =	simm.s32 $0xFFFFFFFE;
	s0 =	simm.s32 $0x19650;
	s15 =	simm.s32 $0x10  }
.LBB2_6:
0xcb: {  	v52 =	vld [tilespmem:$0x1FA80]  }
0xcc: {  	v53 =	vld [tilespmem:$0x1FA90]  }
0xcd: {  	v54 =	vld [tilespmem:$0x1FAA0]  }
0xce: {  	v56 =	vld [tilespmem:$0x1FAB0]  }
0xcf: {  	v57 =	vld [tilespmem:$0x1FAC0]  }
0xd0: {  	v26 =	vld [tilespmem:$0x1FAD0]  }
0xd1: {  	v63 =	vld [tilespmem:$0x1FAE0]  }
0xd2: {  	v32 =	vld [tilespmem:$0x1FAF0]  }
0xd3: {  	v61 =	vld [tilespmem:$0x1FB00]  }
0xd4: {  	v23 =	vld [tilespmem:$0x1FB10]  }
0xd5: {  	v28 =	vld [tilespmem:$0x1FB20]  }
0xd6: {  	s16 =	sadd.s32 $0xFFFFFFF0, s15;
	v29 =	vld [tilespmem:$0x1FB30]  }
0xd7: {  	v34 =	vld [tilespmem:$0x1FB40];
	v0 =	vmov s16  }
0xd8: {  	v35 =	vld [tilespmem:$0x1FB50];
	v0 =	vshll.u32 v0, $0x6  }
0xd9: {  	v16 =	vlaneseq.u32;
	v36 =	vld [tilespmem:$0x1FB60];
	v1 =	vor.u32 v17, v0  }
0xda: {  	v20 =	vld [tilespmem:$0x1FBE0];
	v0 =	vor.u32 v16, v1  }
0xdb: {  	v43 =	vld [tilespmem:$0x1FE20]  }
0xdc: {  	v45 =	vld [tilespmem:$0x1FE30];
	v2 =	vor.u32 v52, v1  }
0xdd: {  	v46 =	vld [tilespmem:$0x1FE40]  }
0xde: {  	v47 =	vld [tilespmem:$0x1FE50];
	v3 =	vor.u32 v53, v1  }
0xdf: {  	v33 =	vld.idx.msk [tilespmem:v0+s18+$0x0], $0xffff  }
0xe0: {  	v39 =	vor.u32 v54, v1;
	v0 =	vld.idx.msk [tilespmem:v0+s19+$0x0], $0xffff  }
0xe1: {  	v40 =	vld.idx.msk [tilespmem:v2+s18+$0x0], $0xffff  }
0xe2: {  	v41 =	vor.u32 v56, v1;
	v2 =	vld.idx.msk [tilespmem:v2+s19+$0x0], $0xffff  }
0xe3: {  	v44 =	vld.idx.msk [tilespmem:v3+s18+$0x0], $0xffff  }
0xe4: {  	v4 =	vor.u32 v57, v1;
	v3 =	vld.idx.msk [tilespmem:v3+s19+$0x0], $0xffff  }
0xe5: {  	v49 =	vld.idx.msk [tilespmem:v39+s18+$0x0], $0xffff  }
0xe6: {  	v5 =	vor.u32 v26, v1;
	v39 =	vld.idx.msk [tilespmem:v39+s19+$0x0], $0xffff  }
0xe7: {  	v51 =	vor.u32 v63, v1;
	v7 =	vld.idx.msk [tilespmem:v41+s18+$0x0], $0xffff  }
0xe8: {  	v50 =	vld.idx.msk [tilespmem:v41+s19+$0x0], $0xffff;
	v0 =	vmul.bf16 v0, v33  }
0xe9: {  	v9 =	vor.u32 v32, v1;
	v62 =	vor.u32 v61, v1;
	v55 =	vld.idx.msk [tilespmem:v4+s18+$0x0], $0xffff  }
0xea: {  	v4 =	vld.idx.msk [tilespmem:v4+s19+$0x0], $0xffff;
	v2 =	vmul.bf16 v2, v40;
	v6 =	vunpack.i.u.bf16.f32 v0;
	v0 =	vunpack.i.l.bf16.f32 v0  }
0xeb: {  	v48 =	vor.u32 v23, v1;
	v59 =	vld.idx.msk [tilespmem:v5+s18+$0x0], $0xffff;
	v0 =	vadd.f32 $0.0e+00, v0;
	v6 =	vadd.f32 $0.0e+00, v6  }
0xec: {  	v25 =	vld.idx.msk [tilespmem:v51+s19+$0x0], $0xffff;
	v3 =	vmul.bf16 v3, v44;
	v8 =	vunpack.i.u.bf16.f32 v2;
	v2 =	vunpack.i.l.bf16.f32 v2  }
0xed: {  	v0 =	vadd.f32 v2, v0;
	v2 =	vadd.f32 v8, v6;
	v6 =	vld.idx.msk [tilespmem:v51+s18+$0x0], $0xffff;
	v51 =	vor.u32 v28, v1  }
0xee: {  	v5 =	vld.idx.msk [tilespmem:v5+s19+$0x0], $0xffff;
	v33 =	vmul.bf16 v39, v49;
	v58 =	vunpack.i.u.bf16.f32 v3;
	v3 =	vunpack.i.l.bf16.f32 v3  }
0xef: {  	v0 =	vadd.f32 v3, v0;
	v2 =	vadd.f32 v58, v2;
	v3 =	vmul.bf16 v50, v7;
	v50 =	vld.idx.msk [tilespmem:v9+s18+$0x0], $0xffff  }
0xf0: {  	v24 =	vunpack.i.u.bf16.f32 v33;
	v33 =	vunpack.i.l.bf16.f32 v33;
	v9 =	vld.idx.msk [tilespmem:v9+s19+$0x0], $0xffff  }
0xf1: {  	v0 =	vadd.f32 v33, v0;
	v2 =	vadd.f32 v24, v2;
	v24 =	vld.idx.msk [tilespmem:v48+s19+$0x0], $0xffff  }
0xf2: {  	v4 =	vmul.bf16 v4, v55;
	v49 =	vunpack.i.u.bf16.f32 v3;
	v3 =	vunpack.i.l.bf16.f32 v3;
	v27 =	vld.idx.msk [tilespmem:v51+s18+$0x0], $0xffff  }
0xf3: {  	v55 =	vor.u32 v29, v1;
	v0 =	vadd.f32 v3, v0;
	v3 =	vmul.bf16 v5, v59;
	v5 =	vld.idx.msk [tilespmem:v62+s18+$0x0], $0xffff  }
0xf4: {  	v60 =	vunpack.i.u.bf16.f32 v4;
	v4 =	vunpack.i.l.bf16.f32 v4;
	v2 =	vadd.f32 v49, v2;
	v62 =	vld.idx.msk [tilespmem:v62+s19+$0x0], $0xffff  }
0xf5: {  	v6 =	vmul.bf16 v25, v6;
	v25 =	vor.u32 v34, v1;
	v59 =	vld.idx.msk [tilespmem:v48+s18+$0x0], $0xffff;
	v0 =	vadd.f32 v4, v0  }
0xf6: {  	v48 =	vld.idx.msk [tilespmem:v51+s19+$0x0], $0xffff;
	v2 =	vadd.f32 v60, v2;
	v58 =	vunpack.i.u.bf16.f32 v3;
	v3 =	vunpack.i.l.bf16.f32 v3  }
0xf7: {  	v10 =	vld [tilespmem:$0x1FE80];
	v49 =	vor.u32 v35, v1;
	v38 =	vunpack.i.u.bf16.f32 v6;
	v0 =	vadd.f32 v3, v0  }
0xf8: {  	v51 =	vld.idx.msk [tilespmem:v55+s18+$0x0], $0xffff;
	v6 =	vunpack.i.l.bf16.f32 v6;
	v2 =	vadd.f32 v58, v2;
	v3 =	vmul.bf16 v9, v50  }
0xf9: {  	v60 =	vld.idx.msk [tilespmem:v55+s19+$0x0], $0xffff;
	v5 =	vmul.bf16 v62, v5;
	v62 =	vor.u32 v36, v1;
	v0 =	vadd.f32 v6, v0  }
0xfa: {  	v2 =	vadd.f32 v38, v2;
	v50 =	vunpack.i.u.bf16.f32 v3;
	v3 =	vunpack.i.l.bf16.f32 v3;
	v38 =	vld [tilespmem:$0x1FB70]  }
0xfb: {  	v31 =	vld.idx.msk [tilespmem:v25+s19+$0x0], $0xffff;
	v4 =	vmul.bf16 v48, v27;
	v0 =	vadd.f32 v3, v0  }
0xfc: {  	v48 =	vld.idx.msk [tilespmem:v49+s19+$0x0], $0xffff;
	v30 =	vunpack.i.u.bf16.f32 v5;
	v5 =	vunpack.i.l.bf16.f32 v5;
	v3 =	vmul.bf16 v24, v59  }
0xfd: {  	v27 =	vld [tilespmem:$0x1FB80];
	v0 =	vadd.f32 v5, v0  }
0xfe: {  	v2 =	vadd.f32 v50, v2;
	v58 =	vunpack.i.u.bf16.f32 v3;
	v3 =	vunpack.i.l.bf16.f32 v3;
	v5 =	vld.idx.msk [tilespmem:v62+s18+$0x0], $0xffff  }
0xff: {  	v55 =	vor.u32 v38, v1;
	v0 =	vadd.f32 v3, v0;
	v3 =	vmul.bf16 v60, v51;
	v51 =	vld.idx.msk [tilespmem:v62+s19+$0x0], $0xffff  }
0x100: {  	v62 =	vld [tilespmem:$0x1FB90]  }
0x101: {  	v6 =	vld.idx.msk [tilespmem:v25+s18+$0x0], $0xffff;
	v2 =	vadd.f32 v30, v2  }
0x102: {  	v59 =	vld.idx.msk [tilespmem:v49+s18+$0x0], $0xffff;
	v49 =	vor.u32 v27, v1  }
0x103: {  	v2 =	vadd.f32 v58, v2;
	v58 =	vld [tilespmem:$0x1FBB0]  }
0x104: {  	v25 =	vld.idx.msk [tilespmem:v55+s18+$0x0], $0xffff  }
0x105: {  	v50 =	vunpack.i.u.bf16.f32 v4;
	v4 =	vunpack.i.l.bf16.f32 v4;
	v30 =	vld.idx.msk [tilespmem:v55+s19+$0x0], $0xffff;
	v60 =	vor.u32 v62, v1  }
0x106: {  	v0 =	vadd.f32 v4, v0;
	v55 =	vld [tilespmem:$0x1FBA0]  }
0x107: {  	v6 =	vmul.bf16 v31, v6;
	v24 =	vunpack.i.u.bf16.f32 v3;
	v3 =	vunpack.i.l.bf16.f32 v3;
	v4 =	vld.idx.msk [tilespmem:v49+s18+$0x0], $0xffff  }
0x108: {  	v2 =	vadd.f32 v50, v2;
	v0 =	vadd.f32 v3, v0;
	v3 =	vmul.bf16 v48, v59;
	v59 =	vld [tilespmem:$0x1FBC0]  }
0x109: {  	v33 =	vld.idx.msk [tilespmem:v49+s19+$0x0], $0xffff;
	v49 =	vor.u32 v58, v1  }
0x10a: {  	v2 =	vadd.f32 v24, v2;
	v48 =	vunpack.i.u.bf16.f32 v6;
	v6 =	vunpack.i.l.bf16.f32 v6;
	v7 =	vld.idx.msk [tilespmem:v60+s18+$0x0], $0xffff  }
0x10b: {  	v5 =	vmul.bf16 v51, v5;
	v0 =	vadd.f32 v6, v0;
	v31 =	vor.u32 v55, v1;
	v51 =	vld.idx.msk [tilespmem:v60+s19+$0x0], $0xffff  }
0x10c: {  	v50 =	vunpack.i.u.bf16.f32 v3;
	v3 =	vunpack.i.l.bf16.f32 v3;
	v60 =	vld [tilespmem:$0x1FBD0]  }
0x10d: {  	v42 =	vld [tilespmem:$0x1FE90];
	v2 =	vadd.f32 v48, v2;
	v0 =	vadd.f32 v3, v0;
	v24 =	vor.u32 v59, v1  }
0x10e: {  	v3 =	vmul.bf16 v30, v25;
	v25 =	vunpack.i.u.bf16.f32 v5;
	v5 =	vunpack.i.l.bf16.f32 v5;
	v48 =	vld.idx.msk [tilespmem:v49+s18+$0x0], $0xffff  }
0x10f: {  	v2 =	vadd.f32 v50, v2;
	v50 =	vor.u32 v20, v1;
	v0 =	vadd.f32 v5, v0;
	v49 =	vld.idx.msk [tilespmem:v49+s19+$0x0], $0xffff  }
0x110: {  	v4 =	vmul.bf16 v33, v4;
	v37 =	vunpack.i.u.bf16.f32 v3;
	v3 =	vunpack.i.l.bf16.f32 v3;
	v6 =	vld.idx.msk [tilespmem:v31+s18+$0x0], $0xffff  }
0x111: {  	v2 =	vadd.f32 v25, v2;
	v0 =	vadd.f32 v3, v0;
	v30 =	vld.idx.msk [tilespmem:v31+s19+$0x0], $0xffff;
	v31 =	vor.u32 v60, v1  }
0x112: {  	v5 =	vld.idx.msk [tilespmem:v24+s18+$0x0], $0xffff;
	v3 =	vmul.bf16 v51, v7;
	v51 =	vunpack.i.u.bf16.f32 v4;
	v4 =	vunpack.i.l.bf16.f32 v4  }
0x113: {  	v39 =	vor.u32 v43, v1;
	v9 =	vld.idx.msk [tilespmem:v24+s19+$0x0], $0xffff;
	v0 =	vadd.f32 v4, v0  }
0x114: {  	v2 =	vadd.f32 v37, v2;
	v4 =	vld.idx.msk [tilespmem:v50+s18+$0x0], $0xffff;
	v24 =	vunpack.i.u.bf16.f32 v3;
	v3 =	vunpack.i.l.bf16.f32 v3  }
0x115: {  	v0 =	vadd.f32 v3, v0;
	v3 =	vmul.bf16 v49, v48;
	v49 =	vld.idx.msk [tilespmem:v50+s19+$0x0], $0xffff;
	v50 =	vor.u32 v46, v1  }
0x116: {  	v25 =	vld.idx.msk [tilespmem:v31+s18+$0x0], $0xffff  }
0x117: {  	v2 =	vadd.f32 v51, v2;
	v6 =	vmul.bf16 v30, v6;
	v30 =	vld.idx.msk [tilespmem:v31+s19+$0x0], $0xffff;
	v31 =	vor.u32 v45, v1  }
0x118: {  	v8 =	vld.idx.msk [tilespmem:v39+s18+$0x0], $0xffff  }
0x119: {  	v2 =	vadd.f32 v24, v2;
	v24 =	vld.idx.msk [tilespmem:v39+s19+$0x0], $0xffff  }
0x11a: {  	v39 =	vor.u32 v47, v1;
	v48 =	vunpack.i.u.bf16.f32 v6;
	v6 =	vunpack.i.l.bf16.f32 v6;
	v7 =	vld.idx.msk [tilespmem:v50+s18+$0x0], $0xffff  }
0x11b: {  	v0 =	vadd.f32 v6, v0;
	v2 =	vadd.f32 v48, v2;
	v4 =	vmul.bf16 v49, v4;
	v49 =	vld [tilespmem:$0x1FE70]  }
0x11c: {  	v5 =	vmul.bf16 v9, v5;
	v51 =	vunpack.i.u.bf16.f32 v3;
	v3 =	vunpack.i.l.bf16.f32 v3;
	v6 =	vld.idx.msk [tilespmem:v31+s18+$0x0], $0xffff  }
0x11d: {  	v0 =	vadd.f32 v3, v0;
	v2 =	vadd.f32 v51, v2;
	v40 =	vld.idx.msk [tilespmem:v31+s19+$0x0], $0xffff  }
0x11e: {  	v3 =	vmul.bf16 v30, v25;
	v25 =	vunpack.i.u.bf16.f32 v5;
	v5 =	vunpack.i.l.bf16.f32 v5;
	v31 =	vld [tilespmem:$0x1FE60]  }
0x11f: {  	v30 =	vor.u32 v10, v1;
	v0 =	vadd.f32 v5, v0;
	v5 =	vld.idx.msk [tilespmem:v39+s18+$0x0], $0xffff  }
0x120: {  	v2 =	vadd.f32 v25, v2;
	v25 =	vld.idx.msk [tilespmem:v39+s19+$0x0], $0xffff  }
0x121: {  	v33 =	vld.idx.msk [tilespmem:v50+s19+$0x0], $0xffff;
	v37 =	vunpack.i.u.bf16.f32 v3;
	v3 =	vunpack.i.l.bf16.f32 v3  }
0x122: {  	v11 =	vld [tilespmem:$0x1FF00];
	v51 =	vor.u32 v49, v1;
	v0 =	vadd.f32 v3, v0  }
0x123: {  	v50 =	vld [tilespmem:$0x1FEA0];
	v3 =	vmul.bf16 v24, v8;
	v24 =	vunpack.i.u.bf16.f32 v4;
	v4 =	vunpack.i.l.bf16.f32 v4  }
0x124: {  	v2 =	vadd.f32 v37, v2;
	v41 =	vor.u32 v31, v1;
	v0 =	vadd.f32 v4, v0;
	v9 =	vld.idx.msk [tilespmem:v30+s19+$0x0], $0xffff  }
0x125: {  	v37 =	vunpack.i.u.bf16.f32 v3;
	v3 =	vunpack.i.l.bf16.f32 v3;
	v5 =	vmul.bf16 v25, v5;
	v25 =	vld [tilespmem:$0x1FEB0]  }
0x126: {  	v0 =	vadd.f32 v3, v0;
	v3 =	vmul.bf16 v33, v7;
	v7 =	vld.idx.msk [tilespmem:v30+s18+$0x0], $0xffff  }
0x127: {  	v4 =	vld.idx.msk [tilespmem:v51+s18+$0x0], $0xffff  }
0x128: {  	v33 =	vld.idx.msk [tilespmem:v51+s19+$0x0], $0xffff  }
0x129: {  	v51 =	vor.u32 v50, v1;
	v8 =	vld.idx.msk [tilespmem:v41+s18+$0x0], $0xffff  }
0x12a: {  	v6 =	vmul.bf16 v40, v6;
	v40 =	vld.idx.msk [tilespmem:v41+s19+$0x0], $0xffff;
	v41 =	vor.u32 v42, v1  }
0x12b: {  	v2 =	vadd.f32 v24, v2;
	v42 =	vld [tilespmem:$0x1FEC0]  }
0x12c: {  	v48 =	vunpack.i.u.bf16.f32 v6;
	v6 =	vunpack.i.l.bf16.f32 v6;
	v50 =	vld [tilespmem:$0x1FED0]  }
0x12d: {  	v2 =	vadd.f32 v37, v2;
	v0 =	vadd.f32 v6, v0;
	v30 =	vor.u32 v25, v1;
	v25 =	vld [tilespmem:$0x1FEE0]  }
0x12e: {  	v24 =	vunpack.i.u.bf16.f32 v3;
	v3 =	vunpack.i.l.bf16.f32 v3;
	v4 =	vmul.bf16 v33, v4;
	v33 =	vld.idx.msk [tilespmem:v51+s19+$0x0], $0xffff  }
0x12f: {  	v37 =	vunpack.i.u.bf16.f32 v5;
	v2 =	vadd.f32 v48, v2;
	v0 =	vadd.f32 v3, v0;
	v6 =	vld.idx.msk [tilespmem:v41+s18+$0x0], $0xffff  }
0x130: {  	v5 =	vunpack.i.l.bf16.f32 v5;
	v3 =	vmul.bf16 v40, v8;
	v40 =	vld.idx.msk [tilespmem:v41+s19+$0x0], $0xffff;
	v41 =	vor.u32 v42, v1  }
0x131: {  	v2 =	vadd.f32 v24, v2;
	v0 =	vadd.f32 v5, v0;
	v8 =	vld.idx.msk [tilespmem:v51+s18+$0x0], $0xffff  }
0x132: {  	v42 =	vld [tilespmem:$0x1FEF0];
	v5 =	vor.u32 v25, v1;
	v48 =	vunpack.i.u.bf16.f32 v3;
	v3 =	vunpack.i.l.bf16.f32 v3  }
0x133: {  	v7 =	vmul.bf16 v9, v7;
	v2 =	vadd.f32 v37, v2;
	v9 =	vld.idx.msk [tilespmem:v30+s19+$0x0], $0xffff;
	v0 =	vadd.f32 v3, v0  }
0x134: {  	v51 =	vor.u32 v50, v1;
	v24 =	vunpack.i.u.bf16.f32 v4;
	v4 =	vunpack.i.l.bf16.f32 v4;
	v3 =	vld.idx.msk [tilespmem:v30+s18+$0x0], $0xffff  }
0x135: {  	v0 =	vadd.f32 v4, v0;
	v4 =	vld.idx.msk [tilespmem:v41+s18+$0x0], $0xffff  }
0x136: {  	v2 =	vadd.f32 v48, v2;
	v6 =	vmul.bf16 v40, v6;
	v40 =	vld.idx.msk [tilespmem:v41+s19+$0x0], $0xffff  }
0x137: {  	v25 =	vld.idx.msk [tilespmem:v5+s18+$0x0], $0xffff  }
0x138: {  	v30 =	vunpack.i.u.bf16.f32 v7;
	v7 =	vunpack.i.l.bf16.f32 v7;
	v2 =	vadd.f32 v24, v2;
	v5 =	vld.idx.msk [tilespmem:v5+s19+$0x0], $0xffff  }
0x139: {  	v0 =	vadd.f32 v7, v0;
	v7 =	vld.idx.msk [tilespmem:v51+s18+$0x0], $0xffff  }
0x13a: {  	v48 =	vor.u32 v42, v1;
	v8 =	vmul.bf16 v33, v8;
	v2 =	vadd.f32 v30, v2;
	v30 =	vld [tilespmem:$0x1FF10]  }
0x13b: {  	v50 =	vunpack.i.u.bf16.f32 v6;
	v6 =	vunpack.i.l.bf16.f32 v6;
	v51 =	vld.idx.msk [tilespmem:v51+s19+$0x0], $0xffff;
	v3 =	vmul.bf16 v9, v3  }
0x13c: {  	v24 =	vunpack.i.u.bf16.f32 v8;
	v8 =	vunpack.i.l.bf16.f32 v8;
	v0 =	vadd.f32 v6, v0  }
0x13d: {  	v42 =	vld [tilespmem:$0x1FF40];
	v2 =	vadd.f32 v50, v2;
	v6 =	vor.u32 v11, v1;
	v37 =	vunpack.i.u.bf16.f32 v3  }
0x13e: {  	v3 =	vunpack.i.l.bf16.f32 v3;
	v0 =	vadd.f32 v8, v0;
	v5 =	vmul.bf16 v5, v25;
	v25 =	vld [tilespmem:$0x1FF30]  }
0x13f: {  	v4 =	vmul.bf16 v40, v4;
	v40 =	vld.idx.msk [tilespmem:v48+s18+$0x0], $0xffff;
	v2 =	vadd.f32 v24, v2;
	v8 =	vor.u32 v30, v1  }
0x140: {  	v0 =	vadd.f32 v3, v0;
	v3 =	vmul.bf16 v51, v7;
	v7 =	vld.idx.msk [tilespmem:v48+s19+$0x0], $0xffff  }
0x141: {  	v2 =	vadd.f32 v37, v2;
	v48 =	vld [tilespmem:$0x1FF20]  }
0x142: {  	v44 =	vunpack.i.u.bf16.f32 v4;
	v4 =	vunpack.i.l.bf16.f32 v4;
	v39 =	vld.idx.msk [tilespmem:v6+s18+$0x0], $0xffff  }
0x143: {  	v6 =	vld.idx.msk [tilespmem:v6+s19+$0x0], $0xffff;
	v0 =	vadd.f32 v4, v0;
	v2 =	vadd.f32 v44, v2;
	v30 =	vor.u32 v25, v1  }
0x144: {  	v51 =	vunpack.i.u.bf16.f32 v3;
	v3 =	vunpack.i.l.bf16.f32 v3;
	v24 =	vld.idx.msk [tilespmem:v8+s18+$0x0], $0xffff  }
0x145: {  	v37 =	vunpack.i.l.bf16.f32 v5;
	v0 =	vadd.f32 v3, v0;
	v2 =	vadd.f32 v51, v2;
	v3 =	vld.idx.msk [tilespmem:v8+s19+$0x0], $0xffff  }
0x146: {  	v5 =	vunpack.i.u.bf16.f32 v5;
	v50 =	vor.u32 v48, v1;
	v7 =	vmul.bf16 v7, v40  }
0x147: {  	v22 =	vld [tilespmem:$0x1FC00];
	v2 =	vadd.f32 v5, v2  }
0x148: {  	v51 =	vmul.bf16 v6, v39;
	v44 =	vunpack.i.l.bf16.f32 v7;
	v7 =	vunpack.i.u.bf16.f32 v7;
	v6 =	vld.idx.msk [tilespmem:v30+s18+$0x0], $0xffff  }
0x149: {  	v2 =	vadd.f32 v7, v2;
	v7 =	vld.idx.msk [tilespmem:v30+s19+$0x0], $0xffff  }
0x14a: {  	v8 =	vor.u32 v42, v1;
	v3 =	vmul.bf16 v3, v24;
	v24 =	vld [tilespmem:$0x1FF60]  }
0x14b: {  	v4 =	vld.idx.msk [tilespmem:v50+s18+$0x0], $0xffff  }
0x14c: {  	v48 =	vld.idx.msk [tilespmem:v50+s19+$0x0], $0xffff  }
0x14d: {  	v50 =	vld [tilespmem:$0x1FF50]  }
0x14e: {  	v25 =	vunpack.i.u.bf16.f32 v51;
	v5 =	vunpack.i.l.bf16.f32 v51;
	v51 =	vld [tilespmem:$0x1FF90]  }
0x14f: {  	v30 =	vld.idx.msk [tilespmem:v8+s18+$0x0], $0xffff  }
0x150: {  	v8 =	vld.idx.msk [tilespmem:v8+s19+$0x0], $0xffff;
	v9 =	vor.u32 v24, v1  }
0x151: {  	v21 =	vld [tilespmem:$0x1FC10]  }
0x152: {  	v0 =	vadd.f32 v37, v0;
	v41 =	vor.u32 v50, v1;
	v50 =	vld [tilespmem:$0x1FF70]  }
0x153: {  	v11 =	vld [tilespmem:$0x1FC80]  }
0x154: {  	v42 =	vld [tilespmem:$0x1FF80];
	v0 =	vadd.f32 v44, v0;
	v2 =	vadd.f32 v25, v2;
	v44 =	vunpack.i.u.bf16.f32 v3  }
0x155: {  	v6 =	vmul.bf16 v7, v6;
	v8 =	vmul.bf16 v8, v30;
	v30 =	vor.u32 v51, v1;
	v7 =	vld.idx.msk [tilespmem:v9+s18+$0x0], $0xffff  }
0x156: {  	v0 =	vadd.f32 v5, v0;
	v2 =	vadd.f32 v44, v2;
	v44 =	vld.idx.msk [tilespmem:v9+s19+$0x0], $0xffff  }
0x157: {  	v3 =	vunpack.i.l.bf16.f32 v3;
	v4 =	vmul.bf16 v48, v4;
	v33 =	vld.idx.msk [tilespmem:v41+s18+$0x0], $0xffff;
	v24 =	vor.u32 v50, v1  }
0x158: {  	v0 =	vadd.f32 v3, v0;
	v3 =	vld.idx.msk [tilespmem:v41+s19+$0x0], $0xffff  }
0x159: {  	v37 =	vunpack.i.l.bf16.f32 v4;
	v4 =	vunpack.i.u.bf16.f32 v4;
	v41 =	vor.u32 v42, v1;
	v42 =	vld [tilespmem:$0x1FFA0]  }
0x15a: {  	v0 =	vadd.f32 v37, v0;
	v2 =	vadd.f32 v4, v2;
	v9 =	vld.idx.msk [tilespmem:v30+s19+$0x0], $0xffff  }
0x15b: {  	v25 =	vunpack.i.l.bf16.f32 v6;
	v6 =	vunpack.i.u.bf16.f32 v6;
	v5 =	vmul.bf16 v44, v7;
	v44 =	vld [tilespmem:$0x1FC20]  }
0x15c: {  	v0 =	vadd.f32 v25, v0;
	v2 =	vadd.f32 v6, v2;
	v4 =	vld.idx.msk [tilespmem:v24+s18+$0x0], $0xffff  }
0x15d: {  	v48 =	vunpack.i.l.bf16.f32 v8;
	v8 =	vunpack.i.u.bf16.f32 v8;
	v24 =	vld.idx.msk [tilespmem:v24+s19+$0x0], $0xffff;
	v3 =	vmul.bf16 v3, v33  }
0x15e: {  	v0 =	vadd.f32 v48, v0;
	v2 =	vadd.f32 v8, v2;
	v25 =	vld.idx.msk [tilespmem:v41+s18+$0x0], $0xffff;
	v48 =	vor.u32 v42, v1  }
0x15f: {  	v37 =	vld.idx.msk [tilespmem:v41+s19+$0x0], $0xffff;
	v33 =	vunpack.i.u.bf16.f32 v3  }
0x160: {  	v2 =	vadd.f32 v33, v2;
	v33 =	vld.idx.msk [tilespmem:v30+s18+$0x0], $0xffff;
	v30 =	vor.u32 v22, v1  }
0x161: {  	v41 =	vld [tilespmem:$0x1FC40];
	v3 =	vunpack.i.l.bf16.f32 v3  }
0x162: {  	v0 =	vadd.f32 v3, v0;
	v3 =	vunpack.i.u.bf16.f32 v5;
	v4 =	vmul.bf16 v24, v4;
	v24 =	vld [tilespmem:$0x1FC30]  }
0x163: {  	v5 =	vunpack.i.l.bf16.f32 v5;
	v2 =	vadd.f32 v3, v2;
	v6 =	vld.idx.msk [tilespmem:v48+s18+$0x0], $0xffff  }
0x164: {  	v0 =	vadd.f32 v5, v0;
	v37 =	vmul.bf16 v37, v25;
	v8 =	vld.idx.msk [tilespmem:v48+s19+$0x0], $0xffff;
	v3 =	vunpack.i.u.bf16.f32 v4  }
0x165: {  	v4 =	vunpack.i.l.bf16.f32 v4;
	v2 =	vadd.f32 v3, v2;
	v25 =	vmul.bf16 v9, v33;
	v9 =	vld.idx.msk [tilespmem:v30+s18+$0x0], $0xffff  }
0x166: {  	v48 =	vunpack.i.l.bf16.f32 v37;
	v0 =	vadd.f32 v4, v0;
	v3 =	vunpack.i.u.bf16.f32 v37;
	v37 =	vld [tilespmem:$0x1FC70]  }
0x167: {  	v7 =	vsel vm0, v41, v24;
	v41 =	vor.u32 v21, v1;
	v2 =	vadd.f32 v3, v2;
	v3 =	vld.idx.msk [tilespmem:v30+s19+$0x0], $0xffff  }
0x168: {  	v0 =	vadd.f32 v48, v0;
	v30 =	vsel vm0, v13, v12;
	v12 =	vld [tilespmem:$0x1FC90];
	v18 =	vcombine.low v44, v7  }
0x169: {  	v39 =	vunpack.i.l.bf16.f32 v25;
	v48 =	vmul.bf16 v8, v6;
	v13 =	vld [tilespmem:$0x1FBF0];
	v44 =	vunpack.i.u.bf16.f32 v25  }
0x16a: {  	v25 =	vsel vm0, v15, v14;
	v14 =	vld [tilespmem:$0x1FC60];
	v0 =	vadd.f32 v39, v0;
	v33 =	vor.u32 v18, v1  }
0x16b: {  	v15 =	vld [tilespmem:$0x1FCB0];
	v5 =	vunpack.i.l.bf16.f32 v48  }
0x16c: {  	v5 =	vadd.f32 v5, v0;
	v0 =	vld [tilespmem:$0x1FCA0]  }
0x16d: {  	v10 =	vor.u32 v37, v1;
	v6 =	vld.idx.msk [tilespmem:v41+s18+$0x0], $0xffff  }
0x16e: {  	v40 =	vcombine.low v30, v11;
	v30 =	vld.idx.msk [tilespmem:v41+s19+$0x0], $0xffff  }
0x16f: {  	v19 =	vcombine.low v25, v12;
	v12 =	vld.idx.msk [tilespmem:v33+s18+$0x0], $0xffff  }
0x170: {  	v11 =	vor.u32 v40, v1;
	v3 =	vmul.bf16 v3, v9;
	v24 =	vsel vm0, v24, v13;
	v9 =	vld.idx.msk [tilespmem:v33+s19+$0x0], $0xffff  }
0x171: {  	v39 =	vcombine.low v24, v0;
	v0 =	vld [tilespmem:$0x1FC50]  }
0x172: {  	v41 =	vunpack.i.u.bf16.f32 v48;
	v48 =	vor.u32 v19, v1;
	v25 =	vld.idx.msk [tilespmem:v10+s18+$0x0], $0xffff  }
0x173: {  	v2 =	vadd.f32 v44, v2;
	v10 =	vld.idx.msk [tilespmem:v10+s19+$0x0], $0xffff  }
0x174: {  	v13 =	vunpack.i.u.bf16.f32 v3;
	v3 =	vunpack.i.l.bf16.f32 v3;
	v24 =	vld [tilespmem:$0x1FCC0]  }
0x175: {  	v2 =	vadd.f32 v41, v2;
	v3 =	vadd.f32 v3, v5;
	v5 =	vld.idx.msk [tilespmem:v11+s19+$0x0], $0xffff  }
0x176: {  	v4 =	vmul.bf16 v30, v6;
	v6 =	vld.idx.msk [tilespmem:v11+s18+$0x0], $0xffff;
	v0 =	vsel vm0, v0, v14;
	v14 =	vor.u32 v39, v1  }
0x177: {  	v2 =	vadd.f32 v13, v2;
	v33 =	vld.idx.msk [tilespmem:v48+s19+$0x0], $0xffff  }
0x178: {  	v30 =	vunpack.i.l.bf16.f32 v4;
	v4 =	vunpack.i.u.bf16.f32 v4;
	v9 =	vmul.bf16 v9, v12;
	v12 =	vld.idx.msk [tilespmem:v48+s18+$0x0], $0xffff  }
0x179: {  	v3 =	vadd.f32 v30, v3;
	v8 =	vmul.bf16 v10, v25;
	v30 =	vld [tilespmem:$0x1FCE0];
	v10 =	vor.u32 v24, v1  }
0x17a: {  	v2 =	vadd.f32 v4, v2;
	v25 =	vld [tilespmem:$0x1FCD0];
	v44 =	vcombine.low v0, v15  }
0x17b: {  	v41 =	vunpack.i.l.bf16.f32 v9;
	v9 =	vunpack.i.u.bf16.f32 v9;
	v5 =	vmul.bf16 v5, v6;
	v4 =	vld.idx.msk [tilespmem:v14+s18+$0x0], $0xffff  }
0x17c: {  	v48 =	vunpack.i.u.bf16.f32 v8;
	v8 =	vunpack.i.l.bf16.f32 v8;
	v3 =	vadd.f32 v41, v3;
	v14 =	vld.idx.msk [tilespmem:v14+s19+$0x0], $0xffff  }
0x17d: {  	v2 =	vadd.f32 v9, v2;
	v13 =	vor.u32 v44, v1;
	v41 =	vunpack.i.u.bf16.f32 v5  }
0x17e: {  	v0 =	vcombine.low v7, v30;
	v3 =	vadd.f32 v8, v3;
	v30 =	vmul.bf16 v33, v12;
	v33 =	vld.idx.msk [tilespmem:v10+s18+$0x0], $0xffff  }
0x17f: {  	v5 =	vunpack.i.l.bf16.f32 v5;
	v15 =	vor.u32 v25, v1;
	v2 =	vadd.f32 v48, v2;
	v10 =	vld.idx.msk [tilespmem:v10+s19+$0x0], $0xffff  }
0x180: {  	v3 =	vadd.f32 v5, v3;
	v48 =	vunpack.i.u.bf16.f32 v30;
	v7 =	vunpack.i.l.bf16.f32 v30;
	v30 =	vld [tilespmem:$0x1FCF0]  }
0x181: {  	v2 =	vadd.f32 v41, v2;
	v41 =	vld [tilespmem:$0x1FD00];
	v4 =	vmul.bf16 v14, v4  }
0x182: {  	v11 =	vor.u32 v0, v1;
	v6 =	vld.idx.msk [tilespmem:v13+s18+$0x0], $0xffff;
	v3 =	vadd.f32 v7, v3  }
0x183: {  	v8 =	vld.idx.msk [tilespmem:v13+s19+$0x0], $0xffff;
	v2 =	vadd.f32 v48, v2;
	v48 =	vunpack.i.l.bf16.f32 v4  }
0x184: {  	v3 =	vadd.f32 v48, v3;
	v48 =	vld [tilespmem:$0x1FD10]  }
0x185: {  	v5 =	vld.idx.msk [tilespmem:v15+s18+$0x0], $0xffff;
	v12 =	vor.u32 v30, v1  }
0x186: {  	v9 =	vmul.bf16 v10, v33;
	v33 =	vld [tilespmem:$0x1FD20]  }
0x187: {  	v13 =	vor.u32 v41, v1;
	v7 =	vld.idx.msk [tilespmem:v11+s18+$0x0], $0xffff  }
0x188: {  	v4 =	vunpack.i.u.bf16.f32 v4;
	v6 =	vmul.bf16 v8, v6;
	v8 =	vld.idx.msk [tilespmem:v15+s19+$0x0], $0xffff  }
0x189: {  	v11 =	vld.idx.msk [tilespmem:v11+s19+$0x0], $0xffff;
	v2 =	vadd.f32 v4, v2;
	v14 =	vor.u32 v48, v1  }
0x18a: {  	v15 =	vmov s15;
	v4 =	vunpack.i.u.bf16.f32 v6;
	v6 =	vunpack.i.l.bf16.f32 v6;
	v10 =	vld.idx.msk [tilespmem:v12+s18+$0x0], $0xffff  }
0x18b: {  	v3 =	vadd.f32 v6, v3;
	v6 =	vld.idx.msk [tilespmem:v12+s19+$0x0], $0xffff;
	v12 =	vor.u32 v33, v1;
	v1 =	vshll.u32 v15, $0x6  }
0x18c: {  	v2 =	vadd.f32 v4, v2;
	v4 =	vunpack.i.u.bf16.f32 v9;
	v15 =	vld.idx.msk [tilespmem:v13+s18+$0x0], $0xffff;
	v1 =	vor.u32 v17, v1  }
0x18d: {  	v9 =	vunpack.i.l.bf16.f32 v9;
	v5 =	vmul.bf16 v8, v5;
	v8 =	vld.idx.msk [tilespmem:v13+s19+$0x0], $0xffff;
	v13 =	vor.u32 v16, v1  }
0x18e: {  	v3 =	vadd.f32 v9, v3;
	v2 =	vadd.f32 v4, v2;
	v4 =	vmul.bf16 v11, v7;
	v7 =	vld.idx.msk [tilespmem:v14+s18+$0x0], $0xffff  }
0x18f: {  	v9 =	vunpack.i.u.bf16.f32 v5;
	v5 =	vunpack.i.l.bf16.f32 v5;
	v11 =	vld.idx.msk [tilespmem:v14+s19+$0x0], $0xffff;
	v14 =	vor.u32 v52, v1  }
0x190: {  	v3 =	vadd.f32 v5, v3;
	v2 =	vadd.f32 v9, v2;
	v9 =	vld.idx.msk [tilespmem:v12+s18+$0x0], $0xffff;
	v6 =	vmul.bf16 v6, v10  }
0x191: {  	v10 =	vld.idx.msk [tilespmem:v12+s19+$0x0], $0xffff;
	v12 =	vor.u32 v53, v1;
	v52 =	vunpack.i.u.bf16.f32 v4;
	v4 =	vunpack.i.l.bf16.f32 v4  }
0x192: {  	v3 =	vadd.f32 v4, v3;
	v2 =	vadd.f32 v52, v2;
	v52 =	vmul.bf16 v8, v15;
	v5 =	vld.idx.msk [tilespmem:v13+s18+$0x0], $0xffff  }
0x193: {  	v53 =	vunpack.i.u.bf16.f32 v6;
	v6 =	vunpack.i.l.bf16.f32 v6;
	v15 =	vor.u32 v54, v1;
	v13 =	vld.idx.msk [tilespmem:v13+s19+$0x0], $0xffff  }
0x194: {  	v3 =	vadd.f32 v6, v3;
	v2 =	vadd.f32 v53, v2;
	v54 =	vunpack.i.u.bf16.f32 v52;
	v8 =	vld.idx.msk [tilespmem:v14+s18+$0x0], $0xffff  }
0x195: {  	v4 =	vunpack.i.l.bf16.f32 v52;
	v7 =	vmul.bf16 v11, v7;
	v11 =	vld.idx.msk [tilespmem:v14+s19+$0x0], $0xffff;
	v14 =	vor.u32 v56, v1  }
0x196: {  	v52 =	vmul.bf16 v10, v9;
	v6 =	vld.idx.msk [tilespmem:v12+s18+$0x0], $0xffff;
	v3 =	vadd.f32 v4, v3;
	v2 =	vadd.f32 v54, v2  }
0x197: {  	v10 =	vld.idx.msk [tilespmem:v12+s19+$0x0], $0xffff;
	v12 =	vor.u32 v57, v1;
	v53 =	vunpack.i.u.bf16.f32 v7;
	v7 =	vunpack.i.l.bf16.f32 v7  }
0x198: {  	v16 =	vld.idx.msk [tilespmem:v15+s18+$0x0], $0xffff;
	v57 =	vmul.bf16 v13, v5;
	v3 =	vadd.f32 v7, v3;
	v54 =	vadd.f32 v53, v2  }
0x199: {  	v56 =	vunpack.i.u.bf16.f32 v52;
	v13 =	vor.u32 v26, v1;
	v2 =	vunpack.i.l.bf16.f32 v52;
	v52 =	vld.idx.msk [tilespmem:v15+s19+$0x0], $0xffff  }
0x19a: {  	v4 =	vunpack.i.l.bf16.f32 v57;
	v2 =	vadd.f32 v2, v3;
	v3 =	vadd.f32 v56, v54;
	v54 =	vld.idx.msk [tilespmem:v14+s18+$0x0], $0xffff  }
0x19b: {  	v53 =	vmul.bf16 v11, v8;
	v56 =	vunpack.i.u.bf16.f32 v57;
	v57 =	vld.idx.msk [tilespmem:v14+s19+$0x0], $0xffff;
	v14 =	vor.u32 v63, v1  }
0x19c: {  	v17 =	vld.idx.msk [tilespmem:v12+s18+$0x0], $0xffff;
	v9 =	vadd.f32 $0.0e+00, v56  }
0x19d: {  	v6 =	vmul.bf16 v10, v6;
	v63 =	vld.idx.msk [tilespmem:v12+s19+$0x0], $0xffff;
	v12 =	vor.u32 v32, v1;
	v15 =	vunpack.i.u.bf16.f32 v53  }
0x19e: {  	v26 =	vadd.f32 v15, v9;
	v9 =	vld.idx.msk [tilespmem:v13+s18+$0x0], $0xffff  }
0x19f: {  	v5 =	vmul.bf16 v52, v16;
	v15 =	vunpack.i.u.bf16.f32 v6;
	v13 =	vld.idx.msk [tilespmem:v13+s19+$0x0], $0xffff;
	v16 =	vor.u32 v61, v1  }
0x1a0: {  	v32 =	vadd.f32 v15, v26;
	v15 =	vld.idx.msk [tilespmem:v14+s18+$0x0], $0xffff  }
0x1a1: {  	v7 =	vunpack.i.l.bf16.f32 v53;
	v53 =	vld.idx.msk [tilespmem:v14+s19+$0x0], $0xffff;
	v14 =	vor.u32 v23, v1  }
0x1a2: {  	v4 =	vadd.f32 $0.0e+00, v4;
	v8 =	vmul.bf16 v57, v54;
	v57 =	vld.idx.msk [tilespmem:v12+s18+$0x0], $0xffff  }
0x1a3: {  	v56 =	vmul.bf16 v63, v17;
	v12 =	vld.idx.msk [tilespmem:v12+s19+$0x0], $0xffff;
	v17 =	vor.u32 v28, v1  }
0x1a4: {  	v4 =	vadd.f32 v7, v4;
	v26 =	vld.idx.msk [tilespmem:v16+s18+$0x0], $0xffff  }
0x1a5: {  	v6 =	vunpack.i.l.bf16.f32 v6;
	v9 =	vmul.bf16 v13, v9;
	v13 =	vld.idx.msk [tilespmem:v16+s19+$0x0], $0xffff;
	v16 =	vor.u32 v29, v1  }
0x1a6: {  	v4 =	vadd.f32 v6, v4;
	v52 =	vunpack.i.u.bf16.f32 v5;
	v29 =	vld.idx.msk [tilespmem:v14+s18+$0x0], $0xffff  }
0x1a7: {  	v5 =	vunpack.i.l.bf16.f32 v5;
	v28 =	vmul.bf16 v53, v15;
	v14 =	vld.idx.msk [tilespmem:v14+s19+$0x0], $0xffff;
	v15 =	vor.u32 v34, v1  }
0x1a8: {  	v4 =	vadd.f32 v5, v4;
	v54 =	vadd.f32 v52, v32;
	v53 =	vld.idx.msk [tilespmem:v17+s18+$0x0], $0xffff  }
0x1a9: {  	v61 =	vunpack.i.u.bf16.f32 v8;
	v7 =	vmul.bf16 v12, v57;
	v12 =	vld.idx.msk [tilespmem:v17+s19+$0x0], $0xffff;
	v17 =	vor.u32 v35, v1  }
0x1aa: {  	v63 =	vunpack.i.u.bf16.f32 v56;
	v6 =	vunpack.i.l.bf16.f32 v56;
	v5 =	vadd.f32 v61, v54;
	v56 =	vld.idx.msk [tilespmem:v16+s18+$0x0], $0xffff  }
0x1ab: {  	v8 =	vunpack.i.l.bf16.f32 v8;
	v54 =	vmul.bf16 v13, v26;
	v13 =	vld.idx.msk [tilespmem:v16+s19+$0x0], $0xffff;
	v16 =	vor.u32 v36, v1  }
0x1ac: {  	v4 =	vadd.f32 v8, v4;
	v5 =	vadd.f32 v63, v5;
	v63 =	vld.idx.msk [tilespmem:v15+s18+$0x0], $0xffff  }
0x1ad: {  	v8 =	vmul.bf16 v14, v29;
	v14 =	vld.idx.msk [tilespmem:v15+s19+$0x0], $0xffff;
	v15 =	vor.u32 v38, v1  }
0x1ae: {  	v4 =	vadd.f32 v6, v4;
	v52 =	vunpack.i.u.bf16.f32 v28;
	v6 =	vunpack.i.l.bf16.f32 v28;
	v28 =	vld.idx.msk [tilespmem:v17+s18+$0x0], $0xffff  }
0x1af: {  	v26 =	vmul.bf16 v12, v53;
	v12 =	vld.idx.msk [tilespmem:v17+s19+$0x0], $0xffff;
	v17 =	vor.u32 v27, v1  }
0x1b0: {  	v32 =	vunpack.i.u.bf16.f32 v9;
	v9 =	vunpack.i.l.bf16.f32 v9;
	v34 =	vld.idx.msk [tilespmem:v16+s18+$0x0], $0xffff  }
0x1b1: {  	v4 =	vadd.f32 v9, v4;
	v9 =	vmul.bf16 v13, v56;
	v13 =	vld.idx.msk [tilespmem:v16+s19+$0x0], $0xffff;
	v16 =	vor.u32 v62, v1  }
0x1b2: {  	v36 =	vld.idx.msk [tilespmem:v15+s18+$0x0], $0xffff  }
0x1b3: {  	v4 =	vadd.f32 v6, v4;
	v35 =	vmul.bf16 v14, v63;
	v14 =	vld.idx.msk [tilespmem:v15+s19+$0x0], $0xffff;
	v15 =	vor.u32 v55, v1  }
0x1b4: {  	v57 =	vunpack.i.u.bf16.f32 v7;
	v7 =	vunpack.i.l.bf16.f32 v7;
	v53 =	vld.idx.msk [tilespmem:v17+s18+$0x0], $0xffff  }
0x1b5: {  	v4 =	vadd.f32 v7, v4;
	v7 =	vmul.bf16 v12, v28;
	v12 =	vld.idx.msk [tilespmem:v17+s19+$0x0], $0xffff;
	v17 =	vor.u32 v58, v1  }
0x1b6: {  	v5 =	vadd.f32 v32, v5;
	v61 =	vunpack.i.u.bf16.f32 v54;
	v6 =	vunpack.i.l.bf16.f32 v54;
	v55 =	vld.idx.msk [tilespmem:v16+s18+$0x0], $0xffff  }
0x1b7: {  	v4 =	vadd.f32 v6, v4;
	v54 =	vmul.bf16 v13, v34;
	v13 =	vld.idx.msk [tilespmem:v16+s19+$0x0], $0xffff;
	v16 =	vor.u32 v59, v1  }
0x1b8: {  	v5 =	vadd.f32 v52, v5;
	v29 =	vunpack.i.u.bf16.f32 v8;
	v8 =	vunpack.i.l.bf16.f32 v8;
	v58 =	vld.idx.msk [tilespmem:v15+s18+$0x0], $0xffff  }
0x1b9: {  	v4 =	vadd.f32 v8, v4;
	v8 =	vmul.bf16 v14, v36;
	v14 =	vld.idx.msk [tilespmem:v15+s19+$0x0], $0xffff;
	v15 =	vor.u32 v60, v1  }
0x1ba: {  	v5 =	vadd.f32 v57, v5;
	v6 =	vunpack.i.l.bf16.f32 v26;
	v60 =	vld.idx.msk [tilespmem:v17+s18+$0x0], $0xffff  }
0x1bb: {  	v4 =	vadd.f32 v6, v4;
	v59 =	vmul.bf16 v12, v53;
	v12 =	vld.idx.msk [tilespmem:v17+s19+$0x0], $0xffff;
	v17 =	vor.u32 v20, v1  }
0x1bc: {  	v5 =	vadd.f32 v61, v5;
	v38 =	vunpack.i.u.bf16.f32 v9;
	v9 =	vunpack.i.l.bf16.f32 v9;
	v63 =	vld.idx.msk [tilespmem:v16+s18+$0x0], $0xffff  }
0x1bd: {  	v4 =	vadd.f32 v9, v4;
	v9 =	vmul.bf16 v13, v55;
	v13 =	vld.idx.msk [tilespmem:v16+s19+$0x0], $0xffff;
	v16 =	vor.u32 v43, v1  }
0x1be: {  	v32 =	vunpack.i.u.bf16.f32 v26;
	v5 =	vadd.f32 v29, v5;
	v6 =	vunpack.i.l.bf16.f32 v35;
	v27 =	vld.idx.msk [tilespmem:v15+s18+$0x0], $0xffff  }
0x1bf: {  	v4 =	vadd.f32 v6, v4;
	v26 =	vmul.bf16 v14, v58;
	v14 =	vld.idx.msk [tilespmem:v15+s19+$0x0], $0xffff;
	v15 =	vor.u32 v45, v1  }
0x1c0: {  	v56 =	vunpack.i.u.bf16.f32 v7;
	v7 =	vunpack.i.l.bf16.f32 v7;
	v5 =	vadd.f32 v32, v5;
	v32 =	vld.idx.msk [tilespmem:v17+s18+$0x0], $0xffff  }
0x1c1: {  	v4 =	vadd.f32 v7, v4;
	v7 =	vmul.bf16 v12, v60;
	v12 =	vld.idx.msk [tilespmem:v17+s19+$0x0], $0xffff;
	v17 =	vor.u32 v46, v1  }
0x1c2: {  	v52 =	vunpack.i.u.bf16.f32 v35;
	v6 =	vunpack.i.l.bf16.f32 v54;
	v35 =	vld.idx.msk [tilespmem:v16+s18+$0x0], $0xffff  }
0x1c3: {  	v4 =	vadd.f32 v6, v4;
	v34 =	vmul.bf16 v13, v63;
	v13 =	vld.idx.msk [tilespmem:v16+s19+$0x0], $0xffff;
	v16 =	vor.u32 v47, v1  }
0x1c4: {  	v61 =	vunpack.i.u.bf16.f32 v8;
	v8 =	vunpack.i.l.bf16.f32 v8;
	v43 =	vld.idx.msk [tilespmem:v15+s18+$0x0], $0xffff  }
0x1c5: {  	v4 =	vadd.f32 v8, v4;
	v8 =	vmul.bf16 v14, v27;
	v14 =	vld.idx.msk [tilespmem:v15+s19+$0x0], $0xffff  }
0x1c6: {  	v6 =	vunpack.i.l.bf16.f32 v59;
	v15 =	vor.u32 v31, v1;
	v46 =	vld.idx.msk [tilespmem:v17+s18+$0x0], $0xffff  }
0x1c7: {  	v4 =	vadd.f32 v6, v4;
	v45 =	vmul.bf16 v12, v32;
	v12 =	vld.idx.msk [tilespmem:v17+s19+$0x0], $0xffff  }
0x1c8: {  	v28 =	vunpack.i.u.bf16.f32 v9;
	v9 =	vunpack.i.l.bf16.f32 v9;
	v53 =	vld.idx.msk [tilespmem:v16+s18+$0x0], $0xffff  }
0x1c9: {  	v4 =	vadd.f32 v9, v4;
	v9 =	vmul.bf16 v13, v35;
	v13 =	vld.idx.msk [tilespmem:v16+s19+$0x0], $0xffff  }
0x1ca: {  	v17 =	vor.u32 v49, v1;
	v16 =	vld [tilespmem:$0x1FE80]  }
0x1cb: {  	v55 =	vld.idx.msk [tilespmem:v15+s18+$0x0], $0xffff  }
0x1cc: {  	v57 =	vunpack.i.u.bf16.f32 v54;
	v54 =	vmul.bf16 v14, v43;
	v14 =	vld.idx.msk [tilespmem:v15+s19+$0x0], $0xffff  }
0x1cd: {  	v6 =	vunpack.i.l.bf16.f32 v26;
	v15 =	vld [tilespmem:$0x1FE90]  }
0x1ce: {  	v4 =	vadd.f32 v6, v4  }
0x1cf: {  	v36 =	vunpack.i.u.bf16.f32 v7;
	v7 =	vunpack.i.l.bf16.f32 v7;
	v58 =	vld.idx.msk [tilespmem:v17+s18+$0x0], $0xffff;
	v16 =	vor.u32 v16, v1  }
0x1d0: {  	v4 =	vadd.f32 v7, v4;
	v7 =	vmul.bf16 v12, v46;
	v12 =	vld.idx.msk [tilespmem:v17+s19+$0x0], $0xffff  }
0x1d1: {  	v17 =	vld [tilespmem:$0x1FEA0]  }
0x1d2: {  	v15 =	vor.u32 v15, v1;
	_ =	sdelay $0x1  }
0x1d3: {  	v5 =	vadd.f32 v38, v5;
	v60 =	vld.idx.msk [tilespmem:v16+s18+$0x0], $0xffff  }
0x1d4: {  	v62 =	vunpack.i.u.bf16.f32 v59;
	v6 =	vunpack.i.l.bf16.f32 v34;
	v59 =	vmul.bf16 v13, v53;
	v13 =	vld.idx.msk [tilespmem:v16+s19+$0x0], $0xffff  }
0x1d5: {  	v5 =	vadd.f32 v52, v5;
	v4 =	vadd.f32 v6, v4;
	v17 =	vor.u32 v17, v1;
	v16 =	vld [tilespmem:$0x1FEB0]  }
0x1d6: {  	v47 =	vunpack.i.u.bf16.f32 v8;
	v8 =	vunpack.i.l.bf16.f32 v8;
	v63 =	vld.idx.msk [tilespmem:v15+s18+$0x0], $0xffff  }
0x1d7: {  	v5 =	vadd.f32 v56, v5;
	v4 =	vadd.f32 v8, v4;
	v8 =	vmul.bf16 v14, v55;
	v14 =	vld.idx.msk [tilespmem:v15+s19+$0x0], $0xffff  }
0x1d8: {  	v15 =	vld [tilespmem:$0x1FEC0]  }
0x1d9: {  	v5 =	vadd.f32 v57, v5  }
0x1da: {  	v27 =	vld.idx.msk [tilespmem:v17+s18+$0x0], $0xffff;
	v16 =	vor.u32 v16, v1  }
0x1db: {  	v29 =	vunpack.i.u.bf16.f32 v26;
	v5 =	vadd.f32 v61, v5;
	v26 =	vmul.bf16 v12, v58;
	v12 =	vld.idx.msk [tilespmem:v17+s19+$0x0], $0xffff  }
0x1dc: {  	v17 =	vld [tilespmem:$0x1FED0]  }
0x1dd: {  	v5 =	vadd.f32 v62, v5;
	v6 =	vunpack.i.l.bf16.f32 v45;
	v15 =	vor.u32 v15, v1  }
0x1de: {  	v4 =	vadd.f32 v6, v4  }
0x1df: {  	v5 =	vadd.f32 v28, v5;
	v56 =	vunpack.i.u.bf16.f32 v9;
	v9 =	vunpack.i.l.bf16.f32 v9;
	v31 =	vld.idx.msk [tilespmem:v16+s18+$0x0], $0xffff  }
0x1e0: {  	v4 =	vadd.f32 v9, v4;
	v9 =	vmul.bf16 v13, v60;
	v13 =	vld.idx.msk [tilespmem:v16+s19+$0x0], $0xffff  }
0x1e1: {  	v5 =	vadd.f32 v29, v5;
	v17 =	vor.u32 v17, v1;
	v16 =	vld [tilespmem:$0x1FEE0]  }
0x1e2: {  	v38 =	vunpack.i.u.bf16.f32 v34;
	v34 =	vld.idx.msk [tilespmem:v15+s18+$0x0], $0xffff  }
0x1e3: {  	v5 =	vadd.f32 v36, v5;
	v32 =	vmul.bf16 v14, v63;
	v14 =	vld.idx.msk [tilespmem:v15+s19+$0x0], $0xffff  }
0x1e4: {  	v6 =	vunpack.i.l.bf16.f32 v54;
	v15 =	vld [tilespmem:$0x1FEF0]  }
0x1e5: {  	v5 =	vadd.f32 v38, v5;
	v4 =	vadd.f32 v6, v4  }
0x1e6: {  	v61 =	vunpack.i.u.bf16.f32 v7;
	v7 =	vunpack.i.l.bf16.f32 v7;
	v38 =	vld.idx.msk [tilespmem:v17+s18+$0x0], $0xffff;
	v16 =	vor.u32 v16, v1  }
0x1e7: {  	v4 =	vadd.f32 v7, v4;
	v7 =	vmul.bf16 v12, v27;
	v12 =	vld.idx.msk [tilespmem:v17+s19+$0x0], $0xffff  }
0x1e8: {  	v17 =	vld [tilespmem:$0x1FF00]  }
0x1e9: {  	v15 =	vor.u32 v15, v1;
	_ =	sdelay $0x1  }
0x1ea: {  	v52 =	vunpack.i.u.bf16.f32 v45;
	v45 =	vld.idx.msk [tilespmem:v16+s18+$0x0], $0xffff  }
0x1eb: {  	v5 =	vadd.f32 v47, v5;
	v6 =	vunpack.i.l.bf16.f32 v59;
	v43 =	vmul.bf16 v13, v31;
	v13 =	vld.idx.msk [tilespmem:v16+s19+$0x0], $0xffff  }
0x1ec: {  	v4 =	vadd.f32 v6, v4;
	v17 =	vor.u32 v17, v1;
	v16 =	vld [tilespmem:$0x1FF10]  }
0x1ed: {  	v5 =	vadd.f32 v52, v5;
	v28 =	vunpack.i.u.bf16.f32 v8;
	v8 =	vunpack.i.l.bf16.f32 v8;
	v49 =	vld.idx.msk [tilespmem:v15+s18+$0x0], $0xffff  }
0x1ee: {  	v4 =	vadd.f32 v8, v4;
	v8 =	vmul.bf16 v14, v34;
	v14 =	vld.idx.msk [tilespmem:v15+s19+$0x0], $0xffff  }
0x1ef: {  	v5 =	vadd.f32 v56, v5;
	v15 =	vld [tilespmem:$0x1FF20]  }
0x1f0: {  	v57 =	vunpack.i.u.bf16.f32 v54  }
0x1f1: {  	v5 =	vadd.f32 v57, v5;
	v53 =	vld.idx.msk [tilespmem:v17+s18+$0x0], $0xffff;
	v16 =	vor.u32 v16, v1  }
0x1f2: {  	v52 =	vmul.bf16 v12, v38;
	v12 =	vld.idx.msk [tilespmem:v17+s19+$0x0], $0xffff  }
0x1f3: {  	v5 =	vadd.f32 v61, v5;
	v17 =	vld [tilespmem:$0x1FF30]  }
0x1f4: {  	v62 =	vunpack.i.u.bf16.f32 v59;
	v6 =	vunpack.i.l.bf16.f32 v26;
	v15 =	vor.u32 v15, v1  }
0x1f5: {  	v5 =	vadd.f32 v62, v5;
	v4 =	vadd.f32 v6, v4  }
0x1f6: {  	v35 =	vunpack.i.u.bf16.f32 v9;
	v9 =	vunpack.i.l.bf16.f32 v9;
	v56 =	vld.idx.msk [tilespmem:v16+s18+$0x0], $0xffff  }
0x1f7: {  	v5 =	vadd.f32 v28, v5;
	v4 =	vadd.f32 v9, v4;
	v9 =	vmul.bf16 v13, v45;
	v13 =	vld.idx.msk [tilespmem:v16+s19+$0x0], $0xffff  }
0x1f8: {  	v29 =	vunpack.i.u.bf16.f32 v26;
	v17 =	vor.u32 v17, v1;
	v16 =	vld [tilespmem:$0x1FF40]  }
0x1f9: {  	v5 =	vadd.f32 v29, v5;
	v58 =	vld.idx.msk [tilespmem:v15+s18+$0x0], $0xffff  }
0x1fa: {  	v57 =	vmul.bf16 v14, v49;
	v14 =	vld.idx.msk [tilespmem:v15+s19+$0x0], $0xffff  }
0x1fb: {  	v6 =	vunpack.i.l.bf16.f32 v32;
	v5 =	vadd.f32 v35, v5;
	v15 =	vld [tilespmem:$0x1FF50]  }
0x1fc: {  	v36 =	vunpack.i.u.bf16.f32 v32;
	v4 =	vadd.f32 v6, v4  }
0x1fd: {  	v46 =	vunpack.i.u.bf16.f32 v7;
	v7 =	vunpack.i.l.bf16.f32 v7;
	v5 =	vadd.f32 v36, v5;
	v61 =	vld.idx.msk [tilespmem:v17+s18+$0x0], $0xffff  }
0x1fe: {  	v4 =	vadd.f32 v7, v4;
	v7 =	vmul.bf16 v12, v53;
	v12 =	vld.idx.msk [tilespmem:v17+s19+$0x0], $0xffff  }
0x1ff: {  	v5 =	vadd.f32 v46, v5;
	v17 =	vld [tilespmem:$0x1FF60];
	v16 =	vor.u32 v16, v1  }
0x200: {  	v47 =	vunpack.i.u.bf16.f32 v43;
	v6 =	vunpack.i.l.bf16.f32 v43;
	v15 =	vor.u32 v15, v1  }
0x201: {  	v4 =	vadd.f32 v6, v4;
	v5 =	vadd.f32 v47, v5  }
0x202: {  	v54 =	vunpack.i.u.bf16.f32 v8;
	v8 =	vunpack.i.l.bf16.f32 v8  }
0x203: {  	v4 =	vadd.f32 v8, v4;
	v5 =	vadd.f32 v54, v5  }
0x204: {  	v55 =	vunpack.i.u.bf16.f32 v52;
	v6 =	vunpack.i.l.bf16.f32 v52;
	v17 =	vor.u32 v17, v1;
	v63 =	vld.idx.msk [tilespmem:v16+s18+$0x0], $0xffff  }
0x205: {  	v4 =	vadd.f32 v6, v4;
	v5 =	vadd.f32 v55, v5;
	v28 =	vld.idx.msk [tilespmem:v15+s18+$0x0], $0xffff  }
0x206: {  	v59 =	vunpack.i.u.bf16.f32 v9;
	v9 =	vunpack.i.l.bf16.f32 v9;
	v8 =	vmul.bf16 v14, v58;
	v14 =	vld.idx.msk [tilespmem:v15+s19+$0x0], $0xffff  }
0x207: {  	v4 =	vadd.f32 v9, v4;
	v5 =	vadd.f32 v59, v5;
	v60 =	vunpack.i.u.bf16.f32 v57;
	v15 =	vld [tilespmem:$0x1FF80]  }
0x208: {  	v6 =	vunpack.i.l.bf16.f32 v57;
	v62 =	vmul.bf16 v13, v56;
	v13 =	vld.idx.msk [tilespmem:v16+s19+$0x0], $0xffff;
	v16 =	vor.u32 v50, v1  }
0x209: {  	v4 =	vadd.f32 v6, v4;
	v5 =	vadd.f32 v60, v5;
	v26 =	vunpack.i.u.bf16.f32 v7;
	v31 =	vld.idx.msk [tilespmem:v17+s18+$0x0], $0xffff  }
0x20a: {  	v7 =	vunpack.i.l.bf16.f32 v7;
	v29 =	vmul.bf16 v12, v61;
	v12 =	vld.idx.msk [tilespmem:v17+s19+$0x0], $0xffff;
	v17 =	vor.u32 v51, v1  }
0x20b: {  	v4 =	vadd.f32 v7, v4;
	v5 =	vadd.f32 v26, v5  }
0x20c: {  	v27 =	vunpack.i.u.bf16.f32 v62;
	v6 =	vunpack.i.l.bf16.f32 v62;
	v15 =	vor.u32 v15, v1  }
0x20d: {  	v4 =	vadd.f32 v6, v4;
	v5 =	vadd.f32 v27, v5;
	v32 =	vunpack.i.u.bf16.f32 v8;
	v35 =	vld.idx.msk [tilespmem:v16+s18+$0x0], $0xffff  }
0x20e: {  	v8 =	vunpack.i.l.bf16.f32 v8;
	v9 =	vmul.bf16 v13, v63;
	v13 =	vld.idx.msk [tilespmem:v16+s19+$0x0], $0xffff;
	v16 =	vor.u32 v42, v1  }
0x20f: {  	v4 =	vadd.f32 v8, v4;
	v5 =	vadd.f32 v32, v5;
	v34 =	vunpack.i.u.bf16.f32 v29;
	v45 =	vld.idx.msk [tilespmem:v17+s18+$0x0], $0xffff  }
0x210: {  	v6 =	vunpack.i.l.bf16.f32 v29;
	v7 =	vmul.bf16 v12, v31;
	v12 =	vld.idx.msk [tilespmem:v17+s19+$0x0], $0xffff;
	v17 =	vor.u32 v21, v1  }
0x211: {  	v4 =	vadd.f32 v6, v4;
	v5 =	vadd.f32 v34, v5;
	v36 =	vmul.bf16 v14, v28;
	v38 =	vld.idx.msk [tilespmem:v15+s18+$0x0], $0xffff  }
0x212: {  	v42 =	vunpack.i.u.bf16.f32 v9;
	v9 =	vunpack.i.l.bf16.f32 v9;
	v14 =	vld.idx.msk [tilespmem:v15+s19+$0x0], $0xffff;
	v15 =	vor.u32 v22, v1  }
0x213: {  	v4 =	vadd.f32 v9, v4;
	v5 =	vadd.f32 v42, v5;
	v47 =	vld.idx.msk [tilespmem:v16+s18+$0x0], $0xffff  }
0x214: {  	v43 =	vunpack.i.u.bf16.f32 v36;
	v6 =	vunpack.i.l.bf16.f32 v36;
	v46 =	vmul.bf16 v13, v35;
	v13 =	vld.idx.msk [tilespmem:v16+s19+$0x0], $0xffff  }
0x215: {  	v4 =	vadd.f32 v6, v4;
	v5 =	vadd.f32 v43, v5;
	v16 =	vor.u32 v18, v1;
	v53 =	vld.idx.msk [tilespmem:v17+s18+$0x0], $0xffff  }
0x216: {  	v49 =	vunpack.i.u.bf16.f32 v7;
	v7 =	vunpack.i.l.bf16.f32 v7;
	v52 =	vmul.bf16 v12, v45;
	v12 =	vld.idx.msk [tilespmem:v17+s19+$0x0], $0xffff  }
0x217: {  	v4 =	vadd.f32 v7, v4;
	v5 =	vadd.f32 v49, v5;
	v17 =	vor.u32 v40, v1;
	v51 =	vld.idx.msk [tilespmem:v15+s18+$0x0], $0xffff  }
0x218: {  	v6 =	vunpack.i.l.bf16.f32 v46;
	v8 =	vmul.bf16 v14, v38;
	v14 =	vld.idx.msk [tilespmem:v15+s19+$0x0], $0xffff;
	v15 =	vor.u32 v37, v1  }
0x219: {  	v50 =	vunpack.i.u.bf16.f32 v46;
	v4 =	vadd.f32 v6, v4  }
0x21a: {  	v5 =	vadd.f32 v50, v5;
	v56 =	vld.idx.msk [tilespmem:v16+s18+$0x0], $0xffff;
	v54 =	vunpack.i.u.bf16.f32 v8;
	v8 =	vunpack.i.l.bf16.f32 v8  }
0x21b: {  	v9 =	vmul.bf16 v13, v47;
	v13 =	vld.idx.msk [tilespmem:v16+s19+$0x0], $0xffff;
	v4 =	vadd.f32 v8, v4  }
0x21c: {  	v6 =	vunpack.i.l.bf16.f32 v52;
	v16 =	vor.u32 v19, v1;
	v61 =	vld.idx.msk [tilespmem:v17+s18+$0x0], $0xffff;
	v5 =	vadd.f32 v54, v5  }
0x21d: {  	v55 =	vunpack.i.u.bf16.f32 v52;
	v4 =	vadd.f32 v6, v4;
	v58 =	vld.idx.msk [tilespmem:v15+s18+$0x0], $0xffff  }
0x21e: {  	v5 =	vadd.f32 v55, v5;
	v57 =	vmul.bf16 v14, v51;
	v14 =	vld.idx.msk [tilespmem:v15+s19+$0x0], $0xffff;
	v15 =	vor.u32 v39, v1  }
0x21f: {  	v59 =	vunpack.i.u.bf16.f32 v9;
	v9 =	vunpack.i.l.bf16.f32 v9;
	v7 =	vmul.bf16 v12, v53;
	v12 =	vld.idx.msk [tilespmem:v17+s19+$0x0], $0xffff  }
0x220: {  	v17 =	vor.u32 v44, v1;
	v4 =	vadd.f32 v9, v4;
	v5 =	vadd.f32 v59, v5  }
0x221: {  	v28 =	vor.u32 v24, v1;
	v62 =	vld.idx.msk [tilespmem:v16+s18+$0x0], $0xffff;
	v60 =	vunpack.i.u.bf16.f32 v57;
	v6 =	vunpack.i.l.bf16.f32 v57  }
0x222: {  	v63 =	vmul.bf16 v13, v56;
	v13 =	vld.idx.msk [tilespmem:v16+s19+$0x0], $0xffff;
	v4 =	vadd.f32 v6, v4;
	v5 =	vadd.f32 v60, v5  }
0x223: {  	v2 =	vadd.f32 v2, v3;
	v26 =	vunpack.i.u.bf16.f32 v7;
	v7 =	vunpack.i.l.bf16.f32 v7;
	v27 =	vld.idx.msk [tilespmem:v15+s18+$0x0], $0xffff  }
0x224: {  	v10 =	vmul.bf16 v12, v61;
	v15 =	vld.idx.msk [tilespmem:v15+s19+$0x0], $0xffff;
	v4 =	vadd.f32 v7, v4;
	v5 =	vadd.f32 v26, v5  }
0x225: {  	v29 =	vld.idx.msk [tilespmem:v17+s18+$0x0], $0xffff;
	v9 =	vunpack.i.l.bf16.f32 v63;
	v8 =	vmul.bf16 v14, v58;
	v14 =	vunpack.i.u.bf16.f32 v63  }
0x226: {  	v16 =	vld.idx.msk [tilespmem:v17+s19+$0x0], $0xffff;
	v4 =	vadd.f32 v9, v4;
	v5 =	vadd.f32 v14, v5;
	v14 =	vor.u32 v25, v1  }
0x227: {  	v34 =	vld.idx.msk [tilespmem:v28+s19+$0x0], $0xffff;
	v6 =	vmul.bf16 v13, v62;
	v12 =	vunpack.i.u.bf16.f32 v8;
	v8 =	vunpack.i.l.bf16.f32 v8  }
0x228: {  	v13 =	vor.u32 v0, v1;
	v4 =	vadd.f32 v8, v4;
	v5 =	vadd.f32 v12, v5;
	v12 =	vld.idx.msk [tilespmem:v28+s18+$0x0], $0xffff  }
0x229: {  	v31 =	vunpack.i.u.bf16.f32 v10;
	v10 =	vunpack.i.l.bf16.f32 v10;
	v7 =	vmul.bf16 v15, v27  }
0x22a: {  	v15 =	vor.u32 v30, v1;
	v4 =	vadd.f32 v10, v4;
	v5 =	vadd.f32 v31, v5  }
0x22b: {  	v32 =	vunpack.i.u.bf16.f32 v6;
	v6 =	vunpack.i.l.bf16.f32 v6;
	v36 =	vmul.bf16 v16, v29;
	v35 =	vld.idx.msk [tilespmem:v14+s18+$0x0], $0xffff  }
0x22c: {  	v37 =	vld.idx.msk [tilespmem:v14+s19+$0x0], $0xffff;
	v14 =	vor.u32 v41, v1;
	v4 =	vadd.f32 v6, v4;
	v5 =	vadd.f32 v32, v5  }
0x22d: {  	v43 =	vld.idx.msk [tilespmem:v13+s18+$0x0], $0xffff;
	v38 =	vunpack.i.u.bf16.f32 v7;
	v7 =	vunpack.i.l.bf16.f32 v7;
	v10 =	vmul.bf16 v34, v12  }
0x22e: {  	v12 =	vld.idx.msk [tilespmem:v13+s19+$0x0], $0xffff;
	v13 =	vor.u32 v48, v1;
	v4 =	vadd.f32 v7, v4;
	v5 =	vadd.f32 v38, v5  }
0x22f: {  	v2 =	vsub.f32 $0.0e+00, v2;
	v42 =	vunpack.i.u.bf16.f32 v36;
	v6 =	vunpack.i.l.bf16.f32 v36;
	v45 =	vld.idx.msk [tilespmem:v15+s18+$0x0], $0xffff  }
0x230: {  	v48 =	vld.idx.msk [tilespmem:v15+s19+$0x0], $0xffff;
	v1 =	vor.u32 v33, v1;
	v4 =	vadd.f32 v6, v4;
	v5 =	vadd.f32 v42, v5  }
0x231: {  	v47 =	vunpack.i.l.bf16.f32 v10;
	v10 =	vunpack.i.u.bf16.f32 v10;
	v46 =	vmul.bf16 v37, v35;
	v49 =	vld.idx.msk [tilespmem:v14+s18+$0x0], $0xffff  }
0x232: {  	v51 =	vld.idx.msk [tilespmem:v14+s19+$0x0], $0xffff;
	v4 =	vadd.f32 v47, v4;
	v3 =	vadd.f32 v10, v5  }
0x233: {  	v50 =	vunpack.i.l.bf16.f32 v46;
	v52 =	vunpack.i.u.bf16.f32 v46;
	v53 =	vmul.bf16 v12, v43;
	v54 =	vld.idx.msk [tilespmem:v13+s18+$0x0], $0xffff  }
0x234: {  	v55 =	vld.idx.msk [tilespmem:v13+s19+$0x0], $0xffff;
	v4 =	vadd.f32 v50, v4;
	v3 =	vadd.f32 v52, v3  }
0x235: {  	v6 =	vmul.bf16 v48, v45;
	v56 =	vld.idx.msk [tilespmem:v1+s18+$0x0], $0xffff;
	v12 =	vunpack.i.u.bf16.f32 v53;
	v7 =	vunpack.i.l.bf16.f32 v53  }
0x236: {  	v2 =	vmul.f32 $1.442695020e+00, v2;
	v1 =	vld.idx.msk [tilespmem:v1+s19+$0x0], $0xffff;
	v4 =	vadd.f32 v7, v4;
	v3 =	vadd.f32 v12, v3  }
0x237: {  	v58 =	vunpack.i.u.bf16.f32 v6;
	v6 =	vunpack.i.l.bf16.f32 v6;
	v57 =	vmul.bf16 v51, v49  }
0x238: {  	(erf) = vpow2.f32 v2;
	v2 =	vadd.f32 v6, v4;
	v3 =	vadd.f32 v58, v3  }
0x239: {  	v59 =	vmul.bf16 v55, v54;
	v60 =	vunpack.i.u.bf16.f32 v57;
	v61 =	vunpack.i.l.bf16.f32 v57  }
0x23a: {  	v2 =	vadd.f32 v61, v2;
	v3 =	vadd.f32 v60, v3  }
0x23b: {  	v1 =	vmul.bf16 v1, v56;
	v62 =	vunpack.i.u.bf16.f32 v59;
	v4 =	vunpack.i.l.bf16.f32 v59  }
0x23c: {  	v2 =	vadd.f32 v4, v2;
	v3 =	vadd.f32 v62, v3  }
0x23d: {  	v63 =	vunpack.i.u.bf16.f32 v1;
	v1 =	vunpack.i.l.bf16.f32 v1  }
0x23e: {  	v1 =	vadd.f32 v1, v2;
	v2 =	vadd.f32 v63, v3;
	_ =	sdelay $0x1  }
0x23f: {  	v1 =	vadd.f32 v1, v2;
	_ =	sdelay $0x1  }
0x240: {  	v2 =	vpop (erf);
	v1 =	vsub.f32 $0.0e+00, v1  }
0x241: {  	v2 =	vadd.f32 $1.000000000e+00, v2  }
0x242: {  	v1 =	vmul.f32 $1.442695020e+00, v1  }
0x243: {  	(erf) = vrcp.f32 v2  }
0x244: {  	(erf) = vpow2.f32 v1;
	_ =	sdelay $0x7  }
0x245: {  	v1 =	vpop (erf)  }
0x246: {  	v2 =	vpop (erf)  }
0x247: {  	v2 =	vadd.f32 $1.000000000e+00, v2;
	_ =	sdelay $0x1  }
0x248: {  	(erf) = vrcp.f32 v2;
	_ =	sdelay $0x3  }
0x249: {  	s1 =	sadd.s32 $0x2, s1  }
0x24a: {  	p2 =	slt.u32 s1, $0x16  }
.Ltmp6:
0x24b: {  	v17 =	vld [tilespmem:$0x1FFF0];
	(pc) =	sbr.rel @p2 .LBB2_6-.Ltmp6, $4  }
0x24c: {  	v15 =	vld [tilespmem:$0x1FFE0]  }
0x24d: {  	v14 =	vld [tilespmem:$0x1FFD0]  }
0x24e: {  	v13 =	vld [tilespmem:$0x1FFC0];
	[tilespmem:s0+$0xFFFFFFF0] =	vst v1;
	v1 =	vpop (erf)  }
0x24f: {  	s15 =	sadd.s32 $0x20, s15;
	v23 =	vmovc v39;
	v39 =	vmov v44;
	v44 =	vmov v0;
	v0 =	vlaneseq.u32;
	v12 =	vld [tilespmem:$0x1FFB0];
	[tilespmem:s0+$0x0] =	vst v1;
	s0 =	sadd.s32 $0x20, s0  }
0x250: {  	v1 =	vmul.u32 $0x41, v0;
	_ =	sdelay $0x1  }
0x251: {  	v3 =	vor.u32 $0x6000, v1;
	_ =	sdelay $0x1  }
0x252: {  	v0 =	vadd.s32 $0x6001, v1;
	_ =	sdelay $0x1  }
0x253: {  	v7 =	vadd.s32 $0x6002, v1  }
0x254: {  	v2 =	vld.idx.msk [tilespmem:v3+s18+$0x0], $0xffff  }
0x255: {  	v16 =	vadd.s32 $0x6005, v1;
	[tilespmem:$0x1F9B0] =	vst v3;
	v3 =	vld.idx.msk [tilespmem:v3+s19+$0x0], $0xffff  }
0x256: {  	v4 =	vld.idx.msk [tilespmem:v0+s18+$0x0], $0xffff  }
0x257: {  	v33 =	vadd.s32 $0x6006, v1;
	v5 =	vld.idx.msk [tilespmem:v0+s19+$0x0], $0xffff  }
0x258: {  	v6 =	vld.idx.msk [tilespmem:v7+s18+$0x0], $0xffff  }
0x259: {  	v8 =	vadd.s32 $0x6003, v1;
	[tilespmem:$0x1F9D0] =	vst v7;
	v7 =	vld.idx.msk [tilespmem:v7+s19+$0x0], $0xffff  }
0x25a: {  	v58 =	vld.idx.msk [tilespmem:v16+s18+$0x0], $0xffff  }
0x25b: {  	[tilespmem:$0x1F9C0] =	vst v0;
	v0 =	vadd.s32 $0x6004, v1;
	v60 =	vld.idx.msk [tilespmem:v16+s19+$0x0], $0xffff  }
0x25c: {  	v62 =	vld.idx.msk [tilespmem:v33+s18+$0x0], $0xffff  }
0x25d: {  	v26 =	vmovc v18;
	v18 =	vmov v40;
	v40 =	vmov v19;
	v19 =	vadd.s32 $0x6007, v1;
	v63 =	vld.idx.msk [tilespmem:v33+s19+$0x0], $0xffff  }
0x25e: {  	v2 =	vmul.bf16 v3, v2;
	v3 =	vld.idx.msk [tilespmem:v8+s18+$0x0], $0xffff  }
0x25f: {  	v20 =	vadd.s32 $0x6008, v1;
	v24 =	vadd.s32 $0x600A, v1;
	v25 =	vadd.s32 $0x600B, v1;
	[tilespmem:$0x1F9E0] =	vst v8;
	v8 =	vld.idx.msk [tilespmem:v8+s19+$0x0], $0xffff  }
0x260: {  	v4 =	vmul.bf16 v5, v4;
	v57 =	vld.idx.msk [tilespmem:v0+s18+$0x0], $0xffff;
	v9 =	vunpack.i.u.bf16.f32 v2;
	v2 =	vunpack.i.l.bf16.f32 v2  }
0x261: {  	v41 =	vadd.s32 $0x600C, v1;
	v10 =	vld.idx.msk [tilespmem:v0+s19+$0x0], $0xffff;
	v2 =	vadd.f32 $0.0e+00, v2;
	v9 =	vadd.f32 $0.0e+00, v9  }
0x262: {  	v34 =	vld.idx.msk [tilespmem:v19+s18+$0x0], $0xffff;
	v6 =	vmul.bf16 v7, v6;
	v11 =	vunpack.i.u.bf16.f32 v4;
	v4 =	vunpack.i.l.bf16.f32 v4  }
0x263: {  	v28 =	vadd.s32 $0x600D, v1;
	v35 =	vld.idx.msk [tilespmem:v19+s19+$0x0], $0xffff;
	v2 =	vadd.f32 v4, v2;
	v59 =	vadd.f32 v11, v9  }
0x264: {  	v37 =	vld.idx.msk [tilespmem:v20+s18+$0x0], $0xffff;
	v61 =	vunpack.i.u.bf16.f32 v6;
	v6 =	vunpack.i.l.bf16.f32 v6;
	v3 =	vmul.bf16 v8, v3  }
0x265: {  	v38 =	vld.idx.msk [tilespmem:v20+s19+$0x0], $0xffff;
	[tilespmem:$0x1F9F0] =	vst v0;
	v0 =	vadd.s32 $0x6009, v1;
	v2 =	vadd.f32 v6, v2;
	v4 =	vadd.f32 v61, v59  }
0x266: {  	v49 =	vld.idx.msk [tilespmem:v24+s18+$0x0], $0xffff;
	v5 =	vmul.bf16 v10, v57;
	v32 =	vunpack.i.u.bf16.f32 v3;
	v3 =	vunpack.i.l.bf16.f32 v3  }
0x267: {  	v29 =	vadd.s32 $0x600E, v1;
	v50 =	vld.idx.msk [tilespmem:v24+s19+$0x0], $0xffff;
	v2 =	vadd.f32 v3, v2;
	v3 =	vadd.f32 v32, v4  }
0x268: {  	v52 =	vld.idx.msk [tilespmem:v25+s18+$0x0], $0xffff;
	v7 =	vmul.bf16 v60, v58;
	v36 =	vunpack.i.u.bf16.f32 v5;
	v5 =	vunpack.i.l.bf16.f32 v5  }
0x269: {  	v30 =	vadd.s32 $0x600F, v1;
	v53 =	vld.idx.msk [tilespmem:v25+s19+$0x0], $0xffff;
	v2 =	vadd.f32 v5, v2;
	v3 =	vadd.f32 v36, v3  }
0x26a: {  	v45 =	vunpack.i.u.bf16.f32 v7;
	v7 =	vunpack.i.l.bf16.f32 v7;
	v46 =	vld.idx.msk [tilespmem:v0+s18+$0x0], $0xffff;
	v6 =	vmul.bf16 v63, v62  }
0x26b: {  	v31 =	vadd.s32 $0x6010, v1;
	v47 =	vld.idx.msk [tilespmem:v0+s19+$0x0], $0xffff;
	v2 =	vadd.f32 v7, v2;
	v3 =	vadd.f32 v45, v3  }
0x26c: {  	v55 =	vld.idx.msk [tilespmem:v41+s18+$0x0], $0xffff;
	v48 =	vunpack.i.u.bf16.f32 v6;
	v6 =	vunpack.i.l.bf16.f32 v6;
	v4 =	vmul.bf16 v35, v34  }
0x26d: {  	v42 =	vadd.s32 $0x6013, v1;
	v56 =	vld.idx.msk [tilespmem:v41+s19+$0x0], $0xffff;
	v2 =	vadd.f32 v6, v2;
	v3 =	vadd.f32 v48, v3  }
0x26e: {  	v58 =	vld.idx.msk [tilespmem:v28+s18+$0x0], $0xffff;
	v51 =	vunpack.i.u.bf16.f32 v4;
	v4 =	vunpack.i.l.bf16.f32 v4;
	v5 =	vmul.bf16 v38, v37  }
0x26f: {  	v22 =	vadd.s32 $0x6017, v1;
	v59 =	vld.idx.msk [tilespmem:v28+s19+$0x0], $0xffff;
	v2 =	vadd.f32 v4, v2;
	v3 =	vadd.f32 v51, v3  }
0x270: {  	v61 =	vld.idx.msk [tilespmem:v29+s18+$0x0], $0xffff;
	v54 =	vunpack.i.u.bf16.f32 v5;
	v5 =	vunpack.i.l.bf16.f32 v5;
	v7 =	vmul.bf16 v47, v46  }
0x271: {  	v62 =	vld.idx.msk [tilespmem:v29+s19+$0x0], $0xffff;
	v35 =	vadd.s32 $0x6011, v1;
	v2 =	vadd.f32 v5, v2;
	v3 =	vadd.f32 v54, v3  }
0x272: {  	v32 =	vld.idx.msk [tilespmem:v30+s18+$0x0], $0xffff;
	v57 =	vunpack.i.u.bf16.f32 v7;
	v7 =	vunpack.i.l.bf16.f32 v7;
	v6 =	vmul.bf16 v50, v49  }
0x273: {  	v34 =	vld.idx.msk [tilespmem:v30+s19+$0x0], $0xffff;
	v37 =	vadd.s32 $0x6012, v1;
	v2 =	vadd.f32 v7, v2;
	v3 =	vadd.f32 v57, v3  }
0x274: {  	v38 =	vld.idx.msk [tilespmem:v31+s18+$0x0], $0xffff;
	v60 =	vunpack.i.u.bf16.f32 v6;
	v6 =	vunpack.i.l.bf16.f32 v6;
	v4 =	vmul.bf16 v53, v52  }
0x275: {  	v43 =	vadd.s32 $0x6014, v1;
	v47 =	vld.idx.msk [tilespmem:v22+s18+$0x0], $0xffff;
	v2 =	vadd.f32 v6, v2;
	v3 =	vadd.f32 v60, v3  }
0x276: {  	v48 =	vld.idx.msk [tilespmem:v31+s19+$0x0], $0xffff;
	v63 =	vunpack.i.u.bf16.f32 v4;
	v4 =	vunpack.i.l.bf16.f32 v4;
	v5 =	vmul.bf16 v56, v55  }
0x277: {  	v21 =	vadd.s32 $0x601A, v1;
	v50 =	vld.idx.msk [tilespmem:v35+s18+$0x0], $0xffff;
	v2 =	vadd.f32 v4, v2;
	v3 =	vadd.f32 v63, v3  }
0x278: {  	v51 =	vld.idx.msk [tilespmem:v35+s19+$0x0], $0xffff;
	v36 =	vunpack.i.u.bf16.f32 v5;
	v5 =	vunpack.i.l.bf16.f32 v5;
	v7 =	vmul.bf16 v59, v58  }
0x279: {  	v45 =	vadd.s32 $0x6015, v1;
	v53 =	vld.idx.msk [tilespmem:v37+s18+$0x0], $0xffff;
	v2 =	vadd.f32 v5, v2;
	v3 =	vadd.f32 v36, v3  }
0x27a: {  	v54 =	vld.idx.msk [tilespmem:v37+s19+$0x0], $0xffff;
	v49 =	vunpack.i.u.bf16.f32 v7;
	v7 =	vunpack.i.l.bf16.f32 v7;
	v6 =	vmul.bf16 v62, v61  }
0x27b: {  	v46 =	vadd.s32 $0x6016, v1;
	v56 =	vld.idx.msk [tilespmem:v42+s18+$0x0], $0xffff;
	v2 =	vadd.f32 v7, v2;
	v3 =	vadd.f32 v49, v3  }
0x27c: {  	v57 =	vld.idx.msk [tilespmem:v42+s19+$0x0], $0xffff;
	v52 =	vunpack.i.u.bf16.f32 v6;
	v6 =	vunpack.i.l.bf16.f32 v6;
	v4 =	vmul.bf16 v34, v32  }
0x27d: {  	[tilespmem:$0x1FA00] =	vst v19;
	v19 =	vadd.s32 $0x6018, v1;
	v59 =	vld.idx.msk [tilespmem:v43+s18+$0x0], $0xffff;
	v2 =	vadd.f32 v6, v2;
	v3 =	vadd.f32 v52, v3  }
0x27e: {  	v60 =	vld.idx.msk [tilespmem:v43+s19+$0x0], $0xffff;
	v55 =	vunpack.i.u.bf16.f32 v4;
	v4 =	vunpack.i.l.bf16.f32 v4;
	v5 =	vmul.bf16 v48, v38  }
0x27f: {  	[tilespmem:$0x1FA10] =	vst v20;
	v20 =	vadd.s32 $0x6019, v1;
	v62 =	vld.idx.msk [tilespmem:v45+s18+$0x0], $0xffff;
	v2 =	vadd.f32 v4, v2;
	v3 =	vadd.f32 v55, v3  }
0x280: {  	v63 =	vld.idx.msk [tilespmem:v45+s19+$0x0], $0xffff;
	v58 =	vunpack.i.u.bf16.f32 v5;
	v5 =	vunpack.i.l.bf16.f32 v5;
	v7 =	vmul.bf16 v51, v50  }
0x281: {  	v34 =	vld.idx.msk [tilespmem:v46+s18+$0x0], $0xffff;
	v52 =	vadd.s32 $0x601C, v1;
	v2 =	vadd.f32 v5, v2;
	v3 =	vadd.f32 v58, v3  }
0x282: {  	v36 =	vld.idx.msk [tilespmem:v46+s19+$0x0], $0xffff;
	v61 =	vunpack.i.u.bf16.f32 v7;
	v7 =	vunpack.i.l.bf16.f32 v7;
	v6 =	vmul.bf16 v54, v53  }
0x283: {  	v4 =	vmul.bf16 v57, v56;
	v56 =	vld.idx.msk [tilespmem:v22+s19+$0x0], $0xffff;
	v2 =	vadd.f32 v7, v2;
	v3 =	vadd.f32 v61, v3  }
0x284: {  	v51 =	vadd.s32 $0x601B, v1;
	v32 =	vunpack.i.u.bf16.f32 v6;
	v6 =	vunpack.i.l.bf16.f32 v6;
	v58 =	vld.idx.msk [tilespmem:v19+s18+$0x0], $0xffff  }
0x285: {  	v5 =	vmul.bf16 v60, v59;
	v59 =	vld.idx.msk [tilespmem:v19+s19+$0x0], $0xffff;
	v2 =	vadd.f32 v6, v2;
	v3 =	vadd.f32 v32, v3  }
0x286: {  	v53 =	vadd.s32 $0x601D, v1;
	v38 =	vunpack.i.u.bf16.f32 v4;
	v4 =	vunpack.i.l.bf16.f32 v4;
	v49 =	vld.idx.msk [tilespmem:v52+s18+$0x0], $0xffff  }
0x287: {  	v54 =	vadd.s32 $0x601E, v1;
	v50 =	vld.idx.msk [tilespmem:v52+s19+$0x0], $0xffff;
	v2 =	vadd.f32 v4, v2;
	v3 =	vadd.f32 v38, v3  }
0x288: {  	v57 =	vunpack.i.u.bf16.f32 v5;
	v5 =	vunpack.i.l.bf16.f32 v5;
	v7 =	vmul.bf16 v63, v62;
	v61 =	vld.idx.msk [tilespmem:v20+s18+$0x0], $0xffff  }
0x289: {  	v55 =	vadd.s32 $0x601F, v1;
	v62 =	vld.idx.msk [tilespmem:v20+s19+$0x0], $0xffff;
	v2 =	vadd.f32 v5, v2;
	v3 =	vadd.f32 v57, v3  }
0x28a: {  	v60 =	vunpack.i.u.bf16.f32 v7;
	v7 =	vunpack.i.l.bf16.f32 v7;
	v6 =	vmul.bf16 v36, v34;
	v32 =	vld.idx.msk [tilespmem:v21+s18+$0x0], $0xffff  }
0x28b: {  	v34 =	vld.idx.msk [tilespmem:v21+s19+$0x0], $0xffff;
	v4 =	vmul.bf16 v56, v47;
	v2 =	vadd.f32 v7, v2;
	v3 =	vadd.f32 v60, v3  }
0x28c: {  	v63 =	vunpack.i.u.bf16.f32 v6;
	v6 =	vunpack.i.l.bf16.f32 v6;
	v38 =	vld.idx.msk [tilespmem:v51+s18+$0x0], $0xffff;
	v56 =	vadd.s32 $0x6020, v1  }
0x28d: {  	v47 =	vld.idx.msk [tilespmem:v51+s19+$0x0], $0xffff;
	v36 =	vunpack.i.u.bf16.f32 v4;
	v2 =	vadd.f32 v6, v2;
	v3 =	vadd.f32 v63, v3  }
0x28e: {  	v4 =	vunpack.i.l.bf16.f32 v4;
	v5 =	vmul.bf16 v59, v58;
	v57 =	vadd.s32 $0x6021, v1;
	v60 =	vld.idx.msk [tilespmem:v53+s18+$0x0], $0xffff  }
0x28f: {  	v7 =	vmul.bf16 v62, v61;
	v61 =	vld.idx.msk [tilespmem:v53+s19+$0x0], $0xffff;
	v2 =	vadd.f32 v4, v2;
	v3 =	vadd.f32 v36, v3  }
0x290: {  	v58 =	vadd.s32 $0x6022, v1;
	v48 =	vunpack.i.u.bf16.f32 v5;
	v5 =	vunpack.i.l.bf16.f32 v5;
	v63 =	vld.idx.msk [tilespmem:v54+s18+$0x0], $0xffff  }
0x291: {  	v6 =	vmul.bf16 v34, v32;
	v34 =	vld.idx.msk [tilespmem:v54+s19+$0x0], $0xffff;
	v2 =	vadd.f32 v5, v2;
	v3 =	vadd.f32 v48, v3  }
0x292: {  	v59 =	vunpack.i.u.bf16.f32 v7;
	v7 =	vunpack.i.l.bf16.f32 v7;
	v4 =	vmul.bf16 v47, v38;
	v47 =	vld.idx.msk [tilespmem:v55+s18+$0x0], $0xffff  }
0x293: {  	v62 =	vunpack.i.u.bf16.f32 v6;
	v48 =	vld.idx.msk [tilespmem:v55+s19+$0x0], $0xffff;
	v2 =	vadd.f32 v7, v2;
	v3 =	vadd.f32 v59, v3  }
0x294: {  	v32 =	vld.idx.msk [tilespmem:v56+s19+$0x0], $0xffff;
	v6 =	vunpack.i.l.bf16.f32 v6;
	v5 =	vmul.bf16 v50, v49;
	v59 =	vadd.s32 $0x6023, v1  }
0x295: {  	v38 =	vunpack.i.u.bf16.f32 v4;
	v50 =	vld.idx.msk [tilespmem:v56+s18+$0x0], $0xffff;
	v2 =	vadd.f32 v6, v2;
	v3 =	vadd.f32 v62, v3  }
0x296: {  	v8 =	vld.idx.msk [tilespmem:v57+s18+$0x0], $0xffff;
	v4 =	vunpack.i.l.bf16.f32 v4;
	v49 =	vunpack.i.u.bf16.f32 v5;
	v5 =	vunpack.i.l.bf16.f32 v5  }
0x297: {  	v7 =	vmul.bf16 v61, v60;
	v2 =	vadd.f32 v4, v2;
	v3 =	vadd.f32 v38, v3;
	v38 =	vld.idx.msk [tilespmem:v57+s19+$0x0], $0xffff  }
0x298: {  	v60 =	vadd.s32 $0x6024, v1;
	v61 =	vadd.s32 $0x6025, v1;
	v4 =	vmul.bf16 v48, v47;
	v47 =	vld.idx.msk [tilespmem:v58+s19+$0x0], $0xffff  }
0x299: {  	v36 =	vunpack.i.u.bf16.f32 v7;
	v2 =	vadd.f32 v5, v2;
	v3 =	vadd.f32 v49, v3;
	v49 =	vld.idx.msk [tilespmem:v59+s18+$0x0], $0xffff  }
0x29a: {  	v7 =	vunpack.i.l.bf16.f32 v7;
	v6 =	vmul.bf16 v34, v63;
	v5 =	vmul.bf16 v32, v50;
	v50 =	vld.idx.msk [tilespmem:v59+s19+$0x0], $0xffff  }
0x29b: {  	v62 =	vadd.s32 $0x6026, v1;
	v2 =	vadd.f32 v7, v2;
	v3 =	vadd.f32 v36, v3;
	v36 =	vld.idx.msk [tilespmem:v58+s18+$0x0], $0xffff  }
0x29c: {  	v34 =	vunpack.i.u.bf16.f32 v6;
	v6 =	vunpack.i.l.bf16.f32 v6  }
0x29d: {  	v10 =	vld.idx.msk [tilespmem:v61+s18+$0x0], $0xffff;
	v48 =	vunpack.i.u.bf16.f32 v4;
	v2 =	vadd.f32 v6, v2;
	v3 =	vadd.f32 v34, v3  }
0x29e: {  	v4 =	vunpack.i.l.bf16.f32 v4;
	v32 =	vunpack.i.u.bf16.f32 v5;
	v7 =	vmul.bf16 v38, v8;
	v8 =	vld.idx.msk [tilespmem:v60+s18+$0x0], $0xffff  }
0x29f: {  	v5 =	vunpack.i.l.bf16.f32 v5;
	v34 =	vld.idx.msk [tilespmem:v60+s19+$0x0], $0xffff;
	v2 =	vadd.f32 v4, v2;
	v3 =	vadd.f32 v48, v3  }
0x2a0: {  	v4 =	vmul.bf16 v50, v49;
	v49 =	vld.idx.msk [tilespmem:v62+s18+$0x0], $0xffff;
	v6 =	vmul.bf16 v47, v36;
	v36 =	vadd.s32 $0x6029, v1  }
0x2a1: {  	v63 =	vadd.s32 $0x6027, v1;
	v50 =	vld.idx.msk [tilespmem:v62+s19+$0x0], $0xffff;
	v2 =	vadd.f32 v5, v2  }
0x2a2: {  	v38 =	vunpack.i.u.bf16.f32 v7;
	v7 =	vunpack.i.l.bf16.f32 v7;
	v47 =	vld.idx.msk [tilespmem:v61+s19+$0x0], $0xffff;
	v3 =	vadd.f32 v32, v3  }
0x2a3: {  	v32 =	vunpack.i.u.bf16.f32 v4;
	v48 =	vunpack.i.u.bf16.f32 v6;
	v2 =	vadd.f32 v7, v2  }
0x2a4: {  	v6 =	vunpack.i.l.bf16.f32 v6;
	v3 =	vadd.f32 v38, v3;
	v38 =	vadd.s32 $0x6028, v1  }
0x2a5: {  	v4 =	vunpack.i.l.bf16.f32 v4;
	v5 =	vmul.bf16 v34, v8;
	v2 =	vadd.f32 v6, v2;
	v9 =	vld.idx.msk [tilespmem:v36+s18+$0x0], $0xffff  }
0x2a6: {  	[tilespmem:$0x1FA30] =	vst v36;
	v3 =	vadd.f32 v48, v3;
	v6 =	vmul.bf16 v50, v49;
	v49 =	vld.idx.msk [tilespmem:v36+s19+$0x0], $0xffff;
	v36 =	vadd.s32 $0x602C, v1  }
0x2a7: {  	v8 =	vld.idx.msk [tilespmem:v63+s18+$0x0], $0xffff;
	v34 =	vunpack.i.u.bf16.f32 v5;
	v7 =	vmul.bf16 v47, v10;
	v2 =	vadd.f32 v4, v2  }
0x2a8: {  	v5 =	vunpack.i.l.bf16.f32 v5;
	v3 =	vadd.f32 v32, v3;
	v4 =	vld.idx.msk [tilespmem:v63+s19+$0x0], $0xffff;
	v32 =	vadd.s32 $0x602A, v1  }
0x2a9: {  	v48 =	vunpack.i.u.bf16.f32 v7;
	v10 =	vld.idx.msk [tilespmem:v38+s18+$0x0], $0xffff;
	v2 =	vadd.f32 v5, v2  }
0x2aa: {  	[tilespmem:$0x1FA20] =	vst v38;
	v7 =	vunpack.i.l.bf16.f32 v7;
	v47 =	vld.idx.msk [tilespmem:v38+s19+$0x0], $0xffff;
	v38 =	vadd.s32 $0x602B, v1;
	v3 =	vadd.f32 v34, v3  }
0x2ab: {  	v2 =	vadd.f32 v7, v2;
	v7 =	vmul.bf16 v49, v9;
	v9 =	vld.idx.msk [tilespmem:v36+s18+$0x0], $0xffff  }
0x2ac: {  	v27 =	vadd.s32 $0x602F, v1;
	v3 =	vadd.f32 v48, v3;
	v49 =	vld.idx.msk [tilespmem:v36+s19+$0x0], $0xffff  }
0x2ad: {  	v50 =	vunpack.i.u.bf16.f32 v6;
	v6 =	vunpack.i.l.bf16.f32 v6;
	v4 =	vmul.bf16 v4, v8;
	v8 =	vld.idx.msk [tilespmem:v32+s18+$0x0], $0xffff  }
0x2ae: {  	[tilespmem:$0x1FA40] =	vst v32;
	v2 =	vadd.f32 v6, v2;
	v3 =	vadd.f32 v50, v3;
	v6 =	vld.idx.msk [tilespmem:v32+s19+$0x0], $0xffff;
	v32 =	vadd.s32 $0x602D, v1  }
0x2af: {  	v5 =	vmul.bf16 v47, v10;
	v10 =	vld.idx.msk [tilespmem:v38+s18+$0x0], $0xffff;
	v34 =	vunpack.i.u.bf16.f32 v4;
	v4 =	vunpack.i.l.bf16.f32 v4  }
0x2b0: {  	v47 =	vld.idx.msk [tilespmem:v38+s19+$0x0], $0xffff;
	v2 =	vadd.f32 v4, v2;
	v3 =	vadd.f32 v34, v3;
	v34 =	vadd.s32 $0x602E, v1  }
0x2b1: {  	v48 =	vunpack.i.u.bf16.f32 v5;
	v5 =	vunpack.i.l.bf16.f32 v5  }
0x2b2: {  	v2 =	vadd.f32 v5, v2;
	v3 =	vadd.f32 v48, v3;
	v5 =	vmul.bf16 v49, v9;
	v9 =	vld.idx.msk [tilespmem:v27+s18+$0x0], $0xffff  }
0x2b3: {  	v50 =	vunpack.i.u.bf16.f32 v7;
	v49 =	vld.idx.msk [tilespmem:v27+s19+$0x0], $0xffff;
	v6 =	vmul.bf16 v6, v8  }
0x2b4: {  	v11 =	vadd.s32 $0x6030, v1;
	v8 =	vld.idx.msk [tilespmem:v32+s18+$0x0], $0xffff;
	v3 =	vadd.f32 v50, v3  }
0x2b5: {  	v7 =	vunpack.i.l.bf16.f32 v7;
	v4 =	vmul.bf16 v47, v10;
	v1 =	vunpack.i.u.bf16.f32 v6;
	v47 =	vld.idx.msk [tilespmem:v34+s18+$0x0], $0xffff  }
0x2b6: {  	v2 =	vadd.f32 v7, v2;
	v1 =	vadd.f32 v1, v3;
	v3 =	vld.idx.msk [tilespmem:v34+s19+$0x0], $0xffff  }
0x2b7: {  	v7 =	vld.idx.msk [tilespmem:v32+s19+$0x0], $0xffff;
	v6 =	vunpack.i.l.bf16.f32 v6  }
0x2b8: {  	v2 =	vadd.f32 v6, v2  }
0x2b9: {  	v48 =	vunpack.i.u.bf16.f32 v4;
	v4 =	vunpack.i.l.bf16.f32 v4  }
0x2ba: {  	v2 =	vadd.f32 v4, v2;
	v4 =	vmul.bf16 v49, v9;
	v49 =	vld [tilespmem:$0x1FD40]  }
0x2bb: {  	v1 =	vadd.f32 v48, v1;
	v3 =	vmul.bf16 v3, v47;
	v47 =	vld [tilespmem:$0x1FD30]  }
0x2bc: {  	v50 =	vunpack.i.u.bf16.f32 v5;
	v7 =	vmul.bf16 v7, v8  }
0x2bd: {  	v1 =	vadd.f32 v50, v1  }
0x2be: {  	[tilespmem:$0x1FA50] =	vst v34;
	v8 =	vld.idx.msk [tilespmem:v11+s18+$0x0], $0xffff;
	v34 =	vunpack.i.u.bf16.f32 v7  }
0x2bf: {  	v5 =	vunpack.i.l.bf16.f32 v5;
	v1 =	vadd.f32 v34, v1;
	v34 =	vld [tilespmem:$0x1FD50]  }
0x2c0: {  	v2 =	vadd.f32 v5, v2;
	v5 =	vld.idx.msk [tilespmem:v11+s19+$0x0], $0xffff;
	v48 =	vunpack.i.u.bf16.f32 v3  }
0x2c1: {  	v1 =	vadd.f32 v48, v1;
	v48 =	vld [tilespmem:$0x1FD60]  }
0x2c2: {  	v9 =	vld.idx.msk [tilespmem:v49+s18+$0x0], $0xffff  }
0x2c3: {  	v7 =	vunpack.i.l.bf16.f32 v7;
	v10 =	vld.idx.msk [tilespmem:v47+s18+$0x0], $0xffff  }
0x2c4: {  	v50 =	vunpack.i.u.bf16.f32 v4;
	v2 =	vadd.f32 v7, v2;
	v6 =	vld.idx.msk [tilespmem:v47+s19+$0x0], $0xffff  }
0x2c5: {  	v3 =	vunpack.i.l.bf16.f32 v3;
	v5 =	vmul.bf16 v5, v8;
	v1 =	vadd.f32 v50, v1;
	v50 =	vld [tilespmem:$0x1FD70]  }
0x2c6: {  	v2 =	vadd.f32 v3, v2;
	v3 =	vld.idx.msk [tilespmem:v49+s19+$0x0], $0xffff  }
0x2c7: {  	v4 =	vunpack.i.l.bf16.f32 v4;
	v47 =	vunpack.i.u.bf16.f32 v5;
	v8 =	vld.idx.msk [tilespmem:v34+s18+$0x0], $0xffff  }
0x2c8: {  	v2 =	vadd.f32 v4, v2;
	v1 =	vadd.f32 v47, v1;
	v47 =	vld [tilespmem:$0x1FD80]  }
0x2c9: {  	v5 =	vunpack.i.l.bf16.f32 v5;
	v4 =	vld.idx.msk [tilespmem:v34+s19+$0x0], $0xffff;
	v6 =	vmul.bf16 v6, v10  }
0x2ca: {  	v2 =	vadd.f32 v5, v2;
	v5 =	vld.idx.msk [tilespmem:v48+s19+$0x0], $0xffff  }
0x2cb: {  	v10 =	vld.idx.msk [tilespmem:v48+s18+$0x0], $0xffff;
	v49 =	vunpack.i.u.bf16.f32 v6  }
0x2cc: {  	v3 =	vmul.bf16 v3, v9;
	v1 =	vadd.f32 v49, v1;
	v49 =	vld [tilespmem:$0x1FD90]  }
0x2cd: {  	v9 =	vld.idx.msk [tilespmem:v50+s18+$0x0], $0xffff;
	v6 =	vunpack.i.l.bf16.f32 v6  }
0x2ce: {  	v34 =	vunpack.i.u.bf16.f32 v3;
	v4 =	vmul.bf16 v4, v8;
	v2 =	vadd.f32 v6, v2;
	v6 =	vld.idx.msk [tilespmem:v50+s19+$0x0], $0xffff  }
0x2cf: {  	v1 =	vadd.f32 v34, v1;
	v34 =	vld [tilespmem:$0x1FDA0]  }
0x2d0: {  	v48 =	vunpack.i.u.bf16.f32 v4;
	v8 =	vld.idx.msk [tilespmem:v47+s18+$0x0], $0xffff;
	v5 =	vmul.bf16 v5, v10  }
0x2d1: {  	v3 =	vunpack.i.l.bf16.f32 v3;
	v1 =	vadd.f32 v48, v1;
	v48 =	vld [tilespmem:$0x1FDB0]  }
0x2d2: {  	v2 =	vadd.f32 v3, v2;
	v3 =	vld.idx.msk [tilespmem:v47+s19+$0x0], $0xffff;
	v50 =	vunpack.i.u.bf16.f32 v5  }
0x2d3: {  	v6 =	vmul.bf16 v6, v9;
	v1 =	vadd.f32 v50, v1;
	v50 =	vld [tilespmem:$0x1FDC0]  }
0x2d4: {  	v4 =	vunpack.i.l.bf16.f32 v4;
	v10 =	vld.idx.msk [tilespmem:v49+s18+$0x0], $0xffff  }
0x2d5: {  	v2 =	vadd.f32 v4, v2;
	v47 =	vunpack.i.u.bf16.f32 v6;
	v4 =	vld.idx.msk [tilespmem:v49+s19+$0x0], $0xffff  }
0x2d6: {  	v1 =	vadd.f32 v47, v1;
	v47 =	vld [tilespmem:$0x1FDD0]  }
0x2d7: {  	v5 =	vunpack.i.l.bf16.f32 v5;
	v9 =	vld.idx.msk [tilespmem:v34+s18+$0x0], $0xffff  }
0x2d8: {  	v2 =	vadd.f32 v5, v2;
	v5 =	vld.idx.msk [tilespmem:v34+s19+$0x0], $0xffff  }
0x2d9: {  	v6 =	vunpack.i.l.bf16.f32 v6;
	v3 =	vmul.bf16 v3, v8;
	v8 =	vld.idx.msk [tilespmem:v48+s18+$0x0], $0xffff  }
0x2da: {  	v2 =	vadd.f32 v6, v2;
	v6 =	vld.idx.msk [tilespmem:v48+s19+$0x0], $0xffff  }
0x2db: {  	v49 =	vunpack.i.u.bf16.f32 v3;
	v4 =	vmul.bf16 v4, v10  }
0x2dc: {  	v1 =	vadd.f32 v49, v1;
	v49 =	vld [tilespmem:$0x1FDE0]  }
0x2dd: {  	v10 =	vld.idx.msk [tilespmem:v50+s18+$0x0], $0xffff;
	v34 =	vunpack.i.u.bf16.f32 v4;
	v5 =	vmul.bf16 v5, v9  }
0x2de: {  	v3 =	vunpack.i.l.bf16.f32 v3;
	v1 =	vadd.f32 v34, v1;
	v34 =	vld [tilespmem:$0x1FDF0]  }
0x2df: {  	v2 =	vadd.f32 v3, v2;
	v3 =	vld.idx.msk [tilespmem:v50+s19+$0x0], $0xffff;
	v48 =	vunpack.i.u.bf16.f32 v5;
	v6 =	vmul.bf16 v6, v8  }
0x2e0: {  	v1 =	vadd.f32 v48, v1;
	v48 =	vld [tilespmem:$0x1FE00]  }
0x2e1: {  	v9 =	vld.idx.msk [tilespmem:v47+s18+$0x0], $0xffff;
	v50 =	vunpack.i.u.bf16.f32 v6  }
0x2e2: {  	v4 =	vunpack.i.l.bf16.f32 v4;
	v1 =	vadd.f32 v50, v1;
	v50 =	vld [tilespmem:$0x1FE10]  }
0x2e3: {  	v2 =	vadd.f32 v4, v2;
	v4 =	vld.idx.msk [tilespmem:v47+s19+$0x0], $0xffff  }
0x2e4: {  	v5 =	vunpack.i.l.bf16.f32 v5;
	v8 =	vld.idx.msk [tilespmem:v49+s18+$0x0], $0xffff  }
0x2e5: {  	v2 =	vadd.f32 v5, v2;
	v5 =	vld.idx.msk [tilespmem:v49+s19+$0x0], $0xffff  }
0x2e6: {  	v6 =	vunpack.i.l.bf16.f32 v6;
	v3 =	vmul.bf16 v3, v10;
	v10 =	vld.idx.msk [tilespmem:v34+s18+$0x0], $0xffff  }
0x2e7: {  	v2 =	vadd.f32 v6, v2;
	v6 =	vld.idx.msk [tilespmem:v34+s19+$0x0], $0xffff  }
0x2e8: {  	v47 =	vunpack.i.u.bf16.f32 v3;
	v3 =	vunpack.i.l.bf16.f32 v3;
	v4 =	vmul.bf16 v4, v9;
	v9 =	vld.idx.msk [tilespmem:v48+s18+$0x0], $0xffff  }
0x2e9: {  	v2 =	vadd.f32 v3, v2;
	v1 =	vadd.f32 v47, v1;
	v3 =	vld.idx.msk [tilespmem:v48+s19+$0x0], $0xffff  }
0x2ea: {  	v49 =	vunpack.i.u.bf16.f32 v4;
	v4 =	vunpack.i.l.bf16.f32 v4;
	v5 =	vmul.bf16 v5, v8;
	v34 =	vld.idx.msk [tilespmem:v50+s18+$0x0], $0xffff  }
0x2eb: {  	v2 =	vadd.f32 v4, v2;
	v1 =	vadd.f32 v49, v1;
	v47 =	vld.idx.msk [tilespmem:v50+s19+$0x0], $0xffff  }
0x2ec: {  	v48 =	vunpack.i.u.bf16.f32 v5;
	v5 =	vunpack.i.l.bf16.f32 v5;
	v6 =	vmul.bf16 v6, v10  }
0x2ed: {  	v2 =	vadd.f32 v5, v2;
	v1 =	vadd.f32 v48, v1  }
0x2ee: {  	v3 =	vmul.bf16 v3, v9;
	v49 =	vunpack.i.u.bf16.f32 v6;
	v6 =	vunpack.i.l.bf16.f32 v6  }
0x2ef: {  	v2 =	vadd.f32 v6, v2;
	v1 =	vadd.f32 v49, v1  }
0x2f0: {  	v4 =	vmul.bf16 v47, v34;
	v50 =	vunpack.i.u.bf16.f32 v3;
	v3 =	vunpack.i.l.bf16.f32 v3  }
0x2f1: {  	v2 =	vadd.f32 v3, v2;
	v1 =	vadd.f32 v50, v1  }
0x2f2: {  	v3 =	vunpack.i.u.bf16.f32 v4;
	v4 =	vunpack.i.l.bf16.f32 v4  }
0x2f3: {  	v2 =	vadd.f32 v4, v2;
	v1 =	vadd.f32 v3, v1;
	_ =	sdelay $0x1  }
0x2f4: {  	v1 =	vadd.f32 v2, v1;
	_ =	sdelay $0x1  }
0x2f5: {  	v1 =	vsub.f32 $0.0e+00, v1;
	_ =	sdelay $0x1  }
0x2f6: {  	v1 =	vmul.f32 $1.442695020e+00, v1;
	_ =	sdelay $0x1  }
0x2f7: {  	(erf) = vpow2.f32 v1;
	_ =	sdelay $0x8  }
0x2f8: {  	v1 =	vpop (erf)  }
0x2f9: {  	v1 =	vadd.f32 $1.000000000e+00, v1;
	_ =	sdelay $0x1  }
0x2fa: {  	(erf) = vrcp.f32 v1;
	_ =	sdelay $0x5  }
0x2fb: {  	s0 =	sshll.u32 s30, $0x6  }
.Ltmp7:
0x2fc: {  	s1 =	sor.u32 s4, s0;
	(pc) =	sbr.rel @p0 .LBB2_11-.Ltmp7, $4  }
0x2fd: {  	s1 =	smul.u32 $0x32, s1;
	[tilespmem:$0x1FA60] =	vst v27  }
0x2fe: {  	[tilespmem:$0x1FA70] =	vst v11;
	v1 =	vpop (erf)  }
0x2ff: {  	s1 =	sadd.s32 s2, s1;
	[tilespmem:$0x197C0] =	vst v1  }
0x300: {  	[hbm4b:s1+s3] =	stream.linear.scatter [tilespmem:s21], [sflag:$0x5], $0x190, $0x38;
	[tilespmem:$0x19960] =	vst v63  }
0x301: {  	[tilespmem:$0x1F710] =	vst v32  }
0x302: {  	[tilespmem:$0x1F720] =	vst v36  }
0x303: {  	[tilespmem:$0x1F730] =	vst v38  }
0x304: {  	[tilespmem:$0x1F740] =	vst v63  }
0x305: {  	[tilespmem:$0x1F750] =	vst v62  }
0x306: {  	[tilespmem:$0x1F760] =	vst v61  }
0x307: {  	[tilespmem:$0x1F770] =	vst v60  }
0x308: {  	[tilespmem:$0x1F780] =	vst v59  }
0x309: {  	[tilespmem:$0x1F790] =	vst v58  }
0x30a: {  	[tilespmem:$0x1F7A0] =	vst v57  }
0x30b: {  	[tilespmem:$0x1F7B0] =	vst v56  }
0x30c: {  	[tilespmem:$0x1F7C0] =	vst v55  }
0x30d: {  	[tilespmem:$0x1F7D0] =	vst v54  }
0x30e: {  	[tilespmem:$0x1F7E0] =	vst v53  }
0x30f: {  	[tilespmem:$0x1F7F0] =	vst v52  }
0x310: {  	[tilespmem:$0x1F800] =	vst v51  }
0x311: {  	[tilespmem:$0x1F810] =	vst v21  }
0x312: {  	[tilespmem:$0x1F820] =	vst v20  }
0x313: {  	[tilespmem:$0x1F830] =	vst v19  }
0x314: {  	[tilespmem:$0x1F840] =	vst v22  }
0x315: {  	[tilespmem:$0x1F850] =	vst v46  }
0x316: {  	[tilespmem:$0x1F860] =	vst v45  }
0x317: {  	[tilespmem:$0x1F870] =	vst v43  }
0x318: {  	[tilespmem:$0x1F880] =	vst v42  }
0x319: {  	[tilespmem:$0x1F890] =	vst v37  }
0x31a: {  	[tilespmem:$0x1F8A0] =	vst v35  }
0x31b: {  	[tilespmem:$0x1F8B0] =	vst v31  }
0x31c: {  	[tilespmem:$0x1F8C0] =	vst v30  }
0x31d: {  	[tilespmem:$0x1F8D0] =	vst v29  }
0x31e: {  	[tilespmem:$0x1F8E0] =	vst v28  }
0x31f: {  	[tilespmem:$0x1F8F0] =	vst v41  }
0x320: {  	[tilespmem:$0x1F900] =	vst v25  }
0x321: {  	[tilespmem:$0x1F910] =	vst v24  }
0x322: {  	[tilespmem:$0x1F920] =	vst v0  }
0x323: {  	[tilespmem:$0x1F930] =	vst v16  }
0x324: {  	[tilespmem:$0x1F940] =	vst v33  }
0x325: {  	_ =	swait.ge [sflag:s17], $0x190  }
0x326: {  	[sflag:s17] =	ssyncset.done $0x0  }
0x327: {  	[sflag:s17] =	ssyncadd.s32 $0xFFFFFE70  }
0x328: {  	_ =	swait.ge [sflag:s17], $0x190  }
0x329: {  	[sflag:s17] =	ssyncset.done $0x0  }
0x32a: {  	[sflag:s17] =	ssyncadd.s32 $0xFFFFFE70  }
0x32b: {  	[tilespmem:s18], [sflag:$0x3] =	stream.indirect.gather [hbm4b:s6+s14], $0x40, s3, s14, $0xb8;
	[tilespmem:$0x19960] =	vst v63  }
0x32c: {  	_ = 	snop  }
0x32d: {  	[tilespmem:s19], [sflag:$0x3] =	stream.indirect.gather [hbm4b:s6+s14], $0x40, s14, s14, $0xb8;
	[tilespmem:$0x19960] =	vst v63  }
0x32e: {  	p0 =	sgt.u32 s30, $0xA;
	_ =	swait.ge [sflag:s22], $0x6400  }
0x32f: {  	s0 =	sadd.s32 @!p0 s12, s0;
	[sflag:s22] =	ssyncset.done $0x0  }
0x330: {  	s0 =	smul.u32 @!p0 $0x190, s0;
	[sflag:s22] =	ssyncadd.s32 $0xFFFF9C00  }
0x331: {  	_ =	swait.ge [sflag:s22], $0x6400  }
0x332: {  	s1 =	simm.s32 @!p0 $0x0;
	s0 =	sshrl.u32 @!p0 s0, $0x3;
	[sflag:s22] =	ssyncset.done $0x0  }
0x333: {  	s15 =	simm.s32 @!p0 $0x320;
	s0 =	sadd.s32 @!p0 s5, s0;
	[sflag:s22] =	ssyncadd.s32 $0xFFFF9C00  }
0x334: {  	[tilespmem:s15], [sflag:$0x2] =	stream.linear.gather @!p0 [hbm4b:s0+s1], $0x190, $0x38;
	[tilespmem:$0x19960] =	vst v63  }
0x335: {  	s0 =	sadd.s32 @!p0 $0x9C40, s0;
	s15 =	simm.s32 @!p0 $0x4B0  }
0x336: {  	[tilespmem:s15], [sflag:$0x2] =	stream.linear.gather @!p0 [hbm4b:s0+s1], $0x190, $0x38;
	[tilespmem:$0x19960] =	vst v63  }
0x337: {  	s0 =	simm.s32 @!p1 $0x6  }
0x338: {  	_ =	swait.ge @!p1 [sflag:s0], $0x190  }
0x339: {  	[tilespmem:$0x1F950] =	vst v44  }
0x33a: {  	[tilespmem:$0x1F960] =	vst v39  }
0x33b: {  	[tilespmem:$0x1F970] =	vst v23  }
0x33c: {  	[tilespmem:$0x1F980] =	vst v40  }
0x33d: {  	s1 =	simm.s32 $0x197E0;
	[sflag:s0] =	ssyncset.done @!p1 $0x0;
	[tilespmem:$0x1F990] =	vst v26  }
0x33e: {  	s15 =	simm.s32 $0x10;
	[tilespmem:$0x1F9A0] =	vst v18;
	[sflag:s0] =	ssyncadd.s32 @!p1 $0xFFFFFE70;
	s0 =	simm.s32 $0xFFFFFFFE  }
.LBB2_9:
0x33f: {  	v51 =	vld [tilespmem:$0x1FA80]  }
0x340: {  	v52 =	vld [tilespmem:$0x1FA90]  }
0x341: {  	v53 =	vld [tilespmem:$0x1FAA0]  }
0x342: {  	v54 =	vld [tilespmem:$0x1FAB0]  }
0x343: {  	v56 =	vld [tilespmem:$0x1FAC0]  }
0x344: {  	v57 =	vld [tilespmem:$0x1FAD0]  }
0x345: {  	s16 =	sadd.s32 $0xFFFFFFF0, s15;
	v26 =	vld [tilespmem:$0x1FAE0]  }
0x346: {  	v63 =	vld [tilespmem:$0x1FAF0];
	v1 =	vmov s16  }
0x347: {  	v32 =	vld [tilespmem:$0x1FB00];
	v1 =	vshll.u32 v1, $0x6  }
0x348: {  	v16 =	vlaneseq.u32;
	v61 =	vld [tilespmem:$0x1FB10];
	v1 =	vor.u32 v17, v1  }
0x349: {  	v23 =	vld [tilespmem:$0x1FB20];
	v2 =	vor.u32 v16, v1  }
0x34a: {  	v28 =	vld [tilespmem:$0x1FB30]  }
0x34b: {  	v29 =	vld [tilespmem:$0x1FB40];
	v3 =	vor.u32 v51, v1  }
0x34c: {  	v34 =	vld [tilespmem:$0x1FB50]  }
0x34d: {  	v35 =	vld [tilespmem:$0x1FB60];
	v4 =	vor.u32 v52, v1  }
0x34e: {  	v5 =	vld.idx.msk [tilespmem:v2+s23+$0x0], $0xffff  }
0x34f: {  	v6 =	vor.u32 v53, v1;
	v2 =	vld.idx.msk [tilespmem:v2+s24+$0x0], $0xffff  }
0x350: {  	v7 =	vld.idx.msk [tilespmem:v3+s23+$0x0], $0xffff  }
0x351: {  	v8 =	vor.u32 v54, v1;
	v3 =	vld.idx.msk [tilespmem:v3+s24+$0x0], $0xffff  }
0x352: {  	v9 =	vld.idx.msk [tilespmem:v4+s23+$0x0], $0xffff  }
0x353: {  	v10 =	vor.u32 v56, v1;
	v4 =	vld.idx.msk [tilespmem:v4+s24+$0x0], $0xffff  }
0x354: {  	v11 =	vld.idx.msk [tilespmem:v6+s23+$0x0], $0xffff  }
0x355: {  	v37 =	vor.u32 v57, v1;
	v36 =	vld.idx.msk [tilespmem:v6+s24+$0x0], $0xffff  }
0x356: {  	v38 =	vld.idx.msk [tilespmem:v8+s23+$0x0], $0xffff  }
0x357: {  	v13 =	vor.u32 v26, v1;
	v8 =	vld.idx.msk [tilespmem:v8+s24+$0x0], $0xffff  }
0x358: {  	v15 =	vld.idx.msk [tilespmem:v10+s23+$0x0], $0xffff  }
0x359: {  	v40 =	vor.u32 v63, v1;
	v39 =	vld.idx.msk [tilespmem:v10+s24+$0x0], $0xffff  }
0x35a: {  	v42 =	vld.idx.msk [tilespmem:v37+s23+$0x0], $0xffff  }
0x35b: {  	v44 =	vor.u32 v32, v1;
	v6 =	vld.idx.msk [tilespmem:v37+s24+$0x0], $0xffff  }
0x35c: {  	v46 =	vld.idx.msk [tilespmem:v13+s23+$0x0], $0xffff  }
0x35d: {  	v48 =	vor.u32 v61, v1;
	v47 =	vld.idx.msk [tilespmem:v13+s24+$0x0], $0xffff  }
0x35e: {  	v50 =	vld.idx.msk [tilespmem:v40+s23+$0x0], $0xffff  }
0x35f: {  	v62 =	vor.u32 v28, v1;
	v10 =	vld.idx.msk [tilespmem:v40+s24+$0x0], $0xffff  }
0x360: {  	v59 =	vld.idx.msk [tilespmem:v44+s23+$0x0], $0xffff;
	v2 =	vmul.bf16 v2, v5  }
0x361: {  	v25 =	vor.u32 v29, v1;
	v60 =	vld.idx.msk [tilespmem:v44+s24+$0x0], $0xffff  }
0x362: {  	v21 =	vld.idx.msk [tilespmem:v48+s23+$0x0], $0xffff;
	v3 =	vmul.bf16 v3, v7;
	v49 =	vmul.bf16 v39, v15;
	v12 =	vunpack.i.u.bf16.f32 v2  }
0x363: {  	v24 =	vld.idx.msk [tilespmem:v48+s24+$0x0], $0xffff;
	v15 =	vor.u32 v23, v1;
	v2 =	vunpack.i.l.bf16.f32 v2;
	v12 =	vadd.f32 $0.0e+00, v12  }
0x364: {  	v40 =	vld.idx.msk [tilespmem:v62+s23+$0x0], $0xffff;
	v4 =	vmul.bf16 v4, v9;
	v14 =	vunpack.i.u.bf16.f32 v3;
	v2 =	vadd.f32 $0.0e+00, v2  }
0x365: {  	v6 =	vmul.bf16 v6, v42;
	v42 =	vld.idx.msk [tilespmem:v62+s24+$0x0], $0xffff;
	v3 =	vunpack.i.l.bf16.f32 v3;
	v41 =	vadd.f32 v14, v12  }
0x366: {  	v5 =	vmul.bf16 v36, v11;
	v36 =	vld [tilespmem:$0x1FB70];
	v43 =	vunpack.i.u.bf16.f32 v4;
	v2 =	vadd.f32 v3, v2  }
0x367: {  	v20 =	vmul.bf16 v47, v46;
	v46 =	vld.idx.msk [tilespmem:v25+s24+$0x0], $0xffff;
	v4 =	vunpack.i.l.bf16.f32 v4;
	v3 =	vadd.f32 v43, v41  }
0x368: {  	v7 =	vmul.bf16 v8, v38;
	v45 =	vunpack.i.u.bf16.f32 v5;
	v30 =	vld.idx.msk [tilespmem:v15+s23+$0x0], $0xffff;
	v2 =	vadd.f32 v4, v2  }
0x369: {  	v5 =	vunpack.i.l.bf16.f32 v5;
	v31 =	vld.idx.msk [tilespmem:v15+s24+$0x0], $0xffff;
	v15 =	vor.u32 v34, v1;
	v3 =	vadd.f32 v45, v3  }
0x36a: {  	v38 =	vld [tilespmem:$0x1FB80];
	v55 =	vunpack.i.u.bf16.f32 v7;
	v2 =	vadd.f32 v5, v2  }
0x36b: {  	v62 =	vld [tilespmem:$0x1FBA0];
	v7 =	vunpack.i.l.bf16.f32 v7;
	v47 =	vor.u32 v36, v1;
	v3 =	vadd.f32 v55, v3  }
0x36c: {  	v39 =	vmul.bf16 v60, v59;
	v60 =	vld [tilespmem:$0x1FBE0];
	v58 =	vunpack.i.u.bf16.f32 v49;
	v2 =	vadd.f32 v7, v2  }
0x36d: {  	v4 =	vunpack.i.l.bf16.f32 v49;
	v43 =	vor.u32 v35, v1;
	v45 =	vld.idx.msk [tilespmem:v25+s23+$0x0], $0xffff;
	v3 =	vadd.f32 v58, v3  }
0x36e: {  	v22 =	vunpack.i.u.bf16.f32 v6;
	v49 =	vld.idx.msk [tilespmem:v15+s23+$0x0], $0xffff;
	v2 =	vadd.f32 v4, v2  }
0x36f: {  	v6 =	vunpack.i.l.bf16.f32 v6;
	v27 =	vunpack.i.u.bf16.f32 v20;
	v55 =	vld.idx.msk [tilespmem:v15+s24+$0x0], $0xffff;
	v3 =	vadd.f32 v22, v3  }
0x370: {  	v5 =	vmul.bf16 v10, v50;
	v48 =	vmul.bf16 v31, v30;
	v30 =	vld.idx.msk [tilespmem:v47+s24+$0x0], $0xffff;
	v2 =	vadd.f32 v6, v2  }
0x371: {  	v31 =	vor.u32 v62, v1;
	v4 =	vunpack.i.l.bf16.f32 v20;
	v3 =	vadd.f32 v27, v3;
	v27 =	vld [tilespmem:$0x1FB90]  }
0x372: {  	v15 =	vor.u32 v38, v1;
	v59 =	vld.idx.msk [tilespmem:v43+s23+$0x0], $0xffff;
	v2 =	vadd.f32 v4, v2  }
0x373: {  	v41 =	vunpack.i.u.bf16.f32 v5;
	v5 =	vunpack.i.l.bf16.f32 v5;
	v20 =	vld.idx.msk [tilespmem:v43+s24+$0x0], $0xffff  }
0x374: {  	v2 =	vadd.f32 v5, v2;
	v3 =	vadd.f32 v41, v3;
	v5 =	vmul.bf16 v55, v49;
	v55 =	vld [tilespmem:$0x1FBB0]  }
0x375: {  	v44 =	vunpack.i.u.bf16.f32 v39;
	v7 =	vmul.bf16 v24, v21;
	v24 =	vld.idx.msk [tilespmem:v47+s23+$0x0], $0xffff  }
0x376: {  	v22 =	vmul.bf16 v46, v45;
	v46 =	vld.idx.msk [tilespmem:v31+s23+$0x0], $0xffff;
	v3 =	vadd.f32 v44, v3;
	v21 =	vor.u32 v27, v1  }
0x377: {  	v50 =	vunpack.i.u.bf16.f32 v7;
	v7 =	vunpack.i.l.bf16.f32 v7;
	v37 =	vld.idx.msk [tilespmem:v15+s23+$0x0], $0xffff;
	v4 =	vunpack.i.l.bf16.f32 v39  }
0x378: {  	v58 =	vunpack.i.u.bf16.f32 v48;
	v39 =	vld.idx.msk [tilespmem:v15+s24+$0x0], $0xffff;
	v2 =	vadd.f32 v4, v2;
	v3 =	vadd.f32 v50, v3  }
0x379: {  	v6 =	vmul.bf16 v42, v40;
	v40 =	vmul.bf16 v20, v59;
	v59 =	vld [tilespmem:$0x1FBD0];
	v15 =	vor.u32 v55, v1  }
0x37a: {  	v2 =	vadd.f32 v7, v2;
	v3 =	vadd.f32 v58, v3;
	v58 =	vld [tilespmem:$0x1FBC0]  }
0x37b: {  	v4 =	vunpack.i.l.bf16.f32 v48;
	v41 =	vld.idx.msk [tilespmem:v21+s23+$0x0], $0xffff  }
0x37c: {  	v25 =	vunpack.i.u.bf16.f32 v6;
	v6 =	vunpack.i.l.bf16.f32 v6;
	v2 =	vadd.f32 v4, v2;
	v43 =	vld.idx.msk [tilespmem:v21+s24+$0x0], $0xffff  }
0x37d: {  	v47 =	vld.idx.msk [tilespmem:v31+s24+$0x0], $0xffff;
	v33 =	vunpack.i.u.bf16.f32 v22;
	v45 =	vunpack.i.u.bf16.f32 v40;
	v3 =	vadd.f32 v25, v3  }
0x37e: {  	v7 =	vmul.bf16 v30, v24;
	v48 =	vor.u32 v59, v1;
	v2 =	vadd.f32 v6, v2;
	v50 =	vld.idx.msk [tilespmem:v15+s23+$0x0], $0xffff  }
0x37f: {  	v4 =	vunpack.i.l.bf16.f32 v22;
	v3 =	vadd.f32 v33, v3;
	v24 =	vld.idx.msk [tilespmem:v15+s24+$0x0], $0xffff;
	v15 =	vor.u32 v60, v1  }
0x380: {  	v42 =	vunpack.i.u.bf16.f32 v5;
	v2 =	vadd.f32 v4, v2;
	v4 =	vunpack.i.l.bf16.f32 v40;
	v40 =	vld [tilespmem:$0x1FE20]  }
0x381: {  	v44 =	vor.u32 v58, v1;
	v3 =	vadd.f32 v42, v3;
	v6 =	vmul.bf16 v43, v41;
	v41 =	vld [tilespmem:$0x1FE30]  }
0x382: {  	v43 =	vld [tilespmem:$0x1FE40]  }
0x383: {  	v3 =	vadd.f32 v45, v3;
	v45 =	vld.idx.msk [tilespmem:v48+s23+$0x0], $0xffff  }
0x384: {  	v5 =	vunpack.i.l.bf16.f32 v5;
	v21 =	vld.idx.msk [tilespmem:v15+s23+$0x0], $0xffff  }
0x385: {  	v49 =	vmul.bf16 v39, v37;
	v2 =	vadd.f32 v5, v2;
	v37 =	vld.idx.msk [tilespmem:v15+s24+$0x0], $0xffff  }
0x386: {  	v22 =	vunpack.i.u.bf16.f32 v7;
	v30 =	vld.idx.msk [tilespmem:v44+s23+$0x0], $0xffff  }
0x387: {  	v2 =	vadd.f32 v4, v2;
	v33 =	vor.u32 v40, v1;
	v3 =	vadd.f32 v22, v3;
	v31 =	vld.idx.msk [tilespmem:v44+s24+$0x0], $0xffff  }
0x388: {  	v7 =	vunpack.i.l.bf16.f32 v7;
	v25 =	vunpack.i.u.bf16.f32 v49;
	v44 =	vmul.bf16 v47, v46;
	v47 =	vld.idx.msk [tilespmem:v48+s24+$0x0], $0xffff  }
0x389: {  	v2 =	vadd.f32 v7, v2;
	v3 =	vadd.f32 v25, v3;
	v15 =	vor.u32 v43, v1;
	v25 =	vld [tilespmem:$0x1FE50]  }
0x38a: {  	v0 =	vld [tilespmem:$0x1FE80];
	v4 =	vunpack.i.l.bf16.f32 v49;
	v5 =	vmul.bf16 v24, v50;
	v46 =	vunpack.i.u.bf16.f32 v6  }
0x38b: {  	v6 =	vunpack.i.l.bf16.f32 v6;
	v2 =	vadd.f32 v4, v2;
	v3 =	vadd.f32 v46, v3;
	v46 =	vld [tilespmem:$0x1FE60]  }
0x38c: {  	v48 =	vor.u32 v41, v1;
	v20 =	vunpack.i.u.bf16.f32 v44;
	v4 =	vunpack.i.l.bf16.f32 v44;
	v42 =	vld.idx.msk [tilespmem:v33+s23+$0x0], $0xffff  }
0x38d: {  	v2 =	vadd.f32 v6, v2;
	v39 =	vmul.bf16 v31, v30;
	v7 =	vmul.bf16 v47, v45;
	v45 =	vld [tilespmem:$0x1FE70]  }
0x38e: {  	v3 =	vadd.f32 v20, v3;
	v20 =	vmul.bf16 v37, v21;
	v22 =	vor.u32 v25, v1;
	v21 =	vld.idx.msk [tilespmem:v15+s23+$0x0], $0xffff  }
0x38f: {  	v2 =	vadd.f32 v4, v2;
	v24 =	vunpack.i.u.bf16.f32 v39;
	v4 =	vunpack.i.l.bf16.f32 v39;
	v39 =	vld.idx.msk [tilespmem:v15+s24+$0x0], $0xffff  }
0x390: {  	v50 =	vld.idx.msk [tilespmem:v33+s24+$0x0], $0xffff;
	v33 =	vor.u32 v46, v1  }
0x391: {  	v30 =	vld.idx.msk [tilespmem:v48+s23+$0x0], $0xffff  }
0x392: {  	v49 =	vunpack.i.u.bf16.f32 v5;
	v5 =	vunpack.i.l.bf16.f32 v5;
	v31 =	vld.idx.msk [tilespmem:v48+s24+$0x0], $0xffff  }
0x393: {  	v2 =	vadd.f32 v5, v2;
	v3 =	vadd.f32 v49, v3;
	v49 =	vld.idx.msk [tilespmem:v22+s23+$0x0], $0xffff  }
0x394: {  	v15 =	vor.u32 v45, v1;
	v5 =	vmul.bf16 v39, v21;
	v21 =	vld [tilespmem:$0x1FEA0]  }
0x395: {  	v37 =	vunpack.i.u.bf16.f32 v7;
	v7 =	vunpack.i.l.bf16.f32 v7;
	v2 =	vadd.f32 v4, v2;
	v47 =	vld.idx.msk [tilespmem:v33+s23+$0x0], $0xffff  }
0x396: {  	v6 =	vmul.bf16 v50, v42;
	v42 =	vor.u32 v0, v1;
	v3 =	vadd.f32 v24, v3;
	v24 =	vld.idx.msk [tilespmem:v33+s24+$0x0], $0xffff  }
0x397: {  	v2 =	vadd.f32 v7, v2;
	v33 =	vld [tilespmem:$0x1FE90]  }
0x398: {  	v4 =	vunpack.i.l.bf16.f32 v20;
	v3 =	vadd.f32 v37, v3;
	v50 =	vld.idx.msk [tilespmem:v22+s24+$0x0], $0xffff  }
0x399: {  	v48 =	vunpack.i.u.bf16.f32 v20;
	v2 =	vadd.f32 v4, v2;
	v37 =	vld.idx.msk [tilespmem:v15+s23+$0x0], $0xffff  }
0x39a: {  	v22 =	vunpack.i.u.bf16.f32 v6;
	v6 =	vunpack.i.l.bf16.f32 v6;
	v3 =	vadd.f32 v48, v3;
	v39 =	vld.idx.msk [tilespmem:v15+s24+$0x0], $0xffff  }
0x39b: {  	v44 =	vmul.bf16 v31, v30;
	v2 =	vadd.f32 v6, v2;
	v6 =	vld.idx.msk [tilespmem:v42+s23+$0x0], $0xffff;
	v15 =	vor.u32 v21, v1  }
0x39c: {  	v3 =	vadd.f32 v22, v3;
	v22 =	vld [tilespmem:$0x1FEB0];
	v30 =	vor.u32 v33, v1  }
0x39d: {  	v31 =	vunpack.i.u.bf16.f32 v44;
	v4 =	vunpack.i.l.bf16.f32 v44;
	v48 =	vmul.bf16 v50, v49;
	v50 =	vld.idx.msk [tilespmem:v42+s24+$0x0], $0xffff  }
0x39e: {  	v2 =	vadd.f32 v4, v2;
	v3 =	vadd.f32 v31, v3;
	v31 =	vld [tilespmem:$0x1FEE0]  }
0x39f: {  	v49 =	vunpack.i.u.bf16.f32 v5;
	v5 =	vunpack.i.l.bf16.f32 v5;
	v7 =	vmul.bf16 v24, v47;
	v24 =	vld [tilespmem:$0x1FEC0]  }
0x3a0: {  	v2 =	vadd.f32 v5, v2;
	v5 =	vld.idx.msk [tilespmem:v15+s23+$0x0], $0xffff  }
0x3a1: {  	v20 =	vor.u32 v22, v1;
	v44 =	vld.idx.msk [tilespmem:v30+s23+$0x0], $0xffff  }
0x3a2: {  	v3 =	vadd.f32 v49, v3;
	v47 =	vld.idx.msk [tilespmem:v30+s24+$0x0], $0xffff  }
0x3a3: {  	v42 =	vunpack.i.u.bf16.f32 v48;
	v4 =	vunpack.i.l.bf16.f32 v48;
	v37 =	vmul.bf16 v39, v37;
	v30 =	vld [tilespmem:$0x1FED0]  }
0x3a4: {  	v2 =	vadd.f32 v4, v2;
	v3 =	vadd.f32 v42, v3;
	v42 =	vld.idx.msk [tilespmem:v15+s24+$0x0], $0xffff  }
0x3a5: {  	v49 =	vunpack.i.u.bf16.f32 v37;
	v4 =	vunpack.i.l.bf16.f32 v37;
	v37 =	vld [tilespmem:$0x1FEF0];
	v48 =	vor.u32 v24, v1  }
0x3a6: {  	v39 =	vunpack.i.u.bf16.f32 v7;
	v9 =	vld.idx.msk [tilespmem:v20+s23+$0x0], $0xffff  }
0x3a7: {  	v7 =	vunpack.i.l.bf16.f32 v7;
	v6 =	vmul.bf16 v50, v6;
	v50 =	vld.idx.msk [tilespmem:v20+s24+$0x0], $0xffff;
	v20 =	vor.u32 v31, v1  }
0x3a8: {  	v18 =	vld [tilespmem:$0x1FF10];
	v2 =	vadd.f32 v7, v2;
	v15 =	vor.u32 v30, v1  }
0x3a9: {  	v5 =	vmul.bf16 v42, v5;
	v42 =	vld [tilespmem:$0x1FF00]  }
0x3aa: {  	v3 =	vadd.f32 v39, v3;
	v2 =	vadd.f32 v4, v2;
	v13 =	vor.u32 v37, v1;
	v7 =	vld.idx.msk [tilespmem:v48+s23+$0x0], $0xffff  }
0x3ab: {  	v44 =	vmul.bf16 v47, v44;
	v47 =	vunpack.i.u.bf16.f32 v6;
	v6 =	vunpack.i.l.bf16.f32 v6;
	v12 =	vld.idx.msk [tilespmem:v48+s24+$0x0], $0xffff  }
0x3ac: {  	v3 =	vadd.f32 v49, v3;
	v2 =	vadd.f32 v6, v2;
	v6 =	vld.idx.msk [tilespmem:v20+s23+$0x0], $0xffff  }
0x3ad: {  	v8 =	vld.idx.msk [tilespmem:v15+s23+$0x0], $0xffff  }
0x3ae: {  	v3 =	vadd.f32 v47, v3;
	v49 =	vld.idx.msk [tilespmem:v15+s24+$0x0], $0xffff;
	v15 =	vor.u32 v42, v1  }
0x3af: {  	v48 =	vunpack.i.u.bf16.f32 v44;
	v11 =	vld.idx.msk [tilespmem:v20+s24+$0x0], $0xffff  }
0x3b0: {  	v4 =	vunpack.i.l.bf16.f32 v44;
	v50 =	vmul.bf16 v50, v9;
	v3 =	vadd.f32 v48, v3;
	v9 =	vld.idx.msk [tilespmem:v13+s23+$0x0], $0xffff  }
0x3b1: {  	v39 =	vunpack.i.u.bf16.f32 v5;
	v44 =	vor.u32 v18, v1;
	v2 =	vadd.f32 v4, v2;
	v48 =	vld.idx.msk [tilespmem:v13+s24+$0x0], $0xffff  }
0x3b2: {  	v5 =	vunpack.i.l.bf16.f32 v5;
	v3 =	vadd.f32 v39, v3;
	v39 =	vld [tilespmem:$0x1FF20]  }
0x3b3: {  	v2 =	vadd.f32 v5, v2;
	v5 =	vld.idx.msk [tilespmem:v15+s23+$0x0], $0xffff  }
0x3b4: {  	v10 =	vld.idx.msk [tilespmem:v15+s24+$0x0], $0xffff  }
0x3b5: {  	v47 =	vunpack.i.u.bf16.f32 v50;
	v15 =	vld [tilespmem:$0x1FF30]  }
0x3b6: {  	v4 =	vunpack.i.l.bf16.f32 v50;
	v7 =	vmul.bf16 v12, v7;
	v6 =	vmul.bf16 v11, v6;
	v11 =	vld.idx.msk [tilespmem:v44+s24+$0x0], $0xffff  }
0x3b7: {  	v3 =	vadd.f32 v47, v3;
	v13 =	vor.u32 v39, v1;
	v49 =	vmul.bf16 v49, v8;
	v8 =	vld.idx.msk [tilespmem:v44+s23+$0x0], $0xffff  }
0x3b8: {  	v2 =	vadd.f32 v4, v2;
	v50 =	vunpack.i.u.bf16.f32 v7;
	v44 =	vld [tilespmem:$0x1FF40]  }
0x3b9: {  	v7 =	vunpack.i.l.bf16.f32 v7;
	v3 =	vadd.f32 v50, v3;
	v50 =	vld [tilespmem:$0x1FF50]  }
0x3ba: {  	v2 =	vadd.f32 v7, v2;
	v15 =	vor.u32 v15, v1  }
0x3bb: {  	v47 =	vld [tilespmem:$0x1FF60];
	v48 =	vmul.bf16 v48, v9;
	v4 =	vunpack.i.l.bf16.f32 v49  }
0x3bc: {  	v20 =	vunpack.i.u.bf16.f32 v49;
	v49 =	vunpack.i.u.bf16.f32 v6;
	v2 =	vadd.f32 v4, v2;
	v7 =	vld.idx.msk [tilespmem:v13+s23+$0x0], $0xffff  }
0x3bd: {  	v6 =	vunpack.i.l.bf16.f32 v6;
	v3 =	vadd.f32 v20, v3;
	v14 =	vor.u32 v44, v1;
	v12 =	vld.idx.msk [tilespmem:v13+s24+$0x0], $0xffff  }
0x3be: {  	v20 =	vunpack.i.u.bf16.f32 v48;
	v13 =	vor.u32 v50, v1;
	v2 =	vadd.f32 v6, v2;
	v50 =	vld [tilespmem:$0x1FF70]  }
0x3bf: {  	v4 =	vunpack.i.l.bf16.f32 v48;
	v3 =	vadd.f32 v49, v3;
	v48 =	vmul.bf16 v11, v8;
	v9 =	vld.idx.msk [tilespmem:v15+s23+$0x0], $0xffff  }
0x3c0: {  	v5 =	vmul.bf16 v10, v5;
	v2 =	vadd.f32 v4, v2;
	v10 =	vld.idx.msk [tilespmem:v15+s24+$0x0], $0xffff;
	v15 =	vor.u32 v47, v1  }
0x3c1: {  	v3 =	vadd.f32 v20, v3;
	v20 =	vunpack.i.u.bf16.f32 v48;
	v4 =	vunpack.i.l.bf16.f32 v48;
	v48 =	vld [tilespmem:$0x1FF80]  }
0x3c2: {  	v6 =	vld.idx.msk [tilespmem:v14+s23+$0x0], $0xffff  }
0x3c3: {  	v11 =	vld.idx.msk [tilespmem:v14+s24+$0x0], $0xffff  }
0x3c4: {  	v49 =	vunpack.i.u.bf16.f32 v5;
	v5 =	vunpack.i.l.bf16.f32 v5;
	v8 =	vld.idx.msk [tilespmem:v13+s23+$0x0], $0xffff  }
0x3c5: {  	v2 =	vadd.f32 v5, v2;
	v5 =	vld.idx.msk [tilespmem:v15+s23+$0x0], $0xffff  }
0x3c6: {  	v3 =	vadd.f32 v49, v3;
	v49 =	vmul.bf16 v10, v9;
	v10 =	vld.idx.msk [tilespmem:v15+s24+$0x0], $0xffff  }
0x3c7: {  	v14 =	vor.u32 v50, v1;
	v7 =	vmul.bf16 v12, v7;
	v15 =	vld [tilespmem:$0x1FF90]  }
0x3c8: {  	v12 =	vld.idx.msk [tilespmem:v13+s24+$0x0], $0xffff;
	v2 =	vadd.f32 v4, v2;
	v3 =	vadd.f32 v20, v3  }
0x3c9: {  	v13 =	vor.u32 v48, v1;
	v50 =	vunpack.i.u.bf16.f32 v7;
	v7 =	vunpack.i.l.bf16.f32 v7  }
0x3ca: {  	v3 =	vadd.f32 v50, v3;
	v20 =	vunpack.i.u.bf16.f32 v49;
	v4 =	vunpack.i.l.bf16.f32 v49;
	v49 =	vld [tilespmem:$0x1FFA0]  }
0x3cb: {  	v2 =	vadd.f32 v7, v2;
	v50 =	vld [tilespmem:$0x1FC00];
	v6 =	vmul.bf16 v11, v6  }
0x3cc: {  	v9 =	vld.idx.msk [tilespmem:v14+s23+$0x0], $0xffff;
	v3 =	vadd.f32 v20, v3;
	v15 =	vor.u32 v15, v1  }
0x3cd: {  	v11 =	vld.idx.msk [tilespmem:v14+s24+$0x0], $0xffff;
	v2 =	vadd.f32 v4, v2;
	v4 =	vmul.bf16 v12, v8;
	v20 =	vunpack.i.u.bf16.f32 v6  }
0x3ce: {  	v7 =	vld.idx.msk [tilespmem:v13+s23+$0x0], $0xffff;
	v3 =	vadd.f32 v20, v3  }
0x3cf: {  	v12 =	vld.idx.msk [tilespmem:v13+s24+$0x0], $0xffff;
	v20 =	vunpack.i.u.bf16.f32 v4;
	v14 =	vor.u32 v49, v1  }
0x3d0: {  	v3 =	vadd.f32 v20, v3;
	v20 =	vld [tilespmem:$0x1F990]  }
0x3d1: {  	v8 =	vld.idx.msk [tilespmem:v15+s23+$0x0], $0xffff  }
0x3d2: {  	v6 =	vunpack.i.l.bf16.f32 v6;
	v5 =	vmul.bf16 v10, v5;
	v10 =	vld.idx.msk [tilespmem:v15+s24+$0x0], $0xffff  }
0x3d3: {  	v2 =	vadd.f32 v6, v2;
	v15 =	vld [tilespmem:$0x1FC10]  }
0x3d4: {  	v13 =	vor.u32 v50, v1;
	v4 =	vunpack.i.l.bf16.f32 v4;
	v6 =	vld.idx.msk [tilespmem:v14+s23+$0x0], $0xffff  }
0x3d5: {  	v2 =	vadd.f32 v4, v2;
	v4 =	vmul.bf16 v11, v9;
	v11 =	vld.idx.msk [tilespmem:v14+s24+$0x0], $0xffff  }
0x3d6: {  	v14 =	vor.u32 v20, v1;
	v20 =	vld [tilespmem:$0x1FC70]  }
0x3d7: {  	v9 =	vunpack.i.u.bf16.f32 v5;
	v5 =	vunpack.i.l.bf16.f32 v5  }
0x3d8: {  	v2 =	vadd.f32 v5, v2;
	v3 =	vadd.f32 v9, v3;
	v15 =	vor.u32 v15, v1  }
0x3d9: {  	v7 =	vmul.bf16 v12, v7;
	v12 =	vld.idx.msk [tilespmem:v13+s24+$0x0], $0xffff;
	v5 =	vunpack.i.u.bf16.f32 v4;
	v4 =	vunpack.i.l.bf16.f32 v4  }
0x3da: {  	v9 =	vld.idx.msk [tilespmem:v13+s23+$0x0], $0xffff;
	v2 =	vadd.f32 v4, v2;
	v3 =	vadd.f32 v5, v3  }
0x3db: {  	v4 =	vmul.bf16 v10, v8;
	v13 =	vor.u32 v20, v1;
	v20 =	vunpack.i.u.bf16.f32 v7;
	v8 =	vld.idx.msk [tilespmem:v14+s23+$0x0], $0xffff  }
0x3dc: {  	v3 =	vadd.f32 v20, v3;
	v20 =	vld [tilespmem:$0x1F980]  }
0x3dd: {  	v5 =	vld.idx.msk [tilespmem:v15+s23+$0x0], $0xffff  }
0x3de: {  	v7 =	vunpack.i.l.bf16.f32 v7;
	v10 =	vld.idx.msk [tilespmem:v15+s24+$0x0], $0xffff  }
0x3df: {  	v6 =	vmul.bf16 v11, v6;
	v2 =	vadd.f32 v7, v2;
	v7 =	vunpack.i.u.bf16.f32 v4;
	v15 =	vld [tilespmem:$0x1F9A0]  }
0x3e0: {  	v9 =	vmul.bf16 v12, v9;
	v11 =	vld.idx.msk [tilespmem:v14+s24+$0x0], $0xffff;
	v4 =	vunpack.i.l.bf16.f32 v4;
	v3 =	vadd.f32 v7, v3  }
0x3e1: {  	v2 =	vadd.f32 v4, v2;
	v4 =	vld.idx.msk [tilespmem:v13+s23+$0x0], $0xffff;
	v14 =	vor.u32 v20, v1;
	v20 =	vunpack.i.u.bf16.f32 v6  }
0x3e2: {  	v12 =	vld.idx.msk [tilespmem:v13+s24+$0x0], $0xffff;
	v3 =	vadd.f32 v20, v3  }
0x3e3: {  	v13 =	vld [tilespmem:$0x1F970];
	v20 =	vunpack.i.u.bf16.f32 v9  }
0x3e4: {  	v15 =	vor.u32 v15, v1;
	v3 =	vadd.f32 v20, v3;
	v20 =	vld [tilespmem:$0x1F960];
	_ =	sdelay $0x2  }
0x3e5: {  	v6 =	vunpack.i.l.bf16.f32 v6  }
0x3e6: {  	v19 =	vld [tilespmem:$0x1FCC0];
	v2 =	vadd.f32 v6, v2;
	v5 =	vmul.bf16 v10, v5  }
0x3e7: {  	v9 =	vunpack.i.l.bf16.f32 v9;
	v7 =	vor.u32 v13, v1;
	v6 =	vld.idx.msk [tilespmem:v15+s23+$0x0], $0xffff;
	v13 =	vor.u32 v20, v1  }
0x3e8: {  	v8 =	vmul.bf16 v11, v8;
	v2 =	vadd.f32 v9, v2;
	v10 =	vld.idx.msk [tilespmem:v15+s24+$0x0], $0xffff;
	v15 =	vunpack.i.u.bf16.f32 v5  }
0x3e9: {  	v9 =	vld.idx.msk [tilespmem:v14+s23+$0x0], $0xffff;
	v5 =	vunpack.i.l.bf16.f32 v5;
	v3 =	vadd.f32 v15, v3  }
0x3ea: {  	v4 =	vmul.bf16 v12, v4;
	v11 =	vld.idx.msk [tilespmem:v14+s24+$0x0], $0xffff;
	v2 =	vadd.f32 v5, v2;
	v5 =	vunpack.i.u.bf16.f32 v8  }
0x3eb: {  	v8 =	vunpack.i.l.bf16.f32 v8;
	v20 =	vld [tilespmem:$0x1FCD0];
	v3 =	vadd.f32 v5, v3  }
0x3ec: {  	v2 =	vadd.f32 v8, v2;
	v5 =	vunpack.i.u.bf16.f32 v4;
	v8 =	vld.idx.msk [tilespmem:v13+s23+$0x0], $0xffff  }
0x3ed: {  	v3 =	vadd.f32 v5, v3;
	v5 =	vld.idx.msk [tilespmem:v13+s24+$0x0], $0xffff  }
0x3ee: {  	v13 =	vld [tilespmem:$0x1F950]  }
0x3ef: {  	v12 =	vld.idx.msk [tilespmem:v7+s23+$0x0], $0xffff  }
0x3f0: {  	v14 =	vor.u32 v19, v1;
	v7 =	vld.idx.msk [tilespmem:v7+s24+$0x0], $0xffff;
	_ =	sdelay $0x1  }
0x3f1: {  	v4 =	vunpack.i.l.bf16.f32 v4;
	v6 =	vmul.bf16 v10, v6  }
0x3f2: {  	v2 =	vadd.f32 v4, v2;
	v4 =	vmul.bf16 v11, v9;
	v11 =	vor.u32 v13, v1;
	v13 =	vld [tilespmem:$0x1FCF0];
	_ =	sdelay $0x1  }
0x3f3: {  	v10 =	vor.u32 v20, v1;
	v9 =	vunpack.i.u.bf16.f32 v6;
	v7 =	vmul.bf16 v7, v12;
	v12 =	vld.idx.msk [tilespmem:v14+s24+$0x0], $0xffff  }
0x3f4: {  	v3 =	vadd.f32 v9, v3;
	v9 =	vld.idx.msk [tilespmem:v14+s23+$0x0], $0xffff  }
0x3f5: {  	v6 =	vunpack.i.l.bf16.f32 v6;
	v14 =	vld [tilespmem:$0x1FD00]  }
0x3f6: {  	v2 =	vadd.f32 v6, v2;
	v13 =	vor.u32 v13, v1  }
0x3f7: {  	v6 =	vunpack.i.u.bf16.f32 v4;
	v4 =	vunpack.i.l.bf16.f32 v4  }
0x3f8: {  	v2 =	vadd.f32 v4, v2;
	v3 =	vadd.f32 v6, v3;
	v4 =	vld.idx.msk [tilespmem:v10+s23+$0x0], $0xffff  }
0x3f9: {  	v6 =	vunpack.i.l.bf16.f32 v7;
	v7 =	vunpack.i.u.bf16.f32 v7;
	v5 =	vmul.bf16 v5, v8;
	v8 =	vld.idx.msk [tilespmem:v10+s24+$0x0], $0xffff  }
0x3fa: {  	v2 =	vadd.f32 v6, v2;
	v3 =	vadd.f32 v7, v3;
	v10 =	vor.u32 v14, v1;
	v14 =	vld [tilespmem:$0x1FD10]  }
0x3fb: {  	v7 =	vunpack.i.u.bf16.f32 v5;
	v5 =	vunpack.i.l.bf16.f32 v5;
	v9 =	vmul.bf16 v12, v9;
	v12 =	vld.idx.msk [tilespmem:v13+s23+$0x0], $0xffff  }
0x3fc: {  	v2 =	vadd.f32 v5, v2;
	v5 =	vld.idx.msk [tilespmem:v13+s24+$0x0], $0xffff  }
0x3fd: {  	v13 =	vld [tilespmem:$0x1FD20];
	_ =	sdelay $0x2  }
0x3fe: {  	v6 =	vld.idx.msk [tilespmem:v11+s23+$0x0], $0xffff;
	v14 =	vor.u32 v14, v1  }
0x3ff: {  	v15 =	vmov s15;
	v11 =	vld.idx.msk [tilespmem:v11+s24+$0x0], $0xffff  }
0x400: {  	v13 =	vor.u32 v13, v1;
	v1 =	vshll.u32 v15, $0x6  }
0x401: {  	v3 =	vadd.f32 v7, v3;
	v4 =	vmul.bf16 v8, v4;
	v8 =	vld.idx.msk [tilespmem:v10+s24+$0x0], $0xffff;
	v1 =	vor.u32 v17, v1  }
0x402: {  	v7 =	vunpack.i.u.bf16.f32 v9;
	v9 =	vunpack.i.l.bf16.f32 v9;
	v15 =	vld.idx.msk [tilespmem:v10+s23+$0x0], $0xffff;
	v10 =	vor.u32 v16, v1  }
0x403: {  	v2 =	vadd.f32 v9, v2;
	v3 =	vadd.f32 v7, v3;
	v9 =	vunpack.i.u.bf16.f32 v4;
	v7 =	vld.idx.msk [tilespmem:v14+s23+$0x0], $0xffff  }
0x404: {  	v4 =	vunpack.i.l.bf16.f32 v4;
	v6 =	vmul.bf16 v11, v6;
	v11 =	vld.idx.msk [tilespmem:v14+s24+$0x0], $0xffff;
	v14 =	vor.u32 v51, v1  }
0x405: {  	v2 =	vadd.f32 v4, v2;
	v3 =	vadd.f32 v9, v3;
	v5 =	vmul.bf16 v5, v12;
	v9 =	vld.idx.msk [tilespmem:v13+s23+$0x0], $0xffff  }
0x406: {  	v51 =	vunpack.i.u.bf16.f32 v6;
	v6 =	vunpack.i.l.bf16.f32 v6;
	v12 =	vld.idx.msk [tilespmem:v13+s24+$0x0], $0xffff;
	v13 =	vor.u32 v52, v1  }
0x407: {  	v2 =	vadd.f32 v6, v2;
	v6 =	vld.idx.msk [tilespmem:v10+s23+$0x0], $0xffff  }
0x408: {  	v3 =	vadd.f32 v51, v3;
	v51 =	vmul.bf16 v8, v15;
	v15 =	vor.u32 v53, v1;
	v10 =	vld.idx.msk [tilespmem:v10+s24+$0x0], $0xffff  }
0x409: {  	v7 =	vmul.bf16 v11, v7;
	v52 =	vunpack.i.u.bf16.f32 v5;
	v5 =	vunpack.i.l.bf16.f32 v5;
	v8 =	vld.idx.msk [tilespmem:v14+s23+$0x0], $0xffff  }
0x40a: {  	v26 =	vor.u32 v26, v1;
	v2 =	vadd.f32 v5, v2;
	v3 =	vadd.f32 v52, v3;
	v11 =	vld.idx.msk [tilespmem:v14+s24+$0x0], $0xffff  }
0x40b: {  	v53 =	vunpack.i.u.bf16.f32 v51;
	v4 =	vunpack.i.l.bf16.f32 v51;
	v14 =	vor.u32 v54, v1;
	v5 =	vld.idx.msk [tilespmem:v13+s23+$0x0], $0xffff  }
0x40c: {  	v2 =	vadd.f32 v4, v2;
	v3 =	vadd.f32 v53, v3;
	v4 =	vmul.bf16 v12, v9;
	v12 =	vld.idx.msk [tilespmem:v13+s24+$0x0], $0xffff  }
0x40d: {  	v54 =	vunpack.i.u.bf16.f32 v7;
	v51 =	vor.u32 v56, v1;
	v53 =	vld.idx.msk [tilespmem:v15+s23+$0x0], $0xffff  }
0x40e: {  	v3 =	vadd.f32 v54, v3;
	v54 =	vld.idx.msk [tilespmem:v15+s24+$0x0], $0xffff  }
0x40f: {  	v7 =	vunpack.i.l.bf16.f32 v7;
	v13 =	vor.u32 v63, v1;
	v63 =	vld.idx.msk [tilespmem:v26+s24+$0x0], $0xffff  }
0x410: {  	v2 =	vadd.f32 v7, v2;
	v15 =	vor.u32 v57, v1;
	v6 =	vmul.bf16 v10, v6;
	v7 =	vld.idx.msk [tilespmem:v14+s23+$0x0], $0xffff  }
0x411: {  	v52 =	vunpack.i.u.bf16.f32 v4;
	v4 =	vunpack.i.l.bf16.f32 v4;
	v56 =	vmul.bf16 v11, v8;
	v11 =	vld.idx.msk [tilespmem:v14+s24+$0x0], $0xffff  }
0x412: {  	v17 =	vld.idx.msk [tilespmem:v51+s23+$0x0], $0xffff;
	v2 =	vadd.f32 v4, v2;
	v57 =	vunpack.i.u.bf16.f32 v6  }
0x413: {  	v3 =	vadd.f32 v52, v3;
	v8 =	vadd.f32 $0.0e+00, v57;
	v5 =	vmul.bf16 v12, v5;
	v12 =	vld.idx.msk [tilespmem:v51+s24+$0x0], $0xffff  }
0x414: {  	v6 =	vunpack.i.l.bf16.f32 v6;
	v16 =	vunpack.i.u.bf16.f32 v56;
	v57 =	vld.idx.msk [tilespmem:v26+s23+$0x0], $0xffff;
	v26 =	vor.u32 v61, v1  }
0x415: {  	v6 =	vadd.f32 $0.0e+00, v6;
	v9 =	vld.idx.msk [tilespmem:v15+s23+$0x0], $0xffff;
	v51 =	vadd.f32 v16, v8;
	v16 =	vor.u32 v32, v1  }
0x416: {  	v4 =	vunpack.i.l.bf16.f32 v56;
	v52 =	vmul.bf16 v54, v53;
	v15 =	vld.idx.msk [tilespmem:v15+s24+$0x0], $0xffff;
	v53 =	vunpack.i.u.bf16.f32 v5  }
0x417: {  	v4 =	vadd.f32 v4, v6;
	v5 =	vunpack.i.l.bf16.f32 v5;
	v54 =	vadd.f32 v53, v51;
	v51 =	vld.idx.msk [tilespmem:v13+s23+$0x0], $0xffff  }
0x418: {  	v56 =	vunpack.i.u.bf16.f32 v52;
	v13 =	vld.idx.msk [tilespmem:v13+s24+$0x0], $0xffff;
	v32 =	vmul.bf16 v12, v17;
	v17 =	vor.u32 v23, v1  }
0x419: {  	v4 =	vadd.f32 v5, v4;
	v5 =	vadd.f32 v56, v54;
	v56 =	vmul.bf16 v63, v57;
	v57 =	vld.idx.msk [tilespmem:v26+s23+$0x0], $0xffff  }
0x41a: {  	v7 =	vmul.bf16 v11, v7;
	v23 =	vor.u32 v29, v1;
	v54 =	vld.idx.msk [tilespmem:v16+s23+$0x0], $0xffff  }
0x41b: {  	v9 =	vmul.bf16 v15, v9;
	v15 =	vld.idx.msk [tilespmem:v16+s24+$0x0], $0xffff;
	v16 =	vor.u32 v28, v1  }
0x41c: {  	v8 =	vunpack.i.l.bf16.f32 v52;
	v52 =	vunpack.i.u.bf16.f32 v7;
	v63 =	vld.idx.msk [tilespmem:v26+s24+$0x0], $0xffff  }
0x41d: {  	v5 =	vadd.f32 v52, v5;
	v28 =	vld.idx.msk [tilespmem:v17+s23+$0x0], $0xffff  }
0x41e: {  	v53 =	vunpack.i.u.bf16.f32 v32;
	v29 =	vld.idx.msk [tilespmem:v17+s24+$0x0], $0xffff;
	v17 =	vor.u32 v34, v1  }
0x41f: {  	v5 =	vadd.f32 v53, v5;
	v53 =	vld.idx.msk [tilespmem:v23+s23+$0x0], $0xffff  }
0x420: {  	v34 =	vld.idx.msk [tilespmem:v16+s23+$0x0], $0xffff  }
0x421: {  	v4 =	vadd.f32 v8, v4;
	v6 =	vunpack.i.l.bf16.f32 v32;
	v32 =	vmul.bf16 v15, v54;
	v15 =	vld.idx.msk [tilespmem:v16+s24+$0x0], $0xffff  }
0x422: {  	v7 =	vunpack.i.l.bf16.f32 v7;
	v61 =	vunpack.i.u.bf16.f32 v9;
	v16 =	vor.u32 v35, v1;
	v54 =	vld.idx.msk [tilespmem:v23+s24+$0x0], $0xffff  }
0x423: {  	v4 =	vadd.f32 v7, v4;
	v5 =	vadd.f32 v61, v5;
	v61 =	vld.idx.msk [tilespmem:v17+s23+$0x0], $0xffff  }
0x424: {  	v9 =	vunpack.i.l.bf16.f32 v9;
	v8 =	vmul.bf16 v13, v51;
	v23 =	vld.idx.msk [tilespmem:v17+s24+$0x0], $0xffff;
	v17 =	vor.u32 v38, v1  }
0x425: {  	v26 =	vunpack.i.u.bf16.f32 v56;
	v4 =	vadd.f32 v6, v4;
	v6 =	vunpack.i.l.bf16.f32 v56  }
0x426: {  	v56 =	vor.u32 v36, v1;
	v51 =	vunpack.i.u.bf16.f32 v8;
	v5 =	vadd.f32 v26, v5  }
0x427: {  	v7 =	vmul.bf16 v63, v57;
	v4 =	vadd.f32 v9, v4;
	v57 =	vmul.bf16 v29, v28;
	v28 =	vld.idx.msk [tilespmem:v16+s23+$0x0], $0xffff  }
0x428: {  	v5 =	vadd.f32 v51, v5;
	v9 =	vmul.bf16 v15, v34;
	v15 =	vld.idx.msk [tilespmem:v16+s24+$0x0], $0xffff;
	v16 =	vor.u32 v27, v1  }
0x429: {  	v4 =	vadd.f32 v6, v4;
	v52 =	vunpack.i.u.bf16.f32 v32;
	v51 =	vld.idx.msk [tilespmem:v17+s23+$0x0], $0xffff  }
0x42a: {  	v8 =	vunpack.i.l.bf16.f32 v8;
	v5 =	vadd.f32 v52, v5;
	v52 =	vld.idx.msk [tilespmem:v17+s24+$0x0], $0xffff;
	v17 =	vor.u32 v55, v1  }
0x42b: {  	v6 =	vunpack.i.l.bf16.f32 v32;
	v32 =	vld.idx.msk [tilespmem:v56+s23+$0x0], $0xffff;
	v4 =	vadd.f32 v8, v4  }
0x42c: {  	v36 =	vor.u32 v62, v1;
	v35 =	vld.idx.msk [tilespmem:v56+s24+$0x0], $0xffff  }
0x42d: {  	v63 =	vunpack.i.u.bf16.f32 v7;
	v29 =	vmul.bf16 v54, v53;
	v4 =	vadd.f32 v6, v4;
	v54 =	vld.idx.msk [tilespmem:v16+s23+$0x0], $0xffff  }
0x42e: {  	v5 =	vadd.f32 v63, v5;
	v53 =	vmul.bf16 v15, v28;
	v15 =	vld.idx.msk [tilespmem:v16+s24+$0x0], $0xffff;
	v16 =	vor.u32 v58, v1  }
0x42f: {  	v7 =	vunpack.i.l.bf16.f32 v7;
	v26 =	vunpack.i.u.bf16.f32 v57;
	v63 =	vld.idx.msk [tilespmem:v17+s23+$0x0], $0xffff  }
0x430: {  	v4 =	vadd.f32 v7, v4;
	v5 =	vadd.f32 v26, v5;
	v26 =	vld.idx.msk [tilespmem:v17+s24+$0x0], $0xffff;
	v17 =	vor.u32 v60, v1  }
0x431: {  	v6 =	vunpack.i.l.bf16.f32 v57;
	v57 =	vld.idx.msk [tilespmem:v36+s23+$0x0], $0xffff  }
0x432: {  	v8 =	vmul.bf16 v23, v61;
	v61 =	vor.u32 v59, v1;
	v4 =	vadd.f32 v6, v4;
	v58 =	vld.idx.msk [tilespmem:v36+s24+$0x0], $0xffff  }
0x433: {  	v34 =	vunpack.i.u.bf16.f32 v9;
	v9 =	vunpack.i.l.bf16.f32 v9;
	v36 =	vor.u32 v41, v1;
	v28 =	vld.idx.msk [tilespmem:v16+s23+$0x0], $0xffff  }
0x434: {  	v4 =	vadd.f32 v9, v4;
	v5 =	vadd.f32 v34, v5;
	v9 =	vmul.bf16 v15, v54;
	v15 =	vld.idx.msk [tilespmem:v16+s24+$0x0], $0xffff  }
0x435: {  	v38 =	vunpack.i.u.bf16.f32 v29;
	v16 =	vor.u32 v40, v1;
	v40 =	vld.idx.msk [tilespmem:v17+s23+$0x0], $0xffff  }
0x436: {  	v5 =	vadd.f32 v38, v5;
	v41 =	vld.idx.msk [tilespmem:v17+s24+$0x0], $0xffff;
	v17 =	vor.u32 v43, v1  }
0x437: {  	v7 =	vmul.bf16 v35, v32;
	v6 =	vunpack.i.l.bf16.f32 v29;
	v55 =	vunpack.i.u.bf16.f32 v8;
	v32 =	vld.idx.msk [tilespmem:v61+s23+$0x0], $0xffff  }
0x438: {  	v35 =	vld.idx.msk [tilespmem:v61+s24+$0x0], $0xffff;
	v4 =	vadd.f32 v6, v4;
	v5 =	vadd.f32 v55, v5  }
0x439: {  	v8 =	vunpack.i.l.bf16.f32 v8;
	v56 =	vunpack.i.u.bf16.f32 v53;
	v29 =	vmul.bf16 v58, v57;
	v55 =	vld.idx.msk [tilespmem:v36+s23+$0x0], $0xffff  }
0x43a: {  	v57 =	vor.u32 v46, v1;
	v4 =	vadd.f32 v8, v4;
	v5 =	vadd.f32 v56, v5;
	v56 =	vld.idx.msk [tilespmem:v36+s24+$0x0], $0xffff  }
0x43b: {  	v62 =	vmul.bf16 v52, v51;
	v6 =	vunpack.i.l.bf16.f32 v53;
	v59 =	vld.idx.msk [tilespmem:v17+s23+$0x0], $0xffff  }
0x43c: {  	v4 =	vadd.f32 v6, v4;
	v61 =	vld.idx.msk [tilespmem:v17+s24+$0x0], $0xffff;
	v17 =	vor.u32 v45, v1  }
0x43d: {  	v23 =	vunpack.i.u.bf16.f32 v7;
	v7 =	vunpack.i.l.bf16.f32 v7;
	v27 =	vunpack.i.u.bf16.f32 v62;
	v52 =	vld.idx.msk [tilespmem:v16+s23+$0x0], $0xffff  }
0x43e: {  	v34 =	vunpack.i.u.bf16.f32 v9;
	v4 =	vadd.f32 v7, v4;
	v51 =	vmul.bf16 v15, v28;
	v15 =	vld.idx.msk [tilespmem:v16+s24+$0x0], $0xffff  }
0x43f: {  	v6 =	vunpack.i.l.bf16.f32 v62;
	v5 =	vadd.f32 v23, v5;
	v16 =	vor.u32 v25, v1;
	v23 =	vld.idx.msk [tilespmem:v57+s23+$0x0], $0xffff  }
0x440: {  	v38 =	vunpack.i.u.bf16.f32 v29;
	v8 =	vmul.bf16 v26, v63;
	v26 =	vld.idx.msk [tilespmem:v57+s24+$0x0], $0xffff;
	v4 =	vadd.f32 v6, v4  }
0x441: {  	v5 =	vadd.f32 v27, v5;
	v6 =	vunpack.i.l.bf16.f32 v29;
	v27 =	vor.u32 v33, v1;
	v29 =	vld.idx.msk [tilespmem:v17+s23+$0x0], $0xffff  }
0x442: {  	v9 =	vunpack.i.l.bf16.f32 v9;
	v7 =	vmul.bf16 v35, v32;
	v32 =	vld.idx.msk [tilespmem:v17+s24+$0x0], $0xffff;
	v17 =	vor.u32 v21, v1  }
0x443: {  	v58 =	vmul.bf16 v41, v40;
	v41 =	vor.u32 v24, v1;
	v24 =	vld [tilespmem:$0x1F970];
	v5 =	vadd.f32 v34, v5  }
0x444: {  	v4 =	vadd.f32 v9, v4;
	v63 =	vld.idx.msk [tilespmem:v16+s23+$0x0], $0xffff  }
0x445: {  	v9 =	vmul.bf16 v15, v52;
	v15 =	vld.idx.msk [tilespmem:v16+s24+$0x0], $0xffff;
	v16 =	vor.u32 v0, v1;
	v5 =	vadd.f32 v38, v5  }
0x446: {  	v53 =	vunpack.i.u.bf16.f32 v8;
	v4 =	vadd.f32 v6, v4;
	v38 =	vld.idx.msk [tilespmem:v27+s23+$0x0], $0xffff  }
0x447: {  	v8 =	vunpack.i.l.bf16.f32 v8;
	v54 =	vunpack.i.u.bf16.f32 v51;
	v5 =	vadd.f32 v53, v5;
	v45 =	vld.idx.msk [tilespmem:v17+s23+$0x0], $0xffff  }
0x448: {  	v6 =	vunpack.i.l.bf16.f32 v51;
	v4 =	vadd.f32 v8, v4;
	v51 =	vld.idx.msk [tilespmem:v17+s24+$0x0], $0xffff;
	v17 =	vor.u32 v30, v1  }
0x449: {  	v40 =	vld.idx.msk [tilespmem:v27+s24+$0x0], $0xffff;
	v5 =	vadd.f32 v54, v5  }
0x44a: {  	v60 =	vunpack.i.u.bf16.f32 v7;
	v7 =	vunpack.i.l.bf16.f32 v7;
	v4 =	vadd.f32 v6, v4;
	v34 =	vld.idx.msk [tilespmem:v16+s23+$0x0], $0xffff  }
0x44b: {  	v33 =	vmul.bf16 v15, v63;
	v15 =	vld.idx.msk [tilespmem:v16+s24+$0x0], $0xffff;
	v16 =	vor.u32 v22, v1;
	v5 =	vadd.f32 v60, v5  }
0x44c: {  	v62 =	vunpack.i.u.bf16.f32 v58;
	v0 =	vmul.bf16 v56, v55;
	v27 =	vld [tilespmem:$0x1F950];
	v4 =	vadd.f32 v7, v4  }
0x44d: {  	v25 =	vunpack.i.u.bf16.f32 v9;
	v6 =	vunpack.i.l.bf16.f32 v58;
	v5 =	vadd.f32 v62, v5;
	v60 =	vld.idx.msk [tilespmem:v17+s23+$0x0], $0xffff  }
0x44e: {  	v8 =	vmul.bf16 v61, v59;
	v4 =	vadd.f32 v6, v4;
	v61 =	vld.idx.msk [tilespmem:v17+s24+$0x0], $0xffff;
	v17 =	vor.u32 v42, v1  }
0x44f: {  	v9 =	vunpack.i.l.bf16.f32 v9;
	v55 =	vld.idx.msk [tilespmem:v41+s23+$0x0], $0xffff;
	v5 =	vadd.f32 v25, v5  }
0x450: {  	v28 =	vunpack.i.u.bf16.f32 v0;
	v53 =	vld.idx.msk [tilespmem:v16+s23+$0x0], $0xffff;
	v4 =	vadd.f32 v9, v4  }
0x451: {  	v9 =	vmul.bf16 v15, v34;
	v15 =	vld.idx.msk [tilespmem:v16+s24+$0x0], $0xffff;
	v16 =	vor.u32 v31, v1;
	v5 =	vadd.f32 v28, v5  }
0x452: {  	v57 =	vld.idx.msk [tilespmem:v41+s24+$0x0], $0xffff;
	v35 =	vunpack.i.u.bf16.f32 v8;
	v6 =	vunpack.i.l.bf16.f32 v0  }
0x453: {  	v4 =	vadd.f32 v6, v4;
	v5 =	vadd.f32 v35, v5;
	v35 =	vld.idx.msk [tilespmem:v17+s23+$0x0], $0xffff  }
0x454: {  	v8 =	vunpack.i.l.bf16.f32 v8;
	v58 =	vor.u32 v37, v1;
	v37 =	vld.idx.msk [tilespmem:v17+s24+$0x0], $0xffff  }
0x455: {  	v36 =	vunpack.i.u.bf16.f32 v33;
	v7 =	vmul.bf16 v26, v23;
	v4 =	vadd.f32 v8, v4;
	v17 =	vld [tilespmem:$0x1FF30]  }
0x456: {  	v43 =	vmul.bf16 v32, v29;
	v6 =	vunpack.i.l.bf16.f32 v33;
	v33 =	vor.u32 v39, v1;
	v63 =	vld.idx.msk [tilespmem:v16+s23+$0x0], $0xffff  }
0x457: {  	v62 =	vmul.bf16 v15, v53;
	v15 =	vld.idx.msk [tilespmem:v16+s24+$0x0], $0xffff;
	v16 =	vor.u32 v18, v1;
	v4 =	vadd.f32 v6, v4  }
0x458: {  	v21 =	vld [tilespmem:$0x1F980];
	v46 =	vunpack.i.u.bf16.f32 v7;
	v7 =	vunpack.i.l.bf16.f32 v7;
	v5 =	vadd.f32 v36, v5  }
0x459: {  	v32 =	vld.idx.msk [tilespmem:v58+s24+$0x0], $0xffff;
	v4 =	vadd.f32 v7, v4  }
0x45a: {  	v31 =	vld.idx.msk [tilespmem:v58+s23+$0x0], $0xffff;
	v6 =	vunpack.i.l.bf16.f32 v43;
	v5 =	vadd.f32 v46, v5;
	v17 =	vor.u32 v17, v1  }
0x45b: {  	v54 =	vmul.bf16 v40, v38;
	v52 =	vunpack.i.u.bf16.f32 v43;
	v41 =	vld.idx.msk [tilespmem:v33+s23+$0x0], $0xffff;
	v4 =	vadd.f32 v6, v4  }
0x45c: {  	v56 =	vunpack.i.u.bf16.f32 v9;
	v9 =	vunpack.i.l.bf16.f32 v9;
	v5 =	vadd.f32 v52, v5;
	v39 =	vld.idx.msk [tilespmem:v16+s23+$0x0], $0xffff  }
0x45d: {  	v4 =	vadd.f32 v9, v4;
	v9 =	vmul.bf16 v15, v63;
	v15 =	vld.idx.msk [tilespmem:v16+s24+$0x0], $0xffff;
	v16 =	vor.u32 v44, v1  }
0x45e: {  	v59 =	vunpack.i.u.bf16.f32 v54;
	v43 =	vld.idx.msk [tilespmem:v33+s24+$0x0], $0xffff;
	v5 =	vadd.f32 v56, v5  }
0x45f: {  	v58 =	vor.u32 v48, v1;
	v8 =	vmul.bf16 v51, v45;
	v6 =	vunpack.i.l.bf16.f32 v54;
	v46 =	vld.idx.msk [tilespmem:v17+s23+$0x0], $0xffff  }
0x460: {  	v4 =	vadd.f32 v6, v4;
	v5 =	vadd.f32 v59, v5;
	v51 =	vld.idx.msk [tilespmem:v17+s24+$0x0], $0xffff;
	v17 =	vor.u32 v47, v1  }
0x461: {  	v40 =	vmul.bf16 v32, v31;
	v29 =	vunpack.i.u.bf16.f32 v8;
	v8 =	vunpack.i.l.bf16.f32 v8;
	v44 =	vld [tilespmem:$0x1FF50]  }
0x462: {  	v30 =	vunpack.i.u.bf16.f32 v62;
	v4 =	vadd.f32 v8, v4;
	v5 =	vadd.f32 v29, v5;
	v53 =	vld.idx.msk [tilespmem:v16+s23+$0x0], $0xffff  }
0x463: {  	v7 =	vmul.bf16 v57, v55;
	v6 =	vunpack.i.l.bf16.f32 v62;
	v52 =	vmul.bf16 v15, v39;
	v15 =	vld.idx.msk [tilespmem:v16+s24+$0x0], $0xffff  }
0x464: {  	v31 =	vor.u32 v50, v1;
	v16 =	vld [tilespmem:$0x1FF70];
	v4 =	vadd.f32 v6, v4;
	v5 =	vadd.f32 v30, v5  }
0x465: {  	v34 =	vmul.bf16 v61, v60;
	v36 =	vunpack.i.u.bf16.f32 v7;
	v7 =	vunpack.i.l.bf16.f32 v7;
	v60 =	vld.idx.msk [tilespmem:v17+s23+$0x0], $0xffff  }
0x466: {  	v4 =	vadd.f32 v7, v4;
	v5 =	vadd.f32 v36, v5;
	v62 =	vld.idx.msk [tilespmem:v17+s24+$0x0], $0xffff  }
0x467: {  	v38 =	vunpack.i.u.bf16.f32 v34;
	v6 =	vunpack.i.l.bf16.f32 v34;
	v17 =	vld [tilespmem:$0x1FF90]  }
0x468: {  	v0 =	vld [tilespmem:$0x1F990];
	v14 =	vor.u32 v44, v1;
	v4 =	vadd.f32 v6, v4;
	v5 =	vadd.f32 v38, v5  }
0x469: {  	v28 =	vld.idx.msk [tilespmem:v58+s23+$0x0], $0xffff;
	v45 =	vunpack.i.u.bf16.f32 v40;
	v42 =	vunpack.i.u.bf16.f32 v9;
	v9 =	vunpack.i.l.bf16.f32 v9  }
0x46a: {  	v39 =	vld.idx.msk [tilespmem:v31+s23+$0x0], $0xffff;
	v16 =	vor.u32 v16, v1;
	v4 =	vadd.f32 v9, v4;
	v5 =	vadd.f32 v42, v5  }
0x46b: {  	v8 =	vmul.bf16 v37, v35;
	v30 =	vld.idx.msk [tilespmem:v58+s24+$0x0], $0xffff;
	v7 =	vmul.bf16 v43, v41;
	v6 =	vunpack.i.l.bf16.f32 v40  }
0x46c: {  	v41 =	vld [tilespmem:$0x1FC70];
	v4 =	vadd.f32 v6, v4;
	v5 =	vadd.f32 v45, v5;
	v17 =	vor.u32 v17, v1  }
0x46d: {  	v54 =	vunpack.i.u.bf16.f32 v8;
	v8 =	vunpack.i.l.bf16.f32 v8;
	v56 =	vld.idx.msk [tilespmem:v14+s23+$0x0], $0xffff  }
0x46e: {  	v57 =	vld.idx.msk [tilespmem:v14+s24+$0x0], $0xffff;
	v4 =	vadd.f32 v8, v4;
	v5 =	vadd.f32 v54, v5  }
0x46f: {  	v55 =	vunpack.i.u.bf16.f32 v52;
	v9 =	vmul.bf16 v15, v53;
	v6 =	vunpack.i.l.bf16.f32 v52;
	v23 =	vld.idx.msk [tilespmem:v16+s23+$0x0], $0xffff  }
0x470: {  	v15 =	vld.idx.msk [tilespmem:v16+s24+$0x0], $0xffff;
	v16 =	vor.u32 v49, v1;
	v4 =	vadd.f32 v6, v4;
	v5 =	vadd.f32 v55, v5  }
0x471: {  	v59 =	vmul.bf16 v51, v46;
	v61 =	vunpack.i.u.bf16.f32 v7;
	v7 =	vunpack.i.l.bf16.f32 v7;
	v33 =	vld.idx.msk [tilespmem:v17+s23+$0x0], $0xffff  }
0x472: {  	v4 =	vadd.f32 v7, v4;
	v5 =	vadd.f32 v61, v5;
	v34 =	vld.idx.msk [tilespmem:v17+s24+$0x0], $0xffff  }
0x473: {  	v63 =	vunpack.i.u.bf16.f32 v59;
	v42 =	vor.u32 v41, v1;
	v6 =	vunpack.i.l.bf16.f32 v59;
	v17 =	vld [tilespmem:$0x1FC10]  }
0x474: {  	v40 =	vld.idx.msk [tilespmem:v31+s24+$0x0], $0xffff;
	v29 =	vunpack.i.u.bf16.f32 v9;
	v4 =	vadd.f32 v6, v4;
	v5 =	vadd.f32 v63, v5  }
0x475: {  	v9 =	vunpack.i.l.bf16.f32 v9;
	v26 =	vmul.bf16 v57, v56;
	v35 =	vmul.bf16 v15, v23;
	v36 =	vld.idx.msk [tilespmem:v16+s23+$0x0], $0xffff  }
0x476: {  	v15 =	vld.idx.msk [tilespmem:v16+s24+$0x0], $0xffff;
	v16 =	vor.u32 v0, v1;
	v4 =	vadd.f32 v9, v4;
	v5 =	vadd.f32 v29, v5  }
0x477: {  	v22 =	vld [tilespmem:$0x1F9A0];
	v8 =	vmul.bf16 v62, v60;
	v32 =	vunpack.i.u.bf16.f32 v26;
	v6 =	vunpack.i.l.bf16.f32 v26  }
0x478: {  	v25 =	vld [tilespmem:$0x1F960];
	v17 =	vor.u32 v17, v1;
	v4 =	vadd.f32 v6, v4;
	v5 =	vadd.f32 v32, v5  }
0x479: {  	v31 =	vld [tilespmem:$0x1FD00];
	v49 =	vmul.bf16 v40, v39;
	v37 =	vunpack.i.u.bf16.f32 v8;
	v8 =	vunpack.i.l.bf16.f32 v8  }
0x47a: {  	v40 =	vld [tilespmem:$0x1FD20];
	v7 =	vmul.bf16 v30, v28;
	v4 =	vadd.f32 v8, v4;
	v5 =	vadd.f32 v37, v5  }
0x47b: {  	v38 =	vunpack.i.u.bf16.f32 v35;
	v48 =	vld.idx.msk [tilespmem:v16+s23+$0x0], $0xffff;
	v9 =	vmul.bf16 v15, v36;
	v6 =	vunpack.i.l.bf16.f32 v35  }
0x47c: {  	v15 =	vld.idx.msk [tilespmem:v16+s24+$0x0], $0xffff;
	v16 =	vor.u32 v21, v1;
	v4 =	vadd.f32 v6, v4;
	v5 =	vadd.f32 v38, v5  }
0x47d: {  	v45 =	vunpack.i.u.bf16.f32 v7;
	v7 =	vunpack.i.l.bf16.f32 v7;
	v43 =	vmul.bf16 v34, v33;
	v44 =	vld.idx.msk [tilespmem:v17+s23+$0x0], $0xffff  }
0x47e: {  	v46 =	vld.idx.msk [tilespmem:v17+s24+$0x0], $0xffff;
	v17 =	vor.u32 v22, v1;
	v4 =	vadd.f32 v7, v4;
	v5 =	vadd.f32 v45, v5  }
0x47f: {  	v50 =	vld.idx.msk [tilespmem:v42+s23+$0x0], $0xffff;
	v47 =	vunpack.i.u.bf16.f32 v43;
	v6 =	vunpack.i.l.bf16.f32 v43  }
0x480: {  	v53 =	vor.u32 v24, v1;
	v52 =	vld.idx.msk [tilespmem:v42+s24+$0x0], $0xffff;
	v4 =	vadd.f32 v6, v4;
	v5 =	vadd.f32 v47, v5  }
0x481: {  	v54 =	vunpack.i.u.bf16.f32 v49;
	v51 =	vunpack.i.u.bf16.f32 v9;
	v9 =	vunpack.i.l.bf16.f32 v9;
	v57 =	vld.idx.msk [tilespmem:v16+s23+$0x0], $0xffff  }
0x482: {  	v58 =	vmul.bf16 v15, v48;
	v15 =	vld.idx.msk [tilespmem:v16+s24+$0x0], $0xffff;
	v4 =	vadd.f32 v9, v4;
	v5 =	vadd.f32 v51, v5  }
0x483: {  	v61 =	vor.u32 v19, v1;
	v6 =	vunpack.i.l.bf16.f32 v49;
	v55 =	vld.idx.msk [tilespmem:v17+s23+$0x0], $0xffff;
	v8 =	vmul.bf16 v46, v44  }
0x484: {  	v56 =	vld.idx.msk [tilespmem:v17+s24+$0x0], $0xffff;
	v17 =	vor.u32 v25, v1;
	v4 =	vadd.f32 v6, v4;
	v5 =	vadd.f32 v54, v5  }
0x485: {  	v20 =	vor.u32 v20, v1;
	v60 =	vld.idx.msk [tilespmem:v53+s23+$0x0], $0xffff;
	v59 =	vunpack.i.u.bf16.f32 v8;
	v8 =	vunpack.i.l.bf16.f32 v8  }
0x486: {  	v14 =	vld.idx.msk [tilespmem:v53+s24+$0x0], $0xffff;
	v7 =	vmul.bf16 v52, v50;
	v4 =	vadd.f32 v8, v4;
	v5 =	vadd.f32 v59, v5  }
0x487: {  	v2 =	vadd.f32 v2, v3;
	v26 =	vld [tilespmem:$0x1FCF0];
	v62 =	vunpack.i.u.bf16.f32 v58;
	v9 =	vunpack.i.l.bf16.f32 v58  }
0x488: {  	v23 =	vld.idx.msk [tilespmem:v61+s23+$0x0], $0xffff;
	v21 =	vunpack.i.u.bf16.f32 v7;
	v4 =	vadd.f32 v9, v4;
	v5 =	vadd.f32 v62, v5  }
0x489: {  	v7 =	vunpack.i.l.bf16.f32 v7;
	v6 =	vmul.bf16 v15, v57;
	v63 =	vld.idx.msk [tilespmem:v17+s23+$0x0], $0xffff;
	v11 =	vmul.bf16 v56, v55  }
0x48a: {  	v15 =	vor.u32 v27, v1;
	v16 =	vld.idx.msk [tilespmem:v17+s24+$0x0], $0xffff;
	v4 =	vadd.f32 v7, v4;
	v5 =	vadd.f32 v21, v5  }
0x48b: {  	v2 =	vsub.f32 $0.0e+00, v2;
	v36 =	vld [tilespmem:$0x1FD10];
	v22 =	vunpack.i.u.bf16.f32 v11;
	v11 =	vunpack.i.l.bf16.f32 v11  }
0x48c: {  	v10 =	vld.idx.msk [tilespmem:v61+s24+$0x0], $0xffff;
	v27 =	vor.u32 v26, v1;
	v4 =	vadd.f32 v11, v4;
	v5 =	vadd.f32 v22, v5  }
0x48d: {  	v29 =	vld.idx.msk [tilespmem:v20+s24+$0x0], $0xffff;
	v24 =	vunpack.i.u.bf16.f32 v6;
	v6 =	vunpack.i.l.bf16.f32 v6;
	v8 =	vmul.bf16 v14, v60  }
0x48e: {  	v32 =	vor.u32 v31, v1;
	v25 =	vld.idx.msk [tilespmem:v20+s23+$0x0], $0xffff;
	v4 =	vadd.f32 v6, v4;
	v5 =	vadd.f32 v24, v5  }
0x48f: {  	v30 =	vunpack.i.u.bf16.f32 v8;
	v8 =	vunpack.i.l.bf16.f32 v8;
	v34 =	vld.idx.msk [tilespmem:v15+s23+$0x0], $0xffff;
	v28 =	vmul.bf16 v16, v63  }
0x490: {  	v35 =	vld.idx.msk [tilespmem:v15+s24+$0x0], $0xffff;
	v15 =	vor.u32 v36, v1;
	v4 =	vadd.f32 v8, v4;
	v5 =	vadd.f32 v30, v5  }
0x491: {  	v10 =	vmul.bf16 v10, v23;
	v37 =	vld.idx.msk [tilespmem:v27+s23+$0x0], $0xffff;
	v33 =	vunpack.i.u.bf16.f32 v28;
	v6 =	vunpack.i.l.bf16.f32 v28  }
0x492: {  	v39 =	vld.idx.msk [tilespmem:v27+s24+$0x0], $0xffff;
	v1 =	vor.u32 v40, v1;
	v4 =	vadd.f32 v6, v4;
	v5 =	vadd.f32 v33, v5  }
0x493: {  	v41 =	vld.idx.msk [tilespmem:v32+s23+$0x0], $0xffff;
	v38 =	vunpack.i.l.bf16.f32 v10;
	v10 =	vunpack.i.u.bf16.f32 v10;
	v7 =	vmul.bf16 v29, v25  }
0x494: {  	v44 =	vld.idx.msk [tilespmem:v32+s24+$0x0], $0xffff;
	v4 =	vadd.f32 v38, v4;
	v42 =	vadd.f32 v10, v5  }
0x495: {  	v43 =	vunpack.i.l.bf16.f32 v7;
	v45 =	vunpack.i.u.bf16.f32 v7;
	v46 =	vmul.bf16 v35, v34;
	v47 =	vld.idx.msk [tilespmem:v15+s23+$0x0], $0xffff  }
0x496: {  	v48 =	vld.idx.msk [tilespmem:v15+s24+$0x0], $0xffff;
	v4 =	vadd.f32 v43, v4;
	v3 =	vadd.f32 v45, v42  }
0x497: {  	v50 =	vld.idx.msk [tilespmem:v1+s23+$0x0], $0xffff;
	v49 =	vunpack.i.u.bf16.f32 v46;
	v7 =	vunpack.i.l.bf16.f32 v46;
	v6 =	vmul.bf16 v39, v37  }
0x498: {  	v2 =	vmul.f32 $1.442695020e+00, v2;
	v1 =	vld.idx.msk [tilespmem:v1+s24+$0x0], $0xffff;
	v4 =	vadd.f32 v7, v4;
	v3 =	vadd.f32 v49, v3  }
0x499: {  	v51 =	vmul.bf16 v44, v41;
	v52 =	vunpack.i.u.bf16.f32 v6;
	v6 =	vunpack.i.l.bf16.f32 v6  }
0x49a: {  	(erf) = vpow2.f32 v2;
	v53 =	vadd.f32 v6, v4;
	v3 =	vadd.f32 v52, v3  }
0x49b: {  	v55 =	vunpack.i.u.bf16.f32 v51;
	v56 =	vunpack.i.l.bf16.f32 v51;
	v54 =	vmul.bf16 v48, v47  }
0x49c: {  	v2 =	vadd.f32 v56, v53;
	v3 =	vadd.f32 v55, v3  }
0x49d: {  	v1 =	vmul.bf16 v1, v50;
	v57 =	vunpack.i.u.bf16.f32 v54;
	v4 =	vunpack.i.l.bf16.f32 v54  }
0x49e: {  	v2 =	vadd.f32 v4, v2;
	v3 =	vadd.f32 v57, v3  }
0x49f: {  	v58 =	vunpack.i.u.bf16.f32 v1;
	v1 =	vunpack.i.l.bf16.f32 v1  }
0x4a0: {  	v1 =	vadd.f32 v1, v2;
	v59 =	vadd.f32 v58, v3;
	_ =	sdelay $0x1  }
0x4a1: {  	v1 =	vadd.f32 v1, v59;
	_ =	sdelay $0x1  }
0x4a2: {  	v60 =	vpop (erf);
	v1 =	vsub.f32 $0.0e+00, v1  }
0x4a3: {  	v2 =	vadd.f32 $1.000000000e+00, v60  }
0x4a4: {  	v1 =	vmul.f32 $1.442695020e+00, v1  }
0x4a5: {  	(erf) = vrcp.f32 v2  }
0x4a6: {  	(erf) = vpow2.f32 v1;
	_ =	sdelay $0x7  }
0x4a7: {  	v61 =	vpop (erf)  }
0x4a8: {  	v62 =	vpop (erf)  }
0x4a9: {  	v2 =	vadd.f32 $1.000000000e+00, v62;
	_ =	sdelay $0x1  }
0x4aa: {  	(erf) = vrcp.f32 v2;
	_ =	sdelay $0x3  }
0x4ab: {  	s0 =	sadd.s32 $0x2, s0  }
0x4ac: {  	p0 =	slt.u32 s0, $0x16  }
.Ltmp8:
0x4ad: {  	_ = 	snop;
	(pc) =	sbr.rel @p0 .LBB2_9-.Ltmp8, $3  }
0x4ae: {  	_ =	sdelay $0x1  }
0x4af: {  	[tilespmem:s1+$0xFFFFFFF0] =	vst v61;
	v63 =	vpop (erf)  }
0x4b0: {  	s15 =	sadd.s32 $0x20, s15;
	v17 =	vld [tilespmem:$0x1FFF0];
	[tilespmem:s1+$0x0] =	vst v63;
	s1 =	sadd.s32 $0x20, s1  }
0x4b1: {  	v1 =	vld [tilespmem:$0x1F9B0]  }
0x4b2: {  	v3 =	vld [tilespmem:$0x1F9C0]  }
0x4b3: {  	v5 =	vld [tilespmem:$0x1F9D0]  }
0x4b4: {  	v6 =	vld [tilespmem:$0x1F9E0]  }
0x4b5: {  	v8 =	vld [tilespmem:$0x1F9F0]  }
0x4b6: {  	v10 =	vld [tilespmem:$0x1F930]  }
0x4b7: {  	v47 =	vld [tilespmem:$0x1F940]  }
0x4b8: {  	v51 =	vld [tilespmem:$0x1FA00]  }
0x4b9: {  	v56 =	vld [tilespmem:$0x1FA10]  }
0x4ba: {  	v60 =	vld [tilespmem:$0x1F920]  }
0x4bb: {  	v20 =	vld [tilespmem:$0x1F910]  }
0x4bc: {  	v24 =	vld [tilespmem:$0x1F900]  }
0x4bd: {  	v28 =	vld [tilespmem:$0x1F8F0]  }
0x4be: {  	v32 =	vld [tilespmem:$0x1F8E0]  }
0x4bf: {  	v36 =	vld [tilespmem:$0x1F8D0]  }
0x4c0: {  	v40 =	vld [tilespmem:$0x1F8C0]  }
0x4c1: {  	v0 =	vld.idx.msk [tilespmem:v1+s23+$0x0], $0xffff  }
0x4c2: {  	v1 =	vld.idx.msk [tilespmem:v1+s24+$0x0], $0xffff  }
0x4c3: {  	v2 =	vld.idx.msk [tilespmem:v3+s23+$0x0], $0xffff  }
0x4c4: {  	v3 =	vld.idx.msk [tilespmem:v3+s24+$0x0], $0xffff  }
0x4c5: {  	v4 =	vld.idx.msk [tilespmem:v5+s23+$0x0], $0xffff  }
0x4c6: {  	v5 =	vld.idx.msk [tilespmem:v5+s24+$0x0], $0xffff  }
0x4c7: {  	v41 =	vld.idx.msk [tilespmem:v6+s23+$0x0], $0xffff  }
0x4c8: {  	v6 =	vld.idx.msk [tilespmem:v6+s24+$0x0], $0xffff  }
0x4c9: {  	v42 =	vld.idx.msk [tilespmem:v8+s23+$0x0], $0xffff  }
0x4ca: {  	v8 =	vld.idx.msk [tilespmem:v8+s24+$0x0], $0xffff  }
0x4cb: {  	v43 =	vld.idx.msk [tilespmem:v10+s23+$0x0], $0xffff  }
0x4cc: {  	v45 =	vld.idx.msk [tilespmem:v10+s24+$0x0], $0xffff  }
0x4cd: {  	v48 =	vld.idx.msk [tilespmem:v47+s23+$0x0], $0xffff  }
0x4ce: {  	v49 =	vld.idx.msk [tilespmem:v47+s24+$0x0], $0xffff  }
0x4cf: {  	v52 =	vld.idx.msk [tilespmem:v51+s23+$0x0], $0xffff  }
0x4d0: {  	v54 =	vld.idx.msk [tilespmem:v51+s24+$0x0], $0xffff  }
0x4d1: {  	v57 =	vld.idx.msk [tilespmem:v56+s23+$0x0], $0xffff  }
0x4d2: {  	v58 =	vld.idx.msk [tilespmem:v56+s24+$0x0], $0xffff  }
0x4d3: {  	v61 =	vld.idx.msk [tilespmem:v60+s23+$0x0], $0xffff  }
0x4d4: {  	v62 =	vld.idx.msk [tilespmem:v60+s24+$0x0], $0xffff  }
0x4d5: {  	v21 =	vld.idx.msk [tilespmem:v20+s23+$0x0], $0xffff  }
0x4d6: {  	v22 =	vld.idx.msk [tilespmem:v20+s24+$0x0], $0xffff  }
0x4d7: {  	v25 =	vld.idx.msk [tilespmem:v24+s23+$0x0], $0xffff  }
0x4d8: {  	v26 =	vld.idx.msk [tilespmem:v24+s24+$0x0], $0xffff  }
0x4d9: {  	v29 =	vld.idx.msk [tilespmem:v28+s23+$0x0], $0xffff  }
0x4da: {  	v30 =	vld.idx.msk [tilespmem:v28+s24+$0x0], $0xffff  }
0x4db: {  	v33 =	vld.idx.msk [tilespmem:v32+s23+$0x0], $0xffff  }
0x4dc: {  	v34 =	vld.idx.msk [tilespmem:v32+s24+$0x0], $0xffff  }
0x4dd: {  	v37 =	vld.idx.msk [tilespmem:v36+s23+$0x0], $0xffff  }
0x4de: {  	v38 =	vld.idx.msk [tilespmem:v36+s24+$0x0], $0xffff  }
0x4df: {  	v56 =	vld [tilespmem:$0x1F880]  }
0x4e0: {  	v60 =	vld [tilespmem:$0x1F870]  }
0x4e1: {  	v20 =	vld [tilespmem:$0x1F860];
	v0 =	vmul.bf16 v1, v0  }
0x4e2: {  	v24 =	vld [tilespmem:$0x1F850]  }
0x4e3: {  	v28 =	vld [tilespmem:$0x1F840];
	v2 =	vmul.bf16 v3, v2;
	v7 =	vunpack.i.u.bf16.f32 v0;
	v0 =	vunpack.i.l.bf16.f32 v0  }
0x4e4: {  	v32 =	vld [tilespmem:$0x1F830];
	v4 =	vmul.bf16 v5, v4;
	v0 =	vadd.f32 $0.0e+00, v0  }
0x4e5: {  	v36 =	vld [tilespmem:$0x1F820];
	v9 =	vunpack.i.u.bf16.f32 v2;
	v2 =	vunpack.i.l.bf16.f32 v2;
	v7 =	vadd.f32 $0.0e+00, v7  }
0x4e6: {  	v1 =	vmul.bf16 v6, v41;
	v3 =	vmul.bf16 v8, v42;
	v41 =	vld.idx.msk [tilespmem:v40+s23+$0x0], $0xffff;
	v0 =	vadd.f32 v2, v0  }
0x4e7: {  	v42 =	vld.idx.msk [tilespmem:v40+s24+$0x0], $0xffff;
	v46 =	vunpack.i.u.bf16.f32 v4;
	v4 =	vunpack.i.l.bf16.f32 v4;
	v44 =	vadd.f32 v9, v7  }
0x4e8: {  	v40 =	vld [tilespmem:$0x1F810];
	v0 =	vadd.f32 v4, v0  }
0x4e9: {  	v50 =	vunpack.i.u.bf16.f32 v1;
	v1 =	vunpack.i.l.bf16.f32 v1;
	v2 =	vadd.f32 v46, v44;
	v44 =	vld [tilespmem:$0x1F8B0]  }
0x4ea: {  	v55 =	vunpack.i.u.bf16.f32 v3;
	v4 =	vmul.bf16 v49, v48;
	v48 =	vld [tilespmem:$0x1F8A0];
	v0 =	vadd.f32 v1, v0  }
0x4eb: {  	v3 =	vunpack.i.l.bf16.f32 v3;
	v53 =	vadd.f32 v50, v2;
	v2 =	vmul.bf16 v54, v52;
	v52 =	vld [tilespmem:$0x1F890]  }
0x4ec: {  	v5 =	vmul.bf16 v45, v43;
	v0 =	vadd.f32 v3, v0;
	v3 =	vmul.bf16 v58, v57;
	v57 =	vld.idx.msk [tilespmem:v56+s23+$0x0], $0xffff  }
0x4ed: {  	v58 =	vld.idx.msk [tilespmem:v56+s24+$0x0], $0xffff  }
0x4ee: {  	v59 =	vunpack.i.u.bf16.f32 v5;
	v5 =	vunpack.i.l.bf16.f32 v5;
	v56 =	vld [tilespmem:$0x1F7D0]  }
0x4ef: {  	v0 =	vadd.f32 v5, v0;
	v5 =	vmul.bf16 v62, v61;
	v61 =	vld.idx.msk [tilespmem:v60+s23+$0x0], $0xffff  }
0x4f0: {  	v62 =	vld.idx.msk [tilespmem:v60+s24+$0x0], $0xffff  }
0x4f1: {  	v60 =	vld [tilespmem:$0x1F7C0]  }
0x4f2: {  	v45 =	vld.idx.msk [tilespmem:v44+s23+$0x0], $0xffff  }
0x4f3: {  	v46 =	vld.idx.msk [tilespmem:v44+s24+$0x0], $0xffff  }
0x4f4: {  	v49 =	vld.idx.msk [tilespmem:v48+s23+$0x0], $0xffff  }
0x4f5: {  	v63 =	vunpack.i.u.bf16.f32 v4;
	v4 =	vunpack.i.l.bf16.f32 v4;
	v50 =	vld.idx.msk [tilespmem:v48+s24+$0x0], $0xffff  }
0x4f6: {  	v0 =	vadd.f32 v4, v0;
	v4 =	vmul.bf16 v22, v21;
	v21 =	vld.idx.msk [tilespmem:v20+s23+$0x0], $0xffff  }
0x4f7: {  	v22 =	vld.idx.msk [tilespmem:v20+s24+$0x0], $0xffff  }
0x4f8: {  	v44 =	vld [tilespmem:$0x1F800]  }
0x4f9: {  	v48 =	vld [tilespmem:$0x1F7F0]  }
0x4fa: {  	v20 =	vld [tilespmem:$0x1F7B0]  }
0x4fb: {  	v1 =	vadd.f32 v55, v53;
	v53 =	vld.idx.msk [tilespmem:v52+s23+$0x0], $0xffff  }
0x4fc: {  	v23 =	vunpack.i.u.bf16.f32 v2;
	v2 =	vunpack.i.l.bf16.f32 v2;
	v54 =	vld.idx.msk [tilespmem:v52+s24+$0x0], $0xffff  }
0x4fd: {  	v0 =	vadd.f32 v2, v0;
	v2 =	vmul.bf16 v26, v25;
	v25 =	vld.idx.msk [tilespmem:v24+s23+$0x0], $0xffff  }
0x4fe: {  	v26 =	vld.idx.msk [tilespmem:v24+s24+$0x0], $0xffff  }
0x4ff: {  	v52 =	vld [tilespmem:$0x1F7E0]  }
0x500: {  	v27 =	vunpack.i.u.bf16.f32 v3;
	v3 =	vunpack.i.l.bf16.f32 v3;
	v24 =	vld [tilespmem:$0x1F7A0]  }
0x501: {  	v0 =	vadd.f32 v3, v0;
	v3 =	vmul.bf16 v30, v29;
	v29 =	vld.idx.msk [tilespmem:v28+s23+$0x0], $0xffff  }
0x502: {  	v30 =	vld.idx.msk [tilespmem:v28+s24+$0x0], $0xffff  }
0x503: {  	v31 =	vunpack.i.u.bf16.f32 v5;
	v5 =	vunpack.i.l.bf16.f32 v5;
	v28 =	vld [tilespmem:$0x1F790]  }
0x504: {  	v1 =	vadd.f32 v59, v1;
	v0 =	vadd.f32 v5, v0;
	v5 =	vmul.bf16 v34, v33;
	v33 =	vld.idx.msk [tilespmem:v32+s23+$0x0], $0xffff  }
0x505: {  	v34 =	vld.idx.msk [tilespmem:v32+s24+$0x0], $0xffff  }
0x506: {  	v1 =	vadd.f32 v63, v1;
	v35 =	vunpack.i.u.bf16.f32 v4;
	v4 =	vunpack.i.l.bf16.f32 v4;
	v32 =	vld [tilespmem:$0x1F780]  }
0x507: {  	v0 =	vadd.f32 v4, v0;
	v4 =	vmul.bf16 v38, v37;
	v37 =	vld.idx.msk [tilespmem:v36+s23+$0x0], $0xffff  }
0x508: {  	v1 =	vadd.f32 v23, v1;
	v38 =	vld.idx.msk [tilespmem:v36+s24+$0x0], $0xffff  }
0x509: {  	v39 =	vunpack.i.u.bf16.f32 v2;
	v2 =	vunpack.i.l.bf16.f32 v2;
	v36 =	vld [tilespmem:$0x1F770]  }
0x50a: {  	v1 =	vadd.f32 v27, v1;
	v0 =	vadd.f32 v2, v0;
	v2 =	vmul.bf16 v42, v41;
	v41 =	vld.idx.msk [tilespmem:v40+s23+$0x0], $0xffff  }
0x50b: {  	v42 =	vld.idx.msk [tilespmem:v40+s24+$0x0], $0xffff  }
0x50c: {  	v1 =	vadd.f32 v31, v1;
	v43 =	vunpack.i.u.bf16.f32 v3;
	v3 =	vunpack.i.l.bf16.f32 v3;
	v40 =	vld [tilespmem:$0x1F760]  }
0x50d: {  	v0 =	vadd.f32 v3, v0;
	v3 =	vmul.bf16 v46, v45;
	v45 =	vld.idx.msk [tilespmem:v44+s23+$0x0], $0xffff  }
0x50e: {  	v1 =	vadd.f32 v35, v1;
	v46 =	vld.idx.msk [tilespmem:v44+s24+$0x0], $0xffff  }
0x50f: {  	v47 =	vunpack.i.u.bf16.f32 v5;
	v5 =	vunpack.i.l.bf16.f32 v5;
	v44 =	vld [tilespmem:$0x1F750]  }
0x510: {  	v1 =	vadd.f32 v39, v1;
	v0 =	vadd.f32 v5, v0;
	v5 =	vmul.bf16 v50, v49;
	v49 =	vld.idx.msk [tilespmem:v48+s23+$0x0], $0xffff  }
0x511: {  	v50 =	vld.idx.msk [tilespmem:v48+s24+$0x0], $0xffff  }
0x512: {  	v51 =	vunpack.i.u.bf16.f32 v4;
	v4 =	vunpack.i.l.bf16.f32 v4;
	v1 =	vadd.f32 v43, v1;
	v48 =	vld [tilespmem:$0x1F740]  }
0x513: {  	v0 =	vadd.f32 v4, v0;
	v4 =	vmul.bf16 v54, v53;
	v53 =	vld.idx.msk [tilespmem:v52+s23+$0x0], $0xffff  }
0x514: {  	v1 =	vadd.f32 v47, v1;
	v54 =	vld.idx.msk [tilespmem:v52+s24+$0x0], $0xffff  }
0x515: {  	v55 =	vunpack.i.u.bf16.f32 v2;
	v2 =	vunpack.i.l.bf16.f32 v2;
	v52 =	vld [tilespmem:$0x1FA20]  }
0x516: {  	v1 =	vadd.f32 v51, v1;
	v0 =	vadd.f32 v2, v0;
	v2 =	vmul.bf16 v58, v57;
	v57 =	vld.idx.msk [tilespmem:v56+s23+$0x0], $0xffff  }
0x517: {  	v58 =	vld.idx.msk [tilespmem:v56+s24+$0x0], $0xffff  }
0x518: {  	v59 =	vunpack.i.u.bf16.f32 v3;
	v3 =	vunpack.i.l.bf16.f32 v3;
	v1 =	vadd.f32 v55, v1;
	v56 =	vld [tilespmem:$0x1FA30]  }
0x519: {  	v0 =	vadd.f32 v3, v0;
	v3 =	vmul.bf16 v62, v61;
	v61 =	vld.idx.msk [tilespmem:v60+s23+$0x0], $0xffff  }
0x51a: {  	v1 =	vadd.f32 v59, v1;
	v62 =	vld.idx.msk [tilespmem:v60+s24+$0x0], $0xffff  }
0x51b: {  	v63 =	vunpack.i.u.bf16.f32 v5;
	v5 =	vunpack.i.l.bf16.f32 v5;
	v60 =	vld [tilespmem:$0x1FA40]  }
0x51c: {  	v0 =	vadd.f32 v5, v0;
	v1 =	vadd.f32 v63, v1;
	v5 =	vmul.bf16 v22, v21;
	v21 =	vld.idx.msk [tilespmem:v20+s23+$0x0], $0xffff  }
0x51d: {  	v23 =	vunpack.i.u.bf16.f32 v4;
	v4 =	vunpack.i.l.bf16.f32 v4;
	v22 =	vld.idx.msk [tilespmem:v20+s24+$0x0], $0xffff  }
0x51e: {  	v20 =	vld [tilespmem:$0x1F730];
	v0 =	vadd.f32 v4, v0;
	v1 =	vadd.f32 v23, v1  }
0x51f: {  	v27 =	vunpack.i.u.bf16.f32 v2;
	v2 =	vunpack.i.l.bf16.f32 v2;
	v4 =	vmul.bf16 v26, v25;
	v25 =	vld.idx.msk [tilespmem:v24+s23+$0x0], $0xffff  }
0x520: {  	v26 =	vld.idx.msk [tilespmem:v24+s24+$0x0], $0xffff;
	v0 =	vadd.f32 v2, v0;
	v1 =	vadd.f32 v27, v1  }
0x521: {  	v31 =	vunpack.i.u.bf16.f32 v3;
	v3 =	vunpack.i.l.bf16.f32 v3;
	v24 =	vld [tilespmem:$0x1F720]  }
0x522: {  	v2 =	vmul.bf16 v30, v29;
	v29 =	vld.idx.msk [tilespmem:v28+s23+$0x0], $0xffff;
	v0 =	vadd.f32 v3, v0;
	v1 =	vadd.f32 v31, v1  }
0x523: {  	v35 =	vunpack.i.u.bf16.f32 v5;
	v5 =	vunpack.i.l.bf16.f32 v5;
	v30 =	vld.idx.msk [tilespmem:v28+s24+$0x0], $0xffff  }
0x524: {  	v28 =	vld [tilespmem:$0x1F710];
	v0 =	vadd.f32 v5, v0;
	v1 =	vadd.f32 v35, v1  }
0x525: {  	v39 =	vunpack.i.u.bf16.f32 v4;
	v4 =	vunpack.i.l.bf16.f32 v4;
	v3 =	vmul.bf16 v34, v33;
	v33 =	vld.idx.msk [tilespmem:v32+s23+$0x0], $0xffff  }
0x526: {  	v34 =	vld.idx.msk [tilespmem:v32+s24+$0x0], $0xffff;
	v0 =	vadd.f32 v4, v0;
	v1 =	vadd.f32 v39, v1  }
0x527: {  	v43 =	vunpack.i.u.bf16.f32 v2;
	v2 =	vunpack.i.l.bf16.f32 v2;
	v32 =	vld [tilespmem:$0x1FA50]  }
0x528: {  	v5 =	vmul.bf16 v38, v37;
	v37 =	vld.idx.msk [tilespmem:v36+s23+$0x0], $0xffff;
	v0 =	vadd.f32 v2, v0;
	v1 =	vadd.f32 v43, v1  }
0x529: {  	v47 =	vunpack.i.u.bf16.f32 v3;
	v3 =	vunpack.i.l.bf16.f32 v3;
	v38 =	vld.idx.msk [tilespmem:v36+s24+$0x0], $0xffff  }
0x52a: {  	v36 =	vld [tilespmem:$0x1FA60];
	v0 =	vadd.f32 v3, v0;
	v1 =	vadd.f32 v47, v1  }
0x52b: {  	v51 =	vunpack.i.u.bf16.f32 v5;
	v5 =	vunpack.i.l.bf16.f32 v5;
	v4 =	vmul.bf16 v42, v41;
	v41 =	vld.idx.msk [tilespmem:v40+s23+$0x0], $0xffff  }
0x52c: {  	v42 =	vld.idx.msk [tilespmem:v40+s24+$0x0], $0xffff;
	v0 =	vadd.f32 v5, v0;
	v1 =	vadd.f32 v51, v1  }
0x52d: {  	v40 =	vld [tilespmem:$0x1FA70];
	v55 =	vunpack.i.u.bf16.f32 v4;
	v4 =	vunpack.i.l.bf16.f32 v4;
	v2 =	vmul.bf16 v46, v45  }
0x52e: {  	v45 =	vld.idx.msk [tilespmem:v44+s23+$0x0], $0xffff;
	v0 =	vadd.f32 v4, v0;
	v1 =	vadd.f32 v55, v1  }
0x52f: {  	v46 =	vld.idx.msk [tilespmem:v44+s24+$0x0], $0xffff;
	v59 =	vunpack.i.u.bf16.f32 v2;
	v2 =	vunpack.i.l.bf16.f32 v2;
	v3 =	vmul.bf16 v50, v49  }
0x530: {  	v44 =	vld [tilespmem:$0x1FD30];
	v0 =	vadd.f32 v2, v0;
	v1 =	vadd.f32 v59, v1  }
0x531: {  	v49 =	vld.idx.msk [tilespmem:v48+s23+$0x0], $0xffff;
	v63 =	vunpack.i.u.bf16.f32 v3;
	v3 =	vunpack.i.l.bf16.f32 v3;
	v5 =	vmul.bf16 v54, v53  }
0x532: {  	v50 =	vld.idx.msk [tilespmem:v48+s24+$0x0], $0xffff;
	v0 =	vadd.f32 v3, v0;
	v1 =	vadd.f32 v63, v1  }
0x533: {  	v48 =	vld [tilespmem:$0x1FD40];
	v23 =	vunpack.i.u.bf16.f32 v5;
	v5 =	vunpack.i.l.bf16.f32 v5;
	v4 =	vmul.bf16 v58, v57  }
0x534: {  	v53 =	vld.idx.msk [tilespmem:v52+s23+$0x0], $0xffff;
	v0 =	vadd.f32 v5, v0;
	v1 =	vadd.f32 v23, v1  }
0x535: {  	v54 =	vld.idx.msk [tilespmem:v52+s24+$0x0], $0xffff;
	v27 =	vunpack.i.u.bf16.f32 v4;
	v4 =	vunpack.i.l.bf16.f32 v4;
	v2 =	vmul.bf16 v62, v61  }
0x536: {  	v52 =	vld [tilespmem:$0x1FD50];
	v0 =	vadd.f32 v4, v0;
	v1 =	vadd.f32 v27, v1  }
0x537: {  	v57 =	vld.idx.msk [tilespmem:v56+s23+$0x0], $0xffff;
	v31 =	vunpack.i.u.bf16.f32 v2;
	v2 =	vunpack.i.l.bf16.f32 v2;
	v3 =	vmul.bf16 v22, v21  }
0x538: {  	v58 =	vld.idx.msk [tilespmem:v56+s24+$0x0], $0xffff;
	v0 =	vadd.f32 v2, v0;
	v1 =	vadd.f32 v31, v1  }
0x539: {  	v56 =	vld [tilespmem:$0x1FD60];
	v35 =	vunpack.i.u.bf16.f32 v3;
	v3 =	vunpack.i.l.bf16.f32 v3;
	v5 =	vmul.bf16 v26, v25  }
0x53a: {  	v61 =	vld.idx.msk [tilespmem:v60+s23+$0x0], $0xffff;
	v0 =	vadd.f32 v3, v0;
	v1 =	vadd.f32 v35, v1  }
0x53b: {  	v62 =	vld.idx.msk [tilespmem:v60+s24+$0x0], $0xffff;
	v39 =	vunpack.i.u.bf16.f32 v5;
	v5 =	vunpack.i.l.bf16.f32 v5;
	v4 =	vmul.bf16 v30, v29  }
0x53c: {  	v60 =	vld [tilespmem:$0x1FD70];
	v0 =	vadd.f32 v5, v0;
	v1 =	vadd.f32 v39, v1  }
0x53d: {  	v21 =	vld.idx.msk [tilespmem:v20+s23+$0x0], $0xffff;
	v43 =	vunpack.i.u.bf16.f32 v4;
	v4 =	vunpack.i.l.bf16.f32 v4;
	v2 =	vmul.bf16 v34, v33  }
0x53e: {  	v22 =	vld.idx.msk [tilespmem:v20+s24+$0x0], $0xffff;
	v0 =	vadd.f32 v4, v0;
	v1 =	vadd.f32 v43, v1  }
0x53f: {  	v20 =	vld [tilespmem:$0x1FD80];
	v47 =	vunpack.i.u.bf16.f32 v2;
	v2 =	vunpack.i.l.bf16.f32 v2;
	v3 =	vmul.bf16 v38, v37  }
0x540: {  	v25 =	vld.idx.msk [tilespmem:v24+s23+$0x0], $0xffff;
	v0 =	vadd.f32 v2, v0;
	v1 =	vadd.f32 v47, v1  }
0x541: {  	v26 =	vld.idx.msk [tilespmem:v24+s24+$0x0], $0xffff;
	v51 =	vunpack.i.u.bf16.f32 v3;
	v3 =	vunpack.i.l.bf16.f32 v3;
	v5 =	vmul.bf16 v42, v41  }
0x542: {  	v24 =	vld [tilespmem:$0x1FD90];
	v0 =	vadd.f32 v3, v0;
	v1 =	vadd.f32 v51, v1  }
0x543: {  	v29 =	vld.idx.msk [tilespmem:v28+s23+$0x0], $0xffff;
	v55 =	vunpack.i.u.bf16.f32 v5;
	v5 =	vunpack.i.l.bf16.f32 v5;
	v4 =	vmul.bf16 v46, v45  }
0x544: {  	v30 =	vld.idx.msk [tilespmem:v28+s24+$0x0], $0xffff;
	v0 =	vadd.f32 v5, v0;
	v1 =	vadd.f32 v55, v1  }
0x545: {  	v28 =	vld [tilespmem:$0x1FDA0];
	v59 =	vunpack.i.u.bf16.f32 v4;
	v4 =	vunpack.i.l.bf16.f32 v4;
	v2 =	vmul.bf16 v50, v49  }
0x546: {  	v33 =	vld.idx.msk [tilespmem:v32+s23+$0x0], $0xffff;
	v0 =	vadd.f32 v4, v0;
	v1 =	vadd.f32 v59, v1  }
0x547: {  	v34 =	vld.idx.msk [tilespmem:v32+s24+$0x0], $0xffff;
	v63 =	vunpack.i.u.bf16.f32 v2;
	v2 =	vunpack.i.l.bf16.f32 v2;
	v3 =	vmul.bf16 v54, v53  }
0x548: {  	v32 =	vld [tilespmem:$0x1FDB0];
	v0 =	vadd.f32 v2, v0;
	v1 =	vadd.f32 v63, v1  }
0x549: {  	v37 =	vld.idx.msk [tilespmem:v36+s23+$0x0], $0xffff;
	v23 =	vunpack.i.u.bf16.f32 v3;
	v3 =	vunpack.i.l.bf16.f32 v3;
	v5 =	vmul.bf16 v58, v57  }
0x54a: {  	v38 =	vld.idx.msk [tilespmem:v36+s24+$0x0], $0xffff;
	v0 =	vadd.f32 v3, v0;
	v1 =	vadd.f32 v23, v1  }
0x54b: {  	v36 =	vld [tilespmem:$0x1FDC0];
	v27 =	vunpack.i.u.bf16.f32 v5;
	v5 =	vunpack.i.l.bf16.f32 v5;
	v4 =	vmul.bf16 v62, v61  }
0x54c: {  	v41 =	vld.idx.msk [tilespmem:v40+s23+$0x0], $0xffff;
	v0 =	vadd.f32 v5, v0;
	v1 =	vadd.f32 v27, v1  }
0x54d: {  	v42 =	vld.idx.msk [tilespmem:v40+s24+$0x0], $0xffff;
	v31 =	vunpack.i.u.bf16.f32 v4;
	v4 =	vunpack.i.l.bf16.f32 v4;
	v2 =	vmul.bf16 v22, v21  }
0x54e: {  	v40 =	vld [tilespmem:$0x1FDD0];
	v0 =	vadd.f32 v4, v0;
	v1 =	vadd.f32 v31, v1  }
0x54f: {  	v45 =	vld.idx.msk [tilespmem:v44+s23+$0x0], $0xffff;
	v35 =	vunpack.i.u.bf16.f32 v2;
	v2 =	vunpack.i.l.bf16.f32 v2;
	v3 =	vmul.bf16 v26, v25  }
0x550: {  	v46 =	vld.idx.msk [tilespmem:v44+s24+$0x0], $0xffff;
	v0 =	vadd.f32 v2, v0;
	v1 =	vadd.f32 v35, v1  }
0x551: {  	v44 =	vld [tilespmem:$0x1FDE0];
	v39 =	vunpack.i.u.bf16.f32 v3;
	v3 =	vunpack.i.l.bf16.f32 v3;
	v5 =	vmul.bf16 v30, v29  }
0x552: {  	v49 =	vld.idx.msk [tilespmem:v48+s23+$0x0], $0xffff;
	v0 =	vadd.f32 v3, v0;
	v1 =	vadd.f32 v39, v1  }
0x553: {  	v50 =	vld.idx.msk [tilespmem:v48+s24+$0x0], $0xffff;
	v43 =	vunpack.i.u.bf16.f32 v5;
	v5 =	vunpack.i.l.bf16.f32 v5;
	v4 =	vmul.bf16 v34, v33  }
0x554: {  	v48 =	vld [tilespmem:$0x1FDF0];
	v0 =	vadd.f32 v5, v0;
	v1 =	vadd.f32 v43, v1  }
0x555: {  	v53 =	vld.idx.msk [tilespmem:v52+s23+$0x0], $0xffff;
	v47 =	vunpack.i.u.bf16.f32 v4;
	v4 =	vunpack.i.l.bf16.f32 v4;
	v2 =	vmul.bf16 v38, v37  }
0x556: {  	v54 =	vld.idx.msk [tilespmem:v52+s24+$0x0], $0xffff;
	v0 =	vadd.f32 v4, v0;
	v1 =	vadd.f32 v47, v1  }
0x557: {  	v52 =	vld [tilespmem:$0x1FE00];
	v51 =	vunpack.i.u.bf16.f32 v2;
	v2 =	vunpack.i.l.bf16.f32 v2;
	v3 =	vmul.bf16 v42, v41  }
0x558: {  	v57 =	vld.idx.msk [tilespmem:v56+s23+$0x0], $0xffff;
	v0 =	vadd.f32 v2, v0;
	v1 =	vadd.f32 v51, v1  }
0x559: {  	v58 =	vld.idx.msk [tilespmem:v56+s24+$0x0], $0xffff;
	v55 =	vunpack.i.u.bf16.f32 v3;
	v3 =	vunpack.i.l.bf16.f32 v3;
	v5 =	vmul.bf16 v46, v45  }
0x55a: {  	v56 =	vld [tilespmem:$0x1FE10];
	v0 =	vadd.f32 v3, v0;
	v1 =	vadd.f32 v55, v1  }
0x55b: {  	v61 =	vld.idx.msk [tilespmem:v60+s23+$0x0], $0xffff;
	v59 =	vunpack.i.u.bf16.f32 v5;
	v5 =	vunpack.i.l.bf16.f32 v5;
	v4 =	vmul.bf16 v50, v49  }
0x55c: {  	v62 =	vld.idx.msk [tilespmem:v60+s24+$0x0], $0xffff;
	v0 =	vadd.f32 v5, v0;
	v1 =	vadd.f32 v59, v1  }
0x55d: {  	v21 =	vld.idx.msk [tilespmem:v20+s23+$0x0], $0xffff;
	v63 =	vunpack.i.u.bf16.f32 v4;
	v4 =	vunpack.i.l.bf16.f32 v4;
	v2 =	vmul.bf16 v54, v53  }
0x55e: {  	v22 =	vld.idx.msk [tilespmem:v20+s24+$0x0], $0xffff;
	v0 =	vadd.f32 v4, v0;
	v1 =	vadd.f32 v63, v1  }
0x55f: {  	v25 =	vld.idx.msk [tilespmem:v24+s23+$0x0], $0xffff;
	v23 =	vunpack.i.u.bf16.f32 v2;
	v2 =	vunpack.i.l.bf16.f32 v2;
	v3 =	vmul.bf16 v58, v57  }
0x560: {  	v26 =	vld.idx.msk [tilespmem:v24+s24+$0x0], $0xffff;
	v0 =	vadd.f32 v2, v0;
	v1 =	vadd.f32 v23, v1  }
0x561: {  	v29 =	vld.idx.msk [tilespmem:v28+s23+$0x0], $0xffff;
	v27 =	vunpack.i.u.bf16.f32 v3;
	v3 =	vunpack.i.l.bf16.f32 v3;
	v5 =	vmul.bf16 v62, v61  }
0x562: {  	v30 =	vld.idx.msk [tilespmem:v28+s24+$0x0], $0xffff;
	v0 =	vadd.f32 v3, v0;
	v1 =	vadd.f32 v27, v1  }
0x563: {  	v33 =	vld.idx.msk [tilespmem:v32+s23+$0x0], $0xffff;
	v31 =	vunpack.i.u.bf16.f32 v5;
	v5 =	vunpack.i.l.bf16.f32 v5;
	v4 =	vmul.bf16 v22, v21  }
0x564: {  	v34 =	vld.idx.msk [tilespmem:v32+s24+$0x0], $0xffff;
	v0 =	vadd.f32 v5, v0;
	v1 =	vadd.f32 v31, v1  }
0x565: {  	v37 =	vld.idx.msk [tilespmem:v36+s23+$0x0], $0xffff;
	v35 =	vunpack.i.u.bf16.f32 v4;
	v4 =	vunpack.i.l.bf16.f32 v4;
	v2 =	vmul.bf16 v26, v25  }
0x566: {  	v38 =	vld.idx.msk [tilespmem:v36+s24+$0x0], $0xffff;
	v0 =	vadd.f32 v4, v0;
	v1 =	vadd.f32 v35, v1  }
0x567: {  	v41 =	vld.idx.msk [tilespmem:v40+s23+$0x0], $0xffff;
	v39 =	vunpack.i.u.bf16.f32 v2;
	v2 =	vunpack.i.l.bf16.f32 v2;
	v3 =	vmul.bf16 v30, v29  }
0x568: {  	v42 =	vld.idx.msk [tilespmem:v40+s24+$0x0], $0xffff;
	v0 =	vadd.f32 v2, v0;
	v1 =	vadd.f32 v39, v1  }
0x569: {  	v45 =	vld.idx.msk [tilespmem:v44+s23+$0x0], $0xffff;
	v43 =	vunpack.i.u.bf16.f32 v3;
	v3 =	vunpack.i.l.bf16.f32 v3;
	v5 =	vmul.bf16 v34, v33  }
0x56a: {  	v46 =	vld.idx.msk [tilespmem:v44+s24+$0x0], $0xffff;
	v0 =	vadd.f32 v3, v0;
	v1 =	vadd.f32 v43, v1  }
0x56b: {  	v49 =	vld.idx.msk [tilespmem:v48+s23+$0x0], $0xffff;
	v47 =	vunpack.i.u.bf16.f32 v5;
	v5 =	vunpack.i.l.bf16.f32 v5;
	v4 =	vmul.bf16 v38, v37  }
0x56c: {  	v50 =	vld.idx.msk [tilespmem:v48+s24+$0x0], $0xffff;
	v0 =	vadd.f32 v5, v0;
	v1 =	vadd.f32 v47, v1  }
0x56d: {  	v53 =	vld.idx.msk [tilespmem:v52+s23+$0x0], $0xffff;
	v51 =	vunpack.i.u.bf16.f32 v4;
	v4 =	vunpack.i.l.bf16.f32 v4;
	v2 =	vmul.bf16 v42, v41  }
0x56e: {  	v54 =	vld.idx.msk [tilespmem:v52+s24+$0x0], $0xffff;
	v0 =	vadd.f32 v4, v0;
	v1 =	vadd.f32 v51, v1  }
0x56f: {  	v57 =	vld.idx.msk [tilespmem:v56+s23+$0x0], $0xffff;
	v55 =	vunpack.i.u.bf16.f32 v2;
	v2 =	vunpack.i.l.bf16.f32 v2;
	v3 =	vmul.bf16 v46, v45  }
0x570: {  	v58 =	vld.idx.msk [tilespmem:v56+s24+$0x0], $0xffff;
	v0 =	vadd.f32 v2, v0;
	v1 =	vadd.f32 v55, v1  }
0x571: {  	v5 =	vmul.bf16 v50, v49;
	v59 =	vunpack.i.u.bf16.f32 v3;
	v3 =	vunpack.i.l.bf16.f32 v3  }
0x572: {  	v0 =	vadd.f32 v3, v0;
	v1 =	vadd.f32 v59, v1  }
0x573: {  	v60 =	vmul.bf16 v54, v53;
	v61 =	vunpack.i.u.bf16.f32 v5;
	v5 =	vunpack.i.l.bf16.f32 v5  }
0x574: {  	v0 =	vadd.f32 v5, v0;
	v1 =	vadd.f32 v61, v1  }
0x575: {  	v62 =	vunpack.i.u.bf16.f32 v60;
	v2 =	vmul.bf16 v58, v57;
	v3 =	vunpack.i.l.bf16.f32 v60  }
0x576: {  	v0 =	vadd.f32 v3, v0;
	v1 =	vadd.f32 v62, v1  }
0x577: {  	v63 =	vunpack.i.u.bf16.f32 v2;
	v2 =	vunpack.i.l.bf16.f32 v2  }
0x578: {  	v0 =	vadd.f32 v2, v0;
	v1 =	vadd.f32 v63, v1;
	_ =	sdelay $0x1  }
0x579: {  	v0 =	vadd.f32 v0, v1;
	_ =	sdelay $0x1  }
0x57a: {  	v0 =	vsub.f32 $0.0e+00, v0;
	_ =	sdelay $0x1  }
0x57b: {  	v0 =	vmul.f32 $1.442695020e+00, v0;
	_ =	sdelay $0x1  }
0x57c: {  	(erf) = vpow2.f32 v0;
	_ =	sdelay $0x8  }
0x57d: {  	v0 =	vpop (erf)  }
0x57e: {  	v0 =	vadd.f32 $1.000000000e+00, v0;
	_ =	sdelay $0x1  }
0x57f: {  	(erf) = vrcp.f32 v0;
	_ =	sdelay $0x5  }
0x580: {  	s0 =	sshll.u32 s31, $0x5  }
.Ltmp9:
0x581: {  	s0 =	sor.u32 s4, s0;
	(pc) =	sbr.rel .LBB2_11-.Ltmp9, $4  }
0x582: {  	v12 =	vld [tilespmem:$0x1FFB0];
	s0 =	smul.u32 $0x32, s0  }
0x583: {  	v13 =	vld [tilespmem:$0x1FFC0];
	v0 =	vpop (erf)  }
0x584: {  	v14 =	vld [tilespmem:$0x1FFD0];
	s0 =	sadd.s32 s2, s0;
	[tilespmem:$0x19950] =	vst v0  }
0x585: {  	v15 =	vld [tilespmem:$0x1FFE0];
	[hbm4b:s0+s3] =	stream.linear.scatter [tilespmem:s25], [sflag:$0x6], $0x190, $0x38  }
.LBB2_13:
0x586: {  	_ =	sfence.sel $0x180000  }
0x587: {  	[bflag:$0x0] =	sbarrier.arrive $0xFFFF  }
0x588: {  	_ =	strace $0x90000047  }
0x589: {  	s0 =	stileid.u32;
	[bflag:$0x2] =	sbarrier.arrive $0xFFFF  }
0x58a: {  	p0 =	sne.s32 s0, $0x0;
	s0 =	rddreg [dreg:$0x2]  }
0x58b: {  	s0 =	sadd.s32 @!p0 $0x100000, s0  }
0x58c: {  	[sflag:s0] =	ssyncadd.tile.s32 @!p0 $0x1;
	_ =	shalt  }
.Lfunc_end2:
_tile_overlayer_lowered:
.L_overlay_start_2:
0x58d: {  	(tag) =	ssettag $0x2  }
0x58e: {  	s0 =	rddreg [dreg:$0x0];
	s2 =	stileid.u32  }
0x58f: {  	s1 =	rddreg [dreg:$0x1];
	p0 =	sne.s32 s2, $0x0  }
0x590: {  	s3 =	rddreg [dreg:$0x2];
	[bflag:$0x3] =	sbarrier.arrive $0xFFFF;
	s2 =	simm.s32 @!p0 $0x1C07  }
0x591: {  	[timem:s3], [sflag:s2] =	dma.local @!p0 [hbm:s0], s1  }
0x592: {  	s0 =	simm.s32 @!p0 $0x7  }
0x593: {  	_ =	swait.ge @!p0 [sflag:s0], s1  }
0x594: {  	s1 =	ssub.s32 @!p0 $0x0, s1;
	[sflag:s0] =	ssyncset.done @!p0 $0x0  }
0x595: {  	[sflag:s0] =	ssyncadd.s32 @!p0 s1  }
0x596: {  	[bflag:$0x3] =	sbarrier.arrive $0xFFFF  }
0x597: {  	_ =	shalt  }

</sc_bundles>
